<compile_context>
chip_gen: v7x
topology: tpu7x:2x2x1
jax: 0.10.2.dev20260603
libtpu: 0.0.44.dev20260713+nightly
codegen_flags: <defaults>
</compile_context>

<pallas_src>
import functools

import jax
import jax.numpy as jnp
from jax import lax
from jax.experimental import pallas as pl
from jax.experimental.pallas import tpu as pltpu
from jax.experimental.pallas import tpu_sc as plsc

N_NODES = 10000
N_EDGES = 320000
D = 128
D_OUT = 64

NPAD = 10240
SENT = N_NODES
NTILES = 32
K = 128
NB = 80
CH = 8
NCH = NB // CH
EPT = NB * K
EPAD = NTILES * EPT
ROWS_PER_TILE = NPAD // 16
ZR = 16

f32 = jnp.float32



_MESH = plsc.VectorSubcoreMesh(core_axis_name="c", subcore_axis_name="s")


def _deg_body(dst_hbm, out_hbm, dstv, ones_v, zvec, deg_sh, sem):
    c = lax.axis_index("c")
    s = lax.axis_index("s")
    w = c * 16 + s

    @pl.loop(0, K // 16)
    def _(i):
        ones_v[pl.ds(i * 16, 16)] = jnp.ones((16,), f32)

    @pl.loop(0, ROWS_PER_TILE // 16)
    def _(i):
        zvec[pl.ds(i * 16, 16)] = jnp.zeros((16,), f32)

    pltpu.sync_copy(zvec, deg_sh.at[pl.ds(s * ROWS_PER_TILE, ROWS_PER_TILE)])
    plsc.subcore_barrier()

    pltpu.sync_copy(dst_hbm.at[w], dstv)

    @pl.loop(0, NB)
    def _(j):
        pltpu.sync_copy(ones_v, deg_sh.at[dstv.at[j]], add=True)

    plsc.subcore_barrier()
    sl = pl.ds(s * ROWS_PER_TILE, ROWS_PER_TILE)
    pltpu.sync_copy(deg_sh.at[sl], out_hbm.at[c, sl])


_deg_kernel = pl.kernel(
    _deg_body,
    out_type=jax.ShapeDtypeStruct((2, NPAD), f32),
    mesh=_MESH,
    scratch_types=[
        pltpu.VMEM((NB, K), jnp.int32),
        pltpu.VMEM((K,), f32),
        pltpu.VMEM((ROWS_PER_TILE,), f32),
        pltpu.VMEM_SHARED((NPAD,), f32),
        pltpu.SemaphoreType.DMA,
    ],
)


def _scat_body(y_hbm, src_hbm, dst_hbm, out_hbm,
               srcv0, srcv1, dstv0, dstv1, rows0, rows1, zslab, acc_sh,
               semi0, semi1, semg0, semg1):
    c = lax.axis_index("c")
    s = lax.axis_index("s")
    w = c * 16 + s

    @pl.loop(0, ZR)
    def _(r):
        for k8 in range(8):
            zslab[r, pl.ds(k8 * 16, 16)] = jnp.zeros((16,), f32)

    base = s * ROWS_PER_TILE

    @pl.loop(0, ROWS_PER_TILE // ZR)
    def _(r):
        pltpu.sync_copy(zslab, acc_sh.at[pl.ds(base + r * ZR, ZR)])

    plsc.subcore_barrier()

    def load_chunk(ch, sv, dv, semi):
        sl = pl.ds(ch * CH, CH)
        pltpu.async_copy(src_hbm.at[w, sl], sv, semi)
        pltpu.async_copy(dst_hbm.at[w, sl], dv, semi)

    def wait_chunk(ch, sv, dv, semi):
        sl = pl.ds(ch * CH, CH)
        pltpu.make_async_copy(src_hbm.at[w, sl], sv, semi).wait()
        pltpu.make_async_copy(dst_hbm.at[w, sl], dv, semi).wait()

    def process(sv, dv):
        pltpu.async_copy(y_hbm.at[sv.at[0]], rows0, semg0)
        for b in range(0, CH, 2):
            pltpu.make_async_copy(y_hbm.at[sv.at[b]], rows0, semg0).wait()
            pltpu.async_copy(y_hbm.at[sv.at[b + 1]], rows1, semg1)
            pltpu.sync_copy(rows0, acc_sh.at[pl.ds(s * ROWS_PER_TILE, K)])
            pltpu.make_async_copy(y_hbm.at[sv.at[b + 1]], rows1, semg1).wait()
            if b + 2 < CH:
                pltpu.async_copy(y_hbm.at[sv.at[b + 2]], rows0, semg0)
            pltpu.sync_copy(rows1, acc_sh.at[pl.ds(s * ROWS_PER_TILE + K, K)])

    load_chunk(0, srcv0, dstv0, semi0)

    @pl.loop(0, NCH, step=2)
    def _(ch):
        wait_chunk(ch, srcv0, dstv0, semi0)
        load_chunk(ch + 1, srcv1, dstv1, semi1)
        process(srcv0, dstv0)
        wait_chunk(ch + 1, srcv1, dstv1, semi1)

        @pl.when(ch + 2 < NCH)
        def _():
            load_chunk(ch + 2, srcv0, dstv0, semi0)

        process(srcv1, dstv1)

    plsc.subcore_barrier()
    sl = pl.ds(s * ROWS_PER_TILE, ROWS_PER_TILE)
    pltpu.sync_copy(acc_sh.at[sl], out_hbm.at[c, sl])


_scat_kernel = pl.kernel(
    _scat_body,
    out_type=jax.ShapeDtypeStruct((2, NPAD, D), f32),
    mesh=_MESH,
    scratch_types=[
        pltpu.VMEM((CH, K), jnp.int32),
        pltpu.VMEM((CH, K), jnp.int32),
        pltpu.VMEM((CH, K), jnp.int32),
        pltpu.VMEM((CH, K), jnp.int32),
        pltpu.VMEM((K, D), f32),
        pltpu.VMEM((K, D), f32),
        pltpu.VMEM((ZR, D), f32),
        pltpu.VMEM_SHARED((NPAD, D), f32),
        pltpu.SemaphoreType.DMA,
        pltpu.SemaphoreType.DMA,
        pltpu.SemaphoreType.DMA,
        pltpu.SemaphoreType.DMA,
    ],
)



_DOT = functools.partial(jnp.dot, preferred_element_type=f32,
                         precision=lax.Precision.HIGHEST)


def _dinv(degT_ref):
    return lax.rsqrt(degT_ref[:, 0:1] + degT_ref[:, 1:2] + 1.0)


def _y1_body(x_ref, w_ref, degT_ref, y_ref):
    y_ref[...] = _DOT(x_ref[...], w_ref[...]) * _dinv(degT_ref)


_y1_kernel = pl.pallas_call(
    _y1_body,
    out_shape=jax.ShapeDtypeStruct((NPAD, D), f32),
)


BR = 2560
NBLK = NPAD // BR


def _rowmask(pid, n):
    rows = pid * BR + jax.lax.broadcasted_iota(jnp.int32, (n, 1), 0)
    return rows < N_NODES


def _mida_body(acc_ref, y1_ref, degT_ref, b1_ref, h_ref, st_ref):
    pid = pl.program_id(0)
    dinv = _dinv(degT_ref)
    h = dinv * (acc_ref[0] + acc_ref[1] + y1_ref[...]) + b1_ref[...]
    h = jnp.where(_rowmask(pid, BR), h, 0.0)
    h_ref[...] = h
    s1 = jnp.sum(h, axis=0, keepdims=True)
    s2 = jnp.sum(h * h, axis=0, keepdims=True)
    st = jnp.concatenate([s1, s2], axis=0)

    @pl.when(pid == 0)
    def _():
        st_ref[...] = st

    @pl.when(pid > 0)
    def _():
        st_ref[...] = st_ref[...] + st


_mida_kernel = pl.pallas_call(
    _mida_body,
    grid=(NBLK,),
    in_specs=[
        pl.BlockSpec((2, BR, D), lambda i: (0, i, 0)),
        pl.BlockSpec((BR, D), lambda i: (i, 0)),
        pl.BlockSpec((BR, 2), lambda i: (i, 0)),
        pl.BlockSpec((D,), lambda i: (0,)),
    ],
    out_specs=[
        pl.BlockSpec((BR, D), lambda i: (i, 0)),
        pl.BlockSpec((2, D), lambda i: (0, 0)),
    ],
    out_shape=[jax.ShapeDtypeStruct((NPAD, D), f32),
               jax.ShapeDtypeStruct((2, D), f32)],
)


def _midb_body(h_ref, st_ref, degT_ref, g_ref, be_ref, w2_ref,
               x1_ref, y2_ref):
    pid = pl.program_id(0)
    mean = st_ref[0:1, :] * (1.0 / N_NODES)
    var = st_ref[1:2, :] * (1.0 / N_NODES) - mean * mean
    mask = _rowmask(pid, BR)
    cent = jnp.where(mask, h_ref[...] - mean, 0.0)
    x1 = cent * lax.rsqrt(var + 1e-5) * g_ref[...] + be_ref[...]
    x1 = jnp.where(mask, jnp.maximum(x1, 0.0), 0.0)
    x1_ref[...] = x1
    y2_ref[...] = _DOT(x1, w2_ref[...]) * _dinv(degT_ref)


_midb_kernel = pl.pallas_call(
    _midb_body,
    grid=(NBLK,),
    in_specs=[
        pl.BlockSpec((BR, D), lambda i: (i, 0)),
        pl.BlockSpec((2, D), lambda i: (0, 0)),
        pl.BlockSpec((BR, 2), lambda i: (i, 0)),
        pl.BlockSpec((D,), lambda i: (0,)),
        pl.BlockSpec((D,), lambda i: (0,)),
        pl.BlockSpec((D, D), lambda i: (0, 0)),
    ],
    out_specs=[
        pl.BlockSpec((BR, D), lambda i: (i, 0)),
        pl.BlockSpec((BR, D), lambda i: (i, 0)),
    ],
    out_shape=[jax.ShapeDtypeStruct((NPAD, D), f32),
               jax.ShapeDtypeStruct((NPAD, D), f32)],
)


def _head_body(acc_ref, y2_ref, degT_ref, b2_ref, x1_ref, wl_ref, bl_ref,
               out_ref):
    dinv = _dinv(degT_ref)
    x2 = dinv * (acc_ref[0] + acc_ref[1] + y2_ref[...]) + b2_ref[...]
    x4 = (_DOT(x1_ref[...], wl_ref[0:D, :]) + _DOT(x2, wl_ref[D:2 * D, :])
          + bl_ref[...])
    m = jnp.max(x4, axis=1, keepdims=True)
    lse = jnp.log(jnp.sum(jnp.exp(x4 - m), axis=1, keepdims=True)) + m
    out_ref[...] = x4 - lse


_head_kernel = pl.pallas_call(
    _head_body,
    grid=(NBLK,),
    in_specs=[
        pl.BlockSpec((2, BR, D), lambda i: (0, i, 0)),
        pl.BlockSpec((BR, D), lambda i: (i, 0)),
        pl.BlockSpec((BR, 2), lambda i: (i, 0)),
        pl.BlockSpec((D,), lambda i: (0,)),
        pl.BlockSpec((BR, D), lambda i: (i, 0)),
        pl.BlockSpec((2 * D, D_OUT), lambda i: (0, 0)),
        pl.BlockSpec((D_OUT,), lambda i: (0,)),
    ],
    out_specs=pl.BlockSpec((BR, D_OUT), lambda i: (i, 0)),
    out_shape=jax.ShapeDtypeStruct((NPAD, D_OUT), f32),
)



def kernel(x0, edge_index, W1, b1, gamma, beta, W2, b2, Wlin, blin):
    src = edge_index[0].astype(jnp.int32)
    dst = edge_index[1].astype(jnp.int32)
    pad = jnp.full((EPAD - N_EDGES,), SENT, jnp.int32)
    src3 = jnp.concatenate([src, pad]).reshape(NTILES, NB, K)
    dst3 = jnp.concatenate([dst, pad]).reshape(NTILES, NB, K)
    x0p = jnp.pad(x0, ((0, NPAD - N_NODES), (0, 0)))

    dega = _deg_kernel(dst3)
    degT = dega.T

    y1 = _y1_kernel(x0p, W1, degT)
    acc1 = _scat_kernel(y1, src3, dst3)
    h, st = _mida_kernel(acc1, y1, degT, b1)
    x1, y2 = _midb_kernel(h, st, degT, gamma, beta, W2)
    acc2 = _scat_kernel(y2, src3, dst3)
    out = _head_kernel(acc2, y2, degT, b2, x1, Wlin, blin)
    return out[:N_NODES]

# --- scband reference (transcript-rebuilt; emitter-appended) ---
"""Pipeline reference for scband-gnnnetwork-42434276884572 (READ-ONLY COPY).

The authoritative reference and input builder live on the scoring server;
editing this copy changes nothing except your own understanding.
"""

import jax, jax.numpy as jnp
import numpy as np

N_NODES = 10000
N_EDGES = 320000
D_IN = 128
D_HID = 128
D_OUT = 64


def setup_inputs(seed: int = 0) -> dict:
    key = jax.random.key(seed)
    ks = jax.random.split(key, 10)
    x0 = jax.random.normal(ks[0], (N_NODES, D_IN), dtype=jnp.float32)
    edge_index = jax.random.randint(ks[1], (2, N_EDGES), 0, N_NODES, dtype=jnp.int64)
    s1 = 1.0 / np.sqrt(D_IN)
    W1 = jax.random.uniform(ks[2], (D_IN, D_HID), dtype=jnp.float32, minval=-s1, maxval=s1)
    b1 = jnp.zeros((D_HID,), dtype=jnp.float32)
    gamma = jnp.ones((D_HID,), dtype=jnp.float32)
    beta = jnp.zeros((D_HID,), dtype=jnp.float32)
    s2 = 1.0 / np.sqrt(D_HID)
    W2 = jax.random.uniform(ks[3], (D_HID, D_HID), dtype=jnp.float32, minval=-s2, maxval=s2)
    b2 = jnp.zeros((D_HID,), dtype=jnp.float32)
    s3 = 1.0 / np.sqrt(2 * D_HID)
    Wlin = jax.random.uniform(ks[4], (2 * D_HID, D_OUT), dtype=jnp.float32, minval=-s3, maxval=s3)
    blin = jax.random.uniform(ks[5], (D_OUT,), dtype=jnp.float32, minval=-s3, maxval=s3)
    return {"x0": x0, "edge_index": edge_index, "W1": W1, "b1": b1,
            "gamma": gamma, "beta": beta, "W2": W2, "b2": b2,
            "Wlin": Wlin, "blin": blin}


def _gcn_conv(x, src, dst, W, b, num_nodes):
    # GCN: D^{-1/2} (A + I) D^{-1/2} X W + b  (self-loops added)
    loop = jnp.arange(num_nodes, dtype=src.dtype)
    src_sl = jnp.concatenate([src, loop])
    dst_sl = jnp.concatenate([dst, loop])
    deg = jnp.zeros((num_nodes,), dtype=x.dtype).at[dst_sl].add(1.0)
    deg_inv_sqrt = jnp.where(deg > 0, 1.0 / jnp.sqrt(deg), 0.0)
    norm = deg_inv_sqrt[src_sl] * deg_inv_sqrt[dst_sl]
    xw = x @ W
    msgs = xw[src_sl] * norm[:, None]
    out = jnp.zeros((num_nodes, W.shape[1]), dtype=x.dtype).at[dst_sl].add(msgs)
    return out + b


def _batch_norm(x, gamma, beta, eps=1e-5):
    mean = jnp.mean(x, axis=0)
    var = jnp.mean((x - mean) ** 2, axis=0)  # biased, as torch uses for normalization
    return (x - mean) / jnp.sqrt(var + eps) * gamma + beta


def reference(x0, edge_index, W1, b1, gamma, beta, W2, b2, Wlin, blin):
    num_nodes = x0.shape[0]
    src, dst = edge_index[0], edge_index[1]
    x1 = _gcn_conv(x0, src, dst, W1, b1, num_nodes)
    x1 = _batch_norm(x1, gamma, beta)
    x1 = jax.nn.relu(x1)
    x2 = _gcn_conv(x1, src, dst, W2, b2, num_nodes)
    x3 = jnp.concatenate([x1, x2], axis=-1)
    x4 = x3 @ Wlin + blin
    return jax.nn.log_softmax(x4, axis=-1)

if __name__ == "__main__":
    import jax
    _d = setup_inputs()
    print(jax.jit(kernel)(*tuple(_d.values())))

</pallas_src>

<mosaic_0001>
#map = affine_map<(d0, d1) -> (0, 0, 0)>
#map1 = affine_map<(d0, d1) -> (0, 0)>
module attributes {stable_mosaic.version = 14 : i64} {
  func.func @_deg_body(%arg0: i32, %arg1: i32, %arg2: memref<32x80x128xi32, #tpu.memory_space<hbm>>, %arg3: memref<2x10240xf32, #tpu.memory_space<hbm>>, %arg4: memref<80x128xi32, #tpu.memory_space<vmem>>, %arg5: memref<128xf32, #tpu.memory_space<vmem>>, %arg6: memref<640xf32, #tpu.memory_space<vmem>>, %arg7: memref<10240xf32, #tpu.memory_space<vmem_shared>>, %arg8: memref<!tpu.dma_semaphore, #tpu.memory_space<semaphore_mem>>) attributes {dimension_semantics = [#tpu.dimension_semantics<core_parallel>, #tpu.dimension_semantics<subcore_parallel>], iteration_bounds = array<i64: 2, 16>, scalar_prefetch = 0 : i64, scratch_operands = 5 : i64, tpu.core_type = #tpu.core_type<sc_vector_subcore>, window_params = [{transform_indices = #map}, {transform_indices = #map1}]} {
    %mul3A = arith.constant 16 : i32
    %mul3A_0 = arith.muli %arg0, %mul3A : i32
    %add3A = arith.addi %mul3A_0, %arg1 : i32
    %scan3A = arith.constant 0 : i32
    %scan3A_1 = arith.constant 8 : i32
    %scan3A_2 = arith.addi %scan3A, %scan3A_1 : i32
    %scan3A_3 = arith.constant 1 : i32
    scf.for %scan3A_20 = %scan3A to %scan3A_2 step %scan3A_3  : i32 {
      %mul3A_21 = arith.constant 1 : i32
      %mul3A_22 = arith.muli %scan3A_20, %mul3A_21 : i32
      %add3A_23 = arith.constant 0 : i32
      %add3A_24 = arith.addi %add3A_23, %mul3A_22 : i32
      %broadcast_in_dim3A = arith.constant 1.000000e+00 : f32
      %broadcast_in_dim3A_25 = vector.broadcast %broadcast_in_dim3A : f32 to vector<16xf32>
      %mul3A_26 = arith.constant 16 : i32
      %mul3A_27 = arith.muli %add3A_24, %mul3A_26 : i32
      %swap3A = arith.index_cast %mul3A_27 : i32 to index
      %swap3A_28 = tpu.vector_load %arg5[%swap3A] {strides = array<i32>} : memref<128xf32, #tpu.memory_space<vmem>>, vector<16xf32>,
      %swap3A_29 = vector.shape_cast %swap3A_28 : vector<16xf32> to vector<16xf32>
      %swap3A_30 = vector.shape_cast %broadcast_in_dim3A_25 : vector<16xf32> to vector<16xf32>
      tpu.vector_store %arg5[%swap3A], %swap3A_30 {strides = array<i32>} : memref<128xf32, #tpu.memory_space<vmem>>, vector<16xf32>,
    }
    %scan3A_4 = arith.constant 8 : i32
    %scan3A_5 = arith.constant 0 : i32
    %scan3A_6 = arith.constant 40 : i32
    %scan3A_7 = arith.addi %scan3A_5, %scan3A_6 : i32
    %scan3A_8 = arith.constant 1 : i32
    scf.for %scan3A_20 = %scan3A_5 to %scan3A_7 step %scan3A_8  : i32 {
      %mul3A_21 = arith.constant 1 : i32
      %mul3A_22 = arith.muli %scan3A_20, %mul3A_21 : i32
      %add3A_23 = arith.constant 0 : i32
      %add3A_24 = arith.addi %add3A_23, %mul3A_22 : i32
      %broadcast_in_dim3A = arith.constant 0.000000e+00 : f32
      %broadcast_in_dim3A_25 = vector.broadcast %broadcast_in_dim3A : f32 to vector<16xf32>
      %mul3A_26 = arith.constant 16 : i32
      %mul3A_27 = arith.muli %add3A_24, %mul3A_26 : i32
      %swap3A = arith.index_cast %mul3A_27 : i32 to index
      %swap3A_28 = tpu.vector_load %arg6[%swap3A] {strides = array<i32>} : memref<640xf32, #tpu.memory_space<vmem>>, vector<16xf32>,
      %swap3A_29 = vector.shape_cast %swap3A_28 : vector<16xf32> to vector<16xf32>
      %swap3A_30 = vector.shape_cast %broadcast_in_dim3A_25 : vector<16xf32> to vector<16xf32>
      tpu.vector_store %arg6[%swap3A], %swap3A_30 {strides = array<i32>} : memref<640xf32, #tpu.memory_space<vmem>>, vector<16xf32>,
    }
    %scan3A_9 = arith.constant 40 : i32
    %mul3A_10 = arith.constant 640 : i32
    %mul3A_11 = arith.muli %arg1, %mul3A_10 : i32
    "tpu.region"() ({
      %run_scoped3A = tpu.sem_alloc : memref<!tpu.dma_semaphore, #tpu.memory_space<semaphore_mem>>
      %dma_start3A = tpu.memref_slice %arg7[%mul3A_11] : memref<10240xf32, #tpu.memory_space<vmem_shared>> -> memref<640xf32, #tpu.memory_space<vmem_shared>>
      %dma_start3A_20 = tpu.memref_slice %arg7[%mul3A_11] : memref<10240xf32, #tpu.memory_space<vmem_shared>> -> memref<640xf32, #tpu.memory_space<vmem_shared>>
      tpu.enqueue_dma source(%arg6 : memref<640xf32, #tpu.memory_space<vmem>>) target(%dma_start3A_20 : memref<640xf32, #tpu.memory_space<vmem_shared>>) target_semaphore(%run_scoped3A : memref<!tpu.dma_semaphore, #tpu.memory_space<semaphore_mem>>)
      %dma_wait3A = tpu.memref_slice %arg7[%mul3A_11] : memref<10240xf32, #tpu.memory_space<vmem_shared>> -> memref<640xf32, #tpu.memory_space<vmem_shared>>
      %dma_wait3A_21 = tpu.memref_slice %arg7[%mul3A_11] : memref<10240xf32, #tpu.memory_space<vmem_shared>> -> memref<640xf32, #tpu.memory_space<vmem_shared>>
      tpu.wait_dma2 semaphore(%run_scoped3A : memref<!tpu.dma_semaphore, #tpu.memory_space<semaphore_mem>>) src(%arg6 : memref<640xf32, #tpu.memory_space<vmem>>) dst(%dma_wait3A_21 : memref<640xf32, #tpu.memory_space<vmem_shared>>)
      tpu.yield
    }) : () -> ()
    %barrier3A = arith.constant 0 : index
    tpu.barrier barrier_id(%barrier3A)
    "tpu.region"() ({
      %run_scoped3A = tpu.sem_alloc : memref<!tpu.dma_semaphore, #tpu.memory_space<semaphore_mem>>
      %dma_start3A = arith.constant 0 : i32
      %dma_start3A_20 = arith.constant 0 : i32
      %dma_start3A_21 = tpu.memref_slice %arg2[%add3A, %dma_start3A, %dma_start3A_20] : memref<32x80x128xi32, #tpu.memory_space<hbm>> -> memref<1x80x128xi32, #tpu.memory_space<hbm>>
      %dma_start3A_22 = tpu.memref_squeeze %dma_start3A_21 : memref<1x80x128xi32, #tpu.memory_space<hbm>> -> memref<80x128xi32, #tpu.memory_space<hbm>>
      %dma_start3A_23 = arith.constant 0 : i32
      %dma_start3A_24 = arith.constant 0 : i32
      %dma_start3A_25 = tpu.memref_slice %arg2[%add3A, %dma_start3A_23, %dma_start3A_24] : memref<32x80x128xi32, #tpu.memory_space<hbm>> -> memref<1x80x128xi32, #tpu.memory_space<hbm>>
      %dma_start3A_26 = tpu.memref_squeeze %dma_start3A_25 : memref<1x80x128xi32, #tpu.memory_space<hbm>> -> memref<80x128xi32, #tpu.memory_space<hbm>>
      tpu.enqueue_dma source(%dma_start3A_26 : memref<80x128xi32, #tpu.memory_space<hbm>>) target(%arg4 : memref<80x128xi32, #tpu.memory_space<vmem>>) target_semaphore(%run_scoped3A : memref<!tpu.dma_semaphore, #tpu.memory_space<semaphore_mem>>)
      %dma_wait3A = arith.constant 0 : i32
      %dma_wait3A_27 = arith.constant 0 : i32
      %dma_wait3A_28 = tpu.memref_slice %arg2[%add3A, %dma_wait3A, %dma_wait3A_27] : memref<32x80x128xi32, #tpu.memory_space<hbm>> -> memref<1x80x128xi32, #tpu.memory_space<hbm>>
      %dma_wait3A_29 = tpu.memref_squeeze %dma_wait3A_28 : memref<1x80x128xi32, #tpu.memory_space<hbm>> -> memref<80x128xi32, #tpu.memory_space<hbm>>
      %dma_wait3A_30 = arith.constant 0 : i32
      %dma_wait3A_31 = arith.constant 0 : i32
      %dma_wait3A_32 = tpu.memref_slice %arg2[%add3A, %dma_wait3A_30, %dma_wait3A_31] : memref<32x80x128xi32, #tpu.memory_space<hbm>> -> memref<1x80x128xi32, #tpu.memory_space<hbm>>
      %dma_wait3A_33 = tpu.memref_squeeze %dma_wait3A_32 : memref<1x80x128xi32, #tpu.memory_space<hbm>> -> memref<80x128xi32, #tpu.memory_space<hbm>>
      tpu.wait_dma2 semaphore(%run_scoped3A : memref<!tpu.dma_semaphore, #tpu.memory_space<semaphore_mem>>) src(%dma_wait3A_33 : memref<80x128xi32, #tpu.memory_space<hbm>>) dst(%arg4 : memref<80x128xi32, #tpu.memory_space<vmem>>)
      tpu.yield
    }) : () -> ()
    %scan3A_12 = arith.constant 0 : i32
    %scan3A_13 = arith.constant 80 : i32
    %scan3A_14 = arith.addi %scan3A_12, %scan3A_13 : i32
    %scan3A_15 = arith.constant 1 : i32
    scf.for %scan3A_20 = %scan3A_12 to %scan3A_14 step %scan3A_15  : i32 {
      %mul3A_21 = arith.constant 1 : i32
      %mul3A_22 = arith.muli %scan3A_20, %mul3A_21 : i32
      %add3A_23 = arith.constant 0 : i32
      %add3A_24 = arith.addi %add3A_23, %mul3A_22 : i32
      "tpu.region"() ({
        %run_scoped3A = tpu.sem_alloc : memref<!tpu.dma_semaphore, #tpu.memory_space<semaphore_mem>>
        %dma_start3A = arith.constant 0 : i32
        %dma_start3A_25 = tpu.memref_slice %arg4[%add3A_24, %dma_start3A] : memref<80x128xi32, #tpu.memory_space<vmem>> -> memref<1x128xi32, #tpu.memory_space<vmem>>
        %dma_start3A_26 = tpu.memref_squeeze %dma_start3A_25 : memref<1x128xi32, #tpu.memory_space<vmem>> -> memref<128xi32, #tpu.memory_space<vmem>>
        %dma_start3A_27 = arith.constant 0 : i32
        %dma_start3A_28 = tpu.memref_slice %arg7[%dma_start3A_27] : memref<10240xf32, #tpu.memory_space<vmem_shared>> -> memref<10240xf32, #tpu.memory_space<vmem_shared>>
        tpu.enqueue_indirect_dma source(%arg5 : memref<128xf32, #tpu.memory_space<vmem>>) target(%dma_start3A_28 : memref<10240xf32, #tpu.memory_space<vmem_shared>>) offsets(%dma_start3A_26 : memref<128xi32, #tpu.memory_space<vmem>>) semaphore(%run_scoped3A : memref<!tpu.dma_semaphore, #tpu.memory_space<semaphore_mem>>) {add = true}
        %dma_wait3A = arith.constant 0 : i32
        %dma_wait3A_29 = tpu.memref_slice %arg4[%add3A_24, %dma_wait3A] : memref<80x128xi32, #tpu.memory_space<vmem>> -> memref<1x128xi32, #tpu.memory_space<vmem>>
        %dma_wait3A_30 = tpu.memref_squeeze %dma_wait3A_29 : memref<1x128xi32, #tpu.memory_space<vmem>> -> memref<128xi32, #tpu.memory_space<vmem>>
        %dma_wait3A_31 = arith.constant 0 : i32
        %dma_wait3A_32 = tpu.memref_slice %arg7[%dma_wait3A_31] : memref<10240xf32, #tpu.memory_space<vmem_shared>> -> memref<10240xf32, #tpu.memory_space<vmem_shared>>
        tpu.wait_indirect_dma semaphore(%run_scoped3A : memref<!tpu.dma_semaphore, #tpu.memory_space<semaphore_mem>>) src(%arg5 : memref<128xf32, #tpu.memory_space<vmem>>) dst(%dma_wait3A_32 : memref<10240xf32, #tpu.memory_space<vmem_shared>>)
        tpu.yield
      }) : () -> ()
    }
    %scan3A_16 = arith.constant 80 : i32
    %barrier3A_17 = arith.constant 0 : index
    tpu.barrier barrier_id(%barrier3A_17)
    %mul3A_18 = arith.constant 640 : i32
    %mul3A_19 = arith.muli %arg1, %mul3A_18 : i32
    "tpu.region"() ({
      %run_scoped3A = tpu.sem_alloc : memref<!tpu.dma_semaphore, #tpu.memory_space<semaphore_mem>>
      %dma_start3A = tpu.memref_slice %arg3[%arg0, %mul3A_19] : memref<2x10240xf32, #tpu.memory_space<hbm>> -> memref<1x640xf32, #tpu.memory_space<hbm>>
      %dma_start3A_20 = tpu.memref_squeeze %dma_start3A : memref<1x640xf32, #tpu.memory_space<hbm>> -> memref<640xf32, #tpu.memory_space<hbm>>
      %dma_start3A_21 = tpu.memref_slice %arg7[%mul3A_19] : memref<10240xf32, #tpu.memory_space<vmem_shared>> -> memref<640xf32, #tpu.memory_space<vmem_shared>>
      tpu.enqueue_dma source(%dma_start3A_21 : memref<640xf32, #tpu.memory_space<vmem_shared>>) target(%dma_start3A_20 : memref<640xf32, #tpu.memory_space<hbm>>) target_semaphore(%run_scoped3A : memref<!tpu.dma_semaphore, #tpu.memory_space<semaphore_mem>>)
      %dma_wait3A = tpu.memref_slice %arg3[%arg0, %mul3A_19] : memref<2x10240xf32, #tpu.memory_space<hbm>> -> memref<1x640xf32, #tpu.memory_space<hbm>>
      %dma_wait3A_22 = tpu.memref_squeeze %dma_wait3A : memref<1x640xf32, #tpu.memory_space<hbm>> -> memref<640xf32, #tpu.memory_space<hbm>>
      %dma_wait3A_23 = tpu.memref_slice %arg7[%mul3A_19] : memref<10240xf32, #tpu.memory_space<vmem_shared>> -> memref<640xf32, #tpu.memory_space<vmem_shared>>
      tpu.wait_dma2 semaphore(%run_scoped3A : memref<!tpu.dma_semaphore, #tpu.memory_space<semaphore_mem>>) src(%dma_wait3A_23 : memref<640xf32, #tpu.memory_space<vmem_shared>>) dst(%dma_wait3A_22 : memref<640xf32, #tpu.memory_space<hbm>>)
      tpu.yield
    }) : () -> ()
    return
  }
}

#map = affine_map<(d0, d1) -> (0, 0)>
#map1 = affine_map<(d0, d1) -> (0, 0, 0)>
module attributes {stable_mosaic.version = 14 : i64} {
  func.func @_scat_body(%arg0: i32, %arg1: i32, %arg2: memref<10240x128xf32, #tpu.memory_space<hbm>>, %arg3: memref<32x80x128xi32, #tpu.memory_space<hbm>>, %arg4: memref<32x80x128xi32, #tpu.memory_space<hbm>>, %arg5: memref<2x10240x128xf32, #tpu.memory_space<hbm>>, %arg6: memref<8x128xi32, #tpu.memory_space<vmem>>, %arg7: memref<8x128xi32, #tpu.memory_space<vmem>>, %arg8: memref<8x128xi32, #tpu.memory_space<vmem>>, %arg9: memref<8x128xi32, #tpu.memory_space<vmem>>, %arg10: memref<128x128xf32, #tpu.memory_space<vmem>>, %arg11: memref<128x128xf32, #tpu.memory_space<vmem>>, %arg12: memref<16x128xf32, #tpu.memory_space<vmem>>, %arg13: memref<10240x128xf32, #tpu.memory_space<vmem_shared>>, %arg14: memref<!tpu.dma_semaphore, #tpu.memory_space<semaphore_mem>>, %arg15: memref<!tpu.dma_semaphore, #tpu.memory_space<semaphore_mem>>, %arg16: memref<!tpu.dma_semaphore, #tpu.memory_space<semaphore_mem>>, %arg17: memref<!tpu.dma_semaphore, #tpu.memory_space<semaphore_mem>>) attributes {dimension_semantics = [#tpu.dimension_semantics<core_parallel>, #tpu.dimension_semantics<subcore_parallel>], iteration_bounds = array<i64: 2, 16>, scalar_prefetch = 0 : i64, scratch_operands = 12 : i64, tpu.core_type = #tpu.core_type<sc_vector_subcore>, window_params = [{transform_indices = #map}, {transform_indices = #map1}, {transform_indices = #map1}, {transform_indices = #map1}]} {
    %mul3A = arith.constant 16 : i32
    %mul3A_0 = arith.muli %arg0, %mul3A : i32
    %add3A = arith.addi %mul3A_0, %arg1 : i32
    %scan3A = arith.constant 0 : i32
    %scan3A_1 = arith.constant 16 : i32
    %scan3A_2 = arith.addi %scan3A, %scan3A_1 : i32
    %scan3A_3 = arith.constant 1 : i32
    scf.for %scan3A_35 = %scan3A to %scan3A_2 step %scan3A_3  : i32 {
      %mul3A_36 = arith.constant 1 : i32
      %mul3A_37 = arith.muli %scan3A_35, %mul3A_36 : i32
      %add3A_38 = arith.constant 0 : i32
      %add3A_39 = arith.addi %add3A_38, %mul3A_37 : i32
      %broadcast_in_dim3A = arith.constant 0.000000e+00 : f32
      %broadcast_in_dim3A_40 = vector.broadcast %broadcast_in_dim3A : f32 to vector<16xf32>
      %swap3A = arith.index_cast %add3A_39 : i32 to index
      %swap3A_41 = arith.constant 0 : index
      %swap3A_42 = tpu.vector_load %arg12[%swap3A, %swap3A_41] {strides = array<i32>} : memref<16x128xf32, #tpu.memory_space<vmem>>, vector<1x16xf32>,
      %swap3A_43 = vector.shape_cast %swap3A_42 : vector<1x16xf32> to vector<16xf32>
      %swap3A_44 = vector.shape_cast %broadcast_in_dim3A_40 : vector<16xf32> to vector<1x16xf32>
      tpu.vector_store %arg12[%swap3A, %swap3A_41], %swap3A_44 {strides = array<i32>} : memref<16x128xf32, #tpu.memory_space<vmem>>, vector<1x16xf32>,
      %broadcast_in_dim3A_45 = arith.constant 0.000000e+00 : f32
      %broadcast_in_dim3A_46 = vector.broadcast %broadcast_in_dim3A_45 : f32 to vector<16xf32>
      %swap3A_47 = arith.index_cast %add3A_39 : i32 to index
      %swap3A_48 = arith.constant 16 : index
      %swap3A_49 = tpu.vector_load %arg12[%swap3A_47, %swap3A_48] {strides = array<i32>} : memref<16x128xf32, #tpu.memory_space<vmem>>, vector<1x16xf32>,
      %swap3A_50 = vector.shape_cast %swap3A_49 : vector<1x16xf32> to vector<16xf32>
      %swap3A_51 = vector.shape_cast %broadcast_in_dim3A_46 : vector<16xf32> to vector<1x16xf32>
      tpu.vector_store %arg12[%swap3A_47, %swap3A_48], %swap3A_51 {strides = array<i32>} : memref<16x128xf32, #tpu.memory_space<vmem>>, vector<1x16xf32>,
      %broadcast_in_dim3A_52 = arith.constant 0.000000e+00 : f32
      %broadcast_in_dim3A_53 = vector.broadcast %broadcast_in_dim3A_52 : f32 to vector<16xf32>
      %swap3A_54 = arith.index_cast %add3A_39 : i32 to index
      %swap3A_55 = arith.constant 32 : index
      %swap3A_56 = tpu.vector_load %arg12[%swap3A_54, %swap3A_55] {strides = array<i32>} : memref<16x128xf32, #tpu.memory_space<vmem>>, vector<1x16xf32>,
      %swap3A_57 = vector.shape_cast %swap3A_56 : vector<1x16xf32> to vector<16xf32>
      %swap3A_58 = vector.shape_cast %broadcast_in_dim3A_53 : vector<16xf32> to vector<1x16xf32>
      tpu.vector_store %arg12[%swap3A_54, %swap3A_55], %swap3A_58 {strides = array<i32>} : memref<16x128xf32, #tpu.memory_space<vmem>>, vector<1x16xf32>,
      %broadcast_in_dim3A_59 = arith.constant 0.000000e+00 : f32
      %broadcast_in_dim3A_60 = vector.broadcast %broadcast_in_dim3A_59 : f32 to vector<16xf32>
      %swap3A_61 = arith.index_cast %add3A_39 : i32 to index
      %swap3A_62 = arith.constant 48 : index
      %swap3A_63 = tpu.vector_load %arg12[%swap3A_61, %swap3A_62] {strides = array<i32>} : memref<16x128xf32, #tpu.memory_space<vmem>>, vector<1x16xf32>,
      %swap3A_64 = vector.shape_cast %swap3A_63 : vector<1x16xf32> to vector<16xf32>
      %swap3A_65 = vector.shape_cast %broadcast_in_dim3A_60 : vector<16xf32> to vector<1x16xf32>
      tpu.vector_store %arg12[%swap3A_61, %swap3A_62], %swap3A_65 {strides = array<i32>} : memref<16x128xf32, #tpu.memory_space<vmem>>, vector<1x16xf32>,
      %broadcast_in_dim3A_66 = arith.constant 0.000000e+00 : f32
      %broadcast_in_dim3A_67 = vector.broadcast %broadcast_in_dim3A_66 : f32 to vector<16xf32>
      %swap3A_68 = arith.index_cast %add3A_39 : i32 to index
      %swap3A_69 = arith.constant 64 : index
      %swap3A_70 = tpu.vector_load %arg12[%swap3A_68, %swap3A_69] {strides = array<i32>} : memref<16x128xf32, #tpu.memory_space<vmem>>, vector<1x16xf32>,
      %swap3A_71 = vector.shape_cast %swap3A_70 : vector<1x16xf32> to vector<16xf32>
      %swap3A_72 = vector.shape_cast %broadcast_in_dim3A_67 : vector<16xf32> to vector<1x16xf32>
      tpu.vector_store %arg12[%swap3A_68, %swap3A_69], %swap3A_72 {strides = array<i32>} : memref<16x128xf32, #tpu.memory_space<vmem>>, vector<1x16xf32>,
      %broadcast_in_dim3A_73 = arith.constant 0.000000e+00 : f32
      %broadcast_in_dim3A_74 = vector.broadcast %broadcast_in_dim3A_73 : f32 to vector<16xf32>
      %swap3A_75 = arith.index_cast %add3A_39 : i32 to index
      %swap3A_76 = arith.constant 80 : index
      %swap3A_77 = tpu.vector_load %arg12[%swap3A_75, %swap3A_76] {strides = array<i32>} : memref<16x128xf32, #tpu.memory_space<vmem>>, vector<1x16xf32>,
      %swap3A_78 = vector.shape_cast %swap3A_77 : vector<1x16xf32> to vector<16xf32>
      %swap3A_79 = vector.shape_cast %broadcast_in_dim3A_74 : vector<16xf32> to vector<1x16xf32>
      tpu.vector_store %arg12[%swap3A_75, %swap3A_76], %swap3A_79 {strides = array<i32>} : memref<16x128xf32, #tpu.memory_space<vmem>>, vector<1x16xf32>,
      %broadcast_in_dim3A_80 = arith.constant 0.000000e+00 : f32
      %broadcast_in_dim3A_81 = vector.broadcast %broadcast_in_dim3A_80 : f32 to vector<16xf32>
      %swap3A_82 = arith.index_cast %add3A_39 : i32 to index
      %swap3A_83 = arith.constant 96 : index
      %swap3A_84 = tpu.vector_load %arg12[%swap3A_82, %swap3A_83] {strides = array<i32>} : memref<16x128xf32, #tpu.memory_space<vmem>>, vector<1x16xf32>,
      %swap3A_85 = vector.shape_cast %swap3A_84 : vector<1x16xf32> to vector<16xf32>
      %swap3A_86 = vector.shape_cast %broadcast_in_dim3A_81 : vector<16xf32> to vector<1x16xf32>
      tpu.vector_store %arg12[%swap3A_82, %swap3A_83], %swap3A_86 {strides = array<i32>} : memref<16x128xf32, #tpu.memory_space<vmem>>, vector<1x16xf32>,
      %broadcast_in_dim3A_87 = arith.constant 0.000000e+00 : f32
      %broadcast_in_dim3A_88 = vector.broadcast %broadcast_in_dim3A_87 : f32 to vector<16xf32>
      %swap3A_89 = arith.index_cast %add3A_39 : i32 to index
      %swap3A_90 = arith.constant 112 : index
      %swap3A_91 = tpu.vector_load %arg12[%swap3A_89, %swap3A_90] {strides = array<i32>} : memref<16x128xf32, #tpu.memory_space<vmem>>, vector<1x16xf32>,
      %swap3A_92 = vector.shape_cast %swap3A_91 : vector<1x16xf32> to vector<16xf32>
      %swap3A_93 = vector.shape_cast %broadcast_in_dim3A_88 : vector<16xf32> to vector<1x16xf32>
      tpu.vector_store %arg12[%swap3A_89, %swap3A_90], %swap3A_93 {strides = array<i32>} : memref<16x128xf32, #tpu.memory_space<vmem>>, vector<1x16xf32>,
    }
    %scan3A_4 = arith.constant 16 : i32
    %mul3A_5 = arith.constant 640 : i32
    %mul3A_6 = arith.muli %arg1, %mul3A_5 : i32
    %scan3A_7 = arith.constant 0 : i32
    %scan3A_8 = arith.constant 40 : i32
    %scan3A_9 = arith.addi %scan3A_7, %scan3A_8 : i32
    %scan3A_10 = arith.constant 1 : i32
    scf.for %scan3A_35 = %scan3A_7 to %scan3A_9 step %scan3A_10  : i32 {
      %mul3A_36 = arith.constant 1 : i32
      %mul3A_37 = arith.muli %scan3A_35, %mul3A_36 : i32
      %add3A_38 = arith.constant 0 : i32
      %add3A_39 = arith.addi %add3A_38, %mul3A_37 : i32
      %mul3A_40 = arith.constant 16 : i32
      %mul3A_41 = arith.muli %add3A_39, %mul3A_40 : i32
      %add3A_42 = arith.addi %mul3A_6, %mul3A_41 : i32
      "tpu.region"() ({
        %run_scoped3A = tpu.sem_alloc : memref<!tpu.dma_semaphore, #tpu.memory_space<semaphore_mem>>
        %dma_start3A_43 = arith.constant 0 : i32
        %dma_start3A_44 = tpu.memref_slice %arg13[%add3A_42, %dma_start3A_43] : memref<10240x128xf32, #tpu.memory_space<vmem_shared>> -> memref<16x128xf32, #tpu.memory_space<vmem_shared>>
        %dma_start3A_45 = arith.constant 0 : i32
        %dma_start3A_46 = tpu.memref_slice %arg13[%add3A_42, %dma_start3A_45] : memref<10240x128xf32, #tpu.memory_space<vmem_shared>> -> memref<16x128xf32, #tpu.memory_space<vmem_shared>>
        tpu.enqueue_dma source(%arg12 : memref<16x128xf32, #tpu.memory_space<vmem>>) target(%dma_start3A_46 : memref<16x128xf32, #tpu.memory_space<vmem_shared>>) target_semaphore(%run_scoped3A : memref<!tpu.dma_semaphore, #tpu.memory_space<semaphore_mem>>)
        %dma_wait3A = arith.constant 0 : i32
        %dma_wait3A_47 = tpu.memref_slice %arg13[%add3A_42, %dma_wait3A] : memref<10240x128xf32, #tpu.memory_space<vmem_shared>> -> memref<16x128xf32, #tpu.memory_space<vmem_shared>>
        %dma_wait3A_48 = arith.constant 0 : i32
        %dma_wait3A_49 = tpu.memref_slice %arg13[%add3A_42, %dma_wait3A_48] : memref<10240x128xf32, #tpu.memory_space<vmem_shared>> -> memref<16x128xf32, #tpu.memory_space<vmem_shared>>
        tpu.wait_dma2 semaphore(%run_scoped3A : memref<!tpu.dma_semaphore, #tpu.memory_space<semaphore_mem>>) src(%arg12 : memref<16x128xf32, #tpu.memory_space<vmem>>) dst(%dma_wait3A_49 : memref<16x128xf32, #tpu.memory_space<vmem_shared>>)
        tpu.yield
      }) : () -> ()
    }
    %scan3A_11 = arith.constant 40 : i32
    %barrier3A = arith.constant 0 : index
    tpu.barrier barrier_id(%barrier3A)
    %dma_start3A = arith.constant 0 : i32
    %dma_start3A_12 = arith.constant 0 : i32
    %dma_start3A_13 = tpu.memref_slice %arg3[%add3A, %dma_start3A, %dma_start3A_12] : memref<32x80x128xi32, #tpu.memory_space<hbm>> -> memref<1x8x128xi32, #tpu.memory_space<hbm>>
    %dma_start3A_14 = tpu.memref_squeeze %dma_start3A_13 : memref<1x8x128xi32, #tpu.memory_space<hbm>> -> memref<8x128xi32, #tpu.memory_space<hbm>>
    %dma_start3A_15 = arith.constant 0 : i32
    %dma_start3A_16 = arith.constant 0 : i32
    %dma_start3A_17 = tpu.memref_slice %arg3[%add3A, %dma_start3A_15, %dma_start3A_16] : memref<32x80x128xi32, #tpu.memory_space<hbm>> -> memref<1x8x128xi32, #tpu.memory_space<hbm>>
    %dma_start3A_18 = tpu.memref_squeeze %dma_start3A_17 : memref<1x8x128xi32, #tpu.memory_space<hbm>> -> memref<8x128xi32, #tpu.memory_space<hbm>>
    tpu.enqueue_dma source(%dma_start3A_18 : memref<8x128xi32, #tpu.memory_space<hbm>>) target(%arg6 : memref<8x128xi32, #tpu.memory_space<vmem>>) target_semaphore(%arg14 : memref<!tpu.dma_semaphore, #tpu.memory_space<semaphore_mem>>)
    %dma_start3A_19 = arith.constant 0 : i32
    %dma_start3A_20 = arith.constant 0 : i32
    %dma_start3A_21 = tpu.memref_slice %arg4[%add3A, %dma_start3A_19, %dma_start3A_20] : memref<32x80x128xi32, #tpu.memory_space<hbm>> -> memref<1x8x128xi32, #tpu.memory_space<hbm>>
    %dma_start3A_22 = tpu.memref_squeeze %dma_start3A_21 : memref<1x8x128xi32, #tpu.memory_space<hbm>> -> memref<8x128xi32, #tpu.memory_space<hbm>>
    %dma_start3A_23 = arith.constant 0 : i32
    %dma_start3A_24 = arith.constant 0 : i32
    %dma_start3A_25 = tpu.memref_slice %arg4[%add3A, %dma_start3A_23, %dma_start3A_24] : memref<32x80x128xi32, #tpu.memory_space<hbm>> -> memref<1x8x128xi32, #tpu.memory_space<hbm>>
    %dma_start3A_26 = tpu.memref_squeeze %dma_start3A_25 : memref<1x8x128xi32, #tpu.memory_space<hbm>> -> memref<8x128xi32, #tpu.memory_space<hbm>>
    tpu.enqueue_dma source(%dma_start3A_26 : memref<8x128xi32, #tpu.memory_space<hbm>>) target(%arg8 : memref<8x128xi32, #tpu.memory_space<vmem>>) target_semaphore(%arg14 : memref<!tpu.dma_semaphore, #tpu.memory_space<semaphore_mem>>)
    %scan3A_27 = arith.constant 0 : i32
    %scan3A_28 = arith.constant 5 : i32
    %scan3A_29 = arith.addi %scan3A_27, %scan3A_28 : i32
    %scan3A_30 = arith.constant 1 : i32
    scf.for %scan3A_35 = %scan3A_27 to %scan3A_29 step %scan3A_30  : i32 {
      %mul3A_36 = arith.constant 2 : i32
      %mul3A_37 = arith.muli %scan3A_35, %mul3A_36 : i32
      %add3A_38 = arith.constant 0 : i32
      %add3A_39 = arith.addi %add3A_38, %mul3A_37 : i32
      %mul3A_40 = arith.constant 8 : i32
      %mul3A_41 = arith.muli %add3A_39, %mul3A_40 : i32
      %dma_wait3A = arith.constant 0 : i32
      %dma_wait3A_42 = tpu.memref_slice %arg3[%add3A, %mul3A_41, %dma_wait3A] : memref<32x80x128xi32, #tpu.memory_space<hbm>> -> memref<1x8x128xi32, #tpu.memory_space<hbm>>
      %dma_wait3A_43 = tpu.memref_squeeze %dma_wait3A_42 : memref<1x8x128xi32, #tpu.memory_space<hbm>> -> memref<8x128xi32, #tpu.memory_space<hbm>>
      %dma_wait3A_44 = arith.constant 0 : i32
      %dma_wait3A_45 = tpu.memref_slice %arg3[%add3A, %mul3A_41, %dma_wait3A_44] : memref<32x80x128xi32, #tpu.memory_space<hbm>> -> memref<1x8x128xi32, #tpu.memory_space<hbm>>
      %dma_wait3A_46 = tpu.memref_squeeze %dma_wait3A_45 : memref<1x8x128xi32, #tpu.memory_space<hbm>> -> memref<8x128xi32, #tpu.memory_space<hbm>>
      tpu.wait_dma2 semaphore(%arg14 : memref<!tpu.dma_semaphore, #tpu.memory_space<semaphore_mem>>) src(%dma_wait3A_46 : memref<8x128xi32, #tpu.memory_space<hbm>>) dst(%arg6 : memref<8x128xi32, #tpu.memory_space<vmem>>)
      %dma_wait3A_47 = arith.constant 0 : i32
      %dma_wait3A_48 = tpu.memref_slice %arg4[%add3A, %mul3A_41, %dma_wait3A_47] : memref<32x80x128xi32, #tpu.memory_space<hbm>> -> memref<1x8x128xi32, #tpu.memory_space<hbm>>
      %dma_wait3A_49 = tpu.memref_squeeze %dma_wait3A_48 : memref<1x8x128xi32, #tpu.memory_space<hbm>> -> memref<8x128xi32, #tpu.memory_space<hbm>>
      %dma_wait3A_50 = arith.constant 0 : i32
      %dma_wait3A_51 = tpu.memref_slice %arg4[%add3A, %mul3A_41, %dma_wait3A_50] : memref<32x80x128xi32, #tpu.memory_space<hbm>> -> memref<1x8x128xi32, #tpu.memory_space<hbm>>
      %dma_wait3A_52 = tpu.memref_squeeze %dma_wait3A_51 : memref<1x8x128xi32, #tpu.memory_space<hbm>> -> memref<8x128xi32, #tpu.memory_space<hbm>>
      tpu.wait_dma2 semaphore(%arg14 : memref<!tpu.dma_semaphore, #tpu.memory_space<semaphore_mem>>) src(%dma_wait3A_52 : memref<8x128xi32, #tpu.memory_space<hbm>>) dst(%arg8 : memref<8x128xi32, #tpu.memory_space<vmem>>)
      %add3A_53 = arith.constant 1 : i32
      %add3A_54 = arith.addi %add3A_39, %add3A_53 : i32
      %mul3A_55 = arith.constant 8 : i32
      %mul3A_56 = arith.muli %add3A_54, %mul3A_55 : i32
      %dma_start3A_57 = arith.constant 0 : i32
      %dma_start3A_58 = tpu.memref_slice %arg3[%add3A, %mul3A_56, %dma_start3A_57] : memref<32x80x128xi32, #tpu.memory_space<hbm>> -> memref<1x8x128xi32, #tpu.memory_space<hbm>>
      %dma_start3A_59 = tpu.memref_squeeze %dma_start3A_58 : memref<1x8x128xi32, #tpu.memory_space<hbm>> -> memref<8x128xi32, #tpu.memory_space<hbm>>
      %dma_start3A_60 = arith.constant 0 : i32
      %dma_start3A_61 = tpu.memref_slice %arg3[%add3A, %mul3A_56, %dma_start3A_60] : memref<32x80x128xi32, #tpu.memory_space<hbm>> -> memref<1x8x128xi32, #tpu.memory_space<hbm>>
      %dma_start3A_62 = tpu.memref_squeeze %dma_start3A_61 : memref<1x8x128xi32, #tpu.memory_space<hbm>> -> memref<8x128xi32, #tpu.memory_space<hbm>>
      tpu.enqueue_dma source(%dma_start3A_62 : memref<8x128xi32, #tpu.memory_space<hbm>>) target(%arg7 : memref<8x128xi32, #tpu.memory_space<vmem>>) target_semaphore(%arg15 : memref<!tpu.dma_semaphore, #tpu.memory_space<semaphore_mem>>)
      %dma_start3A_63 = arith.constant 0 : i32
      %dma_start3A_64 = tpu.memref_slice %arg4[%add3A, %mul3A_56, %dma_start3A_63] : memref<32x80x128xi32, #tpu.memory_space<hbm>> -> memref<1x8x128xi32, #tpu.memory_space<hbm>>
      %dma_start3A_65 = tpu.memref_squeeze %dma_start3A_64 : memref<1x8x128xi32, #tpu.memory_space<hbm>> -> memref<8x128xi32, #tpu.memory_space<hbm>>
      %dma_start3A_66 = arith.constant 0 : i32
      %dma_start3A_67 = tpu.memref_slice %arg4[%add3A, %mul3A_56, %dma_start3A_66] : memref<32x80x128xi32, #tpu.memory_space<hbm>> -> memref<1x8x128xi32, #tpu.memory_space<hbm>>
      %dma_start3A_68 = tpu.memref_squeeze %dma_start3A_67 : memref<1x8x128xi32, #tpu.memory_space<hbm>> -> memref<8x128xi32, #tpu.memory_space<hbm>>
      tpu.enqueue_dma source(%dma_start3A_68 : memref<8x128xi32, #tpu.memory_space<hbm>>) target(%arg9 : memref<8x128xi32, #tpu.memory_space<vmem>>) target_semaphore(%arg15 : memref<!tpu.dma_semaphore, #tpu.memory_space<semaphore_mem>>)
      %dma_start3A_69 = arith.constant 0 : i32
      %dma_start3A_70 = arith.constant 0 : i32
      %dma_start3A_71 = tpu.memref_slice %arg6[%dma_start3A_69, %dma_start3A_70] : memref<8x128xi32, #tpu.memory_space<vmem>> -> memref<1x128xi32, #tpu.memory_space<vmem>>
      %dma_start3A_72 = tpu.memref_squeeze %dma_start3A_71 : memref<1x128xi32, #tpu.memory_space<vmem>> -> memref<128xi32, #tpu.memory_space<vmem>>
      %dma_start3A_73 = arith.constant 0 : i32
      %dma_start3A_74 = arith.constant 0 : i32
      %dma_start3A_75 = tpu.memref_slice %arg2[%dma_start3A_73, %dma_start3A_74] : memref<10240x128xf32, #tpu.memory_space<hbm>> -> memref<10240x128xf32, #tpu.memory_space<hbm>>
      tpu.enqueue_indirect_dma source(%dma_start3A_75 : memref<10240x128xf32, #tpu.memory_space<hbm>>) target(%arg10 : memref<128x128xf32, #tpu.memory_space<vmem>>) offsets(%dma_start3A_72 : memref<128xi32, #tpu.memory_space<vmem>>) semaphore(%arg16 : memref<!tpu.dma_semaphore, #tpu.memory_space<semaphore_mem>>)
      %dma_wait3A_76 = arith.constant 0 : i32
      %dma_wait3A_77 = arith.constant 0 : i32
      %dma_wait3A_78 = tpu.memref_slice %arg6[%dma_wait3A_76, %dma_wait3A_77] : memref<8x128xi32, #tpu.memory_space<vmem>> -> memref<1x128xi32, #tpu.memory_space<vmem>>
      %dma_wait3A_79 = tpu.memref_squeeze %dma_wait3A_78 : memref<1x128xi32, #tpu.memory_space<vmem>> -> memref<128xi32, #tpu.memory_space<vmem>>
      %dma_wait3A_80 = arith.constant 0 : i32
      %dma_wait3A_81 = arith.constant 0 : i32
      %dma_wait3A_82 = tpu.memref_slice %arg2[%dma_wait3A_80, %dma_wait3A_81] : memref<10240x128xf32, #tpu.memory_space<hbm>> -> memref<10240x128xf32, #tpu.memory_space<hbm>>
      tpu.wait_indirect_dma semaphore(%arg16 : memref<!tpu.dma_semaphore, #tpu.memory_space<semaphore_mem>>) src(%dma_wait3A_82 : memref<10240x128xf32, #tpu.memory_space<hbm>>) dst(%arg10 : memref<128x128xf32, #tpu.memory_space<vmem>>)
      %dma_start3A_83 = arith.constant 1 : i32
      %dma_start3A_84 = arith.constant 0 : i32
      %dma_start3A_85 = tpu.memref_slice %arg6[%dma_start3A_83, %dma_start3A_84] : memref<8x128xi32, #tpu.memory_space<vmem>> -> memref<1x128xi32, #tpu.memory_space<vmem>>
      %dma_start3A_86 = tpu.memref_squeeze %dma_start3A_85 : memref<1x128xi32, #tpu.memory_space<vmem>> -> memref<128xi32, #tpu.memory_space<vmem>>
      %dma_start3A_87 = arith.constant 0 : i32
      %dma_start3A_88 = arith.constant 0 : i32
      %dma_start3A_89 = tpu.memref_slice %arg2[%dma_start3A_87, %dma_start3A_88] : memref<10240x128xf32, #tpu.memory_space<hbm>> -> memref<10240x128xf32, #tpu.memory_space<hbm>>
      tpu.enqueue_indirect_dma source(%dma_start3A_89 : memref<10240x128xf32, #tpu.memory_space<hbm>>) target(%arg11 : memref<128x128xf32, #tpu.memory_space<vmem>>) offsets(%dma_start3A_86 : memref<128xi32, #tpu.memory_space<vmem>>) semaphore(%arg17 : memref<!tpu.dma_semaphore, #tpu.memory_space<semaphore_mem>>)
      %mul3A_90 = arith.constant 640 : i32
      %mul3A_91 = arith.muli %arg1, %mul3A_90 : i32
      "tpu.region"() ({
        %run_scoped3A = tpu.sem_alloc : memref<!tpu.dma_semaphore, #tpu.memory_space<semaphore_mem>>
        %dma_start3A_361 = arith.constant 0 : i32
        %dma_start3A_362 = tpu.memref_slice %arg13[%mul3A_91, %dma_start3A_361] : memref<10240x128xf32, #tpu.memory_space<vmem_shared>> -> memref<128x128xf32, #tpu.memory_space<vmem_shared>>
        %dma_start3A_363 = arith.constant 0 : i32
        %dma_start3A_364 = tpu.memref_slice %arg13[%mul3A_91, %dma_start3A_363] : memref<10240x128xf32, #tpu.memory_space<vmem_shared>> -> memref<128x128xf32, #tpu.memory_space<vmem_shared>>
        tpu.enqueue_dma source(%arg10 : memref<128x128xf32, #tpu.memory_space<vmem>>) target(%dma_start3A_364 : memref<128x128xf32, #tpu.memory_space<vmem_shared>>) target_semaphore(%run_scoped3A : memref<!tpu.dma_semaphore, #tpu.memory_space<semaphore_mem>>)
        %dma_wait3A_365 = arith.constant 0 : i32
        %dma_wait3A_366 = tpu.memref_slice %arg13[%mul3A_91, %dma_wait3A_365] : memref<10240x128xf32, #tpu.memory_space<vmem_shared>> -> memref<128x128xf32, #tpu.memory_space<vmem_shared>>
        %dma_wait3A_367 = arith.constant 0 : i32
        %dma_wait3A_368 = tpu.memref_slice %arg13[%mul3A_91, %dma_wait3A_367] : memref<10240x128xf32, #tpu.memory_space<vmem_shared>> -> memref<128x128xf32, #tpu.memory_space<vmem_shared>>
        tpu.wait_dma2 semaphore(%run_scoped3A : memref<!tpu.dma_semaphore, #tpu.memory_space<semaphore_mem>>) src(%arg10 : memref<128x128xf32, #tpu.memory_space<vmem>>) dst(%dma_wait3A_368 : memref<128x128xf32, #tpu.memory_space<vmem_shared>>)
        tpu.yield
      }) : () -> ()
      %dma_wait3A_92 = arith.constant 1 : i32
      %dma_wait3A_93 = arith.constant 0 : i32
      %dma_wait3A_94 = tpu.memref_slice %arg6[%dma_wait3A_92, %dma_wait3A_93] : memref<8x128xi32, #tpu.memory_space<vmem>> -> memref<1x128xi32, #tpu.memory_space<vmem>>
      %dma_wait3A_95 = tpu.memref_squeeze %dma_wait3A_94 : memref<1x128xi32, #tpu.memory_space<vmem>> -> memref<128xi32, #tpu.memory_space<vmem>>
      %dma_wait3A_96 = arith.constant 0 : i32
      %dma_wait3A_97 = arith.constant 0 : i32
      %dma_wait3A_98 = tpu.memref_slice %arg2[%dma_wait3A_96, %dma_wait3A_97] : memref<10240x128xf32, #tpu.memory_space<hbm>> -> memref<10240x128xf32, #tpu.memory_space<hbm>>
      tpu.wait_indirect_dma semaphore(%arg17 : memref<!tpu.dma_semaphore, #tpu.memory_space<semaphore_mem>>) src(%dma_wait3A_98 : memref<10240x128xf32, #tpu.memory_space<hbm>>) dst(%arg11 : memref<128x128xf32, #tpu.memory_space<vmem>>)
      %dma_start3A_99 = arith.constant 2 : i32
      %dma_start3A_100 = arith.constant 0 : i32
      %dma_start3A_101 = tpu.memref_slice %arg6[%dma_start3A_99, %dma_start3A_100] : memref<8x128xi32, #tpu.memory_space<vmem>> -> memref<1x128xi32, #tpu.memory_space<vmem>>
      %dma_start3A_102 = tpu.memref_squeeze %dma_start3A_101 : memref<1x128xi32, #tpu.memory_space<vmem>> -> memref<128xi32, #tpu.memory_space<vmem>>
      %dma_start3A_103 = arith.constant 0 : i32
      %dma_start3A_104 = arith.constant 0 : i32
      %dma_start3A_105 = tpu.memref_slice %arg2[%dma_start3A_103, %dma_start3A_104] : memref<10240x128xf32, #tpu.memory_space<hbm>> -> memref<10240x128xf32, #tpu.memory_space<hbm>>
      tpu.enqueue_indirect_dma source(%dma_start3A_105 : memref<10240x128xf32, #tpu.memory_space<hbm>>) target(%arg10 : memref<128x128xf32, #tpu.memory_space<vmem>>) offsets(%dma_start3A_102 : memref<128xi32, #tpu.memory_space<vmem>>) semaphore(%arg16 : memref<!tpu.dma_semaphore, #tpu.memory_space<semaphore_mem>>)
      %mul3A_106 = arith.constant 640 : i32
      %mul3A_107 = arith.muli %arg1, %mul3A_106 : i32
      %add3A_108 = arith.constant 128 : i32
      %add3A_109 = arith.addi %mul3A_107, %add3A_108 : i32
      "tpu.region"() ({
        %run_scoped3A = tpu.sem_alloc : memref<!tpu.dma_semaphore, #tpu.memory_space<semaphore_mem>>
        %dma_start3A_361 = arith.constant 0 : i32
        %dma_start3A_362 = tpu.memref_slice %arg13[%add3A_109, %dma_start3A_361] : memref<10240x128xf32, #tpu.memory_space<vmem_shared>> -> memref<128x128xf32, #tpu.memory_space<vmem_shared>>
        %dma_start3A_363 = arith.constant 0 : i32
        %dma_start3A_364 = tpu.memref_slice %arg13[%add3A_109, %dma_start3A_363] : memref<10240x128xf32, #tpu.memory_space<vmem_shared>> -> memref<128x128xf32, #tpu.memory_space<vmem_shared>>
        tpu.enqueue_dma source(%arg11 : memref<128x128xf32, #tpu.memory_space<vmem>>) target(%dma_start3A_364 : memref<128x128xf32, #tpu.memory_space<vmem_shared>>) target_semaphore(%run_scoped3A : memref<!tpu.dma_semaphore, #tpu.memory_space<semaphore_mem>>)
        %dma_wait3A_365 = arith.constant 0 : i32
        %dma_wait3A_366 = tpu.memref_slice %arg13[%add3A_109, %dma_wait3A_365] : memref<10240x128xf32, #tpu.memory_space<vmem_shared>> -> memref<128x128xf32, #tpu.memory_space<vmem_shared>>
        %dma_wait3A_367 = arith.constant 0 : i32
        %dma_wait3A_368 = tpu.memref_slice %arg13[%add3A_109, %dma_wait3A_367] : memref<10240x128xf32, #tpu.memory_space<vmem_shared>> -> memref<128x128xf32, #tpu.memory_space<vmem_shared>>
        tpu.wait_dma2 semaphore(%run_scoped3A : memref<!tpu.dma_semaphore, #tpu.memory_space<semaphore_mem>>) src(%arg11 : memref<128x128xf32, #tpu.memory_space<vmem>>) dst(%dma_wait3A_368 : memref<128x128xf32, #tpu.memory_space<vmem_shared>>)
        tpu.yield
      }) : () -> ()
      %dma_wait3A_110 = arith.constant 2 : i32
      %dma_wait3A_111 = arith.constant 0 : i32
      %dma_wait3A_112 = tpu.memref_slice %arg6[%dma_wait3A_110, %dma_wait3A_111] : memref<8x128xi32, #tpu.memory_space<vmem>> -> memref<1x128xi32, #tpu.memory_space<vmem>>
      %dma_wait3A_113 = tpu.memref_squeeze %dma_wait3A_112 : memref<1x128xi32, #tpu.memory_space<vmem>> -> memref<128xi32, #tpu.memory_space<vmem>>
      %dma_wait3A_114 = arith.constant 0 : i32
      %dma_wait3A_115 = arith.constant 0 : i32
      %dma_wait3A_116 = tpu.memref_slice %arg2[%dma_wait3A_114, %dma_wait3A_115] : memref<10240x128xf32, #tpu.memory_space<hbm>> -> memref<10240x128xf32, #tpu.memory_space<hbm>>
      tpu.wait_indirect_dma semaphore(%arg16 : memref<!tpu.dma_semaphore, #tpu.memory_space<semaphore_mem>>) src(%dma_wait3A_116 : memref<10240x128xf32, #tpu.memory_space<hbm>>) dst(%arg10 : memref<128x128xf32, #tpu.memory_space<vmem>>)
      %dma_start3A_117 = arith.constant 3 : i32
      %dma_start3A_118 = arith.constant 0 : i32
      %dma_start3A_119 = tpu.memref_slice %arg6[%dma_start3A_117, %dma_start3A_118] : memref<8x128xi32, #tpu.memory_space<vmem>> -> memref<1x128xi32, #tpu.memory_space<vmem>>
      %dma_start3A_120 = tpu.memref_squeeze %dma_start3A_119 : memref<1x128xi32, #tpu.memory_space<vmem>> -> memref<128xi32, #tpu.memory_space<vmem>>
      %dma_start3A_121 = arith.constant 0 : i32
      %dma_start3A_122 = arith.constant 0 : i32
      %dma_start3A_123 = tpu.memref_slice %arg2[%dma_start3A_121, %dma_start3A_122] : memref<10240x128xf32, #tpu.memory_space<hbm>> -> memref<10240x128xf32, #tpu.memory_space<hbm>>
      tpu.enqueue_indirect_dma source(%dma_start3A_123 : memref<10240x128xf32, #tpu.memory_space<hbm>>) target(%arg11 : memref<128x128xf32, #tpu.memory_space<vmem>>) offsets(%dma_start3A_120 : memref<128xi32, #tpu.memory_space<vmem>>) semaphore(%arg17 : memref<!tpu.dma_semaphore, #tpu.memory_space<semaphore_mem>>)
      %mul3A_124 = arith.constant 640 : i32
      %mul3A_125 = arith.muli %arg1, %mul3A_124 : i32
      "tpu.region"() ({
        %run_scoped3A = tpu.sem_alloc : memref<!tpu.dma_semaphore, #tpu.memory_space<semaphore_mem>>
        %dma_start3A_361 = arith.constant 0 : i32
        %dma_start3A_362 = tpu.memref_slice %arg13[%mul3A_125, %dma_start3A_361] : memref<10240x128xf32, #tpu.memory_space<vmem_shared>> -> memref<128x128xf32, #tpu.memory_space<vmem_shared>>
        %dma_start3A_363 = arith.constant 0 : i32
        %dma_start3A_364 = tpu.memref_slice %arg13[%mul3A_125, %dma_start3A_363] : memref<10240x128xf32, #tpu.memory_space<vmem_shared>> -> memref<128x128xf32, #tpu.memory_space<vmem_shared>>
        tpu.enqueue_dma source(%arg10 : memref<128x128xf32, #tpu.memory_space<vmem>>) target(%dma_start3A_364 : memref<128x128xf32, #tpu.memory_space<vmem_shared>>) target_semaphore(%run_scoped3A : memref<!tpu.dma_semaphore, #tpu.memory_space<semaphore_mem>>)
        %dma_wait3A_365 = arith.constant 0 : i32
        %dma_wait3A_366 = tpu.memref_slice %arg13[%mul3A_125, %dma_wait3A_365] : memref<10240x128xf32, #tpu.memory_space<vmem_shared>> -> memref<128x128xf32, #tpu.memory_space<vmem_shared>>
        %dma_wait3A_367 = arith.constant 0 : i32
        %dma_wait3A_368 = tpu.memref_slice %arg13[%mul3A_125, %dma_wait3A_367] : memref<10240x128xf32, #tpu.memory_space<vmem_shared>> -> memref<128x128xf32, #tpu.memory_space<vmem_shared>>
        tpu.wait_dma2 semaphore(%run_scoped3A : memref<!tpu.dma_semaphore, #tpu.memory_space<semaphore_mem>>) src(%arg10 : memref<128x128xf32, #tpu.memory_space<vmem>>) dst(%dma_wait3A_368 : memref<128x128xf32, #tpu.memory_space<vmem_shared>>)
        tpu.yield
      }) : () -> ()
      %dma_wait3A_126 = arith.constant 3 : i32
      %dma_wait3A_127 = arith.constant 0 : i32
      %dma_wait3A_128 = tpu.memref_slice %arg6[%dma_wait3A_126, %dma_wait3A_127] : memref<8x128xi32, #tpu.memory_space<vmem>> -> memref<1x128xi32, #tpu.memory_space<vmem>>
      %dma_wait3A_129 = tpu.memref_squeeze %dma_wait3A_128 : memref<1x128xi32, #tpu.memory_space<vmem>> -> memref<128xi32, #tpu.memory_space<vmem>>
      %dma_wait3A_130 = arith.constant 0 : i32
      %dma_wait3A_131 = arith.constant 0 : i32
      %dma_wait3A_132 = tpu.memref_slice %arg2[%dma_wait3A_130, %dma_wait3A_131] : memref<10240x128xf32, #tpu.memory_space<hbm>> -> memref<10240x128xf32, #tpu.memory_space<hbm>>
      tpu.wait_indirect_dma semaphore(%arg17 : memref<!tpu.dma_semaphore, #tpu.memory_space<semaphore_mem>>) src(%dma_wait3A_132 : memref<10240x128xf32, #tpu.memory_space<hbm>>) dst(%arg11 : memref<128x128xf32, #tpu.memory_space<vmem>>)
      %dma_start3A_133 = arith.constant 4 : i32
      %dma_start3A_134 = arith.constant 0 : i32
      %dma_start3A_135 = tpu.memref_slice %arg6[%dma_start3A_133, %dma_start3A_134] : memref<8x128xi32, #tpu.memory_space<vmem>> -> memref<1x128xi32, #tpu.memory_space<vmem>>
      %dma_start3A_136 = tpu.memref_squeeze %dma_start3A_135 : memref<1x128xi32, #tpu.memory_space<vmem>> -> memref<128xi32, #tpu.memory_space<vmem>>
      %dma_start3A_137 = arith.constant 0 : i32
      %dma_start3A_138 = arith.constant 0 : i32
      %dma_start3A_139 = tpu.memref_slice %arg2[%dma_start3A_137, %dma_start3A_138] : memref<10240x128xf32, #tpu.memory_space<hbm>> -> memref<10240x128xf32, #tpu.memory_space<hbm>>
      tpu.enqueue_indirect_dma source(%dma_start3A_139 : memref<10240x128xf32, #tpu.memory_space<hbm>>) target(%arg10 : memref<128x128xf32, #tpu.memory_space<vmem>>) offsets(%dma_start3A_136 : memref<128xi32, #tpu.memory_space<vmem>>) semaphore(%arg16 : memref<!tpu.dma_semaphore, #tpu.memory_space<semaphore_mem>>)
      %mul3A_140 = arith.constant 640 : i32
      %mul3A_141 = arith.muli %arg1, %mul3A_140 : i32
      %add3A_142 = arith.constant 128 : i32
      %add3A_143 = arith.addi %mul3A_141, %add3A_142 : i32
      "tpu.region"() ({
        %run_scoped3A = tpu.sem_alloc : memref<!tpu.dma_semaphore, #tpu.memory_space<semaphore_mem>>
        %dma_start3A_361 = arith.constant 0 : i32
        %dma_start3A_362 = tpu.memref_slice %arg13[%add3A_143, %dma_start3A_361] : memref<10240x128xf32, #tpu.memory_space<vmem_shared>> -> memref<128x128xf32, #tpu.memory_space<vmem_shared>>
        %dma_start3A_363 = arith.constant 0 : i32
        %dma_start3A_364 = tpu.memref_slice %arg13[%add3A_143, %dma_start3A_363] : memref<10240x128xf32, #tpu.memory_space<vmem_shared>> -> memref<128x128xf32, #tpu.memory_space<vmem_shared>>
        tpu.enqueue_dma source(%arg11 : memref<128x128xf32, #tpu.memory_space<vmem>>) target(%dma_start3A_364 : memref<128x128xf32, #tpu.memory_space<vmem_shared>>) target_semaphore(%run_scoped3A : memref<!tpu.dma_semaphore, #tpu.memory_space<semaphore_mem>>)
        %dma_wait3A_365 = arith.constant 0 : i32
        %dma_wait3A_366 = tpu.memref_slice %arg13[%add3A_143, %dma_wait3A_365] : memref<10240x128xf32, #tpu.memory_space<vmem_shared>> -> memref<128x128xf32, #tpu.memory_space<vmem_shared>>
        %dma_wait3A_367 = arith.constant 0 : i32
        %dma_wait3A_368 = tpu.memref_slice %arg13[%add3A_143, %dma_wait3A_367] : memref<10240x128xf32, #tpu.memory_space<vmem_shared>> -> memref<128x128xf32, #tpu.memory_space<vmem_shared>>
        tpu.wait_dma2 semaphore(%run_scoped3A : memref<!tpu.dma_semaphore, #tpu.memory_space<semaphore_mem>>) src(%arg11 : memref<128x128xf32, #tpu.memory_space<vmem>>) dst(%dma_wait3A_368 : memref<128x128xf32, #tpu.memory_space<vmem_shared>>)
        tpu.yield
      }) : () -> ()
      %dma_wait3A_144 = arith.constant 4 : i32
      %dma_wait3A_145 = arith.constant 0 : i32
      %dma_wait3A_146 = tpu.memref_slice %arg6[%dma_wait3A_144, %dma_wait3A_145] : memref<8x128xi32, #tpu.memory_space<vmem>> -> memref<1x128xi32, #tpu.memory_space<vmem>>
      %dma_wait3A_147 = tpu.memref_squeeze %dma_wait3A_146 : memref<1x128xi32, #tpu.memory_space<vmem>> -> memref<128xi32, #tpu.memory_space<vmem>>
      %dma_wait3A_148 = arith.constant 0 : i32
      %dma_wait3A_149 = arith.constant 0 : i32
      %dma_wait3A_150 = tpu.memref_slice %arg2[%dma_wait3A_148, %dma_wait3A_149] : memref<10240x128xf32, #tpu.memory_space<hbm>> -> memref<10240x128xf32, #tpu.memory_space<hbm>>
      tpu.wait_indirect_dma semaphore(%arg16 : memref<!tpu.dma_semaphore, #tpu.memory_space<semaphore_mem>>) src(%dma_wait3A_150 : memref<10240x128xf32, #tpu.memory_space<hbm>>) dst(%arg10 : memref<128x128xf32, #tpu.memory_space<vmem>>)
      %dma_start3A_151 = arith.constant 5 : i32
      %dma_start3A_152 = arith.constant 0 : i32
      %dma_start3A_153 = tpu.memref_slice %arg6[%dma_start3A_151, %dma_start3A_152] : memref<8x128xi32, #tpu.memory_space<vmem>> -> memref<1x128xi32, #tpu.memory_space<vmem>>
      %dma_start3A_154 = tpu.memref_squeeze %dma_start3A_153 : memref<1x128xi32, #tpu.memory_space<vmem>> -> memref<128xi32, #tpu.memory_space<vmem>>
      %dma_start3A_155 = arith.constant 0 : i32
      %dma_start3A_156 = arith.constant 0 : i32
      %dma_start3A_157 = tpu.memref_slice %arg2[%dma_start3A_155, %dma_start3A_156] : memref<10240x128xf32, #tpu.memory_space<hbm>> -> memref<10240x128xf32, #tpu.memory_space<hbm>>
      tpu.enqueue_indirect_dma source(%dma_start3A_157 : memref<10240x128xf32, #tpu.memory_space<hbm>>) target(%arg11 : memref<128x128xf32, #tpu.memory_space<vmem>>) offsets(%dma_start3A_154 : memref<128xi32, #tpu.memory_space<vmem>>) semaphore(%arg17 : memref<!tpu.dma_semaphore, #tpu.memory_space<semaphore_mem>>)
      %mul3A_158 = arith.constant 640 : i32
      %mul3A_159 = arith.muli %arg1, %mul3A_158 : i32
      "tpu.region"() ({
        %run_scoped3A = tpu.sem_alloc : memref<!tpu.dma_semaphore, #tpu.memory_space<semaphore_mem>>
        %dma_start3A_361 = arith.constant 0 : i32
        %dma_start3A_362 = tpu.memref_slice %arg13[%mul3A_159, %dma_start3A_361] : memref<10240x128xf32, #tpu.memory_space<vmem_shared>> -> memref<128x128xf32, #tpu.memory_space<vmem_shared>>
        %dma_start3A_363 = arith.constant 0 : i32
        %dma_start3A_364 = tpu.memref_slice %arg13[%mul3A_159, %dma_start3A_363] : memref<10240x128xf32, #tpu.memory_space<vmem_shared>> -> memref<128x128xf32, #tpu.memory_space<vmem_shared>>
        tpu.enqueue_dma source(%arg10 : memref<128x128xf32, #tpu.memory_space<vmem>>) target(%dma_start3A_364 : memref<128x128xf32, #tpu.memory_space<vmem_shared>>) target_semaphore(%run_scoped3A : memref<!tpu.dma_semaphore, #tpu.memory_space<semaphore_mem>>)
        %dma_wait3A_365 = arith.constant 0 : i32
        %dma_wait3A_366 = tpu.memref_slice %arg13[%mul3A_159, %dma_wait3A_365] : memref<10240x128xf32, #tpu.memory_space<vmem_shared>> -> memref<128x128xf32, #tpu.memory_space<vmem_shared>>
        %dma_wait3A_367 = arith.constant 0 : i32
        %dma_wait3A_368 = tpu.memref_slice %arg13[%mul3A_159, %dma_wait3A_367] : memref<10240x128xf32, #tpu.memory_space<vmem_shared>> -> memref<128x128xf32, #tpu.memory_space<vmem_shared>>
        tpu.wait_dma2 semaphore(%run_scoped3A : memref<!tpu.dma_semaphore, #tpu.memory_space<semaphore_mem>>) src(%arg10 : memref<128x128xf32, #tpu.memory_space<vmem>>) dst(%dma_wait3A_368 : memref<128x128xf32, #tpu.memory_space<vmem_shared>>)
        tpu.yield
      }) : () -> ()
      %dma_wait3A_160 = arith.constant 5 : i32
      %dma_wait3A_161 = arith.constant 0 : i32
      %dma_wait3A_162 = tpu.memref_slice %arg6[%dma_wait3A_160, %dma_wait3A_161] : memref<8x128xi32, #tpu.memory_space<vmem>> -> memref<1x128xi32, #tpu.memory_space<vmem>>
      %dma_wait3A_163 = tpu.memref_squeeze %dma_wait3A_162 : memref<1x128xi32, #tpu.memory_space<vmem>> -> memref<128xi32, #tpu.memory_space<vmem>>
      %dma_wait3A_164 = arith.constant 0 : i32
      %dma_wait3A_165 = arith.constant 0 : i32
      %dma_wait3A_166 = tpu.memref_slice %arg2[%dma_wait3A_164, %dma_wait3A_165] : memref<10240x128xf32, #tpu.memory_space<hbm>> -> memref<10240x128xf32, #tpu.memory_space<hbm>>
      tpu.wait_indirect_dma semaphore(%arg17 : memref<!tpu.dma_semaphore, #tpu.memory_space<semaphore_mem>>) src(%dma_wait3A_166 : memref<10240x128xf32, #tpu.memory_space<hbm>>) dst(%arg11 : memref<128x128xf32, #tpu.memory_space<vmem>>)
      %dma_start3A_167 = arith.constant 6 : i32
      %dma_start3A_168 = arith.constant 0 : i32
      %dma_start3A_169 = tpu.memref_slice %arg6[%dma_start3A_167, %dma_start3A_168] : memref<8x128xi32, #tpu.memory_space<vmem>> -> memref<1x128xi32, #tpu.memory_space<vmem>>
      %dma_start3A_170 = tpu.memref_squeeze %dma_start3A_169 : memref<1x128xi32, #tpu.memory_space<vmem>> -> memref<128xi32, #tpu.memory_space<vmem>>
      %dma_start3A_171 = arith.constant 0 : i32
      %dma_start3A_172 = arith.constant 0 : i32
      %dma_start3A_173 = tpu.memref_slice %arg2[%dma_start3A_171, %dma_start3A_172] : memref<10240x128xf32, #tpu.memory_space<hbm>> -> memref<10240x128xf32, #tpu.memory_space<hbm>>
      tpu.enqueue_indirect_dma source(%dma_start3A_173 : memref<10240x128xf32, #tpu.memory_space<hbm>>) target(%arg10 : memref<128x128xf32, #tpu.memory_space<vmem>>) offsets(%dma_start3A_170 : memref<128xi32, #tpu.memory_space<vmem>>) semaphore(%arg16 : memref<!tpu.dma_semaphore, #tpu.memory_space<semaphore_mem>>)
      %mul3A_174 = arith.constant 640 : i32
      %mul3A_175 = arith.muli %arg1, %mul3A_174 : i32
      %add3A_176 = arith.constant 128 : i32
      %add3A_177 = arith.addi %mul3A_175, %add3A_176 : i32
      "tpu.region"() ({
        %run_scoped3A = tpu.sem_alloc : memref<!tpu.dma_semaphore, #tpu.memory_space<semaphore_mem>>
        %dma_start3A_361 = arith.constant 0 : i32
        %dma_start3A_362 = tpu.memref_slice %arg13[%add3A_177, %dma_start3A_361] : memref<10240x128xf32, #tpu.memory_space<vmem_shared>> -> memref<128x128xf32, #tpu.memory_space<vmem_shared>>
        %dma_start3A_363 = arith.constant 0 : i32
        %dma_start3A_364 = tpu.memref_slice %arg13[%add3A_177, %dma_start3A_363] : memref<10240x128xf32, #tpu.memory_space<vmem_shared>> -> memref<128x128xf32, #tpu.memory_space<vmem_shared>>
        tpu.enqueue_dma source(%arg11 : memref<128x128xf32, #tpu.memory_space<vmem>>) target(%dma_start3A_364 : memref<128x128xf32, #tpu.memory_space<vmem_shared>>) target_semaphore(%run_scoped3A : memref<!tpu.dma_semaphore, #tpu.memory_space<semaphore_mem>>)
        %dma_wait3A_365 = arith.constant 0 : i32
        %dma_wait3A_366 = tpu.memref_slice %arg13[%add3A_177, %dma_wait3A_365] : memref<10240x128xf32, #tpu.memory_space<vmem_shared>> -> memref<128x128xf32, #tpu.memory_space<vmem_shared>>
        %dma_wait3A_367 = arith.constant 0 : i32
        %dma_wait3A_368 = tpu.memref_slice %arg13[%add3A_177, %dma_wait3A_367] : memref<10240x128xf32, #tpu.memory_space<vmem_shared>> -> memref<128x128xf32, #tpu.memory_space<vmem_shared>>
        tpu.wait_dma2 semaphore(%run_scoped3A : memref<!tpu.dma_semaphore, #tpu.memory_space<semaphore_mem>>) src(%arg11 : memref<128x128xf32, #tpu.memory_space<vmem>>) dst(%dma_wait3A_368 : memref<128x128xf32, #tpu.memory_space<vmem_shared>>)
        tpu.yield
      }) : () -> ()
      %dma_wait3A_178 = arith.constant 6 : i32
      %dma_wait3A_179 = arith.constant 0 : i32
      %dma_wait3A_180 = tpu.memref_slice %arg6[%dma_wait3A_178, %dma_wait3A_179] : memref<8x128xi32, #tpu.memory_space<vmem>> -> memref<1x128xi32, #tpu.memory_space<vmem>>
      %dma_wait3A_181 = tpu.memref_squeeze %dma_wait3A_180 : memref<1x128xi32, #tpu.memory_space<vmem>> -> memref<128xi32, #tpu.memory_space<vmem>>
      %dma_wait3A_182 = arith.constant 0 : i32
      %dma_wait3A_183 = arith.constant 0 : i32
      %dma_wait3A_184 = tpu.memref_slice %arg2[%dma_wait3A_182, %dma_wait3A_183] : memref<10240x128xf32, #tpu.memory_space<hbm>> -> memref<10240x128xf32, #tpu.memory_space<hbm>>
      tpu.wait_indirect_dma semaphore(%arg16 : memref<!tpu.dma_semaphore, #tpu.memory_space<semaphore_mem>>) src(%dma_wait3A_184 : memref<10240x128xf32, #tpu.memory_space<hbm>>) dst(%arg10 : memref<128x128xf32, #tpu.memory_space<vmem>>)
      %dma_start3A_185 = arith.constant 7 : i32
      %dma_start3A_186 = arith.constant 0 : i32
      %dma_start3A_187 = tpu.memref_slice %arg6[%dma_start3A_185, %dma_start3A_186] : memref<8x128xi32, #tpu.memory_space<vmem>> -> memref<1x128xi32, #tpu.memory_space<vmem>>
      %dma_start3A_188 = tpu.memref_squeeze %dma_start3A_187 : memref<1x128xi32, #tpu.memory_space<vmem>> -> memref<128xi32, #tpu.memory_space<vmem>>
      %dma_start3A_189 = arith.constant 0 : i32
      %dma_start3A_190 = arith.constant 0 : i32
      %dma_start3A_191 = tpu.memref_slice %arg2[%dma_start3A_189, %dma_start3A_190] : memref<10240x128xf32, #tpu.memory_space<hbm>> -> memref<10240x128xf32, #tpu.memory_space<hbm>>
      tpu.enqueue_indirect_dma source(%dma_start3A_191 : memref<10240x128xf32, #tpu.memory_space<hbm>>) target(%arg11 : memref<128x128xf32, #tpu.memory_space<vmem>>) offsets(%dma_start3A_188 : memref<128xi32, #tpu.memory_space<vmem>>) semaphore(%arg17 : memref<!tpu.dma_semaphore, #tpu.memory_space<semaphore_mem>>)
      %mul3A_192 = arith.constant 640 : i32
      %mul3A_193 = arith.muli %arg1, %mul3A_192 : i32
      "tpu.region"() ({
        %run_scoped3A = tpu.sem_alloc : memref<!tpu.dma_semaphore, #tpu.memory_space<semaphore_mem>>
        %dma_start3A_361 = arith.constant 0 : i32
        %dma_start3A_362 = tpu.memref_slice %arg13[%mul3A_193, %dma_start3A_361] : memref<10240x128xf32, #tpu.memory_space<vmem_shared>> -> memref<128x128xf32, #tpu.memory_space<vmem_shared>>
        %dma_start3A_363 = arith.constant 0 : i32
        %dma_start3A_364 = tpu.memref_slice %arg13[%mul3A_193, %dma_start3A_363] : memref<10240x128xf32, #tpu.memory_space<vmem_shared>> -> memref<128x128xf32, #tpu.memory_space<vmem_shared>>
        tpu.enqueue_dma source(%arg10 : memref<128x128xf32, #tpu.memory_space<vmem>>) target(%dma_start3A_364 : memref<128x128xf32, #tpu.memory_space<vmem_shared>>) target_semaphore(%run_scoped3A : memref<!tpu.dma_semaphore, #tpu.memory_space<semaphore_mem>>)
        %dma_wait3A_365 = arith.constant 0 : i32
        %dma_wait3A_366 = tpu.memref_slice %arg13[%mul3A_193, %dma_wait3A_365] : memref<10240x128xf32, #tpu.memory_space<vmem_shared>> -> memref<128x128xf32, #tpu.memory_space<vmem_shared>>
        %dma_wait3A_367 = arith.constant 0 : i32
        %dma_wait3A_368 = tpu.memref_slice %arg13[%mul3A_193, %dma_wait3A_367] : memref<10240x128xf32, #tpu.memory_space<vmem_shared>> -> memref<128x128xf32, #tpu.memory_space<vmem_shared>>
        tpu.wait_dma2 semaphore(%run_scoped3A : memref<!tpu.dma_semaphore, #tpu.memory_space<semaphore_mem>>) src(%arg10 : memref<128x128xf32, #tpu.memory_space<vmem>>) dst(%dma_wait3A_368 : memref<128x128xf32, #tpu.memory_space<vmem_shared>>)
        tpu.yield
      }) : () -> ()
      %dma_wait3A_194 = arith.constant 7 : i32
      %dma_wait3A_195 = arith.constant 0 : i32
      %dma_wait3A_196 = tpu.memref_slice %arg6[%dma_wait3A_194, %dma_wait3A_195] : memref<8x128xi32, #tpu.memory_space<vmem>> -> memref<1x128xi32, #tpu.memory_space<vmem>>
      %dma_wait3A_197 = tpu.memref_squeeze %dma_wait3A_196 : memref<1x128xi32, #tpu.memory_space<vmem>> -> memref<128xi32, #tpu.memory_space<vmem>>
      %dma_wait3A_198 = arith.constant 0 : i32
      %dma_wait3A_199 = arith.constant 0 : i32
      %dma_wait3A_200 = tpu.memref_slice %arg2[%dma_wait3A_198, %dma_wait3A_199] : memref<10240x128xf32, #tpu.memory_space<hbm>> -> memref<10240x128xf32, #tpu.memory_space<hbm>>
      tpu.wait_indirect_dma semaphore(%arg17 : memref<!tpu.dma_semaphore, #tpu.memory_space<semaphore_mem>>) src(%dma_wait3A_200 : memref<10240x128xf32, #tpu.memory_space<hbm>>) dst(%arg11 : memref<128x128xf32, #tpu.memory_space<vmem>>)
      %mul3A_201 = arith.constant 640 : i32
      %mul3A_202 = arith.muli %arg1, %mul3A_201 : i32
      %add3A_203 = arith.constant 128 : i32
      %add3A_204 = arith.addi %mul3A_202, %add3A_203 : i32
      "tpu.region"() ({
        %run_scoped3A = tpu.sem_alloc : memref<!tpu.dma_semaphore, #tpu.memory_space<semaphore_mem>>
        %dma_start3A_361 = arith.constant 0 : i32
        %dma_start3A_362 = tpu.memref_slice %arg13[%add3A_204, %dma_start3A_361] : memref<10240x128xf32, #tpu.memory_space<vmem_shared>> -> memref<128x128xf32, #tpu.memory_space<vmem_shared>>
        %dma_start3A_363 = arith.constant 0 : i32
        %dma_start3A_364 = tpu.memref_slice %arg13[%add3A_204, %dma_start3A_363] : memref<10240x128xf32, #tpu.memory_space<vmem_shared>> -> memref<128x128xf32, #tpu.memory_space<vmem_shared>>
        tpu.enqueue_dma source(%arg11 : memref<128x128xf32, #tpu.memory_space<vmem>>) target(%dma_start3A_364 : memref<128x128xf32, #tpu.memory_space<vmem_shared>>) target_semaphore(%run_scoped3A : memref<!tpu.dma_semaphore, #tpu.memory_space<semaphore_mem>>)
        %dma_wait3A_365 = arith.constant 0 : i32
        %dma_wait3A_366 = tpu.memref_slice %arg13[%add3A_204, %dma_wait3A_365] : memref<10240x128xf32, #tpu.memory_space<vmem_shared>> -> memref<128x128xf32, #tpu.memory_space<vmem_shared>>
        %dma_wait3A_367 = arith.constant 0 : i32
        %dma_wait3A_368 = tpu.memref_slice %arg13[%add3A_204, %dma_wait3A_367] : memref<10240x128xf32, #tpu.memory_space<vmem_shared>> -> memref<128x128xf32, #tpu.memory_space<vmem_shared>>
        tpu.wait_dma2 semaphore(%run_scoped3A : memref<!tpu.dma_semaphore, #tpu.memory_space<semaphore_mem>>) src(%arg11 : memref<128x128xf32, #tpu.memory_space<vmem>>) dst(%dma_wait3A_368 : memref<128x128xf32, #tpu.memory_space<vmem_shared>>)
        tpu.yield
      }) : () -> ()
      %add3A_205 = arith.constant 1 : i32
      %add3A_206 = arith.addi %add3A_39, %add3A_205 : i32
      %mul3A_207 = arith.constant 8 : i32
      %mul3A_208 = arith.muli %add3A_206, %mul3A_207 : i32
      %dma_wait3A_209 = arith.constant 0 : i32
      %dma_wait3A_210 = tpu.memref_slice %arg3[%add3A, %mul3A_208, %dma_wait3A_209] : memref<32x80x128xi32, #tpu.memory_space<hbm>> -> memref<1x8x128xi32, #tpu.memory_space<hbm>>
      %dma_wait3A_211 = tpu.memref_squeeze %dma_wait3A_210 : memref<1x8x128xi32, #tpu.memory_space<hbm>> -> memref<8x128xi32, #tpu.memory_space<hbm>>
      %dma_wait3A_212 = arith.constant 0 : i32
      %dma_wait3A_213 = tpu.memref_slice %arg3[%add3A, %mul3A_208, %dma_wait3A_212] : memref<32x80x128xi32, #tpu.memory_space<hbm>> -> memref<1x8x128xi32, #tpu.memory_space<hbm>>
      %dma_wait3A_214 = tpu.memref_squeeze %dma_wait3A_213 : memref<1x8x128xi32, #tpu.memory_space<hbm>> -> memref<8x128xi32, #tpu.memory_space<hbm>>
      tpu.wait_dma2 semaphore(%arg15 : memref<!tpu.dma_semaphore, #tpu.memory_space<semaphore_mem>>) src(%dma_wait3A_214 : memref<8x128xi32, #tpu.memory_space<hbm>>) dst(%arg7 : memref<8x128xi32, #tpu.memory_space<vmem>>)
      %dma_wait3A_215 = arith.constant 0 : i32
      %dma_wait3A_216 = tpu.memref_slice %arg4[%add3A, %mul3A_208, %dma_wait3A_215] : memref<32x80x128xi32, #tpu.memory_space<hbm>> -> memref<1x8x128xi32, #tpu.memory_space<hbm>>
      %dma_wait3A_217 = tpu.memref_squeeze %dma_wait3A_216 : memref<1x8x128xi32, #tpu.memory_space<hbm>> -> memref<8x128xi32, #tpu.memory_space<hbm>>
      %dma_wait3A_218 = arith.constant 0 : i32
      %dma_wait3A_219 = tpu.memref_slice %arg4[%add3A, %mul3A_208, %dma_wait3A_218] : memref<32x80x128xi32, #tpu.memory_space<hbm>> -> memref<1x8x128xi32, #tpu.memory_space<hbm>>
      %dma_wait3A_220 = tpu.memref_squeeze %dma_wait3A_219 : memref<1x8x128xi32, #tpu.memory_space<hbm>> -> memref<8x128xi32, #tpu.memory_space<hbm>>
      tpu.wait_dma2 semaphore(%arg15 : memref<!tpu.dma_semaphore, #tpu.memory_space<semaphore_mem>>) src(%dma_wait3A_220 : memref<8x128xi32, #tpu.memory_space<hbm>>) dst(%arg9 : memref<8x128xi32, #tpu.memory_space<vmem>>)
      %add3A_221 = arith.constant 2 : i32
      %add3A_222 = arith.addi %add3A_39, %add3A_221 : i32
      %lt3A = arith.constant 10 : i32
      %lt3A_223 = arith.cmpi slt, %add3A_222, %lt3A : i32
      %convert_element_type3A = arith.extui %lt3A_223 : i1 to i32
      %cond3A = arith.constant 0 : i32
      %cond3A_224 = arith.cmpi ne, %convert_element_type3A, %cond3A : i32
      scf.if %cond3A_224 {
        %add3A_361 = arith.constant 2 : i32
        %add3A_362 = arith.addi %add3A_39, %add3A_361 : i32
        %mul3A_363 = arith.constant 8 : i32
        %mul3A_364 = arith.muli %add3A_362, %mul3A_363 : i32
        %dma_start3A_365 = arith.constant 0 : i32
        %dma_start3A_366 = tpu.memref_slice %arg3[%add3A, %mul3A_364, %dma_start3A_365] : memref<32x80x128xi32, #tpu.memory_space<hbm>> -> memref<1x8x128xi32, #tpu.memory_space<hbm>>
        %dma_start3A_367 = tpu.memref_squeeze %dma_start3A_366 : memref<1x8x128xi32, #tpu.memory_space<hbm>> -> memref<8x128xi32, #tpu.memory_space<hbm>>
        %dma_start3A_368 = arith.constant 0 : i32
        %dma_start3A_369 = tpu.memref_slice %arg3[%add3A, %mul3A_364, %dma_start3A_368] : memref<32x80x128xi32, #tpu.memory_space<hbm>> -> memref<1x8x128xi32, #tpu.memory_space<hbm>>
        %dma_start3A_370 = tpu.memref_squeeze %dma_start3A_369 : memref<1x8x128xi32, #tpu.memory_space<hbm>> -> memref<8x128xi32, #tpu.memory_space<hbm>>
        tpu.enqueue_dma source(%dma_start3A_370 : memref<8x128xi32, #tpu.memory_space<hbm>>) target(%arg6 : memref<8x128xi32, #tpu.memory_space<vmem>>) target_semaphore(%arg14 : memref<!tpu.dma_semaphore, #tpu.memory_space<semaphore_mem>>)
        %dma_start3A_371 = arith.constant 0 : i32
        %dma_start3A_372 = tpu.memref_slice %arg4[%add3A, %mul3A_364, %dma_start3A_371] : memref<32x80x128xi32, #tpu.memory_space<hbm>> -> memref<1x8x128xi32, #tpu.memory_space<hbm>>
        %dma_start3A_373 = tpu.memref_squeeze %dma_start3A_372 : memref<1x8x128xi32, #tpu.memory_space<hbm>> -> memref<8x128xi32, #tpu.memory_space<hbm>>
        %dma_start3A_374 = arith.constant 0 : i32
        %dma_start3A_375 = tpu.memref_slice %arg4[%add3A, %mul3A_364, %dma_start3A_374] : memref<32x80x128xi32, #tpu.memory_space<hbm>> -> memref<1x8x128xi32, #tpu.memory_space<hbm>>
        %dma_start3A_376 = tpu.memref_squeeze %dma_start3A_375 : memref<1x8x128xi32, #tpu.memory_space<hbm>> -> memref<8x128xi32, #tpu.memory_space<hbm>>
        tpu.enqueue_dma source(%dma_start3A_376 : memref<8x128xi32, #tpu.memory_space<hbm>>) target(%arg8 : memref<8x128xi32, #tpu.memory_space<vmem>>) target_semaphore(%arg14 : memref<!tpu.dma_semaphore, #tpu.memory_space<semaphore_mem>>)
      } else {
      }
      %dma_start3A_225 = arith.constant 0 : i32
      %dma_start3A_226 = arith.constant 0 : i32
      %dma_start3A_227 = tpu.memref_slice %arg7[%dma_start3A_225, %dma_start3A_226] : memref<8x128xi32, #tpu.memory_space<vmem>> -> memref<1x128xi32, #tpu.memory_space<vmem>>
      %dma_start3A_228 = tpu.memref_squeeze %dma_start3A_227 : memref<1x128xi32, #tpu.memory_space<vmem>> -> memref<128xi32, #tpu.memory_space<vmem>>
      %dma_start3A_229 = arith.constant 0 : i32
      %dma_start3A_230 = arith.constant 0 : i32
      %dma_start3A_231 = tpu.memref_slice %arg2[%dma_start3A_229, %dma_start3A_230] : memref<10240x128xf32, #tpu.memory_space<hbm>> -> memref<10240x128xf32, #tpu.memory_space<hbm>>
      tpu.enqueue_indirect_dma source(%dma_start3A_231 : memref<10240x128xf32, #tpu.memory_space<hbm>>) target(%arg10 : memref<128x128xf32, #tpu.memory_space<vmem>>) offsets(%dma_start3A_228 : memref<128xi32, #tpu.memory_space<vmem>>) semaphore(%arg16 : memref<!tpu.dma_semaphore, #tpu.memory_space<semaphore_mem>>)
      %dma_wait3A_232 = arith.constant 0 : i32
      %dma_wait3A_233 = arith.constant 0 : i32
      %dma_wait3A_234 = tpu.memref_slice %arg7[%dma_wait3A_232, %dma_wait3A_233] : memref<8x128xi32, #tpu.memory_space<vmem>> -> memref<1x128xi32, #tpu.memory_space<vmem>>
      %dma_wait3A_235 = tpu.memref_squeeze %dma_wait3A_234 : memref<1x128xi32, #tpu.memory_space<vmem>> -> memref<128xi32, #tpu.memory_space<vmem>>
      %dma_wait3A_236 = arith.constant 0 : i32
      %dma_wait3A_237 = arith.constant 0 : i32
      %dma_wait3A_238 = tpu.memref_slice %arg2[%dma_wait3A_236, %dma_wait3A_237] : memref<10240x128xf32, #tpu.memory_space<hbm>> -> memref<10240x128xf32, #tpu.memory_space<hbm>>
      tpu.wait_indirect_dma semaphore(%arg16 : memref<!tpu.dma_semaphore, #tpu.memory_space<semaphore_mem>>) src(%dma_wait3A_238 : memref<10240x128xf32, #tpu.memory_space<hbm>>) dst(%arg10 : memref<128x128xf32, #tpu.memory_space<vmem>>)
      %dma_start3A_239 = arith.constant 1 : i32
      %dma_start3A_240 = arith.constant 0 : i32
      %dma_start3A_241 = tpu.memref_slice %arg7[%dma_start3A_239, %dma_start3A_240] : memref<8x128xi32, #tpu.memory_space<vmem>> -> memref<1x128xi32, #tpu.memory_space<vmem>>
      %dma_start3A_242 = tpu.memref_squeeze %dma_start3A_241 : memref<1x128xi32, #tpu.memory_space<vmem>> -> memref<128xi32, #tpu.memory_space<vmem>>
      %dma_start3A_243 = arith.constant 0 : i32
      %dma_start3A_244 = arith.constant 0 : i32
      %dma_start3A_245 = tpu.memref_slice %arg2[%dma_start3A_243, %dma_start3A_244] : memref<10240x128xf32, #tpu.memory_space<hbm>> -> memref<10240x128xf32, #tpu.memory_space<hbm>>
      tpu.enqueue_indirect_dma source(%dma_start3A_245 : memref<10240x128xf32, #tpu.memory_space<hbm>>) target(%arg11 : memref<128x128xf32, #tpu.memory_space<vmem>>) offsets(%dma_start3A_242 : memref<128xi32, #tpu.memory_space<vmem>>) semaphore(%arg17 : memref<!tpu.dma_semaphore, #tpu.memory_space<semaphore_mem>>)
      %mul3A_246 = arith.constant 640 : i32
      %mul3A_247 = arith.muli %arg1, %mul3A_246 : i32
      "tpu.region"() ({
        %run_scoped3A = tpu.sem_alloc : memref<!tpu.dma_semaphore, #tpu.memory_space<semaphore_mem>>
        %dma_start3A_361 = arith.constant 0 : i32
        %dma_start3A_362 = tpu.memref_slice %arg13[%mul3A_247, %dma_start3A_361] : memref<10240x128xf32, #tpu.memory_space<vmem_shared>> -> memref<128x128xf32, #tpu.memory_space<vmem_shared>>
        %dma_start3A_363 = arith.constant 0 : i32
        %dma_start3A_364 = tpu.memref_slice %arg13[%mul3A_247, %dma_start3A_363] : memref<10240x128xf32, #tpu.memory_space<vmem_shared>> -> memref<128x128xf32, #tpu.memory_space<vmem_shared>>
        tpu.enqueue_dma source(%arg10 : memref<128x128xf32, #tpu.memory_space<vmem>>) target(%dma_start3A_364 : memref<128x128xf32, #tpu.memory_space<vmem_shared>>) target_semaphore(%run_scoped3A : memref<!tpu.dma_semaphore, #tpu.memory_space<semaphore_mem>>)
        %dma_wait3A_365 = arith.constant 0 : i32
        %dma_wait3A_366 = tpu.memref_slice %arg13[%mul3A_247, %dma_wait3A_365] : memref<10240x128xf32, #tpu.memory_space<vmem_shared>> -> memref<128x128xf32, #tpu.memory_space<vmem_shared>>
        %dma_wait3A_367 = arith.constant 0 : i32
        %dma_wait3A_368 = tpu.memref_slice %arg13[%mul3A_247, %dma_wait3A_367] : memref<10240x128xf32, #tpu.memory_space<vmem_shared>> -> memref<128x128xf32, #tpu.memory_space<vmem_shared>>
        tpu.wait_dma2 semaphore(%run_scoped3A : memref<!tpu.dma_semaphore, #tpu.memory_space<semaphore_mem>>) src(%arg10 : memref<128x128xf32, #tpu.memory_space<vmem>>) dst(%dma_wait3A_368 : memref<128x128xf32, #tpu.memory_space<vmem_shared>>)
        tpu.yield
      }) : () -> ()
      %dma_wait3A_248 = arith.constant 1 : i32
      %dma_wait3A_249 = arith.constant 0 : i32
      %dma_wait3A_250 = tpu.memref_slice %arg7[%dma_wait3A_248, %dma_wait3A_249] : memref<8x128xi32, #tpu.memory_space<vmem>> -> memref<1x128xi32, #tpu.memory_space<vmem>>
      %dma_wait3A_251 = tpu.memref_squeeze %dma_wait3A_250 : memref<1x128xi32, #tpu.memory_space<vmem>> -> memref<128xi32, #tpu.memory_space<vmem>>
      %dma_wait3A_252 = arith.constant 0 : i32
      %dma_wait3A_253 = arith.constant 0 : i32
      %dma_wait3A_254 = tpu.memref_slice %arg2[%dma_wait3A_252, %dma_wait3A_253] : memref<10240x128xf32, #tpu.memory_space<hbm>> -> memref<10240x128xf32, #tpu.memory_space<hbm>>
      tpu.wait_indirect_dma semaphore(%arg17 : memref<!tpu.dma_semaphore, #tpu.memory_space<semaphore_mem>>) src(%dma_wait3A_254 : memref<10240x128xf32, #tpu.memory_space<hbm>>) dst(%arg11 : memref<128x128xf32, #tpu.memory_space<vmem>>)
      %dma_start3A_255 = arith.constant 2 : i32
      %dma_start3A_256 = arith.constant 0 : i32
      %dma_start3A_257 = tpu.memref_slice %arg7[%dma_start3A_255, %dma_start3A_256] : memref<8x128xi32, #tpu.memory_space<vmem>> -> memref<1x128xi32, #tpu.memory_space<vmem>>
      %dma_start3A_258 = tpu.memref_squeeze %dma_start3A_257 : memref<1x128xi32, #tpu.memory_space<vmem>> -> memref<128xi32, #tpu.memory_space<vmem>>
      %dma_start3A_259 = arith.constant 0 : i32
      %dma_start3A_260 = arith.constant 0 : i32
      %dma_start3A_261 = tpu.memref_slice %arg2[%dma_start3A_259, %dma_start3A_260] : memref<10240x128xf32, #tpu.memory_space<hbm>> -> memref<10240x128xf32, #tpu.memory_space<hbm>>
      tpu.enqueue_indirect_dma source(%dma_start3A_261 : memref<10240x128xf32, #tpu.memory_space<hbm>>) target(%arg10 : memref<128x128xf32, #tpu.memory_space<vmem>>) offsets(%dma_start3A_258 : memref<128xi32, #tpu.memory_space<vmem>>) semaphore(%arg16 : memref<!tpu.dma_semaphore, #tpu.memory_space<semaphore_mem>>)
      %mul3A_262 = arith.constant 640 : i32
      %mul3A_263 = arith.muli %arg1, %mul3A_262 : i32
      %add3A_264 = arith.constant 128 : i32
      %add3A_265 = arith.addi %mul3A_263, %add3A_264 : i32
      "tpu.region"() ({
        %run_scoped3A = tpu.sem_alloc : memref<!tpu.dma_semaphore, #tpu.memory_space<semaphore_mem>>
        %dma_start3A_361 = arith.constant 0 : i32
        %dma_start3A_362 = tpu.memref_slice %arg13[%add3A_265, %dma_start3A_361] : memref<10240x128xf32, #tpu.memory_space<vmem_shared>> -> memref<128x128xf32, #tpu.memory_space<vmem_shared>>
        %dma_start3A_363 = arith.constant 0 : i32
        %dma_start3A_364 = tpu.memref_slice %arg13[%add3A_265, %dma_start3A_363] : memref<10240x128xf32, #tpu.memory_space<vmem_shared>> -> memref<128x128xf32, #tpu.memory_space<vmem_shared>>
        tpu.enqueue_dma source(%arg11 : memref<128x128xf32, #tpu.memory_space<vmem>>) target(%dma_start3A_364 : memref<128x128xf32, #tpu.memory_space<vmem_shared>>) target_semaphore(%run_scoped3A : memref<!tpu.dma_semaphore, #tpu.memory_space<semaphore_mem>>)
        %dma_wait3A_365 = arith.constant 0 : i32
        %dma_wait3A_366 = tpu.memref_slice %arg13[%add3A_265, %dma_wait3A_365] : memref<10240x128xf32, #tpu.memory_space<vmem_shared>> -> memref<128x128xf32, #tpu.memory_space<vmem_shared>>
        %dma_wait3A_367 = arith.constant 0 : i32
        %dma_wait3A_368 = tpu.memref_slice %arg13[%add3A_265, %dma_wait3A_367] : memref<10240x128xf32, #tpu.memory_space<vmem_shared>> -> memref<128x128xf32, #tpu.memory_space<vmem_shared>>
        tpu.wait_dma2 semaphore(%run_scoped3A : memref<!tpu.dma_semaphore, #tpu.memory_space<semaphore_mem>>) src(%arg11 : memref<128x128xf32, #tpu.memory_space<vmem>>) dst(%dma_wait3A_368 : memref<128x128xf32, #tpu.memory_space<vmem_shared>>)
        tpu.yield
      }) : () -> ()
      %dma_wait3A_266 = arith.constant 2 : i32
      %dma_wait3A_267 = arith.constant 0 : i32
      %dma_wait3A_268 = tpu.memref_slice %arg7[%dma_wait3A_266, %dma_wait3A_267] : memref<8x128xi32, #tpu.memory_space<vmem>> -> memref<1x128xi32, #tpu.memory_space<vmem>>
      %dma_wait3A_269 = tpu.memref_squeeze %dma_wait3A_268 : memref<1x128xi32, #tpu.memory_space<vmem>> -> memref<128xi32, #tpu.memory_space<vmem>>
      %dma_wait3A_270 = arith.constant 0 : i32
      %dma_wait3A_271 = arith.constant 0 : i32
      %dma_wait3A_272 = tpu.memref_slice %arg2[%dma_wait3A_270, %dma_wait3A_271] : memref<10240x128xf32, #tpu.memory_space<hbm>> -> memref<10240x128xf32, #tpu.memory_space<hbm>>
      tpu.wait_indirect_dma semaphore(%arg16 : memref<!tpu.dma_semaphore, #tpu.memory_space<semaphore_mem>>) src(%dma_wait3A_272 : memref<10240x128xf32, #tpu.memory_space<hbm>>) dst(%arg10 : memref<128x128xf32, #tpu.memory_space<vmem>>)
      %dma_start3A_273 = arith.constant 3 : i32
      %dma_start3A_274 = arith.constant 0 : i32
      %dma_start3A_275 = tpu.memref_slice %arg7[%dma_start3A_273, %dma_start3A_274] : memref<8x128xi32, #tpu.memory_space<vmem>> -> memref<1x128xi32, #tpu.memory_space<vmem>>
      %dma_start3A_276 = tpu.memref_squeeze %dma_start3A_275 : memref<1x128xi32, #tpu.memory_space<vmem>> -> memref<128xi32, #tpu.memory_space<vmem>>
      %dma_start3A_277 = arith.constant 0 : i32
      %dma_start3A_278 = arith.constant 0 : i32
      %dma_start3A_279 = tpu.memref_slice %arg2[%dma_start3A_277, %dma_start3A_278] : memref<10240x128xf32, #tpu.memory_space<hbm>> -> memref<10240x128xf32, #tpu.memory_space<hbm>>
      tpu.enqueue_indirect_dma source(%dma_start3A_279 : memref<10240x128xf32, #tpu.memory_space<hbm>>) target(%arg11 : memref<128x128xf32, #tpu.memory_space<vmem>>) offsets(%dma_start3A_276 : memref<128xi32, #tpu.memory_space<vmem>>) semaphore(%arg17 : memref<!tpu.dma_semaphore, #tpu.memory_space<semaphore_mem>>)
      %mul3A_280 = arith.constant 640 : i32
      %mul3A_281 = arith.muli %arg1, %mul3A_280 : i32
      "tpu.region"() ({
        %run_scoped3A = tpu.sem_alloc : memref<!tpu.dma_semaphore, #tpu.memory_space<semaphore_mem>>
        %dma_start3A_361 = arith.constant 0 : i32
        %dma_start3A_362 = tpu.memref_slice %arg13[%mul3A_281, %dma_start3A_361] : memref<10240x128xf32, #tpu.memory_space<vmem_shared>> -> memref<128x128xf32, #tpu.memory_space<vmem_shared>>
        %dma_start3A_363 = arith.constant 0 : i32
        %dma_start3A_364 = tpu.memref_slice %arg13[%mul3A_281, %dma_start3A_363] : memref<10240x128xf32, #tpu.memory_space<vmem_shared>> -> memref<128x128xf32, #tpu.memory_space<vmem_shared>>
        tpu.enqueue_dma source(%arg10 : memref<128x128xf32, #tpu.memory_space<vmem>>) target(%dma_start3A_364 : memref<128x128xf32, #tpu.memory_space<vmem_shared>>) target_semaphore(%run_scoped3A : memref<!tpu.dma_semaphore, #tpu.memory_space<semaphore_mem>>)
        %dma_wait3A_365 = arith.constant 0 : i32
        %dma_wait3A_366 = tpu.memref_slice %arg13[%mul3A_281, %dma_wait3A_365] : memref<10240x128xf32, #tpu.memory_space<vmem_shared>> -> memref<128x128xf32, #tpu.memory_space<vmem_shared>>
        %dma_wait3A_367 = arith.constant 0 : i32
        %dma_wait3A_368 = tpu.memref_slice %arg13[%mul3A_281, %dma_wait3A_367] : memref<10240x128xf32, #tpu.memory_space<vmem_shared>> -> memref<128x128xf32, #tpu.memory_space<vmem_shared>>
        tpu.wait_dma2 semaphore(%run_scoped3A : memref<!tpu.dma_semaphore, #tpu.memory_space<semaphore_mem>>) src(%arg10 : memref<128x128xf32, #tpu.memory_space<vmem>>) dst(%dma_wait3A_368 : memref<128x128xf32, #tpu.memory_space<vmem_shared>>)
        tpu.yield
      }) : () -> ()
      %dma_wait3A_282 = arith.constant 3 : i32
      %dma_wait3A_283 = arith.constant 0 : i32
      %dma_wait3A_284 = tpu.memref_slice %arg7[%dma_wait3A_282, %dma_wait3A_283] : memref<8x128xi32, #tpu.memory_space<vmem>> -> memref<1x128xi32, #tpu.memory_space<vmem>>
      %dma_wait3A_285 = tpu.memref_squeeze %dma_wait3A_284 : memref<1x128xi32, #tpu.memory_space<vmem>> -> memref<128xi32, #tpu.memory_space<vmem>>
      %dma_wait3A_286 = arith.constant 0 : i32
      %dma_wait3A_287 = arith.constant 0 : i32
      %dma_wait3A_288 = tpu.memref_slice %arg2[%dma_wait3A_286, %dma_wait3A_287] : memref<10240x128xf32, #tpu.memory_space<hbm>> -> memref<10240x128xf32, #tpu.memory_space<hbm>>
      tpu.wait_indirect_dma semaphore(%arg17 : memref<!tpu.dma_semaphore, #tpu.memory_space<semaphore_mem>>) src(%dma_wait3A_288 : memref<10240x128xf32, #tpu.memory_space<hbm>>) dst(%arg11 : memref<128x128xf32, #tpu.memory_space<vmem>>)
      %dma_start3A_289 = arith.constant 4 : i32
      %dma_start3A_290 = arith.constant 0 : i32
      %dma_start3A_291 = tpu.memref_slice %arg7[%dma_start3A_289, %dma_start3A_290] : memref<8x128xi32, #tpu.memory_space<vmem>> -> memref<1x128xi32, #tpu.memory_space<vmem>>
      %dma_start3A_292 = tpu.memref_squeeze %dma_start3A_291 : memref<1x128xi32, #tpu.memory_space<vmem>> -> memref<128xi32, #tpu.memory_space<vmem>>
      %dma_start3A_293 = arith.constant 0 : i32
      %dma_start3A_294 = arith.constant 0 : i32
      %dma_start3A_295 = tpu.memref_slice %arg2[%dma_start3A_293, %dma_start3A_294] : memref<10240x128xf32, #tpu.memory_space<hbm>> -> memref<10240x128xf32, #tpu.memory_space<hbm>>
      tpu.enqueue_indirect_dma source(%dma_start3A_295 : memref<10240x128xf32, #tpu.memory_space<hbm>>) target(%arg10 : memref<128x128xf32, #tpu.memory_space<vmem>>) offsets(%dma_start3A_292 : memref<128xi32, #tpu.memory_space<vmem>>) semaphore(%arg16 : memref<!tpu.dma_semaphore, #tpu.memory_space<semaphore_mem>>)
      %mul3A_296 = arith.constant 640 : i32
      %mul3A_297 = arith.muli %arg1, %mul3A_296 : i32
      %add3A_298 = arith.constant 128 : i32
      %add3A_299 = arith.addi %mul3A_297, %add3A_298 : i32
      "tpu.region"() ({
        %run_scoped3A = tpu.sem_alloc : memref<!tpu.dma_semaphore, #tpu.memory_space<semaphore_mem>>
        %dma_start3A_361 = arith.constant 0 : i32
        %dma_start3A_362 = tpu.memref_slice %arg13[%add3A_299, %dma_start3A_361] : memref<10240x128xf32, #tpu.memory_space<vmem_shared>> -> memref<128x128xf32, #tpu.memory_space<vmem_shared>>
        %dma_start3A_363 = arith.constant 0 : i32
        %dma_start3A_364 = tpu.memref_slice %arg13[%add3A_299, %dma_start3A_363] : memref<10240x128xf32, #tpu.memory_space<vmem_shared>> -> memref<128x128xf32, #tpu.memory_space<vmem_shared>>
        tpu.enqueue_dma source(%arg11 : memref<128x128xf32, #tpu.memory_space<vmem>>) target(%dma_start3A_364 : memref<128x128xf32, #tpu.memory_space<vmem_shared>>) target_semaphore(%run_scoped3A : memref<!tpu.dma_semaphore, #tpu.memory_space<semaphore_mem>>)
        %dma_wait3A_365 = arith.constant 0 : i32
        %dma_wait3A_366 = tpu.memref_slice %arg13[%add3A_299, %dma_wait3A_365] : memref<10240x128xf32, #tpu.memory_space<vmem_shared>> -> memref<128x128xf32, #tpu.memory_space<vmem_shared>>
        %dma_wait3A_367 = arith.constant 0 : i32
        %dma_wait3A_368 = tpu.memref_slice %arg13[%add3A_299, %dma_wait3A_367] : memref<10240x128xf32, #tpu.memory_space<vmem_shared>> -> memref<128x128xf32, #tpu.memory_space<vmem_shared>>
        tpu.wait_dma2 semaphore(%run_scoped3A : memref<!tpu.dma_semaphore, #tpu.memory_space<semaphore_mem>>) src(%arg11 : memref<128x128xf32, #tpu.memory_space<vmem>>) dst(%dma_wait3A_368 : memref<128x128xf32, #tpu.memory_space<vmem_shared>>)
        tpu.yield
      }) : () -> ()
      %dma_wait3A_300 = arith.constant 4 : i32
      %dma_wait3A_301 = arith.constant 0 : i32
      %dma_wait3A_302 = tpu.memref_slice %arg7[%dma_wait3A_300, %dma_wait3A_301] : memref<8x128xi32, #tpu.memory_space<vmem>> -> memref<1x128xi32, #tpu.memory_space<vmem>>
      %dma_wait3A_303 = tpu.memref_squeeze %dma_wait3A_302 : memref<1x128xi32, #tpu.memory_space<vmem>> -> memref<128xi32, #tpu.memory_space<vmem>>
      %dma_wait3A_304 = arith.constant 0 : i32
      %dma_wait3A_305 = arith.constant 0 : i32
      %dma_wait3A_306 = tpu.memref_slice %arg2[%dma_wait3A_304, %dma_wait3A_305] : memref<10240x128xf32, #tpu.memory_space<hbm>> -> memref<10240x128xf32, #tpu.memory_space<hbm>>
      tpu.wait_indirect_dma semaphore(%arg16 : memref<!tpu.dma_semaphore, #tpu.memory_space<semaphore_mem>>) src(%dma_wait3A_306 : memref<10240x128xf32, #tpu.memory_space<hbm>>) dst(%arg10 : memref<128x128xf32, #tpu.memory_space<vmem>>)
      %dma_start3A_307 = arith.constant 5 : i32
      %dma_start3A_308 = arith.constant 0 : i32
      %dma_start3A_309 = tpu.memref_slice %arg7[%dma_start3A_307, %dma_start3A_308] : memref<8x128xi32, #tpu.memory_space<vmem>> -> memref<1x128xi32, #tpu.memory_space<vmem>>
      %dma_start3A_310 = tpu.memref_squeeze %dma_start3A_309 : memref<1x128xi32, #tpu.memory_space<vmem>> -> memref<128xi32, #tpu.memory_space<vmem>>
      %dma_start3A_311 = arith.constant 0 : i32
      %dma_start3A_312 = arith.constant 0 : i32
      %dma_start3A_313 = tpu.memref_slice %arg2[%dma_start3A_311, %dma_start3A_312] : memref<10240x128xf32, #tpu.memory_space<hbm>> -> memref<10240x128xf32, #tpu.memory_space<hbm>>
      tpu.enqueue_indirect_dma source(%dma_start3A_313 : memref<10240x128xf32, #tpu.memory_space<hbm>>) target(%arg11 : memref<128x128xf32, #tpu.memory_space<vmem>>) offsets(%dma_start3A_310 : memref<128xi32, #tpu.memory_space<vmem>>) semaphore(%arg17 : memref<!tpu.dma_semaphore, #tpu.memory_space<semaphore_mem>>)
      %mul3A_314 = arith.constant 640 : i32
      %mul3A_315 = arith.muli %arg1, %mul3A_314 : i32
      "tpu.region"() ({
        %run_scoped3A = tpu.sem_alloc : memref<!tpu.dma_semaphore, #tpu.memory_space<semaphore_mem>>
        %dma_start3A_361 = arith.constant 0 : i32
        %dma_start3A_362 = tpu.memref_slice %arg13[%mul3A_315, %dma_start3A_361] : memref<10240x128xf32, #tpu.memory_space<vmem_shared>> -> memref<128x128xf32, #tpu.memory_space<vmem_shared>>
        %dma_start3A_363 = arith.constant 0 : i32
        %dma_start3A_364 = tpu.memref_slice %arg13[%mul3A_315, %dma_start3A_363] : memref<10240x128xf32, #tpu.memory_space<vmem_shared>> -> memref<128x128xf32, #tpu.memory_space<vmem_shared>>
        tpu.enqueue_dma source(%arg10 : memref<128x128xf32, #tpu.memory_space<vmem>>) target(%dma_start3A_364 : memref<128x128xf32, #tpu.memory_space<vmem_shared>>) target_semaphore(%run_scoped3A : memref<!tpu.dma_semaphore, #tpu.memory_space<semaphore_mem>>)
        %dma_wait3A_365 = arith.constant 0 : i32
        %dma_wait3A_366 = tpu.memref_slice %arg13[%mul3A_315, %dma_wait3A_365] : memref<10240x128xf32, #tpu.memory_space<vmem_shared>> -> memref<128x128xf32, #tpu.memory_space<vmem_shared>>
        %dma_wait3A_367 = arith.constant 0 : i32
        %dma_wait3A_368 = tpu.memref_slice %arg13[%mul3A_315, %dma_wait3A_367] : memref<10240x128xf32, #tpu.memory_space<vmem_shared>> -> memref<128x128xf32, #tpu.memory_space<vmem_shared>>
        tpu.wait_dma2 semaphore(%run_scoped3A : memref<!tpu.dma_semaphore, #tpu.memory_space<semaphore_mem>>) src(%arg10 : memref<128x128xf32, #tpu.memory_space<vmem>>) dst(%dma_wait3A_368 : memref<128x128xf32, #tpu.memory_space<vmem_shared>>)
        tpu.yield
      }) : () -> ()
      %dma_wait3A_316 = arith.constant 5 : i32
      %dma_wait3A_317 = arith.constant 0 : i32
      %dma_wait3A_318 = tpu.memref_slice %arg7[%dma_wait3A_316, %dma_wait3A_317] : memref<8x128xi32, #tpu.memory_space<vmem>> -> memref<1x128xi32, #tpu.memory_space<vmem>>
      %dma_wait3A_319 = tpu.memref_squeeze %dma_wait3A_318 : memref<1x128xi32, #tpu.memory_space<vmem>> -> memref<128xi32, #tpu.memory_space<vmem>>
      %dma_wait3A_320 = arith.constant 0 : i32
      %dma_wait3A_321 = arith.constant 0 : i32
      %dma_wait3A_322 = tpu.memref_slice %arg2[%dma_wait3A_320, %dma_wait3A_321] : memref<10240x128xf32, #tpu.memory_space<hbm>> -> memref<10240x128xf32, #tpu.memory_space<hbm>>
      tpu.wait_indirect_dma semaphore(%arg17 : memref<!tpu.dma_semaphore, #tpu.memory_space<semaphore_mem>>) src(%dma_wait3A_322 : memref<10240x128xf32, #tpu.memory_space<hbm>>) dst(%arg11 : memref<128x128xf32, #tpu.memory_space<vmem>>)
      %dma_start3A_323 = arith.constant 6 : i32
      %dma_start3A_324 = arith.constant 0 : i32
      %dma_start3A_325 = tpu.memref_slice %arg7[%dma_start3A_323, %dma_start3A_324] : memref<8x128xi32, #tpu.memory_space<vmem>> -> memref<1x128xi32, #tpu.memory_space<vmem>>
      %dma_start3A_326 = tpu.memref_squeeze %dma_start3A_325 : memref<1x128xi32, #tpu.memory_space<vmem>> -> memref<128xi32, #tpu.memory_space<vmem>>
      %dma_start3A_327 = arith.constant 0 : i32
      %dma_start3A_328 = arith.constant 0 : i32
      %dma_start3A_329 = tpu.memref_slice %arg2[%dma_start3A_327, %dma_start3A_328] : memref<10240x128xf32, #tpu.memory_space<hbm>> -> memref<10240x128xf32, #tpu.memory_space<hbm>>
      tpu.enqueue_indirect_dma source(%dma_start3A_329 : memref<10240x128xf32, #tpu.memory_space<hbm>>) target(%arg10 : memref<128x128xf32, #tpu.memory_space<vmem>>) offsets(%dma_start3A_326 : memref<128xi32, #tpu.memory_space<vmem>>) semaphore(%arg16 : memref<!tpu.dma_semaphore, #tpu.memory_space<semaphore_mem>>)
      %mul3A_330 = arith.constant 640 : i32
      %mul3A_331 = arith.muli %arg1, %mul3A_330 : i32
      %add3A_332 = arith.constant 128 : i32
      %add3A_333 = arith.addi %mul3A_331, %add3A_332 : i32
      "tpu.region"() ({
        %run_scoped3A = tpu.sem_alloc : memref<!tpu.dma_semaphore, #tpu.memory_space<semaphore_mem>>
        %dma_start3A_361 = arith.constant 0 : i32
        %dma_start3A_362 = tpu.memref_slice %arg13[%add3A_333, %dma_start3A_361] : memref<10240x128xf32, #tpu.memory_space<vmem_shared>> -> memref<128x128xf32, #tpu.memory_space<vmem_shared>>
        %dma_start3A_363 = arith.constant 0 : i32
        %dma_start3A_364 = tpu.memref_slice %arg13[%add3A_333, %dma_start3A_363] : memref<10240x128xf32, #tpu.memory_space<vmem_shared>> -> memref<128x128xf32, #tpu.memory_space<vmem_shared>>
        tpu.enqueue_dma source(%arg11 : memref<128x128xf32, #tpu.memory_space<vmem>>) target(%dma_start3A_364 : memref<128x128xf32, #tpu.memory_space<vmem_shared>>) target_semaphore(%run_scoped3A : memref<!tpu.dma_semaphore, #tpu.memory_space<semaphore_mem>>)
        %dma_wait3A_365 = arith.constant 0 : i32
        %dma_wait3A_366 = tpu.memref_slice %arg13[%add3A_333, %dma_wait3A_365] : memref<10240x128xf32, #tpu.memory_space<vmem_shared>> -> memref<128x128xf32, #tpu.memory_space<vmem_shared>>
        %dma_wait3A_367 = arith.constant 0 : i32
        %dma_wait3A_368 = tpu.memref_slice %arg13[%add3A_333, %dma_wait3A_367] : memref<10240x128xf32, #tpu.memory_space<vmem_shared>> -> memref<128x128xf32, #tpu.memory_space<vmem_shared>>
        tpu.wait_dma2 semaphore(%run_scoped3A : memref<!tpu.dma_semaphore, #tpu.memory_space<semaphore_mem>>) src(%arg11 : memref<128x128xf32, #tpu.memory_space<vmem>>) dst(%dma_wait3A_368 : memref<128x128xf32, #tpu.memory_space<vmem_shared>>)
        tpu.yield
      }) : () -> ()
      %dma_wait3A_334 = arith.constant 6 : i32
      %dma_wait3A_335 = arith.constant 0 : i32
      %dma_wait3A_336 = tpu.memref_slice %arg7[%dma_wait3A_334, %dma_wait3A_335] : memref<8x128xi32, #tpu.memory_space<vmem>> -> memref<1x128xi32, #tpu.memory_space<vmem>>
      %dma_wait3A_337 = tpu.memref_squeeze %dma_wait3A_336 : memref<1x128xi32, #tpu.memory_space<vmem>> -> memref<128xi32, #tpu.memory_space<vmem>>
      %dma_wait3A_338 = arith.constant 0 : i32
      %dma_wait3A_339 = arith.constant 0 : i32
      %dma_wait3A_340 = tpu.memref_slice %arg2[%dma_wait3A_338, %dma_wait3A_339] : memref<10240x128xf32, #tpu.memory_space<hbm>> -> memref<10240x128xf32, #tpu.memory_space<hbm>>
      tpu.wait_indirect_dma semaphore(%arg16 : memref<!tpu.dma_semaphore, #tpu.memory_space<semaphore_mem>>) src(%dma_wait3A_340 : memref<10240x128xf32, #tpu.memory_space<hbm>>) dst(%arg10 : memref<128x128xf32, #tpu.memory_space<vmem>>)
      %dma_start3A_341 = arith.constant 7 : i32
      %dma_start3A_342 = arith.constant 0 : i32
      %dma_start3A_343 = tpu.memref_slice %arg7[%dma_start3A_341, %dma_start3A_342] : memref<8x128xi32, #tpu.memory_space<vmem>> -> memref<1x128xi32, #tpu.memory_space<vmem>>
      %dma_start3A_344 = tpu.memref_squeeze %dma_start3A_343 : memref<1x128xi32, #tpu.memory_space<vmem>> -> memref<128xi32, #tpu.memory_space<vmem>>
      %dma_start3A_345 = arith.constant 0 : i32
      %dma_start3A_346 = arith.constant 0 : i32
      %dma_start3A_347 = tpu.memref_slice %arg2[%dma_start3A_345, %dma_start3A_346] : memref<10240x128xf32, #tpu.memory_space<hbm>> -> memref<10240x128xf32, #tpu.memory_space<hbm>>
      tpu.enqueue_indirect_dma source(%dma_start3A_347 : memref<10240x128xf32, #tpu.memory_space<hbm>>) target(%arg11 : memref<128x128xf32, #tpu.memory_space<vmem>>) offsets(%dma_start3A_344 : memref<128xi32, #tpu.memory_space<vmem>>) semaphore(%arg17 : memref<!tpu.dma_semaphore, #tpu.memory_space<semaphore_mem>>)
      %mul3A_348 = arith.constant 640 : i32
      %mul3A_349 = arith.muli %arg1, %mul3A_348 : i32
      "tpu.region"() ({
        %run_scoped3A = tpu.sem_alloc : memref<!tpu.dma_semaphore, #tpu.memory_space<semaphore_mem>>
        %dma_start3A_361 = arith.constant 0 : i32
        %dma_start3A_362 = tpu.memref_slice %arg13[%mul3A_349, %dma_start3A_361] : memref<10240x128xf32, #tpu.memory_space<vmem_shared>> -> memref<128x128xf32, #tpu.memory_space<vmem_shared>>
        %dma_start3A_363 = arith.constant 0 : i32
        %dma_start3A_364 = tpu.memref_slice %arg13[%mul3A_349, %dma_start3A_363] : memref<10240x128xf32, #tpu.memory_space<vmem_shared>> -> memref<128x128xf32, #tpu.memory_space<vmem_shared>>
        tpu.enqueue_dma source(%arg10 : memref<128x128xf32, #tpu.memory_space<vmem>>) target(%dma_start3A_364 : memref<128x128xf32, #tpu.memory_space<vmem_shared>>) target_semaphore(%run_scoped3A : memref<!tpu.dma_semaphore, #tpu.memory_space<semaphore_mem>>)
        %dma_wait3A_365 = arith.constant 0 : i32
        %dma_wait3A_366 = tpu.memref_slice %arg13[%mul3A_349, %dma_wait3A_365] : memref<10240x128xf32, #tpu.memory_space<vmem_shared>> -> memref<128x128xf32, #tpu.memory_space<vmem_shared>>
        %dma_wait3A_367 = arith.constant 0 : i32
        %dma_wait3A_368 = tpu.memref_slice %arg13[%mul3A_349, %dma_wait3A_367] : memref<10240x128xf32, #tpu.memory_space<vmem_shared>> -> memref<128x128xf32, #tpu.memory_space<vmem_shared>>
        tpu.wait_dma2 semaphore(%run_scoped3A : memref<!tpu.dma_semaphore, #tpu.memory_space<semaphore_mem>>) src(%arg10 : memref<128x128xf32, #tpu.memory_space<vmem>>) dst(%dma_wait3A_368 : memref<128x128xf32, #tpu.memory_space<vmem_shared>>)
        tpu.yield
      }) : () -> ()
      %dma_wait3A_350 = arith.constant 7 : i32
      %dma_wait3A_351 = arith.constant 0 : i32
      %dma_wait3A_352 = tpu.memref_slice %arg7[%dma_wait3A_350, %dma_wait3A_351] : memref<8x128xi32, #tpu.memory_space<vmem>> -> memref<1x128xi32, #tpu.memory_space<vmem>>
      %dma_wait3A_353 = tpu.memref_squeeze %dma_wait3A_352 : memref<1x128xi32, #tpu.memory_space<vmem>> -> memref<128xi32, #tpu.memory_space<vmem>>
      %dma_wait3A_354 = arith.constant 0 : i32
      %dma_wait3A_355 = arith.constant 0 : i32
      %dma_wait3A_356 = tpu.memref_slice %arg2[%dma_wait3A_354, %dma_wait3A_355] : memref<10240x128xf32, #tpu.memory_space<hbm>> -> memref<10240x128xf32, #tpu.memory_space<hbm>>
      tpu.wait_indirect_dma semaphore(%arg17 : memref<!tpu.dma_semaphore, #tpu.memory_space<semaphore_mem>>) src(%dma_wait3A_356 : memref<10240x128xf32, #tpu.memory_space<hbm>>) dst(%arg11 : memref<128x128xf32, #tpu.memory_space<vmem>>)
      %mul3A_357 = arith.constant 640 : i32
      %mul3A_358 = arith.muli %arg1, %mul3A_357 : i32
      %add3A_359 = arith.constant 128 : i32
      %add3A_360 = arith.addi %mul3A_358, %add3A_359 : i32
      "tpu.region"() ({
        %run_scoped3A = tpu.sem_alloc : memref<!tpu.dma_semaphore, #tpu.memory_space<semaphore_mem>>
        %dma_start3A_361 = arith.constant 0 : i32
        %dma_start3A_362 = tpu.memref_slice %arg13[%add3A_360, %dma_start3A_361] : memref<10240x128xf32, #tpu.memory_space<vmem_shared>> -> memref<128x128xf32, #tpu.memory_space<vmem_shared>>
        %dma_start3A_363 = arith.constant 0 : i32
        %dma_start3A_364 = tpu.memref_slice %arg13[%add3A_360, %dma_start3A_363] : memref<10240x128xf32, #tpu.memory_space<vmem_shared>> -> memref<128x128xf32, #tpu.memory_space<vmem_shared>>
        tpu.enqueue_dma source(%arg11 : memref<128x128xf32, #tpu.memory_space<vmem>>) target(%dma_start3A_364 : memref<128x128xf32, #tpu.memory_space<vmem_shared>>) target_semaphore(%run_scoped3A : memref<!tpu.dma_semaphore, #tpu.memory_space<semaphore_mem>>)
        %dma_wait3A_365 = arith.constant 0 : i32
        %dma_wait3A_366 = tpu.memref_slice %arg13[%add3A_360, %dma_wait3A_365] : memref<10240x128xf32, #tpu.memory_space<vmem_shared>> -> memref<128x128xf32, #tpu.memory_space<vmem_shared>>
        %dma_wait3A_367 = arith.constant 0 : i32
        %dma_wait3A_368 = tpu.memref_slice %arg13[%add3A_360, %dma_wait3A_367] : memref<10240x128xf32, #tpu.memory_space<vmem_shared>> -> memref<128x128xf32, #tpu.memory_space<vmem_shared>>
        tpu.wait_dma2 semaphore(%run_scoped3A : memref<!tpu.dma_semaphore, #tpu.memory_space<semaphore_mem>>) src(%arg11 : memref<128x128xf32, #tpu.memory_space<vmem>>) dst(%dma_wait3A_368 : memref<128x128xf32, #tpu.memory_space<vmem_shared>>)
        tpu.yield
      }) : () -> ()
    }
    %scan3A_31 = arith.constant 5 : i32
    %barrier3A_32 = arith.constant 0 : index
    tpu.barrier barrier_id(%barrier3A_32)
    %mul3A_33 = arith.constant 640 : i32
    %mul3A_34 = arith.muli %arg1, %mul3A_33 : i32
    "tpu.region"() ({
      %run_scoped3A = tpu.sem_alloc : memref<!tpu.dma_semaphore, #tpu.memory_space<semaphore_mem>>
      %dma_start3A_35 = arith.constant 0 : i32
      %dma_start3A_36 = tpu.memref_slice %arg5[%arg0, %mul3A_34, %dma_start3A_35] : memref<2x10240x128xf32, #tpu.memory_space<hbm>> -> memref<1x640x128xf32, #tpu.memory_space<hbm>>
      %dma_start3A_37 = tpu.memref_squeeze %dma_start3A_36 : memref<1x640x128xf32, #tpu.memory_space<hbm>> -> memref<640x128xf32, #tpu.memory_space<hbm>>
      %dma_start3A_38 = arith.constant 0 : i32
      %dma_start3A_39 = tpu.memref_slice %arg13[%mul3A_34, %dma_start3A_38] : memref<10240x128xf32, #tpu.memory_space<vmem_shared>> -> memref<640x128xf32, #tpu.memory_space<vmem_shared>>
      tpu.enqueue_dma source(%dma_start3A_39 : memref<640x128xf32, #tpu.memory_space<vmem_shared>>) target(%dma_start3A_37 : memref<640x128xf32, #tpu.memory_space<hbm>>) target_semaphore(%run_scoped3A : memref<!tpu.dma_semaphore, #tpu.memory_space<semaphore_mem>>)
      %dma_wait3A = arith.constant 0 : i32
      %dma_wait3A_40 = tpu.memref_slice %arg5[%arg0, %mul3A_34, %dma_wait3A] : memref<2x10240x128xf32, #tpu.memory_space<hbm>> -> memref<1x640x128xf32, #tpu.memory_space<hbm>>
      %dma_wait3A_41 = tpu.memref_squeeze %dma_wait3A_40 : memref<1x640x128xf32, #tpu.memory_space<hbm>> -> memref<640x128xf32, #tpu.memory_space<hbm>>
      %dma_wait3A_42 = arith.constant 0 : i32
      %dma_wait3A_43 = tpu.memref_slice %arg13[%mul3A_34, %dma_wait3A_42] : memref<10240x128xf32, #tpu.memory_space<vmem_shared>> -> memref<640x128xf32, #tpu.memory_space<vmem_shared>>
      tpu.wait_dma2 semaphore(%run_scoped3A : memref<!tpu.dma_semaphore, #tpu.memory_space<semaphore_mem>>) src(%dma_wait3A_43 : memref<640x128xf32, #tpu.memory_space<vmem_shared>>) dst(%dma_wait3A_41 : memref<640x128xf32, #tpu.memory_space<hbm>>)
      tpu.yield
    }) : () -> ()
    return
  }
}

#map = affine_map<(d0, d1) -> (0, 0)>
#map1 = affine_map<(d0, d1) -> (0, 0, 0)>
module attributes {stable_mosaic.version = 14 : i64} {
  func.func @_scat_body(%arg0: i32, %arg1: i32, %arg2: memref<10240x128xf32, #tpu.memory_space<hbm>>, %arg3: memref<32x80x128xi32, #tpu.memory_space<hbm>>, %arg4: memref<32x80x128xi32, #tpu.memory_space<hbm>>, %arg5: memref<2x10240x128xf32, #tpu.memory_space<hbm>>, %arg6: memref<8x128xi32, #tpu.memory_space<vmem>>, %arg7: memref<8x128xi32, #tpu.memory_space<vmem>>, %arg8: memref<8x128xi32, #tpu.memory_space<vmem>>, %arg9: memref<8x128xi32, #tpu.memory_space<vmem>>, %arg10: memref<128x128xf32, #tpu.memory_space<vmem>>, %arg11: memref<128x128xf32, #tpu.memory_space<vmem>>, %arg12: memref<16x128xf32, #tpu.memory_space<vmem>>, %arg13: memref<10240x128xf32, #tpu.memory_space<vmem_shared>>, %arg14: memref<!tpu.dma_semaphore, #tpu.memory_space<semaphore_mem>>, %arg15: memref<!tpu.dma_semaphore, #tpu.memory_space<semaphore_mem>>, %arg16: memref<!tpu.dma_semaphore, #tpu.memory_space<semaphore_mem>>, %arg17: memref<!tpu.dma_semaphore, #tpu.memory_space<semaphore_mem>>) attributes {dimension_semantics = [#tpu.dimension_semantics<core_parallel>, #tpu.dimension_semantics<subcore_parallel>], iteration_bounds = array<i64: 2, 16>, scalar_prefetch = 0 : i64, scratch_operands = 12 : i64, tpu.core_type = #tpu.core_type<sc_vector_subcore>, window_params = [{transform_indices = #map}, {transform_indices = #map1}, {transform_indices = #map1}, {transform_indices = #map1}]} {
    %mul3A = arith.constant 16 : i32
    %mul3A_0 = arith.muli %arg0, %mul3A : i32
    %add3A = arith.addi %mul3A_0, %arg1 : i32
    %scan3A = arith.constant 0 : i32
    %scan3A_1 = arith.constant 16 : i32
    %scan3A_2 = arith.addi %scan3A, %scan3A_1 : i32
    %scan3A_3 = arith.constant 1 : i32
    scf.for %scan3A_35 = %scan3A to %scan3A_2 step %scan3A_3  : i32 {
      %mul3A_36 = arith.constant 1 : i32
      %mul3A_37 = arith.muli %scan3A_35, %mul3A_36 : i32
      %add3A_38 = arith.constant 0 : i32
      %add3A_39 = arith.addi %add3A_38, %mul3A_37 : i32
      %broadcast_in_dim3A = arith.constant 0.000000e+00 : f32
      %broadcast_in_dim3A_40 = vector.broadcast %broadcast_in_dim3A : f32 to vector<16xf32>
      %swap3A = arith.index_cast %add3A_39 : i32 to index
      %swap3A_41 = arith.constant 0 : index
      %swap3A_42 = tpu.vector_load %arg12[%swap3A, %swap3A_41] {strides = array<i32>} : memref<16x128xf32, #tpu.memory_space<vmem>>, vector<1x16xf32>,
      %swap3A_43 = vector.shape_cast %swap3A_42 : vector<1x16xf32> to vector<16xf32>
      %swap3A_44 = vector.shape_cast %broadcast_in_dim3A_40 : vector<16xf32> to vector<1x16xf32>
      tpu.vector_store %arg12[%swap3A, %swap3A_41], %swap3A_44 {strides = array<i32>} : memref<16x128xf32, #tpu.memory_space<vmem>>, vector<1x16xf32>,
      %broadcast_in_dim3A_45 = arith.constant 0.000000e+00 : f32
      %broadcast_in_dim3A_46 = vector.broadcast %broadcast_in_dim3A_45 : f32 to vector<16xf32>
      %swap3A_47 = arith.index_cast %add3A_39 : i32 to index
      %swap3A_48 = arith.constant 16 : index
      %swap3A_49 = tpu.vector_load %arg12[%swap3A_47, %swap3A_48] {strides = array<i32>} : memref<16x128xf32, #tpu.memory_space<vmem>>, vector<1x16xf32>,
      %swap3A_50 = vector.shape_cast %swap3A_49 : vector<1x16xf32> to vector<16xf32>
      %swap3A_51 = vector.shape_cast %broadcast_in_dim3A_46 : vector<16xf32> to vector<1x16xf32>
      tpu.vector_store %arg12[%swap3A_47, %swap3A_48], %swap3A_51 {strides = array<i32>} : memref<16x128xf32, #tpu.memory_space<vmem>>, vector<1x16xf32>,
      %broadcast_in_dim3A_52 = arith.constant 0.000000e+00 : f32
      %broadcast_in_dim3A_53 = vector.broadcast %broadcast_in_dim3A_52 : f32 to vector<16xf32>
      %swap3A_54 = arith.index_cast %add3A_39 : i32 to index
      %swap3A_55 = arith.constant 32 : index
      %swap3A_56 = tpu.vector_load %arg12[%swap3A_54, %swap3A_55] {strides = array<i32>} : memref<16x128xf32, #tpu.memory_space<vmem>>, vector<1x16xf32>,
      %swap3A_57 = vector.shape_cast %swap3A_56 : vector<1x16xf32> to vector<16xf32>
      %swap3A_58 = vector.shape_cast %broadcast_in_dim3A_53 : vector<16xf32> to vector<1x16xf32>
      tpu.vector_store %arg12[%swap3A_54, %swap3A_55], %swap3A_58 {strides = array<i32>} : memref<16x128xf32, #tpu.memory_space<vmem>>, vector<1x16xf32>,
      %broadcast_in_dim3A_59 = arith.constant 0.000000e+00 : f32
      %broadcast_in_dim3A_60 = vector.broadcast %broadcast_in_dim3A_59 : f32 to vector<16xf32>
      %swap3A_61 = arith.index_cast %add3A_39 : i32 to index
      %swap3A_62 = arith.constant 48 : index
      %swap3A_63 = tpu.vector_load %arg12[%swap3A_61, %swap3A_62] {strides = array<i32>} : memref<16x128xf32, #tpu.memory_space<vmem>>, vector<1x16xf32>,
      %swap3A_64 = vector.shape_cast %swap3A_63 : vector<1x16xf32> to vector<16xf32>
      %swap3A_65 = vector.shape_cast %broadcast_in_dim3A_60 : vector<16xf32> to vector<1x16xf32>
      tpu.vector_store %arg12[%swap3A_61, %swap3A_62], %swap3A_65 {strides = array<i32>} : memref<16x128xf32, #tpu.memory_space<vmem>>, vector<1x16xf32>,
      %broadcast_in_dim3A_66 = arith.constant 0.000000e+00 : f32
      %broadcast_in_dim3A_67 = vector.broadcast %broadcast_in_dim3A_66 : f32 to vector<16xf32>
      %swap3A_68 = arith.index_cast %add3A_39 : i32 to index
      %swap3A_69 = arith.constant 64 : index
      %swap3A_70 = tpu.vector_load %arg12[%swap3A_68, %swap3A_69] {strides = array<i32>} : memref<16x128xf32, #tpu.memory_space<vmem>>, vector<1x16xf32>,
      %swap3A_71 = vector.shape_cast %swap3A_70 : vector<1x16xf32> to vector<16xf32>
      %swap3A_72 = vector.shape_cast %broadcast_in_dim3A_67 : vector<16xf32> to vector<1x16xf32>
      tpu.vector_store %arg12[%swap3A_68, %swap3A_69], %swap3A_72 {strides = array<i32>} : memref<16x128xf32, #tpu.memory_space<vmem>>, vector<1x16xf32>,
      %broadcast_in_dim3A_73 = arith.constant 0.000000e+00 : f32
      %broadcast_in_dim3A_74 = vector.broadcast %broadcast_in_dim3A_73 : f32 to vector<16xf32>
      %swap3A_75 = arith.index_cast %add3A_39 : i32 to index
      %swap3A_76 = arith.constant 80 : index
      %swap3A_77 = tpu.vector_load %arg12[%swap3A_75, %swap3A_76] {strides = array<i32>} : memref<16x128xf32, #tpu.memory_space<vmem>>, vector<1x16xf32>,
      %swap3A_78 = vector.shape_cast %swap3A_77 : vector<1x16xf32> to vector<16xf32>
      %swap3A_79 = vector.shape_cast %broadcast_in_dim3A_74 : vector<16xf32> to vector<1x16xf32>
      tpu.vector_store %arg12[%swap3A_75, %swap3A_76], %swap3A_79 {strides = array<i32>} : memref<16x128xf32, #tpu.memory_space<vmem>>, vector<1x16xf32>,
      %broadcast_in_dim3A_80 = arith.constant 0.000000e+00 : f32
      %broadcast_in_dim3A_81 = vector.broadcast %broadcast_in_dim3A_80 : f32 to vector<16xf32>
      %swap3A_82 = arith.index_cast %add3A_39 : i32 to index
      %swap3A_83 = arith.constant 96 : index
      %swap3A_84 = tpu.vector_load %arg12[%swap3A_82, %swap3A_83] {strides = array<i32>} : memref<16x128xf32, #tpu.memory_space<vmem>>, vector<1x16xf32>,
      %swap3A_85 = vector.shape_cast %swap3A_84 : vector<1x16xf32> to vector<16xf32>
      %swap3A_86 = vector.shape_cast %broadcast_in_dim3A_81 : vector<16xf32> to vector<1x16xf32>
      tpu.vector_store %arg12[%swap3A_82, %swap3A_83], %swap3A_86 {strides = array<i32>} : memref<16x128xf32, #tpu.memory_space<vmem>>, vector<1x16xf32>,
      %broadcast_in_dim3A_87 = arith.constant 0.000000e+00 : f32
      %broadcast_in_dim3A_88 = vector.broadcast %broadcast_in_dim3A_87 : f32 to vector<16xf32>
      %swap3A_89 = arith.index_cast %add3A_39 : i32 to index
      %swap3A_90 = arith.constant 112 : index
      %swap3A_91 = tpu.vector_load %arg12[%swap3A_89, %swap3A_90] {strides = array<i32>} : memref<16x128xf32, #tpu.memory_space<vmem>>, vector<1x16xf32>,
      %swap3A_92 = vector.shape_cast %swap3A_91 : vector<1x16xf32> to vector<16xf32>
      %swap3A_93 = vector.shape_cast %broadcast_in_dim3A_88 : vector<16xf32> to vector<1x16xf32>
      tpu.vector_store %arg12[%swap3A_89, %swap3A_90], %swap3A_93 {strides = array<i32>} : memref<16x128xf32, #tpu.memory_space<vmem>>, vector<1x16xf32>,
    }
    %scan3A_4 = arith.constant 16 : i32
    %mul3A_5 = arith.constant 640 : i32
    %mul3A_6 = arith.muli %arg1, %mul3A_5 : i32
    %scan3A_7 = arith.constant 0 : i32
    %scan3A_8 = arith.constant 40 : i32
    %scan3A_9 = arith.addi %scan3A_7, %scan3A_8 : i32
    %scan3A_10 = arith.constant 1 : i32
    scf.for %scan3A_35 = %scan3A_7 to %scan3A_9 step %scan3A_10  : i32 {
      %mul3A_36 = arith.constant 1 : i32
      %mul3A_37 = arith.muli %scan3A_35, %mul3A_36 : i32
      %add3A_38 = arith.constant 0 : i32
      %add3A_39 = arith.addi %add3A_38, %mul3A_37 : i32
      %mul3A_40 = arith.constant 16 : i32
      %mul3A_41 = arith.muli %add3A_39, %mul3A_40 : i32
      %add3A_42 = arith.addi %mul3A_6, %mul3A_41 : i32
      "tpu.region"() ({
        %run_scoped3A = tpu.sem_alloc : memref<!tpu.dma_semaphore, #tpu.memory_space<semaphore_mem>>
        %dma_start3A_43 = arith.constant 0 : i32
        %dma_start3A_44 = tpu.memref_slice %arg13[%add3A_42, %dma_start3A_43] : memref<10240x128xf32, #tpu.memory_space<vmem_shared>> -> memref<16x128xf32, #tpu.memory_space<vmem_shared>>
        %dma_start3A_45 = arith.constant 0 : i32
        %dma_start3A_46 = tpu.memref_slice %arg13[%add3A_42, %dma_start3A_45] : memref<10240x128xf32, #tpu.memory_space<vmem_shared>> -> memref<16x128xf32, #tpu.memory_space<vmem_shared>>
        tpu.enqueue_dma source(%arg12 : memref<16x128xf32, #tpu.memory_space<vmem>>) target(%dma_start3A_46 : memref<16x128xf32, #tpu.memory_space<vmem_shared>>) target_semaphore(%run_scoped3A : memref<!tpu.dma_semaphore, #tpu.memory_space<semaphore_mem>>)
        %dma_wait3A = arith.constant 0 : i32
        %dma_wait3A_47 = tpu.memref_slice %arg13[%add3A_42, %dma_wait3A] : memref<10240x128xf32, #tpu.memory_space<vmem_shared>> -> memref<16x128xf32, #tpu.memory_space<vmem_shared>>
        %dma_wait3A_48 = arith.constant 0 : i32
        %dma_wait3A_49 = tpu.memref_slice %arg13[%add3A_42, %dma_wait3A_48] : memref<10240x128xf32, #tpu.memory_space<vmem_shared>> -> memref<16x128xf32, #tpu.memory_space<vmem_shared>>
        tpu.wait_dma2 semaphore(%run_scoped3A : memref<!tpu.dma_semaphore, #tpu.memory_space<semaphore_mem>>) src(%arg12 : memref<16x128xf32, #tpu.memory_space<vmem>>) dst(%dma_wait3A_49 : memref<16x128xf32, #tpu.memory_space<vmem_shared>>)
        tpu.yield
      }) : () -> ()
    }
    %scan3A_11 = arith.constant 40 : i32
    %barrier3A = arith.constant 0 : index
    tpu.barrier barrier_id(%barrier3A)
    %dma_start3A = arith.constant 0 : i32
    %dma_start3A_12 = arith.constant 0 : i32
    %dma_start3A_13 = tpu.memref_slice %arg3[%add3A, %dma_start3A, %dma_start3A_12] : memref<32x80x128xi32, #tpu.memory_space<hbm>> -> memref<1x8x128xi32, #tpu.memory_space<hbm>>
    %dma_start3A_14 = tpu.memref_squeeze %dma_start3A_13 : memref<1x8x128xi32, #tpu.memory_space<hbm>> -> memref<8x128xi32, #tpu.memory_space<hbm>>
    %dma_start3A_15 = arith.constant 0 : i32
    %dma_start3A_16 = arith.constant 0 : i32
    %dma_start3A_17 = tpu.memref_slice %arg3[%add3A, %dma_start3A_15, %dma_start3A_16] : memref<32x80x128xi32, #tpu.memory_space<hbm>> -> memref<1x8x128xi32, #tpu.memory_space<hbm>>
    %dma_start3A_18 = tpu.memref_squeeze %dma_start3A_17 : memref<1x8x128xi32, #tpu.memory_space<hbm>> -> memref<8x128xi32, #tpu.memory_space<hbm>>
    tpu.enqueue_dma source(%dma_start3A_18 : memref<8x128xi32, #tpu.memory_space<hbm>>) target(%arg6 : memref<8x128xi32, #tpu.memory_space<vmem>>) target_semaphore(%arg14 : memref<!tpu.dma_semaphore, #tpu.memory_space<semaphore_mem>>)
    %dma_start3A_19 = arith.constant 0 : i32
    %dma_start3A_20 = arith.constant 0 : i32
    %dma_start3A_21 = tpu.memref_slice %arg4[%add3A, %dma_start3A_19, %dma_start3A_20] : memref<32x80x128xi32, #tpu.memory_space<hbm>> -> memref<1x8x128xi32, #tpu.memory_space<hbm>>
    %dma_start3A_22 = tpu.memref_squeeze %dma_start3A_21 : memref<1x8x128xi32, #tpu.memory_space<hbm>> -> memref<8x128xi32, #tpu.memory_space<hbm>>
    %dma_start3A_23 = arith.constant 0 : i32
    %dma_start3A_24 = arith.constant 0 : i32
    %dma_start3A_25 = tpu.memref_slice %arg4[%add3A, %dma_start3A_23, %dma_start3A_24] : memref<32x80x128xi32, #tpu.memory_space<hbm>> -> memref<1x8x128xi32, #tpu.memory_space<hbm>>
    %dma_start3A_26 = tpu.memref_squeeze %dma_start3A_25 : memref<1x8x128xi32, #tpu.memory_space<hbm>> -> memref<8x128xi32, #tpu.memory_space<hbm>>
    tpu.enqueue_dma source(%dma_start3A_26 : memref<8x128xi32, #tpu.memory_space<hbm>>) target(%arg8 : memref<8x128xi32, #tpu.memory_space<vmem>>) target_semaphore(%arg14 : memref<!tpu.dma_semaphore, #tpu.memory_space<semaphore_mem>>)
    %scan3A_27 = arith.constant 0 : i32
    %scan3A_28 = arith.constant 5 : i32
    %scan3A_29 = arith.addi %scan3A_27, %scan3A_28 : i32
    %scan3A_30 = arith.constant 1 : i32
    scf.for %scan3A_35 = %scan3A_27 to %scan3A_29 step %scan3A_30  : i32 {
      %mul3A_36 = arith.constant 2 : i32
      %mul3A_37 = arith.muli %scan3A_35, %mul3A_36 : i32
      %add3A_38 = arith.constant 0 : i32
      %add3A_39 = arith.addi %add3A_38, %mul3A_37 : i32
      %mul3A_40 = arith.constant 8 : i32
      %mul3A_41 = arith.muli %add3A_39, %mul3A_40 : i32
      %dma_wait3A = arith.constant 0 : i32
      %dma_wait3A_42 = tpu.memref_slice %arg3[%add3A, %mul3A_41, %dma_wait3A] : memref<32x80x128xi32, #tpu.memory_space<hbm>> -> memref<1x8x128xi32, #tpu.memory_space<hbm>>
      %dma_wait3A_43 = tpu.memref_squeeze %dma_wait3A_42 : memref<1x8x128xi32, #tpu.memory_space<hbm>> -> memref<8x128xi32, #tpu.memory_space<hbm>>
      %dma_wait3A_44 = arith.constant 0 : i32
      %dma_wait3A_45 = tpu.memref_slice %arg3[%add3A, %mul3A_41, %dma_wait3A_44] : memref<32x80x128xi32, #tpu.memory_space<hbm>> -> memref<1x8x128xi32, #tpu.memory_space<hbm>>
      %dma_wait3A_46 = tpu.memref_squeeze %dma_wait3A_45 : memref<1x8x128xi32, #tpu.memory_space<hbm>> -> memref<8x128xi32, #tpu.memory_space<hbm>>
      tpu.wait_dma2 semaphore(%arg14 : memref<!tpu.dma_semaphore, #tpu.memory_space<semaphore_mem>>) src(%dma_wait3A_46 : memref<8x128xi32, #tpu.memory_space<hbm>>) dst(%arg6 : memref<8x128xi32, #tpu.memory_space<vmem>>)
      %dma_wait3A_47 = arith.constant 0 : i32
      %dma_wait3A_48 = tpu.memref_slice %arg4[%add3A, %mul3A_41, %dma_wait3A_47] : memref<32x80x128xi32, #tpu.memory_space<hbm>> -> memref<1x8x128xi32, #tpu.memory_space<hbm>>
      %dma_wait3A_49 = tpu.memref_squeeze %dma_wait3A_48 : memref<1x8x128xi32, #tpu.memory_space<hbm>> -> memref<8x128xi32, #tpu.memory_space<hbm>>
      %dma_wait3A_50 = arith.constant 0 : i32
      %dma_wait3A_51 = tpu.memref_slice %arg4[%add3A, %mul3A_41, %dma_wait3A_50] : memref<32x80x128xi32, #tpu.memory_space<hbm>> -> memref<1x8x128xi32, #tpu.memory_space<hbm>>
      %dma_wait3A_52 = tpu.memref_squeeze %dma_wait3A_51 : memref<1x8x128xi32, #tpu.memory_space<hbm>> -> memref<8x128xi32, #tpu.memory_space<hbm>>
      tpu.wait_dma2 semaphore(%arg14 : memref<!tpu.dma_semaphore, #tpu.memory_space<semaphore_mem>>) src(%dma_wait3A_52 : memref<8x128xi32, #tpu.memory_space<hbm>>) dst(%arg8 : memref<8x128xi32, #tpu.memory_space<vmem>>)
      %add3A_53 = arith.constant 1 : i32
      %add3A_54 = arith.addi %add3A_39, %add3A_53 : i32
      %mul3A_55 = arith.constant 8 : i32
      %mul3A_56 = arith.muli %add3A_54, %mul3A_55 : i32
      %dma_start3A_57 = arith.constant 0 : i32
      %dma_start3A_58 = tpu.memref_slice %arg3[%add3A, %mul3A_56, %dma_start3A_57] : memref<32x80x128xi32, #tpu.memory_space<hbm>> -> memref<1x8x128xi32, #tpu.memory_space<hbm>>
      %dma_start3A_59 = tpu.memref_squeeze %dma_start3A_58 : memref<1x8x128xi32, #tpu.memory_space<hbm>> -> memref<8x128xi32, #tpu.memory_space<hbm>>
      %dma_start3A_60 = arith.constant 0 : i32
      %dma_start3A_61 = tpu.memref_slice %arg3[%add3A, %mul3A_56, %dma_start3A_60] : memref<32x80x128xi32, #tpu.memory_space<hbm>> -> memref<1x8x128xi32, #tpu.memory_space<hbm>>
      %dma_start3A_62 = tpu.memref_squeeze %dma_start3A_61 : memref<1x8x128xi32, #tpu.memory_space<hbm>> -> memref<8x128xi32, #tpu.memory_space<hbm>>
      tpu.enqueue_dma source(%dma_start3A_62 : memref<8x128xi32, #tpu.memory_space<hbm>>) target(%arg7 : memref<8x128xi32, #tpu.memory_space<vmem>>) target_semaphore(%arg15 : memref<!tpu.dma_semaphore, #tpu.memory_space<semaphore_mem>>)
      %dma_start3A_63 = arith.constant 0 : i32
      %dma_start3A_64 = tpu.memref_slice %arg4[%add3A, %mul3A_56, %dma_start3A_63] : memref<32x80x128xi32, #tpu.memory_space<hbm>> -> memref<1x8x128xi32, #tpu.memory_space<hbm>>
      %dma_start3A_65 = tpu.memref_squeeze %dma_start3A_64 : memref<1x8x128xi32, #tpu.memory_space<hbm>> -> memref<8x128xi32, #tpu.memory_space<hbm>>
      %dma_start3A_66 = arith.constant 0 : i32
      %dma_start3A_67 = tpu.memref_slice %arg4[%add3A, %mul3A_56, %dma_start3A_66] : memref<32x80x128xi32, #tpu.memory_space<hbm>> -> memref<1x8x128xi32, #tpu.memory_space<hbm>>
      %dma_start3A_68 = tpu.memref_squeeze %dma_start3A_67 : memref<1x8x128xi32, #tpu.memory_space<hbm>> -> memref<8x128xi32, #tpu.memory_space<hbm>>
      tpu.enqueue_dma source(%dma_start3A_68 : memref<8x128xi32, #tpu.memory_space<hbm>>) target(%arg9 : memref<8x128xi32, #tpu.memory_space<vmem>>) target_semaphore(%arg15 : memref<!tpu.dma_semaphore, #tpu.memory_space<semaphore_mem>>)
      %dma_start3A_69 = arith.constant 0 : i32
      %dma_start3A_70 = arith.constant 0 : i32
      %dma_start3A_71 = tpu.memref_slice %arg6[%dma_start3A_69, %dma_start3A_70] : memref<8x128xi32, #tpu.memory_space<vmem>> -> memref<1x128xi32, #tpu.memory_space<vmem>>
      %dma_start3A_72 = tpu.memref_squeeze %dma_start3A_71 : memref<1x128xi32, #tpu.memory_space<vmem>> -> memref<128xi32, #tpu.memory_space<vmem>>
      %dma_start3A_73 = arith.constant 0 : i32
      %dma_start3A_74 = arith.constant 0 : i32
      %dma_start3A_75 = tpu.memref_slice %arg2[%dma_start3A_73, %dma_start3A_74] : memref<10240x128xf32, #tpu.memory_space<hbm>> -> memref<10240x128xf32, #tpu.memory_space<hbm>>
      tpu.enqueue_indirect_dma source(%dma_start3A_75 : memref<10240x128xf32, #tpu.memory_space<hbm>>) target(%arg10 : memref<128x128xf32, #tpu.memory_space<vmem>>) offsets(%dma_start3A_72 : memref<128xi32, #tpu.memory_space<vmem>>) semaphore(%arg16 : memref<!tpu.dma_semaphore, #tpu.memory_space<semaphore_mem>>)
      %dma_wait3A_76 = arith.constant 0 : i32
      %dma_wait3A_77 = arith.constant 0 : i32
      %dma_wait3A_78 = tpu.memref_slice %arg6[%dma_wait3A_76, %dma_wait3A_77] : memref<8x128xi32, #tpu.memory_space<vmem>> -> memref<1x128xi32, #tpu.memory_space<vmem>>
      %dma_wait3A_79 = tpu.memref_squeeze %dma_wait3A_78 : memref<1x128xi32, #tpu.memory_space<vmem>> -> memref<128xi32, #tpu.memory_space<vmem>>
      %dma_wait3A_80 = arith.constant 0 : i32
      %dma_wait3A_81 = arith.constant 0 : i32
      %dma_wait3A_82 = tpu.memref_slice %arg2[%dma_wait3A_80, %dma_wait3A_81] : memref<10240x128xf32, #tpu.memory_space<hbm>> -> memref<10240x128xf32, #tpu.memory_space<hbm>>
      tpu.wait_indirect_dma semaphore(%arg16 : memref<!tpu.dma_semaphore, #tpu.memory_space<semaphore_mem>>) src(%dma_wait3A_82 : memref<10240x128xf32, #tpu.memory_space<hbm>>) dst(%arg10 : memref<128x128xf32, #tpu.memory_space<vmem>>)
      %dma_start3A_83 = arith.constant 1 : i32
      %dma_start3A_84 = arith.constant 0 : i32
      %dma_start3A_85 = tpu.memref_slice %arg6[%dma_start3A_83, %dma_start3A_84] : memref<8x128xi32, #tpu.memory_space<vmem>> -> memref<1x128xi32, #tpu.memory_space<vmem>>
      %dma_start3A_86 = tpu.memref_squeeze %dma_start3A_85 : memref<1x128xi32, #tpu.memory_space<vmem>> -> memref<128xi32, #tpu.memory_space<vmem>>
      %dma_start3A_87 = arith.constant 0 : i32
      %dma_start3A_88 = arith.constant 0 : i32
      %dma_start3A_89 = tpu.memref_slice %arg2[%dma_start3A_87, %dma_start3A_88] : memref<10240x128xf32, #tpu.memory_space<hbm>> -> memref<10240x128xf32, #tpu.memory_space<hbm>>
      tpu.enqueue_indirect_dma source(%dma_start3A_89 : memref<10240x128xf32, #tpu.memory_space<hbm>>) target(%arg11 : memref<128x128xf32, #tpu.memory_space<vmem>>) offsets(%dma_start3A_86 : memref<128xi32, #tpu.memory_space<vmem>>) semaphore(%arg17 : memref<!tpu.dma_semaphore, #tpu.memory_space<semaphore_mem>>)
      %mul3A_90 = arith.constant 640 : i32
      %mul3A_91 = arith.muli %arg1, %mul3A_90 : i32
      "tpu.region"() ({
        %run_scoped3A = tpu.sem_alloc : memref<!tpu.dma_semaphore, #tpu.memory_space<semaphore_mem>>
        %dma_start3A_361 = arith.constant 0 : i32
        %dma_start3A_362 = tpu.memref_slice %arg13[%mul3A_91, %dma_start3A_361] : memref<10240x128xf32, #tpu.memory_space<vmem_shared>> -> memref<128x128xf32, #tpu.memory_space<vmem_shared>>
        %dma_start3A_363 = arith.constant 0 : i32
        %dma_start3A_364 = tpu.memref_slice %arg13[%mul3A_91, %dma_start3A_363] : memref<10240x128xf32, #tpu.memory_space<vmem_shared>> -> memref<128x128xf32, #tpu.memory_space<vmem_shared>>
        tpu.enqueue_dma source(%arg10 : memref<128x128xf32, #tpu.memory_space<vmem>>) target(%dma_start3A_364 : memref<128x128xf32, #tpu.memory_space<vmem_shared>>) target_semaphore(%run_scoped3A : memref<!tpu.dma_semaphore, #tpu.memory_space<semaphore_mem>>)
        %dma_wait3A_365 = arith.constant 0 : i32
        %dma_wait3A_366 = tpu.memref_slice %arg13[%mul3A_91, %dma_wait3A_365] : memref<10240x128xf32, #tpu.memory_space<vmem_shared>> -> memref<128x128xf32, #tpu.memory_space<vmem_shared>>
        %dma_wait3A_367 = arith.constant 0 : i32
        %dma_wait3A_368 = tpu.memref_slice %arg13[%mul3A_91, %dma_wait3A_367] : memref<10240x128xf32, #tpu.memory_space<vmem_shared>> -> memref<128x128xf32, #tpu.memory_space<vmem_shared>>
        tpu.wait_dma2 semaphore(%run_scoped3A : memref<!tpu.dma_semaphore, #tpu.memory_space<semaphore_mem>>) src(%arg10 : memref<128x128xf32, #tpu.memory_space<vmem>>) dst(%dma_wait3A_368 : memref<128x128xf32, #tpu.memory_space<vmem_shared>>)
        tpu.yield
      }) : () -> ()
      %dma_wait3A_92 = arith.constant 1 : i32
      %dma_wait3A_93 = arith.constant 0 : i32
      %dma_wait3A_94 = tpu.memref_slice %arg6[%dma_wait3A_92, %dma_wait3A_93] : memref<8x128xi32, #tpu.memory_space<vmem>> -> memref<1x128xi32, #tpu.memory_space<vmem>>
      %dma_wait3A_95 = tpu.memref_squeeze %dma_wait3A_94 : memref<1x128xi32, #tpu.memory_space<vmem>> -> memref<128xi32, #tpu.memory_space<vmem>>
      %dma_wait3A_96 = arith.constant 0 : i32
      %dma_wait3A_97 = arith.constant 0 : i32
      %dma_wait3A_98 = tpu.memref_slice %arg2[%dma_wait3A_96, %dma_wait3A_97] : memref<10240x128xf32, #tpu.memory_space<hbm>> -> memref<10240x128xf32, #tpu.memory_space<hbm>>
      tpu.wait_indirect_dma semaphore(%arg17 : memref<!tpu.dma_semaphore, #tpu.memory_space<semaphore_mem>>) src(%dma_wait3A_98 : memref<10240x128xf32, #tpu.memory_space<hbm>>) dst(%arg11 : memref<128x128xf32, #tpu.memory_space<vmem>>)
      %dma_start3A_99 = arith.constant 2 : i32
      %dma_start3A_100 = arith.constant 0 : i32
      %dma_start3A_101 = tpu.memref_slice %arg6[%dma_start3A_99, %dma_start3A_100] : memref<8x128xi32, #tpu.memory_space<vmem>> -> memref<1x128xi32, #tpu.memory_space<vmem>>
      %dma_start3A_102 = tpu.memref_squeeze %dma_start3A_101 : memref<1x128xi32, #tpu.memory_space<vmem>> -> memref<128xi32, #tpu.memory_space<vmem>>
      %dma_start3A_103 = arith.constant 0 : i32
      %dma_start3A_104 = arith.constant 0 : i32
      %dma_start3A_105 = tpu.memref_slice %arg2[%dma_start3A_103, %dma_start3A_104] : memref<10240x128xf32, #tpu.memory_space<hbm>> -> memref<10240x128xf32, #tpu.memory_space<hbm>>
      tpu.enqueue_indirect_dma source(%dma_start3A_105 : memref<10240x128xf32, #tpu.memory_space<hbm>>) target(%arg10 : memref<128x128xf32, #tpu.memory_space<vmem>>) offsets(%dma_start3A_102 : memref<128xi32, #tpu.memory_space<vmem>>) semaphore(%arg16 : memref<!tpu.dma_semaphore, #tpu.memory_space<semaphore_mem>>)
      %mul3A_106 = arith.constant 640 : i32
      %mul3A_107 = arith.muli %arg1, %mul3A_106 : i32
      %add3A_108 = arith.constant 128 : i32
      %add3A_109 = arith.addi %mul3A_107, %add3A_108 : i32
      "tpu.region"() ({
        %run_scoped3A = tpu.sem_alloc : memref<!tpu.dma_semaphore, #tpu.memory_space<semaphore_mem>>
        %dma_start3A_361 = arith.constant 0 : i32
        %dma_start3A_362 = tpu.memref_slice %arg13[%add3A_109, %dma_start3A_361] : memref<10240x128xf32, #tpu.memory_space<vmem_shared>> -> memref<128x128xf32, #tpu.memory_space<vmem_shared>>
        %dma_start3A_363 = arith.constant 0 : i32
        %dma_start3A_364 = tpu.memref_slice %arg13[%add3A_109, %dma_start3A_363] : memref<10240x128xf32, #tpu.memory_space<vmem_shared>> -> memref<128x128xf32, #tpu.memory_space<vmem_shared>>
        tpu.enqueue_dma source(%arg11 : memref<128x128xf32, #tpu.memory_space<vmem>>) target(%dma_start3A_364 : memref<128x128xf32, #tpu.memory_space<vmem_shared>>) target_semaphore(%run_scoped3A : memref<!tpu.dma_semaphore, #tpu.memory_space<semaphore_mem>>)
        %dma_wait3A_365 = arith.constant 0 : i32
        %dma_wait3A_366 = tpu.memref_slice %arg13[%add3A_109, %dma_wait3A_365] : memref<10240x128xf32, #tpu.memory_space<vmem_shared>> -> memref<128x128xf32, #tpu.memory_space<vmem_shared>>
        %dma_wait3A_367 = arith.constant 0 : i32
        %dma_wait3A_368 = tpu.memref_slice %arg13[%add3A_109, %dma_wait3A_367] : memref<10240x128xf32, #tpu.memory_space<vmem_shared>> -> memref<128x128xf32, #tpu.memory_space<vmem_shared>>
        tpu.wait_dma2 semaphore(%run_scoped3A : memref<!tpu.dma_semaphore, #tpu.memory_space<semaphore_mem>>) src(%arg11 : memref<128x128xf32, #tpu.memory_space<vmem>>) dst(%dma_wait3A_368 : memref<128x128xf32, #tpu.memory_space<vmem_shared>>)
        tpu.yield
      }) : () -> ()
      %dma_wait3A_110 = arith.constant 2 : i32
      %dma_wait3A_111 = arith.constant 0 : i32
      %dma_wait3A_112 = tpu.memref_slice %arg6[%dma_wait3A_110, %dma_wait3A_111] : memref<8x128xi32, #tpu.memory_space<vmem>> -> memref<1x128xi32, #tpu.memory_space<vmem>>
      %dma_wait3A_113 = tpu.memref_squeeze %dma_wait3A_112 : memref<1x128xi32, #tpu.memory_space<vmem>> -> memref<128xi32, #tpu.memory_space<vmem>>
      %dma_wait3A_114 = arith.constant 0 : i32
      %dma_wait3A_115 = arith.constant 0 : i32
      %dma_wait3A_116 = tpu.memref_slice %arg2[%dma_wait3A_114, %dma_wait3A_115] : memref<10240x128xf32, #tpu.memory_space<hbm>> -> memref<10240x128xf32, #tpu.memory_space<hbm>>
      tpu.wait_indirect_dma semaphore(%arg16 : memref<!tpu.dma_semaphore, #tpu.memory_space<semaphore_mem>>) src(%dma_wait3A_116 : memref<10240x128xf32, #tpu.memory_space<hbm>>) dst(%arg10 : memref<128x128xf32, #tpu.memory_space<vmem>>)
      %dma_start3A_117 = arith.constant 3 : i32
      %dma_start3A_118 = arith.constant 0 : i32
      %dma_start3A_119 = tpu.memref_slice %arg6[%dma_start3A_117, %dma_start3A_118] : memref<8x128xi32, #tpu.memory_space<vmem>> -> memref<1x128xi32, #tpu.memory_space<vmem>>
      %dma_start3A_120 = tpu.memref_squeeze %dma_start3A_119 : memref<1x128xi32, #tpu.memory_space<vmem>> -> memref<128xi32, #tpu.memory_space<vmem>>
      %dma_start3A_121 = arith.constant 0 : i32
      %dma_start3A_122 = arith.constant 0 : i32
      %dma_start3A_123 = tpu.memref_slice %arg2[%dma_start3A_121, %dma_start3A_122] : memref<10240x128xf32, #tpu.memory_space<hbm>> -> memref<10240x128xf32, #tpu.memory_space<hbm>>
      tpu.enqueue_indirect_dma source(%dma_start3A_123 : memref<10240x128xf32, #tpu.memory_space<hbm>>) target(%arg11 : memref<128x128xf32, #tpu.memory_space<vmem>>) offsets(%dma_start3A_120 : memref<128xi32, #tpu.memory_space<vmem>>) semaphore(%arg17 : memref<!tpu.dma_semaphore, #tpu.memory_space<semaphore_mem>>)
      %mul3A_124 = arith.constant 640 : i32
      %mul3A_125 = arith.muli %arg1, %mul3A_124 : i32
      "tpu.region"() ({
        %run_scoped3A = tpu.sem_alloc : memref<!tpu.dma_semaphore, #tpu.memory_space<semaphore_mem>>
        %dma_start3A_361 = arith.constant 0 : i32
        %dma_start3A_362 = tpu.memref_slice %arg13[%mul3A_125, %dma_start3A_361] : memref<10240x128xf32, #tpu.memory_space<vmem_shared>> -> memref<128x128xf32, #tpu.memory_space<vmem_shared>>
        %dma_start3A_363 = arith.constant 0 : i32
        %dma_start3A_364 = tpu.memref_slice %arg13[%mul3A_125, %dma_start3A_363] : memref<10240x128xf32, #tpu.memory_space<vmem_shared>> -> memref<128x128xf32, #tpu.memory_space<vmem_shared>>
        tpu.enqueue_dma source(%arg10 : memref<128x128xf32, #tpu.memory_space<vmem>>) target(%dma_start3A_364 : memref<128x128xf32, #tpu.memory_space<vmem_shared>>) target_semaphore(%run_scoped3A : memref<!tpu.dma_semaphore, #tpu.memory_space<semaphore_mem>>)
        %dma_wait3A_365 = arith.constant 0 : i32
        %dma_wait3A_366 = tpu.memref_slice %arg13[%mul3A_125, %dma_wait3A_365] : memref<10240x128xf32, #tpu.memory_space<vmem_shared>> -> memref<128x128xf32, #tpu.memory_space<vmem_shared>>
        %dma_wait3A_367 = arith.constant 0 : i32
        %dma_wait3A_368 = tpu.memref_slice %arg13[%mul3A_125, %dma_wait3A_367] : memref<10240x128xf32, #tpu.memory_space<vmem_shared>> -> memref<128x128xf32, #tpu.memory_space<vmem_shared>>
        tpu.wait_dma2 semaphore(%run_scoped3A : memref<!tpu.dma_semaphore, #tpu.memory_space<semaphore_mem>>) src(%arg10 : memref<128x128xf32, #tpu.memory_space<vmem>>) dst(%dma_wait3A_368 : memref<128x128xf32, #tpu.memory_space<vmem_shared>>)
        tpu.yield
      }) : () -> ()
      %dma_wait3A_126 = arith.constant 3 : i32
      %dma_wait3A_127 = arith.constant 0 : i32
      %dma_wait3A_128 = tpu.memref_slice %arg6[%dma_wait3A_126, %dma_wait3A_127] : memref<8x128xi32, #tpu.memory_space<vmem>> -> memref<1x128xi32, #tpu.memory_space<vmem>>
      %dma_wait3A_129 = tpu.memref_squeeze %dma_wait3A_128 : memref<1x128xi32, #tpu.memory_space<vmem>> -> memref<128xi32, #tpu.memory_space<vmem>>
      %dma_wait3A_130 = arith.constant 0 : i32
      %dma_wait3A_131 = arith.constant 0 : i32
      %dma_wait3A_132 = tpu.memref_slice %arg2[%dma_wait3A_130, %dma_wait3A_131] : memref<10240x128xf32, #tpu.memory_space<hbm>> -> memref<10240x128xf32, #tpu.memory_space<hbm>>
      tpu.wait_indirect_dma semaphore(%arg17 : memref<!tpu.dma_semaphore, #tpu.memory_space<semaphore_mem>>) src(%dma_wait3A_132 : memref<10240x128xf32, #tpu.memory_space<hbm>>) dst(%arg11 : memref<128x128xf32, #tpu.memory_space<vmem>>)
      %dma_start3A_133 = arith.constant 4 : i32
      %dma_start3A_134 = arith.constant 0 : i32
      %dma_start3A_135 = tpu.memref_slice %arg6[%dma_start3A_133, %dma_start3A_134] : memref<8x128xi32, #tpu.memory_space<vmem>> -> memref<1x128xi32, #tpu.memory_space<vmem>>
      %dma_start3A_136 = tpu.memref_squeeze %dma_start3A_135 : memref<1x128xi32, #tpu.memory_space<vmem>> -> memref<128xi32, #tpu.memory_space<vmem>>
      %dma_start3A_137 = arith.constant 0 : i32
      %dma_start3A_138 = arith.constant 0 : i32
      %dma_start3A_139 = tpu.memref_slice %arg2[%dma_start3A_137, %dma_start3A_138] : memref<10240x128xf32, #tpu.memory_space<hbm>> -> memref<10240x128xf32, #tpu.memory_space<hbm>>
      tpu.enqueue_indirect_dma source(%dma_start3A_139 : memref<10240x128xf32, #tpu.memory_space<hbm>>) target(%arg10 : memref<128x128xf32, #tpu.memory_space<vmem>>) offsets(%dma_start3A_136 : memref<128xi32, #tpu.memory_space<vmem>>) semaphore(%arg16 : memref<!tpu.dma_semaphore, #tpu.memory_space<semaphore_mem>>)
      %mul3A_140 = arith.constant 640 : i32
      %mul3A_141 = arith.muli %arg1, %mul3A_140 : i32
      %add3A_142 = arith.constant 128 : i32
      %add3A_143 = arith.addi %mul3A_141, %add3A_142 : i32
      "tpu.region"() ({
        %run_scoped3A = tpu.sem_alloc : memref<!tpu.dma_semaphore, #tpu.memory_space<semaphore_mem>>
        %dma_start3A_361 = arith.constant 0 : i32
        %dma_start3A_362 = tpu.memref_slice %arg13[%add3A_143, %dma_start3A_361] : memref<10240x128xf32, #tpu.memory_space<vmem_shared>> -> memref<128x128xf32, #tpu.memory_space<vmem_shared>>
        %dma_start3A_363 = arith.constant 0 : i32
        %dma_start3A_364 = tpu.memref_slice %arg13[%add3A_143, %dma_start3A_363] : memref<10240x128xf32, #tpu.memory_space<vmem_shared>> -> memref<128x128xf32, #tpu.memory_space<vmem_shared>>
        tpu.enqueue_dma source(%arg11 : memref<128x128xf32, #tpu.memory_space<vmem>>) target(%dma_start3A_364 : memref<128x128xf32, #tpu.memory_space<vmem_shared>>) target_semaphore(%run_scoped3A : memref<!tpu.dma_semaphore, #tpu.memory_space<semaphore_mem>>)
        %dma_wait3A_365 = arith.constant 0 : i32
        %dma_wait3A_366 = tpu.memref_slice %arg13[%add3A_143, %dma_wait3A_365] : memref<10240x128xf32, #tpu.memory_space<vmem_shared>> -> memref<128x128xf32, #tpu.memory_space<vmem_shared>>
        %dma_wait3A_367 = arith.constant 0 : i32
        %dma_wait3A_368 = tpu.memref_slice %arg13[%add3A_143, %dma_wait3A_367] : memref<10240x128xf32, #tpu.memory_space<vmem_shared>> -> memref<128x128xf32, #tpu.memory_space<vmem_shared>>
        tpu.wait_dma2 semaphore(%run_scoped3A : memref<!tpu.dma_semaphore, #tpu.memory_space<semaphore_mem>>) src(%arg11 : memref<128x128xf32, #tpu.memory_space<vmem>>) dst(%dma_wait3A_368 : memref<128x128xf32, #tpu.memory_space<vmem_shared>>)
        tpu.yield
      }) : () -> ()
      %dma_wait3A_144 = arith.constant 4 : i32
      %dma_wait3A_145 = arith.constant 0 : i32
      %dma_wait3A_146 = tpu.memref_slice %arg6[%dma_wait3A_144, %dma_wait3A_145] : memref<8x128xi32, #tpu.memory_space<vmem>> -> memref<1x128xi32, #tpu.memory_space<vmem>>
      %dma_wait3A_147 = tpu.memref_squeeze %dma_wait3A_146 : memref<1x128xi32, #tpu.memory_space<vmem>> -> memref<128xi32, #tpu.memory_space<vmem>>
      %dma_wait3A_148 = arith.constant 0 : i32
      %dma_wait3A_149 = arith.constant 0 : i32
      %dma_wait3A_150 = tpu.memref_slice %arg2[%dma_wait3A_148, %dma_wait3A_149] : memref<10240x128xf32, #tpu.memory_space<hbm>> -> memref<10240x128xf32, #tpu.memory_space<hbm>>
      tpu.wait_indirect_dma semaphore(%arg16 : memref<!tpu.dma_semaphore, #tpu.memory_space<semaphore_mem>>) src(%dma_wait3A_150 : memref<10240x128xf32, #tpu.memory_space<hbm>>) dst(%arg10 : memref<128x128xf32, #tpu.memory_space<vmem>>)
      %dma_start3A_151 = arith.constant 5 : i32
      %dma_start3A_152 = arith.constant 0 : i32
      %dma_start3A_153 = tpu.memref_slice %arg6[%dma_start3A_151, %dma_start3A_152] : memref<8x128xi32, #tpu.memory_space<vmem>> -> memref<1x128xi32, #tpu.memory_space<vmem>>
      %dma_start3A_154 = tpu.memref_squeeze %dma_start3A_153 : memref<1x128xi32, #tpu.memory_space<vmem>> -> memref<128xi32, #tpu.memory_space<vmem>>
      %dma_start3A_155 = arith.constant 0 : i32
      %dma_start3A_156 = arith.constant 0 : i32
      %dma_start3A_157 = tpu.memref_slice %arg2[%dma_start3A_155, %dma_start3A_156] : memref<10240x128xf32, #tpu.memory_space<hbm>> -> memref<10240x128xf32, #tpu.memory_space<hbm>>
      tpu.enqueue_indirect_dma source(%dma_start3A_157 : memref<10240x128xf32, #tpu.memory_space<hbm>>) target(%arg11 : memref<128x128xf32, #tpu.memory_space<vmem>>) offsets(%dma_start3A_154 : memref<128xi32, #tpu.memory_space<vmem>>) semaphore(%arg17 : memref<!tpu.dma_semaphore, #tpu.memory_space<semaphore_mem>>)
      %mul3A_158 = arith.constant 640 : i32
      %mul3A_159 = arith.muli %arg1, %mul3A_158 : i32
      "tpu.region"() ({
        %run_scoped3A = tpu.sem_alloc : memref<!tpu.dma_semaphore, #tpu.memory_space<semaphore_mem>>
        %dma_start3A_361 = arith.constant 0 : i32
        %dma_start3A_362 = tpu.memref_slice %arg13[%mul3A_159, %dma_start3A_361] : memref<10240x128xf32, #tpu.memory_space<vmem_shared>> -> memref<128x128xf32, #tpu.memory_space<vmem_shared>>
        %dma_start3A_363 = arith.constant 0 : i32
        %dma_start3A_364 = tpu.memref_slice %arg13[%mul3A_159, %dma_start3A_363] : memref<10240x128xf32, #tpu.memory_space<vmem_shared>> -> memref<128x128xf32, #tpu.memory_space<vmem_shared>>
        tpu.enqueue_dma source(%arg10 : memref<128x128xf32, #tpu.memory_space<vmem>>) target(%dma_start3A_364 : memref<128x128xf32, #tpu.memory_space<vmem_shared>>) target_semaphore(%run_scoped3A : memref<!tpu.dma_semaphore, #tpu.memory_space<semaphore_mem>>)
        %dma_wait3A_365 = arith.constant 0 : i32
        %dma_wait3A_366 = tpu.memref_slice %arg13[%mul3A_159, %dma_wait3A_365] : memref<10240x128xf32, #tpu.memory_space<vmem_shared>> -> memref<128x128xf32, #tpu.memory_space<vmem_shared>>
        %dma_wait3A_367 = arith.constant 0 : i32
        %dma_wait3A_368 = tpu.memref_slice %arg13[%mul3A_159, %dma_wait3A_367] : memref<10240x128xf32, #tpu.memory_space<vmem_shared>> -> memref<128x128xf32, #tpu.memory_space<vmem_shared>>
        tpu.wait_dma2 semaphore(%run_scoped3A : memref<!tpu.dma_semaphore, #tpu.memory_space<semaphore_mem>>) src(%arg10 : memref<128x128xf32, #tpu.memory_space<vmem>>) dst(%dma_wait3A_368 : memref<128x128xf32, #tpu.memory_space<vmem_shared>>)
        tpu.yield
      }) : () -> ()
      %dma_wait3A_160 = arith.constant 5 : i32
      %dma_wait3A_161 = arith.constant 0 : i32
      %dma_wait3A_162 = tpu.memref_slice %arg6[%dma_wait3A_160, %dma_wait3A_161] : memref<8x128xi32, #tpu.memory_space<vmem>> -> memref<1x128xi32, #tpu.memory_space<vmem>>
      %dma_wait3A_163 = tpu.memref_squeeze %dma_wait3A_162 : memref<1x128xi32, #tpu.memory_space<vmem>> -> memref<128xi32, #tpu.memory_space<vmem>>
      %dma_wait3A_164 = arith.constant 0 : i32
      %dma_wait3A_165 = arith.constant 0 : i32
      %dma_wait3A_166 = tpu.memref_slice %arg2[%dma_wait3A_164, %dma_wait3A_165] : memref<10240x128xf32, #tpu.memory_space<hbm>> -> memref<10240x128xf32, #tpu.memory_space<hbm>>
      tpu.wait_indirect_dma semaphore(%arg17 : memref<!tpu.dma_semaphore, #tpu.memory_space<semaphore_mem>>) src(%dma_wait3A_166 : memref<10240x128xf32, #tpu.memory_space<hbm>>) dst(%arg11 : memref<128x128xf32, #tpu.memory_space<vmem>>)
      %dma_start3A_167 = arith.constant 6 : i32
      %dma_start3A_168 = arith.constant 0 : i32
      %dma_start3A_169 = tpu.memref_slice %arg6[%dma_start3A_167, %dma_start3A_168] : memref<8x128xi32, #tpu.memory_space<vmem>> -> memref<1x128xi32, #tpu.memory_space<vmem>>
      %dma_start3A_170 = tpu.memref_squeeze %dma_start3A_169 : memref<1x128xi32, #tpu.memory_space<vmem>> -> memref<128xi32, #tpu.memory_space<vmem>>
      %dma_start3A_171 = arith.constant 0 : i32
      %dma_start3A_172 = arith.constant 0 : i32
      %dma_start3A_173 = tpu.memref_slice %arg2[%dma_start3A_171, %dma_start3A_172] : memref<10240x128xf32, #tpu.memory_space<hbm>> -> memref<10240x128xf32, #tpu.memory_space<hbm>>
      tpu.enqueue_indirect_dma source(%dma_start3A_173 : memref<10240x128xf32, #tpu.memory_space<hbm>>) target(%arg10 : memref<128x128xf32, #tpu.memory_space<vmem>>) offsets(%dma_start3A_170 : memref<128xi32, #tpu.memory_space<vmem>>) semaphore(%arg16 : memref<!tpu.dma_semaphore, #tpu.memory_space<semaphore_mem>>)
      %mul3A_174 = arith.constant 640 : i32
      %mul3A_175 = arith.muli %arg1, %mul3A_174 : i32
      %add3A_176 = arith.constant 128 : i32
      %add3A_177 = arith.addi %mul3A_175, %add3A_176 : i32
      "tpu.region"() ({
        %run_scoped3A = tpu.sem_alloc : memref<!tpu.dma_semaphore, #tpu.memory_space<semaphore_mem>>
        %dma_start3A_361 = arith.constant 0 : i32
        %dma_start3A_362 = tpu.memref_slice %arg13[%add3A_177, %dma_start3A_361] : memref<10240x128xf32, #tpu.memory_space<vmem_shared>> -> memref<128x128xf32, #tpu.memory_space<vmem_shared>>
        %dma_start3A_363 = arith.constant 0 : i32
        %dma_start3A_364 = tpu.memref_slice %arg13[%add3A_177, %dma_start3A_363] : memref<10240x128xf32, #tpu.memory_space<vmem_shared>> -> memref<128x128xf32, #tpu.memory_space<vmem_shared>>
        tpu.enqueue_dma source(%arg11 : memref<128x128xf32, #tpu.memory_space<vmem>>) target(%dma_start3A_364 : memref<128x128xf32, #tpu.memory_space<vmem_shared>>) target_semaphore(%run_scoped3A : memref<!tpu.dma_semaphore, #tpu.memory_space<semaphore_mem>>)
        %dma_wait3A_365 = arith.constant 0 : i32
        %dma_wait3A_366 = tpu.memref_slice %arg13[%add3A_177, %dma_wait3A_365] : memref<10240x128xf32, #tpu.memory_space<vmem_shared>> -> memref<128x128xf32, #tpu.memory_space<vmem_shared>>
        %dma_wait3A_367 = arith.constant 0 : i32
        %dma_wait3A_368 = tpu.memref_slice %arg13[%add3A_177, %dma_wait3A_367] : memref<10240x128xf32, #tpu.memory_space<vmem_shared>> -> memref<128x128xf32, #tpu.memory_space<vmem_shared>>
        tpu.wait_dma2 semaphore(%run_scoped3A : memref<!tpu.dma_semaphore, #tpu.memory_space<semaphore_mem>>) src(%arg11 : memref<128x128xf32, #tpu.memory_space<vmem>>) dst(%dma_wait3A_368 : memref<128x128xf32, #tpu.memory_space<vmem_shared>>)
        tpu.yield
      }) : () -> ()
      %dma_wait3A_178 = arith.constant 6 : i32
      %dma_wait3A_179 = arith.constant 0 : i32
      %dma_wait3A_180 = tpu.memref_slice %arg6[%dma_wait3A_178, %dma_wait3A_179] : memref<8x128xi32, #tpu.memory_space<vmem>> -> memref<1x128xi32, #tpu.memory_space<vmem>>
      %dma_wait3A_181 = tpu.memref_squeeze %dma_wait3A_180 : memref<1x128xi32, #tpu.memory_space<vmem>> -> memref<128xi32, #tpu.memory_space<vmem>>
      %dma_wait3A_182 = arith.constant 0 : i32
      %dma_wait3A_183 = arith.constant 0 : i32
      %dma_wait3A_184 = tpu.memref_slice %arg2[%dma_wait3A_182, %dma_wait3A_183] : memref<10240x128xf32, #tpu.memory_space<hbm>> -> memref<10240x128xf32, #tpu.memory_space<hbm>>
      tpu.wait_indirect_dma semaphore(%arg16 : memref<!tpu.dma_semaphore, #tpu.memory_space<semaphore_mem>>) src(%dma_wait3A_184 : memref<10240x128xf32, #tpu.memory_space<hbm>>) dst(%arg10 : memref<128x128xf32, #tpu.memory_space<vmem>>)
      %dma_start3A_185 = arith.constant 7 : i32
      %dma_start3A_186 = arith.constant 0 : i32
      %dma_start3A_187 = tpu.memref_slice %arg6[%dma_start3A_185, %dma_start3A_186] : memref<8x128xi32, #tpu.memory_space<vmem>> -> memref<1x128xi32, #tpu.memory_space<vmem>>
      %dma_start3A_188 = tpu.memref_squeeze %dma_start3A_187 : memref<1x128xi32, #tpu.memory_space<vmem>> -> memref<128xi32, #tpu.memory_space<vmem>>
      %dma_start3A_189 = arith.constant 0 : i32
      %dma_start3A_190 = arith.constant 0 : i32
      %dma_start3A_191 = tpu.memref_slice %arg2[%dma_start3A_189, %dma_start3A_190] : memref<10240x128xf32, #tpu.memory_space<hbm>> -> memref<10240x128xf32, #tpu.memory_space<hbm>>
      tpu.enqueue_indirect_dma source(%dma_start3A_191 : memref<10240x128xf32, #tpu.memory_space<hbm>>) target(%arg11 : memref<128x128xf32, #tpu.memory_space<vmem>>) offsets(%dma_start3A_188 : memref<128xi32, #tpu.memory_space<vmem>>) semaphore(%arg17 : memref<!tpu.dma_semaphore, #tpu.memory_space<semaphore_mem>>)
      %mul3A_192 = arith.constant 640 : i32
      %mul3A_193 = arith.muli %arg1, %mul3A_192 : i32
      "tpu.region"() ({
        %run_scoped3A = tpu.sem_alloc : memref<!tpu.dma_semaphore, #tpu.memory_space<semaphore_mem>>
        %dma_start3A_361 = arith.constant 0 : i32
        %dma_start3A_362 = tpu.memref_slice %arg13[%mul3A_193, %dma_start3A_361] : memref<10240x128xf32, #tpu.memory_space<vmem_shared>> -> memref<128x128xf32, #tpu.memory_space<vmem_shared>>
        %dma_start3A_363 = arith.constant 0 : i32
        %dma_start3A_364 = tpu.memref_slice %arg13[%mul3A_193, %dma_start3A_363] : memref<10240x128xf32, #tpu.memory_space<vmem_shared>> -> memref<128x128xf32, #tpu.memory_space<vmem_shared>>
        tpu.enqueue_dma source(%arg10 : memref<128x128xf32, #tpu.memory_space<vmem>>) target(%dma_start3A_364 : memref<128x128xf32, #tpu.memory_space<vmem_shared>>) target_semaphore(%run_scoped3A : memref<!tpu.dma_semaphore, #tpu.memory_space<semaphore_mem>>)
        %dma_wait3A_365 = arith.constant 0 : i32
        %dma_wait3A_366 = tpu.memref_slice %arg13[%mul3A_193, %dma_wait3A_365] : memref<10240x128xf32, #tpu.memory_space<vmem_shared>> -> memref<128x128xf32, #tpu.memory_space<vmem_shared>>
        %dma_wait3A_367 = arith.constant 0 : i32
        %dma_wait3A_368 = tpu.memref_slice %arg13[%mul3A_193, %dma_wait3A_367] : memref<10240x128xf32, #tpu.memory_space<vmem_shared>> -> memref<128x128xf32, #tpu.memory_space<vmem_shared>>
        tpu.wait_dma2 semaphore(%run_scoped3A : memref<!tpu.dma_semaphore, #tpu.memory_space<semaphore_mem>>) src(%arg10 : memref<128x128xf32, #tpu.memory_space<vmem>>) dst(%dma_wait3A_368 : memref<128x128xf32, #tpu.memory_space<vmem_shared>>)
        tpu.yield
      }) : () -> ()
      %dma_wait3A_194 = arith.constant 7 : i32
      %dma_wait3A_195 = arith.constant 0 : i32
      %dma_wait3A_196 = tpu.memref_slice %arg6[%dma_wait3A_194, %dma_wait3A_195] : memref<8x128xi32, #tpu.memory_space<vmem>> -> memref<1x128xi32, #tpu.memory_space<vmem>>
      %dma_wait3A_197 = tpu.memref_squeeze %dma_wait3A_196 : memref<1x128xi32, #tpu.memory_space<vmem>> -> memref<128xi32, #tpu.memory_space<vmem>>
      %dma_wait3A_198 = arith.constant 0 : i32
      %dma_wait3A_199 = arith.constant 0 : i32
      %dma_wait3A_200 = tpu.memref_slice %arg2[%dma_wait3A_198, %dma_wait3A_199] : memref<10240x128xf32, #tpu.memory_space<hbm>> -> memref<10240x128xf32, #tpu.memory_space<hbm>>
      tpu.wait_indirect_dma semaphore(%arg17 : memref<!tpu.dma_semaphore, #tpu.memory_space<semaphore_mem>>) src(%dma_wait3A_200 : memref<10240x128xf32, #tpu.memory_space<hbm>>) dst(%arg11 : memref<128x128xf32, #tpu.memory_space<vmem>>)
      %mul3A_201 = arith.constant 640 : i32
      %mul3A_202 = arith.muli %arg1, %mul3A_201 : i32
      %add3A_203 = arith.constant 128 : i32
      %add3A_204 = arith.addi %mul3A_202, %add3A_203 : i32
      "tpu.region"() ({
        %run_scoped3A = tpu.sem_alloc : memref<!tpu.dma_semaphore, #tpu.memory_space<semaphore_mem>>
        %dma_start3A_361 = arith.constant 0 : i32
        %dma_start3A_362 = tpu.memref_slice %arg13[%add3A_204, %dma_start3A_361] : memref<10240x128xf32, #tpu.memory_space<vmem_shared>> -> memref<128x128xf32, #tpu.memory_space<vmem_shared>>
        %dma_start3A_363 = arith.constant 0 : i32
        %dma_start3A_364 = tpu.memref_slice %arg13[%add3A_204, %dma_start3A_363] : memref<10240x128xf32, #tpu.memory_space<vmem_shared>> -> memref<128x128xf32, #tpu.memory_space<vmem_shared>>
        tpu.enqueue_dma source(%arg11 : memref<128x128xf32, #tpu.memory_space<vmem>>) target(%dma_start3A_364 : memref<128x128xf32, #tpu.memory_space<vmem_shared>>) target_semaphore(%run_scoped3A : memref<!tpu.dma_semaphore, #tpu.memory_space<semaphore_mem>>)
        %dma_wait3A_365 = arith.constant 0 : i32
        %dma_wait3A_366 = tpu.memref_slice %arg13[%add3A_204, %dma_wait3A_365] : memref<10240x128xf32, #tpu.memory_space<vmem_shared>> -> memref<128x128xf32, #tpu.memory_space<vmem_shared>>
        %dma_wait3A_367 = arith.constant 0 : i32
        %dma_wait3A_368 = tpu.memref_slice %arg13[%add3A_204, %dma_wait3A_367] : memref<10240x128xf32, #tpu.memory_space<vmem_shared>> -> memref<128x128xf32, #tpu.memory_space<vmem_shared>>
        tpu.wait_dma2 semaphore(%run_scoped3A : memref<!tpu.dma_semaphore, #tpu.memory_space<semaphore_mem>>) src(%arg11 : memref<128x128xf32, #tpu.memory_space<vmem>>) dst(%dma_wait3A_368 : memref<128x128xf32, #tpu.memory_space<vmem_shared>>)
        tpu.yield
      }) : () -> ()
      %add3A_205 = arith.constant 1 : i32
      %add3A_206 = arith.addi %add3A_39, %add3A_205 : i32
      %mul3A_207 = arith.constant 8 : i32
      %mul3A_208 = arith.muli %add3A_206, %mul3A_207 : i32
      %dma_wait3A_209 = arith.constant 0 : i32
      %dma_wait3A_210 = tpu.memref_slice %arg3[%add3A, %mul3A_208, %dma_wait3A_209] : memref<32x80x128xi32, #tpu.memory_space<hbm>> -> memref<1x8x128xi32, #tpu.memory_space<hbm>>
      %dma_wait3A_211 = tpu.memref_squeeze %dma_wait3A_210 : memref<1x8x128xi32, #tpu.memory_space<hbm>> -> memref<8x128xi32, #tpu.memory_space<hbm>>
      %dma_wait3A_212 = arith.constant 0 : i32
      %dma_wait3A_213 = tpu.memref_slice %arg3[%add3A, %mul3A_208, %dma_wait3A_212] : memref<32x80x128xi32, #tpu.memory_space<hbm>> -> memref<1x8x128xi32, #tpu.memory_space<hbm>>
      %dma_wait3A_214 = tpu.memref_squeeze %dma_wait3A_213 : memref<1x8x128xi32, #tpu.memory_space<hbm>> -> memref<8x128xi32, #tpu.memory_space<hbm>>
      tpu.wait_dma2 semaphore(%arg15 : memref<!tpu.dma_semaphore, #tpu.memory_space<semaphore_mem>>) src(%dma_wait3A_214 : memref<8x128xi32, #tpu.memory_space<hbm>>) dst(%arg7 : memref<8x128xi32, #tpu.memory_space<vmem>>)
      %dma_wait3A_215 = arith.constant 0 : i32
      %dma_wait3A_216 = tpu.memref_slice %arg4[%add3A, %mul3A_208, %dma_wait3A_215] : memref<32x80x128xi32, #tpu.memory_space<hbm>> -> memref<1x8x128xi32, #tpu.memory_space<hbm>>
      %dma_wait3A_217 = tpu.memref_squeeze %dma_wait3A_216 : memref<1x8x128xi32, #tpu.memory_space<hbm>> -> memref<8x128xi32, #tpu.memory_space<hbm>>
      %dma_wait3A_218 = arith.constant 0 : i32
      %dma_wait3A_219 = tpu.memref_slice %arg4[%add3A, %mul3A_208, %dma_wait3A_218] : memref<32x80x128xi32, #tpu.memory_space<hbm>> -> memref<1x8x128xi32, #tpu.memory_space<hbm>>
      %dma_wait3A_220 = tpu.memref_squeeze %dma_wait3A_219 : memref<1x8x128xi32, #tpu.memory_space<hbm>> -> memref<8x128xi32, #tpu.memory_space<hbm>>
      tpu.wait_dma2 semaphore(%arg15 : memref<!tpu.dma_semaphore, #tpu.memory_space<semaphore_mem>>) src(%dma_wait3A_220 : memref<8x128xi32, #tpu.memory_space<hbm>>) dst(%arg9 : memref<8x128xi32, #tpu.memory_space<vmem>>)
      %add3A_221 = arith.constant 2 : i32
      %add3A_222 = arith.addi %add3A_39, %add3A_221 : i32
      %lt3A = arith.constant 10 : i32
      %lt3A_223 = arith.cmpi slt, %add3A_222, %lt3A : i32
      %convert_element_type3A = arith.extui %lt3A_223 : i1 to i32
      %cond3A = arith.constant 0 : i32
      %cond3A_224 = arith.cmpi ne, %convert_element_type3A, %cond3A : i32
      scf.if %cond3A_224 {
        %add3A_361 = arith.constant 2 : i32
        %add3A_362 = arith.addi %add3A_39, %add3A_361 : i32
        %mul3A_363 = arith.constant 8 : i32
        %mul3A_364 = arith.muli %add3A_362, %mul3A_363 : i32
        %dma_start3A_365 = arith.constant 0 : i32
        %dma_start3A_366 = tpu.memref_slice %arg3[%add3A, %mul3A_364, %dma_start3A_365] : memref<32x80x128xi32, #tpu.memory_space<hbm>> -> memref<1x8x128xi32, #tpu.memory_space<hbm>>
        %dma_start3A_367 = tpu.memref_squeeze %dma_start3A_366 : memref<1x8x128xi32, #tpu.memory_space<hbm>> -> memref<8x128xi32, #tpu.memory_space<hbm>>
        %dma_start3A_368 = arith.constant 0 : i32
        %dma_start3A_369 = tpu.memref_slice %arg3[%add3A, %mul3A_364, %dma_start3A_368] : memref<32x80x128xi32, #tpu.memory_space<hbm>> -> memref<1x8x128xi32, #tpu.memory_space<hbm>>
        %dma_start3A_370 = tpu.memref_squeeze %dma_start3A_369 : memref<1x8x128xi32, #tpu.memory_space<hbm>> -> memref<8x128xi32, #tpu.memory_space<hbm>>
        tpu.enqueue_dma source(%dma_start3A_370 : memref<8x128xi32, #tpu.memory_space<hbm>>) target(%arg6 : memref<8x128xi32, #tpu.memory_space<vmem>>) target_semaphore(%arg14 : memref<!tpu.dma_semaphore, #tpu.memory_space<semaphore_mem>>)
        %dma_start3A_371 = arith.constant 0 : i32
        %dma_start3A_372 = tpu.memref_slice %arg4[%add3A, %mul3A_364, %dma_start3A_371] : memref<32x80x128xi32, #tpu.memory_space<hbm>> -> memref<1x8x128xi32, #tpu.memory_space<hbm>>
        %dma_start3A_373 = tpu.memref_squeeze %dma_start3A_372 : memref<1x8x128xi32, #tpu.memory_space<hbm>> -> memref<8x128xi32, #tpu.memory_space<hbm>>
        %dma_start3A_374 = arith.constant 0 : i32
        %dma_start3A_375 = tpu.memref_slice %arg4[%add3A, %mul3A_364, %dma_start3A_374] : memref<32x80x128xi32, #tpu.memory_space<hbm>> -> memref<1x8x128xi32, #tpu.memory_space<hbm>>
        %dma_start3A_376 = tpu.memref_squeeze %dma_start3A_375 : memref<1x8x128xi32, #tpu.memory_space<hbm>> -> memref<8x128xi32, #tpu.memory_space<hbm>>
        tpu.enqueue_dma source(%dma_start3A_376 : memref<8x128xi32, #tpu.memory_space<hbm>>) target(%arg8 : memref<8x128xi32, #tpu.memory_space<vmem>>) target_semaphore(%arg14 : memref<!tpu.dma_semaphore, #tpu.memory_space<semaphore_mem>>)
      } else {
      }
      %dma_start3A_225 = arith.constant 0 : i32
      %dma_start3A_226 = arith.constant 0 : i32
      %dma_start3A_227 = tpu.memref_slice %arg7[%dma_start3A_225, %dma_start3A_226] : memref<8x128xi32, #tpu.memory_space<vmem>> -> memref<1x128xi32, #tpu.memory_space<vmem>>
      %dma_start3A_228 = tpu.memref_squeeze %dma_start3A_227 : memref<1x128xi32, #tpu.memory_space<vmem>> -> memref<128xi32, #tpu.memory_space<vmem>>
      %dma_start3A_229 = arith.constant 0 : i32
      %dma_start3A_230 = arith.constant 0 : i32
      %dma_start3A_231 = tpu.memref_slice %arg2[%dma_start3A_229, %dma_start3A_230] : memref<10240x128xf32, #tpu.memory_space<hbm>> -> memref<10240x128xf32, #tpu.memory_space<hbm>>
      tpu.enqueue_indirect_dma source(%dma_start3A_231 : memref<10240x128xf32, #tpu.memory_space<hbm>>) target(%arg10 : memref<128x128xf32, #tpu.memory_space<vmem>>) offsets(%dma_start3A_228 : memref<128xi32, #tpu.memory_space<vmem>>) semaphore(%arg16 : memref<!tpu.dma_semaphore, #tpu.memory_space<semaphore_mem>>)
      %dma_wait3A_232 = arith.constant 0 : i32
      %dma_wait3A_233 = arith.constant 0 : i32
      %dma_wait3A_234 = tpu.memref_slice %arg7[%dma_wait3A_232, %dma_wait3A_233] : memref<8x128xi32, #tpu.memory_space<vmem>> -> memref<1x128xi32, #tpu.memory_space<vmem>>
      %dma_wait3A_235 = tpu.memref_squeeze %dma_wait3A_234 : memref<1x128xi32, #tpu.memory_space<vmem>> -> memref<128xi32, #tpu.memory_space<vmem>>
      %dma_wait3A_236 = arith.constant 0 : i32
      %dma_wait3A_237 = arith.constant 0 : i32
      %dma_wait3A_238 = tpu.memref_slice %arg2[%dma_wait3A_236, %dma_wait3A_237] : memref<10240x128xf32, #tpu.memory_space<hbm>> -> memref<10240x128xf32, #tpu.memory_space<hbm>>
      tpu.wait_indirect_dma semaphore(%arg16 : memref<!tpu.dma_semaphore, #tpu.memory_space<semaphore_mem>>) src(%dma_wait3A_238 : memref<10240x128xf32, #tpu.memory_space<hbm>>) dst(%arg10 : memref<128x128xf32, #tpu.memory_space<vmem>>)
      %dma_start3A_239 = arith.constant 1 : i32
      %dma_start3A_240 = arith.constant 0 : i32
      %dma_start3A_241 = tpu.memref_slice %arg7[%dma_start3A_239, %dma_start3A_240] : memref<8x128xi32, #tpu.memory_space<vmem>> -> memref<1x128xi32, #tpu.memory_space<vmem>>
      %dma_start3A_242 = tpu.memref_squeeze %dma_start3A_241 : memref<1x128xi32, #tpu.memory_space<vmem>> -> memref<128xi32, #tpu.memory_space<vmem>>
      %dma_start3A_243 = arith.constant 0 : i32
      %dma_start3A_244 = arith.constant 0 : i32
      %dma_start3A_245 = tpu.memref_slice %arg2[%dma_start3A_243, %dma_start3A_244] : memref<10240x128xf32, #tpu.memory_space<hbm>> -> memref<10240x128xf32, #tpu.memory_space<hbm>>
      tpu.enqueue_indirect_dma source(%dma_start3A_245 : memref<10240x128xf32, #tpu.memory_space<hbm>>) target(%arg11 : memref<128x128xf32, #tpu.memory_space<vmem>>) offsets(%dma_start3A_242 : memref<128xi32, #tpu.memory_space<vmem>>) semaphore(%arg17 : memref<!tpu.dma_semaphore, #tpu.memory_space<semaphore_mem>>)
      %mul3A_246 = arith.constant 640 : i32
      %mul3A_247 = arith.muli %arg1, %mul3A_246 : i32
      "tpu.region"() ({
        %run_scoped3A = tpu.sem_alloc : memref<!tpu.dma_semaphore, #tpu.memory_space<semaphore_mem>>
        %dma_start3A_361 = arith.constant 0 : i32
        %dma_start3A_362 = tpu.memref_slice %arg13[%mul3A_247, %dma_start3A_361] : memref<10240x128xf32, #tpu.memory_space<vmem_shared>> -> memref<128x128xf32, #tpu.memory_space<vmem_shared>>
        %dma_start3A_363 = arith.constant 0 : i32
        %dma_start3A_364 = tpu.memref_slice %arg13[%mul3A_247, %dma_start3A_363] : memref<10240x128xf32, #tpu.memory_space<vmem_shared>> -> memref<128x128xf32, #tpu.memory_space<vmem_shared>>
        tpu.enqueue_dma source(%arg10 : memref<128x128xf32, #tpu.memory_space<vmem>>) target(%dma_start3A_364 : memref<128x128xf32, #tpu.memory_space<vmem_shared>>) target_semaphore(%run_scoped3A : memref<!tpu.dma_semaphore, #tpu.memory_space<semaphore_mem>>)
        %dma_wait3A_365 = arith.constant 0 : i32
        %dma_wait3A_366 = tpu.memref_slice %arg13[%mul3A_247, %dma_wait3A_365] : memref<10240x128xf32, #tpu.memory_space<vmem_shared>> -> memref<128x128xf32, #tpu.memory_space<vmem_shared>>
        %dma_wait3A_367 = arith.constant 0 : i32
        %dma_wait3A_368 = tpu.memref_slice %arg13[%mul3A_247, %dma_wait3A_367] : memref<10240x128xf32, #tpu.memory_space<vmem_shared>> -> memref<128x128xf32, #tpu.memory_space<vmem_shared>>
        tpu.wait_dma2 semaphore(%run_scoped3A : memref<!tpu.dma_semaphore, #tpu.memory_space<semaphore_mem>>) src(%arg10 : memref<128x128xf32, #tpu.memory_space<vmem>>) dst(%dma_wait3A_368 : memref<128x128xf32, #tpu.memory_space<vmem_shared>>)
        tpu.yield
      }) : () -> ()
      %dma_wait3A_248 = arith.constant 1 : i32
      %dma_wait3A_249 = arith.constant 0 : i32
      %dma_wait3A_250 = tpu.memref_slice %arg7[%dma_wait3A_248, %dma_wait3A_249] : memref<8x128xi32, #tpu.memory_space<vmem>> -> memref<1x128xi32, #tpu.memory_space<vmem>>
      %dma_wait3A_251 = tpu.memref_squeeze %dma_wait3A_250 : memref<1x128xi32, #tpu.memory_space<vmem>> -> memref<128xi32, #tpu.memory_space<vmem>>
      %dma_wait3A_252 = arith.constant 0 : i32
      %dma_wait3A_253 = arith.constant 0 : i32
      %dma_wait3A_254 = tpu.memref_slice %arg2[%dma_wait3A_252, %dma_wait3A_253] : memref<10240x128xf32, #tpu.memory_space<hbm>> -> memref<10240x128xf32, #tpu.memory_space<hbm>>
      tpu.wait_indirect_dma semaphore(%arg17 : memref<!tpu.dma_semaphore, #tpu.memory_space<semaphore_mem>>) src(%dma_wait3A_254 : memref<10240x128xf32, #tpu.memory_space<hbm>>) dst(%arg11 : memref<128x128xf32, #tpu.memory_space<vmem>>)
      %dma_start3A_255 = arith.constant 2 : i32
      %dma_start3A_256 = arith.constant 0 : i32
      %dma_start3A_257 = tpu.memref_slice %arg7[%dma_start3A_255, %dma_start3A_256] : memref<8x128xi32, #tpu.memory_space<vmem>> -> memref<1x128xi32, #tpu.memory_space<vmem>>
      %dma_start3A_258 = tpu.memref_squeeze %dma_start3A_257 : memref<1x128xi32, #tpu.memory_space<vmem>> -> memref<128xi32, #tpu.memory_space<vmem>>
      %dma_start3A_259 = arith.constant 0 : i32
      %dma_start3A_260 = arith.constant 0 : i32
      %dma_start3A_261 = tpu.memref_slice %arg2[%dma_start3A_259, %dma_start3A_260] : memref<10240x128xf32, #tpu.memory_space<hbm>> -> memref<10240x128xf32, #tpu.memory_space<hbm>>
      tpu.enqueue_indirect_dma source(%dma_start3A_261 : memref<10240x128xf32, #tpu.memory_space<hbm>>) target(%arg10 : memref<128x128xf32, #tpu.memory_space<vmem>>) offsets(%dma_start3A_258 : memref<128xi32, #tpu.memory_space<vmem>>) semaphore(%arg16 : memref<!tpu.dma_semaphore, #tpu.memory_space<semaphore_mem>>)
      %mul3A_262 = arith.constant 640 : i32
      %mul3A_263 = arith.muli %arg1, %mul3A_262 : i32
      %add3A_264 = arith.constant 128 : i32
      %add3A_265 = arith.addi %mul3A_263, %add3A_264 : i32
      "tpu.region"() ({
        %run_scoped3A = tpu.sem_alloc : memref<!tpu.dma_semaphore, #tpu.memory_space<semaphore_mem>>
        %dma_start3A_361 = arith.constant 0 : i32
        %dma_start3A_362 = tpu.memref_slice %arg13[%add3A_265, %dma_start3A_361] : memref<10240x128xf32, #tpu.memory_space<vmem_shared>> -> memref<128x128xf32, #tpu.memory_space<vmem_shared>>
        %dma_start3A_363 = arith.constant 0 : i32
        %dma_start3A_364 = tpu.memref_slice %arg13[%add3A_265, %dma_start3A_363] : memref<10240x128xf32, #tpu.memory_space<vmem_shared>> -> memref<128x128xf32, #tpu.memory_space<vmem_shared>>
        tpu.enqueue_dma source(%arg11 : memref<128x128xf32, #tpu.memory_space<vmem>>) target(%dma_start3A_364 : memref<128x128xf32, #tpu.memory_space<vmem_shared>>) target_semaphore(%run_scoped3A : memref<!tpu.dma_semaphore, #tpu.memory_space<semaphore_mem>>)
        %dma_wait3A_365 = arith.constant 0 : i32
        %dma_wait3A_366 = tpu.memref_slice %arg13[%add3A_265, %dma_wait3A_365] : memref<10240x128xf32, #tpu.memory_space<vmem_shared>> -> memref<128x128xf32, #tpu.memory_space<vmem_shared>>
        %dma_wait3A_367 = arith.constant 0 : i32
        %dma_wait3A_368 = tpu.memref_slice %arg13[%add3A_265, %dma_wait3A_367] : memref<10240x128xf32, #tpu.memory_space<vmem_shared>> -> memref<128x128xf32, #tpu.memory_space<vmem_shared>>
        tpu.wait_dma2 semaphore(%run_scoped3A : memref<!tpu.dma_semaphore, #tpu.memory_space<semaphore_mem>>) src(%arg11 : memref<128x128xf32, #tpu.memory_space<vmem>>) dst(%dma_wait3A_368 : memref<128x128xf32, #tpu.memory_space<vmem_shared>>)
        tpu.yield
      }) : () -> ()
      %dma_wait3A_266 = arith.constant 2 : i32
      %dma_wait3A_267 = arith.constant 0 : i32
      %dma_wait3A_268 = tpu.memref_slice %arg7[%dma_wait3A_266, %dma_wait3A_267] : memref<8x128xi32, #tpu.memory_space<vmem>> -> memref<1x128xi32, #tpu.memory_space<vmem>>
      %dma_wait3A_269 = tpu.memref_squeeze %dma_wait3A_268 : memref<1x128xi32, #tpu.memory_space<vmem>> -> memref<128xi32, #tpu.memory_space<vmem>>
      %dma_wait3A_270 = arith.constant 0 : i32
      %dma_wait3A_271 = arith.constant 0 : i32
      %dma_wait3A_272 = tpu.memref_slice %arg2[%dma_wait3A_270, %dma_wait3A_271] : memref<10240x128xf32, #tpu.memory_space<hbm>> -> memref<10240x128xf32, #tpu.memory_space<hbm>>
      tpu.wait_indirect_dma semaphore(%arg16 : memref<!tpu.dma_semaphore, #tpu.memory_space<semaphore_mem>>) src(%dma_wait3A_272 : memref<10240x128xf32, #tpu.memory_space<hbm>>) dst(%arg10 : memref<128x128xf32, #tpu.memory_space<vmem>>)
      %dma_start3A_273 = arith.constant 3 : i32
      %dma_start3A_274 = arith.constant 0 : i32
      %dma_start3A_275 = tpu.memref_slice %arg7[%dma_start3A_273, %dma_start3A_274] : memref<8x128xi32, #tpu.memory_space<vmem>> -> memref<1x128xi32, #tpu.memory_space<vmem>>
      %dma_start3A_276 = tpu.memref_squeeze %dma_start3A_275 : memref<1x128xi32, #tpu.memory_space<vmem>> -> memref<128xi32, #tpu.memory_space<vmem>>
      %dma_start3A_277 = arith.constant 0 : i32
      %dma_start3A_278 = arith.constant 0 : i32
      %dma_start3A_279 = tpu.memref_slice %arg2[%dma_start3A_277, %dma_start3A_278] : memref<10240x128xf32, #tpu.memory_space<hbm>> -> memref<10240x128xf32, #tpu.memory_space<hbm>>
      tpu.enqueue_indirect_dma source(%dma_start3A_279 : memref<10240x128xf32, #tpu.memory_space<hbm>>) target(%arg11 : memref<128x128xf32, #tpu.memory_space<vmem>>) offsets(%dma_start3A_276 : memref<128xi32, #tpu.memory_space<vmem>>) semaphore(%arg17 : memref<!tpu.dma_semaphore, #tpu.memory_space<semaphore_mem>>)
      %mul3A_280 = arith.constant 640 : i32
      %mul3A_281 = arith.muli %arg1, %mul3A_280 : i32
      "tpu.region"() ({
        %run_scoped3A = tpu.sem_alloc : memref<!tpu.dma_semaphore, #tpu.memory_space<semaphore_mem>>
        %dma_start3A_361 = arith.constant 0 : i32
        %dma_start3A_362 = tpu.memref_slice %arg13[%mul3A_281, %dma_start3A_361] : memref<10240x128xf32, #tpu.memory_space<vmem_shared>> -> memref<128x128xf32, #tpu.memory_space<vmem_shared>>
        %dma_start3A_363 = arith.constant 0 : i32
        %dma_start3A_364 = tpu.memref_slice %arg13[%mul3A_281, %dma_start3A_363] : memref<10240x128xf32, #tpu.memory_space<vmem_shared>> -> memref<128x128xf32, #tpu.memory_space<vmem_shared>>
        tpu.enqueue_dma source(%arg10 : memref<128x128xf32, #tpu.memory_space<vmem>>) target(%dma_start3A_364 : memref<128x128xf32, #tpu.memory_space<vmem_shared>>) target_semaphore(%run_scoped3A : memref<!tpu.dma_semaphore, #tpu.memory_space<semaphore_mem>>)
        %dma_wait3A_365 = arith.constant 0 : i32
        %dma_wait3A_366 = tpu.memref_slice %arg13[%mul3A_281, %dma_wait3A_365] : memref<10240x128xf32, #tpu.memory_space<vmem_shared>> -> memref<128x128xf32, #tpu.memory_space<vmem_shared>>
        %dma_wait3A_367 = arith.constant 0 : i32
        %dma_wait3A_368 = tpu.memref_slice %arg13[%mul3A_281, %dma_wait3A_367] : memref<10240x128xf32, #tpu.memory_space<vmem_shared>> -> memref<128x128xf32, #tpu.memory_space<vmem_shared>>
        tpu.wait_dma2 semaphore(%run_scoped3A : memref<!tpu.dma_semaphore, #tpu.memory_space<semaphore_mem>>) src(%arg10 : memref<128x128xf32, #tpu.memory_space<vmem>>) dst(%dma_wait3A_368 : memref<128x128xf32, #tpu.memory_space<vmem_shared>>)
        tpu.yield
      }) : () -> ()
      %dma_wait3A_282 = arith.constant 3 : i32
      %dma_wait3A_283 = arith.constant 0 : i32
      %dma_wait3A_284 = tpu.memref_slice %arg7[%dma_wait3A_282, %dma_wait3A_283] : memref<8x128xi32, #tpu.memory_space<vmem>> -> memref<1x128xi32, #tpu.memory_space<vmem>>
      %dma_wait3A_285 = tpu.memref_squeeze %dma_wait3A_284 : memref<1x128xi32, #tpu.memory_space<vmem>> -> memref<128xi32, #tpu.memory_space<vmem>>
      %dma_wait3A_286 = arith.constant 0 : i32
      %dma_wait3A_287 = arith.constant 0 : i32
      %dma_wait3A_288 = tpu.memref_slice %arg2[%dma_wait3A_286, %dma_wait3A_287] : memref<10240x128xf32, #tpu.memory_space<hbm>> -> memref<10240x128xf32, #tpu.memory_space<hbm>>
      tpu.wait_indirect_dma semaphore(%arg17 : memref<!tpu.dma_semaphore, #tpu.memory_space<semaphore_mem>>) src(%dma_wait3A_288 : memref<10240x128xf32, #tpu.memory_space<hbm>>) dst(%arg11 : memref<128x128xf32, #tpu.memory_space<vmem>>)
      %dma_start3A_289 = arith.constant 4 : i32
      %dma_start3A_290 = arith.constant 0 : i32
      %dma_start3A_291 = tpu.memref_slice %arg7[%dma_start3A_289, %dma_start3A_290] : memref<8x128xi32, #tpu.memory_space<vmem>> -> memref<1x128xi32, #tpu.memory_space<vmem>>
      %dma_start3A_292 = tpu.memref_squeeze %dma_start3A_291 : memref<1x128xi32, #tpu.memory_space<vmem>> -> memref<128xi32, #tpu.memory_space<vmem>>
      %dma_start3A_293 = arith.constant 0 : i32
      %dma_start3A_294 = arith.constant 0 : i32
      %dma_start3A_295 = tpu.memref_slice %arg2[%dma_start3A_293, %dma_start3A_294] : memref<10240x128xf32, #tpu.memory_space<hbm>> -> memref<10240x128xf32, #tpu.memory_space<hbm>>
      tpu.enqueue_indirect_dma source(%dma_start3A_295 : memref<10240x128xf32, #tpu.memory_space<hbm>>) target(%arg10 : memref<128x128xf32, #tpu.memory_space<vmem>>) offsets(%dma_start3A_292 : memref<128xi32, #tpu.memory_space<vmem>>) semaphore(%arg16 : memref<!tpu.dma_semaphore, #tpu.memory_space<semaphore_mem>>)
      %mul3A_296 = arith.constant 640 : i32
      %mul3A_297 = arith.muli %arg1, %mul3A_296 : i32
      %add3A_298 = arith.constant 128 : i32
      %add3A_299 = arith.addi %mul3A_297, %add3A_298 : i32
      "tpu.region"() ({
        %run_scoped3A = tpu.sem_alloc : memref<!tpu.dma_semaphore, #tpu.memory_space<semaphore_mem>>
        %dma_start3A_361 = arith.constant 0 : i32
        %dma_start3A_362 = tpu.memref_slice %arg13[%add3A_299, %dma_start3A_361] : memref<10240x128xf32, #tpu.memory_space<vmem_shared>> -> memref<128x128xf32, #tpu.memory_space<vmem_shared>>
        %dma_start3A_363 = arith.constant 0 : i32
        %dma_start3A_364 = tpu.memref_slice %arg13[%add3A_299, %dma_start3A_363] : memref<10240x128xf32, #tpu.memory_space<vmem_shared>> -> memref<128x128xf32, #tpu.memory_space<vmem_shared>>
        tpu.enqueue_dma source(%arg11 : memref<128x128xf32, #tpu.memory_space<vmem>>) target(%dma_start3A_364 : memref<128x128xf32, #tpu.memory_space<vmem_shared>>) target_semaphore(%run_scoped3A : memref<!tpu.dma_semaphore, #tpu.memory_space<semaphore_mem>>)
        %dma_wait3A_365 = arith.constant 0 : i32
        %dma_wait3A_366 = tpu.memref_slice %arg13[%add3A_299, %dma_wait3A_365] : memref<10240x128xf32, #tpu.memory_space<vmem_shared>> -> memref<128x128xf32, #tpu.memory_space<vmem_shared>>
        %dma_wait3A_367 = arith.constant 0 : i32
        %dma_wait3A_368 = tpu.memref_slice %arg13[%add3A_299, %dma_wait3A_367] : memref<10240x128xf32, #tpu.memory_space<vmem_shared>> -> memref<128x128xf32, #tpu.memory_space<vmem_shared>>
        tpu.wait_dma2 semaphore(%run_scoped3A : memref<!tpu.dma_semaphore, #tpu.memory_space<semaphore_mem>>) src(%arg11 : memref<128x128xf32, #tpu.memory_space<vmem>>) dst(%dma_wait3A_368 : memref<128x128xf32, #tpu.memory_space<vmem_shared>>)
        tpu.yield
      }) : () -> ()
      %dma_wait3A_300 = arith.constant 4 : i32
      %dma_wait3A_301 = arith.constant 0 : i32
      %dma_wait3A_302 = tpu.memref_slice %arg7[%dma_wait3A_300, %dma_wait3A_301] : memref<8x128xi32, #tpu.memory_space<vmem>> -> memref<1x128xi32, #tpu.memory_space<vmem>>
      %dma_wait3A_303 = tpu.memref_squeeze %dma_wait3A_302 : memref<1x128xi32, #tpu.memory_space<vmem>> -> memref<128xi32, #tpu.memory_space<vmem>>
      %dma_wait3A_304 = arith.constant 0 : i32
      %dma_wait3A_305 = arith.constant 0 : i32
      %dma_wait3A_306 = tpu.memref_slice %arg2[%dma_wait3A_304, %dma_wait3A_305] : memref<10240x128xf32, #tpu.memory_space<hbm>> -> memref<10240x128xf32, #tpu.memory_space<hbm>>
      tpu.wait_indirect_dma semaphore(%arg16 : memref<!tpu.dma_semaphore, #tpu.memory_space<semaphore_mem>>) src(%dma_wait3A_306 : memref<10240x128xf32, #tpu.memory_space<hbm>>) dst(%arg10 : memref<128x128xf32, #tpu.memory_space<vmem>>)
      %dma_start3A_307 = arith.constant 5 : i32
      %dma_start3A_308 = arith.constant 0 : i32
      %dma_start3A_309 = tpu.memref_slice %arg7[%dma_start3A_307, %dma_start3A_308] : memref<8x128xi32, #tpu.memory_space<vmem>> -> memref<1x128xi32, #tpu.memory_space<vmem>>
      %dma_start3A_310 = tpu.memref_squeeze %dma_start3A_309 : memref<1x128xi32, #tpu.memory_space<vmem>> -> memref<128xi32, #tpu.memory_space<vmem>>
      %dma_start3A_311 = arith.constant 0 : i32
      %dma_start3A_312 = arith.constant 0 : i32
      %dma_start3A_313 = tpu.memref_slice %arg2[%dma_start3A_311, %dma_start3A_312] : memref<10240x128xf32, #tpu.memory_space<hbm>> -> memref<10240x128xf32, #tpu.memory_space<hbm>>
      tpu.enqueue_indirect_dma source(%dma_start3A_313 : memref<10240x128xf32, #tpu.memory_space<hbm>>) target(%arg11 : memref<128x128xf32, #tpu.memory_space<vmem>>) offsets(%dma_start3A_310 : memref<128xi32, #tpu.memory_space<vmem>>) semaphore(%arg17 : memref<!tpu.dma_semaphore, #tpu.memory_space<semaphore_mem>>)
      %mul3A_314 = arith.constant 640 : i32
      %mul3A_315 = arith.muli %arg1, %mul3A_314 : i32
      "tpu.region"() ({
        %run_scoped3A = tpu.sem_alloc : memref<!tpu.dma_semaphore, #tpu.memory_space<semaphore_mem>>
        %dma_start3A_361 = arith.constant 0 : i32
        %dma_start3A_362 = tpu.memref_slice %arg13[%mul3A_315, %dma_start3A_361] : memref<10240x128xf32, #tpu.memory_space<vmem_shared>> -> memref<128x128xf32, #tpu.memory_space<vmem_shared>>
        %dma_start3A_363 = arith.constant 0 : i32
        %dma_start3A_364 = tpu.memref_slice %arg13[%mul3A_315, %dma_start3A_363] : memref<10240x128xf32, #tpu.memory_space<vmem_shared>> -> memref<128x128xf32, #tpu.memory_space<vmem_shared>>
        tpu.enqueue_dma source(%arg10 : memref<128x128xf32, #tpu.memory_space<vmem>>) target(%dma_start3A_364 : memref<128x128xf32, #tpu.memory_space<vmem_shared>>) target_semaphore(%run_scoped3A : memref<!tpu.dma_semaphore, #tpu.memory_space<semaphore_mem>>)
        %dma_wait3A_365 = arith.constant 0 : i32
        %dma_wait3A_366 = tpu.memref_slice %arg13[%mul3A_315, %dma_wait3A_365] : memref<10240x128xf32, #tpu.memory_space<vmem_shared>> -> memref<128x128xf32, #tpu.memory_space<vmem_shared>>
        %dma_wait3A_367 = arith.constant 0 : i32
        %dma_wait3A_368 = tpu.memref_slice %arg13[%mul3A_315, %dma_wait3A_367] : memref<10240x128xf32, #tpu.memory_space<vmem_shared>> -> memref<128x128xf32, #tpu.memory_space<vmem_shared>>
        tpu.wait_dma2 semaphore(%run_scoped3A : memref<!tpu.dma_semaphore, #tpu.memory_space<semaphore_mem>>) src(%arg10 : memref<128x128xf32, #tpu.memory_space<vmem>>) dst(%dma_wait3A_368 : memref<128x128xf32, #tpu.memory_space<vmem_shared>>)
        tpu.yield
      }) : () -> ()
      %dma_wait3A_316 = arith.constant 5 : i32
      %dma_wait3A_317 = arith.constant 0 : i32
      %dma_wait3A_318 = tpu.memref_slice %arg7[%dma_wait3A_316, %dma_wait3A_317] : memref<8x128xi32, #tpu.memory_space<vmem>> -> memref<1x128xi32, #tpu.memory_space<vmem>>
      %dma_wait3A_319 = tpu.memref_squeeze %dma_wait3A_318 : memref<1x128xi32, #tpu.memory_space<vmem>> -> memref<128xi32, #tpu.memory_space<vmem>>
      %dma_wait3A_320 = arith.constant 0 : i32
      %dma_wait3A_321 = arith.constant 0 : i32
      %dma_wait3A_322 = tpu.memref_slice %arg2[%dma_wait3A_320, %dma_wait3A_321] : memref<10240x128xf32, #tpu.memory_space<hbm>> -> memref<10240x128xf32, #tpu.memory_space<hbm>>
      tpu.wait_indirect_dma semaphore(%arg17 : memref<!tpu.dma_semaphore, #tpu.memory_space<semaphore_mem>>) src(%dma_wait3A_322 : memref<10240x128xf32, #tpu.memory_space<hbm>>) dst(%arg11 : memref<128x128xf32, #tpu.memory_space<vmem>>)
      %dma_start3A_323 = arith.constant 6 : i32
      %dma_start3A_324 = arith.constant 0 : i32
      %dma_start3A_325 = tpu.memref_slice %arg7[%dma_start3A_323, %dma_start3A_324] : memref<8x128xi32, #tpu.memory_space<vmem>> -> memref<1x128xi32, #tpu.memory_space<vmem>>
      %dma_start3A_326 = tpu.memref_squeeze %dma_start3A_325 : memref<1x128xi32, #tpu.memory_space<vmem>> -> memref<128xi32, #tpu.memory_space<vmem>>
      %dma_start3A_327 = arith.constant 0 : i32
      %dma_start3A_328 = arith.constant 0 : i32
      %dma_start3A_329 = tpu.memref_slice %arg2[%dma_start3A_327, %dma_start3A_328] : memref<10240x128xf32, #tpu.memory_space<hbm>> -> memref<10240x128xf32, #tpu.memory_space<hbm>>
      tpu.enqueue_indirect_dma source(%dma_start3A_329 : memref<10240x128xf32, #tpu.memory_space<hbm>>) target(%arg10 : memref<128x128xf32, #tpu.memory_space<vmem>>) offsets(%dma_start3A_326 : memref<128xi32, #tpu.memory_space<vmem>>) semaphore(%arg16 : memref<!tpu.dma_semaphore, #tpu.memory_space<semaphore_mem>>)
      %mul3A_330 = arith.constant 640 : i32
      %mul3A_331 = arith.muli %arg1, %mul3A_330 : i32
      %add3A_332 = arith.constant 128 : i32
      %add3A_333 = arith.addi %mul3A_331, %add3A_332 : i32
      "tpu.region"() ({
        %run_scoped3A = tpu.sem_alloc : memref<!tpu.dma_semaphore, #tpu.memory_space<semaphore_mem>>
        %dma_start3A_361 = arith.constant 0 : i32
        %dma_start3A_362 = tpu.memref_slice %arg13[%add3A_333, %dma_start3A_361] : memref<10240x128xf32, #tpu.memory_space<vmem_shared>> -> memref<128x128xf32, #tpu.memory_space<vmem_shared>>
        %dma_start3A_363 = arith.constant 0 : i32
        %dma_start3A_364 = tpu.memref_slice %arg13[%add3A_333, %dma_start3A_363] : memref<10240x128xf32, #tpu.memory_space<vmem_shared>> -> memref<128x128xf32, #tpu.memory_space<vmem_shared>>
        tpu.enqueue_dma source(%arg11 : memref<128x128xf32, #tpu.memory_space<vmem>>) target(%dma_start3A_364 : memref<128x128xf32, #tpu.memory_space<vmem_shared>>) target_semaphore(%run_scoped3A : memref<!tpu.dma_semaphore, #tpu.memory_space<semaphore_mem>>)
        %dma_wait3A_365 = arith.constant 0 : i32
        %dma_wait3A_366 = tpu.memref_slice %arg13[%add3A_333, %dma_wait3A_365] : memref<10240x128xf32, #tpu.memory_space<vmem_shared>> -> memref<128x128xf32, #tpu.memory_space<vmem_shared>>
        %dma_wait3A_367 = arith.constant 0 : i32
        %dma_wait3A_368 = tpu.memref_slice %arg13[%add3A_333, %dma_wait3A_367] : memref<10240x128xf32, #tpu.memory_space<vmem_shared>> -> memref<128x128xf32, #tpu.memory_space<vmem_shared>>
        tpu.wait_dma2 semaphore(%run_scoped3A : memref<!tpu.dma_semaphore, #tpu.memory_space<semaphore_mem>>) src(%arg11 : memref<128x128xf32, #tpu.memory_space<vmem>>) dst(%dma_wait3A_368 : memref<128x128xf32, #tpu.memory_space<vmem_shared>>)
        tpu.yield
      }) : () -> ()
      %dma_wait3A_334 = arith.constant 6 : i32
      %dma_wait3A_335 = arith.constant 0 : i32
      %dma_wait3A_336 = tpu.memref_slice %arg7[%dma_wait3A_334, %dma_wait3A_335] : memref<8x128xi32, #tpu.memory_space<vmem>> -> memref<1x128xi32, #tpu.memory_space<vmem>>
      %dma_wait3A_337 = tpu.memref_squeeze %dma_wait3A_336 : memref<1x128xi32, #tpu.memory_space<vmem>> -> memref<128xi32, #tpu.memory_space<vmem>>
      %dma_wait3A_338 = arith.constant 0 : i32
      %dma_wait3A_339 = arith.constant 0 : i32
      %dma_wait3A_340 = tpu.memref_slice %arg2[%dma_wait3A_338, %dma_wait3A_339] : memref<10240x128xf32, #tpu.memory_space<hbm>> -> memref<10240x128xf32, #tpu.memory_space<hbm>>
      tpu.wait_indirect_dma semaphore(%arg16 : memref<!tpu.dma_semaphore, #tpu.memory_space<semaphore_mem>>) src(%dma_wait3A_340 : memref<10240x128xf32, #tpu.memory_space<hbm>>) dst(%arg10 : memref<128x128xf32, #tpu.memory_space<vmem>>)
      %dma_start3A_341 = arith.constant 7 : i32
      %dma_start3A_342 = arith.constant 0 : i32
      %dma_start3A_343 = tpu.memref_slice %arg7[%dma_start3A_341, %dma_start3A_342] : memref<8x128xi32, #tpu.memory_space<vmem>> -> memref<1x128xi32, #tpu.memory_space<vmem>>
      %dma_start3A_344 = tpu.memref_squeeze %dma_start3A_343 : memref<1x128xi32, #tpu.memory_space<vmem>> -> memref<128xi32, #tpu.memory_space<vmem>>
      %dma_start3A_345 = arith.constant 0 : i32
      %dma_start3A_346 = arith.constant 0 : i32
      %dma_start3A_347 = tpu.memref_slice %arg2[%dma_start3A_345, %dma_start3A_346] : memref<10240x128xf32, #tpu.memory_space<hbm>> -> memref<10240x128xf32, #tpu.memory_space<hbm>>
      tpu.enqueue_indirect_dma source(%dma_start3A_347 : memref<10240x128xf32, #tpu.memory_space<hbm>>) target(%arg11 : memref<128x128xf32, #tpu.memory_space<vmem>>) offsets(%dma_start3A_344 : memref<128xi32, #tpu.memory_space<vmem>>) semaphore(%arg17 : memref<!tpu.dma_semaphore, #tpu.memory_space<semaphore_mem>>)
      %mul3A_348 = arith.constant 640 : i32
      %mul3A_349 = arith.muli %arg1, %mul3A_348 : i32
      "tpu.region"() ({
        %run_scoped3A = tpu.sem_alloc : memref<!tpu.dma_semaphore, #tpu.memory_space<semaphore_mem>>
        %dma_start3A_361 = arith.constant 0 : i32
        %dma_start3A_362 = tpu.memref_slice %arg13[%mul3A_349, %dma_start3A_361] : memref<10240x128xf32, #tpu.memory_space<vmem_shared>> -> memref<128x128xf32, #tpu.memory_space<vmem_shared>>
        %dma_start3A_363 = arith.constant 0 : i32
        %dma_start3A_364 = tpu.memref_slice %arg13[%mul3A_349, %dma_start3A_363] : memref<10240x128xf32, #tpu.memory_space<vmem_shared>> -> memref<128x128xf32, #tpu.memory_space<vmem_shared>>
        tpu.enqueue_dma source(%arg10 : memref<128x128xf32, #tpu.memory_space<vmem>>) target(%dma_start3A_364 : memref<128x128xf32, #tpu.memory_space<vmem_shared>>) target_semaphore(%run_scoped3A : memref<!tpu.dma_semaphore, #tpu.memory_space<semaphore_mem>>)
        %dma_wait3A_365 = arith.constant 0 : i32
        %dma_wait3A_366 = tpu.memref_slice %arg13[%mul3A_349, %dma_wait3A_365] : memref<10240x128xf32, #tpu.memory_space<vmem_shared>> -> memref<128x128xf32, #tpu.memory_space<vmem_shared>>
        %dma_wait3A_367 = arith.constant 0 : i32
        %dma_wait3A_368 = tpu.memref_slice %arg13[%mul3A_349, %dma_wait3A_367] : memref<10240x128xf32, #tpu.memory_space<vmem_shared>> -> memref<128x128xf32, #tpu.memory_space<vmem_shared>>
        tpu.wait_dma2 semaphore(%run_scoped3A : memref<!tpu.dma_semaphore, #tpu.memory_space<semaphore_mem>>) src(%arg10 : memref<128x128xf32, #tpu.memory_space<vmem>>) dst(%dma_wait3A_368 : memref<128x128xf32, #tpu.memory_space<vmem_shared>>)
        tpu.yield
      }) : () -> ()
      %dma_wait3A_350 = arith.constant 7 : i32
      %dma_wait3A_351 = arith.constant 0 : i32
      %dma_wait3A_352 = tpu.memref_slice %arg7[%dma_wait3A_350, %dma_wait3A_351] : memref<8x128xi32, #tpu.memory_space<vmem>> -> memref<1x128xi32, #tpu.memory_space<vmem>>
      %dma_wait3A_353 = tpu.memref_squeeze %dma_wait3A_352 : memref<1x128xi32, #tpu.memory_space<vmem>> -> memref<128xi32, #tpu.memory_space<vmem>>
      %dma_wait3A_354 = arith.constant 0 : i32
      %dma_wait3A_355 = arith.constant 0 : i32
      %dma_wait3A_356 = tpu.memref_slice %arg2[%dma_wait3A_354, %dma_wait3A_355] : memref<10240x128xf32, #tpu.memory_space<hbm>> -> memref<10240x128xf32, #tpu.memory_space<hbm>>
      tpu.wait_indirect_dma semaphore(%arg17 : memref<!tpu.dma_semaphore, #tpu.memory_space<semaphore_mem>>) src(%dma_wait3A_356 : memref<10240x128xf32, #tpu.memory_space<hbm>>) dst(%arg11 : memref<128x128xf32, #tpu.memory_space<vmem>>)
      %mul3A_357 = arith.constant 640 : i32
      %mul3A_358 = arith.muli %arg1, %mul3A_357 : i32
      %add3A_359 = arith.constant 128 : i32
      %add3A_360 = arith.addi %mul3A_358, %add3A_359 : i32
      "tpu.region"() ({
        %run_scoped3A = tpu.sem_alloc : memref<!tpu.dma_semaphore, #tpu.memory_space<semaphore_mem>>
        %dma_start3A_361 = arith.constant 0 : i32
        %dma_start3A_362 = tpu.memref_slice %arg13[%add3A_360, %dma_start3A_361] : memref<10240x128xf32, #tpu.memory_space<vmem_shared>> -> memref<128x128xf32, #tpu.memory_space<vmem_shared>>
        %dma_start3A_363 = arith.constant 0 : i32
        %dma_start3A_364 = tpu.memref_slice %arg13[%add3A_360, %dma_start3A_363] : memref<10240x128xf32, #tpu.memory_space<vmem_shared>> -> memref<128x128xf32, #tpu.memory_space<vmem_shared>>
        tpu.enqueue_dma source(%arg11 : memref<128x128xf32, #tpu.memory_space<vmem>>) target(%dma_start3A_364 : memref<128x128xf32, #tpu.memory_space<vmem_shared>>) target_semaphore(%run_scoped3A : memref<!tpu.dma_semaphore, #tpu.memory_space<semaphore_mem>>)
        %dma_wait3A_365 = arith.constant 0 : i32
        %dma_wait3A_366 = tpu.memref_slice %arg13[%add3A_360, %dma_wait3A_365] : memref<10240x128xf32, #tpu.memory_space<vmem_shared>> -> memref<128x128xf32, #tpu.memory_space<vmem_shared>>
        %dma_wait3A_367 = arith.constant 0 : i32
        %dma_wait3A_368 = tpu.memref_slice %arg13[%add3A_360, %dma_wait3A_367] : memref<10240x128xf32, #tpu.memory_space<vmem_shared>> -> memref<128x128xf32, #tpu.memory_space<vmem_shared>>
        tpu.wait_dma2 semaphore(%run_scoped3A : memref<!tpu.dma_semaphore, #tpu.memory_space<semaphore_mem>>) src(%arg11 : memref<128x128xf32, #tpu.memory_space<vmem>>) dst(%dma_wait3A_368 : memref<128x128xf32, #tpu.memory_space<vmem_shared>>)
        tpu.yield
      }) : () -> ()
    }
    %scan3A_31 = arith.constant 5 : i32
    %barrier3A_32 = arith.constant 0 : index
    tpu.barrier barrier_id(%barrier3A_32)
    %mul3A_33 = arith.constant 640 : i32
    %mul3A_34 = arith.muli %arg1, %mul3A_33 : i32
    "tpu.region"() ({
      %run_scoped3A = tpu.sem_alloc : memref<!tpu.dma_semaphore, #tpu.memory_space<semaphore_mem>>
      %dma_start3A_35 = arith.constant 0 : i32
      %dma_start3A_36 = tpu.memref_slice %arg5[%arg0, %mul3A_34, %dma_start3A_35] : memref<2x10240x128xf32, #tpu.memory_space<hbm>> -> memref<1x640x128xf32, #tpu.memory_space<hbm>>
      %dma_start3A_37 = tpu.memref_squeeze %dma_start3A_36 : memref<1x640x128xf32, #tpu.memory_space<hbm>> -> memref<640x128xf32, #tpu.memory_space<hbm>>
      %dma_start3A_38 = arith.constant 0 : i32
      %dma_start3A_39 = tpu.memref_slice %arg13[%mul3A_34, %dma_start3A_38] : memref<10240x128xf32, #tpu.memory_space<vmem_shared>> -> memref<640x128xf32, #tpu.memory_space<vmem_shared>>
      tpu.enqueue_dma source(%dma_start3A_39 : memref<640x128xf32, #tpu.memory_space<vmem_shared>>) target(%dma_start3A_37 : memref<640x128xf32, #tpu.memory_space<hbm>>) target_semaphore(%run_scoped3A : memref<!tpu.dma_semaphore, #tpu.memory_space<semaphore_mem>>)
      %dma_wait3A = arith.constant 0 : i32
      %dma_wait3A_40 = tpu.memref_slice %arg5[%arg0, %mul3A_34, %dma_wait3A] : memref<2x10240x128xf32, #tpu.memory_space<hbm>> -> memref<1x640x128xf32, #tpu.memory_space<hbm>>
      %dma_wait3A_41 = tpu.memref_squeeze %dma_wait3A_40 : memref<1x640x128xf32, #tpu.memory_space<hbm>> -> memref<640x128xf32, #tpu.memory_space<hbm>>
      %dma_wait3A_42 = arith.constant 0 : i32
      %dma_wait3A_43 = tpu.memref_slice %arg13[%mul3A_34, %dma_wait3A_42] : memref<10240x128xf32, #tpu.memory_space<vmem_shared>> -> memref<640x128xf32, #tpu.memory_space<vmem_shared>>
      tpu.wait_dma2 semaphore(%run_scoped3A : memref<!tpu.dma_semaphore, #tpu.memory_space<semaphore_mem>>) src(%dma_wait3A_43 : memref<640x128xf32, #tpu.memory_space<vmem_shared>>) dst(%dma_wait3A_41 : memref<640x128xf32, #tpu.memory_space<hbm>>)
      tpu.yield
    }) : () -> ()
    return
  }
}

module attributes {stable_mosaic.version = 14 : i64} {
  func.func @_y1_body(%arg0: memref<10240x128xf32, #tpu.memory_space<vmem>>, %arg1: memref<128x128xf32, #tpu.memory_space<vmem>>, %arg2: memref<10240x2xf32, #tpu.memory_space<vmem>>, %arg3: memref<10240x128xf32, #tpu.memory_space<vmem>>) attributes {dimension_semantics = [], scalar_prefetch = 0 : i64, scratch_operands = 0 : i64, tpu.core_type = #tpu.core_type<tc>} {
    %get3A = arith.constant 0 : index
    %get3A_0 = arith.constant 0 : index
    %get3A_1 = vector.load %arg0[%get3A, %get3A_0] : memref<10240x128xf32, #tpu.memory_space<vmem>>, vector<10240x128xf32>
    %get3A_2 = arith.constant 0 : index
    %get3A_3 = arith.constant 0 : index
    %get3A_4 = vector.load %arg1[%get3A_2, %get3A_3] : memref<128x128xf32, #tpu.memory_space<vmem>>, vector<128x128xf32>
    %dot_general3A = arith.constant dense<0.000000e+00> : vector<10240x128xf32>
    %dot_general3A_5 = tpu.matmul %get3A_1, %get3A_4, %dot_general3A {dimension_numbers = #tpu.dot_dimension_numbers<[1], [0], [0], [1], [0, 0, 1, 1], [], []>, precision = #tpu.contract_precision<fp32>, transpose_lhs_hint = false} : vector<10240x128xf32>, vector<128x128xf32>, vector<10240x128xf32> -> vector<10240x128xf32>
    %get3A_6 = arith.constant 0 : index
    %get3A_7 = arith.constant 0 : index
    %get3A_8 = vector.load %arg2[%get3A_6, %get3A_7] : memref<10240x2xf32, #tpu.memory_space<vmem>>, vector<10240x1xf32>
    %get3A_9 = arith.constant 0 : index
    %get3A_10 = arith.constant 1 : index
    %get3A_11 = vector.load %arg2[%get3A_9, %get3A_10] : memref<10240x2xf32, #tpu.memory_space<vmem>>, vector<10240x1xf32>
    %add3A = arith.addf %get3A_8, %get3A_11 : vector<10240x1xf32>
    %add3A_12 = arith.constant 1.000000e+00 : f32
    %add3A_13 = vector.broadcast %add3A_12 : f32 to vector<10240x1xf32>
    %add3A_14 = arith.addf %add3A, %add3A_13 : vector<10240x1xf32>
    %rsqrt3A = math.rsqrt %add3A_14 : vector<10240x1xf32>
    %mul3A = vector.broadcast %rsqrt3A : vector<10240x1xf32> to vector<10240x128xf32>
    %mul3A_15 = arith.mulf %dot_general3A_5, %mul3A : vector<10240x128xf32>
    %swap3A = arith.constant 0 : index
    %swap3A_16 = arith.constant 0 : index
    %swap3A_17 = vector.load %arg3[%swap3A, %swap3A_16] : memref<10240x128xf32, #tpu.memory_space<vmem>>, vector<10240x128xf32>
    tpu.vector_store %arg3[%swap3A, %swap3A_16], %mul3A_15 {strides = array<i32>} : memref<10240x128xf32, #tpu.memory_space<vmem>>, vector<10240x128xf32>,
    return
  }
}

module attributes {stable_mosaic.version = 14 : i64} {
  func.func @_mida_body(%arg0: i32, %arg1: memref<2x2560x128xf32, #tpu.memory_space<vmem>>, %arg2: memref<2560x128xf32, #tpu.memory_space<vmem>>, %arg3: memref<2560x2xf32, #tpu.memory_space<vmem>>, %arg4: memref<128xf32, #tpu.memory_space<vmem>>, %arg5: memref<2560x128xf32, #tpu.memory_space<vmem>>, %arg6: memref<2x128xf32, #tpu.memory_space<vmem>>) attributes {dimension_semantics = [#tpu.dimension_semantics<arbitrary>], iteration_bounds = array<i64: 4>, scalar_prefetch = 0 : i64, scratch_operands = 0 : i64, tpu.core_type = #tpu.core_type<tc>, window_params = [{transform_indices = @transform_0, window_bounds = array<i64: 2, 2560, 128>}, {transform_indices = @transform_1, window_bounds = array<i64: 2560, 128>}, {transform_indices = @transform_2, window_bounds = array<i64: 2560, 2>}, {pipeline_mode = #tpu.pipeline_mode<synchronous>, transform_indices = @transform_3, window_bounds = array<i64: 128>}, {transform_indices = @transform_4, window_bounds = array<i64: 2560, 128>}, {pipeline_mode = #tpu.pipeline_mode<synchronous>, transform_indices = @transform_5, window_bounds = array<i64: 2, 128>}]} {
    %get3A = arith.constant 0 : index
    %get3A_0 = arith.constant 0 : index
    %get3A_1 = vector.load %arg3[%get3A, %get3A_0] : memref<2560x2xf32, #tpu.memory_space<vmem>>, vector<2560x1xf32>
    %get3A_2 = arith.constant 0 : index
    %get3A_3 = arith.constant 1 : index
    %get3A_4 = vector.load %arg3[%get3A_2, %get3A_3] : memref<2560x2xf32, #tpu.memory_space<vmem>>, vector<2560x1xf32>
    %add3A = arith.addf %get3A_1, %get3A_4 : vector<2560x1xf32>
    %add3A_5 = arith.constant 1.000000e+00 : f32
    %add3A_6 = vector.broadcast %add3A_5 : f32 to vector<2560x1xf32>
    %add3A_7 = arith.addf %add3A, %add3A_6 : vector<2560x1xf32>
    %rsqrt3A = math.rsqrt %add3A_7 : vector<2560x1xf32>
    %get3A_8 = arith.constant 0 : index
    %get3A_9 = arith.constant 0 : index
    %get3A_10 = arith.constant 0 : index
    %get3A_11 = vector.load %arg1[%get3A_8, %get3A_9, %get3A_10] : memref<2x2560x128xf32, #tpu.memory_space<vmem>>, vector<1x2560x128xf32>
    %get3A_12 = vector.shape_cast %get3A_11 : vector<1x2560x128xf32> to vector<2560x128xf32>
    %get3A_13 = arith.constant 1 : index
    %get3A_14 = arith.constant 0 : index
    %get3A_15 = arith.constant 0 : index
    %get3A_16 = vector.load %arg1[%get3A_13, %get3A_14, %get3A_15] : memref<2x2560x128xf32, #tpu.memory_space<vmem>>, vector<1x2560x128xf32>
    %get3A_17 = vector.shape_cast %get3A_16 : vector<1x2560x128xf32> to vector<2560x128xf32>
    %add3A_18 = arith.addf %get3A_12, %get3A_17 : vector<2560x128xf32>
    %get3A_19 = arith.constant 0 : index
    %get3A_20 = arith.constant 0 : index
    %get3A_21 = vector.load %arg2[%get3A_19, %get3A_20] : memref<2560x128xf32, #tpu.memory_space<vmem>>, vector<2560x128xf32>
    %add3A_22 = arith.addf %add3A_18, %get3A_21 : vector<2560x128xf32>
    %mul3A = vector.broadcast %rsqrt3A : vector<2560x1xf32> to vector<2560x128xf32>
    %mul3A_23 = arith.mulf %mul3A, %add3A_22 : vector<2560x128xf32>
    %get3A_24 = arith.constant 0 : index
    %get3A_25 = vector.load %arg4[%get3A_24] : memref<128xf32, #tpu.memory_space<vmem>>, vector<128xf32>
    %broadcast_in_dim3A = vector.shape_cast %get3A_25 : vector<128xf32> to vector<1x128xf32>
    %add3A_26 = vector.broadcast %broadcast_in_dim3A : vector<1x128xf32> to vector<2560x128xf32>
    %add3A_27 = arith.addf %mul3A_23, %add3A_26 : vector<2560x128xf32>
    %mul3A_28 = arith.constant 2560 : i32
    %mul3A_29 = arith.muli %arg0, %mul3A_28 : i32
    %iota3A = tpu.iota {dimensions = array<i32: 0>} : vector<2560x1xi32>
    %add3A_30 = vector.broadcast %mul3A_29 : i32 to vector<2560x1xi32>
    %add3A_31 = arith.addi %add3A_30, %iota3A : vector<2560x1xi32>
    %lt3A = arith.constant 10000 : i32
    %lt3A_32 = vector.broadcast %lt3A : i32 to vector<2560x1xi32>
    %lt3A_33 = arith.cmpi slt, %add3A_31, %lt3A_32 : vector<2560x1xi32>
    %jit3A = arith.constant 0.000000e+00 : f32
    %broadcast_in_dim3A_34 = vector.shape_cast %lt3A_33 : vector<2560x1xi1> to vector<2560x1xi1>
    %broadcast_in_dim3A_35 = vector.broadcast %broadcast_in_dim3A_34 : vector<2560x1xi1> to vector<2560x128xi1>
    %broadcast_in_dim3A_36 = vector.broadcast %jit3A : f32 to vector<2560x128xf32>
    %select_n3A = arith.select %broadcast_in_dim3A_35, %add3A_27, %broadcast_in_dim3A_36 : vector<2560x128xi1>, vector<2560x128xf32>
    %swap3A = arith.constant 0 : index
    %swap3A_37 = arith.constant 0 : index
    %swap3A_38 = vector.load %arg5[%swap3A, %swap3A_37] : memref<2560x128xf32, #tpu.memory_space<vmem>>, vector<2560x128xf32>
    tpu.vector_store %arg5[%swap3A, %swap3A_37], %select_n3A {strides = array<i32>} : memref<2560x128xf32, #tpu.memory_space<vmem>>, vector<2560x128xf32>,
    %reduce_sum3A = arith.constant dense<0.000000e+00> : vector<128xf32>
    %reduce_sum3A_39 = vector.multi_reduction <add>, %select_n3A, %reduce_sum3A [0] : vector<2560x128xf32> to vector<128xf32>
    %broadcast_in_dim3A_40 = vector.shape_cast %reduce_sum3A_39 : vector<128xf32> to vector<1x128xf32>
    %mul3A_41 = arith.mulf %select_n3A, %select_n3A : vector<2560x128xf32>
    %reduce_sum3A_42 = arith.constant dense<0.000000e+00> : vector<128xf32>
    %reduce_sum3A_43 = vector.multi_reduction <add>, %mul3A_41, %reduce_sum3A_42 [0] : vector<2560x128xf32> to vector<128xf32>
    %broadcast_in_dim3A_44 = vector.shape_cast %reduce_sum3A_43 : vector<128xf32> to vector<1x128xf32>
    %concatenate3A = tpu.concatenate %broadcast_in_dim3A_40, %broadcast_in_dim3A_44 in 0 : vector<1x128xf32>, vector<1x128xf32> -> vector<2x128xf32>
    %eq3A = arith.constant 0 : i32
    %eq3A_45 = arith.cmpi eq, %arg0, %eq3A : i32
    %convert_element_type3A = arith.extui %eq3A_45 : i1 to i32
    %cond3A = arith.constant 0 : i32
    %cond3A_46 = arith.cmpi ne, %convert_element_type3A, %cond3A : i32
    scf.if %cond3A_46 {
      %swap3A_51 = arith.constant 0 : index
      %swap3A_52 = arith.constant 0 : index
      %swap3A_53 = vector.load %arg6[%swap3A_51, %swap3A_52] : memref<2x128xf32, #tpu.memory_space<vmem>>, vector<2x128xf32>
      tpu.vector_store %arg6[%swap3A_51, %swap3A_52], %concatenate3A {strides = array<i32>} : memref<2x128xf32, #tpu.memory_space<vmem>>, vector<2x128xf32>,
    } else {
    }
    %gt3A = arith.constant 0 : i32
    %gt3A_47 = arith.cmpi sgt, %arg0, %gt3A : i32
    %convert_element_type3A_48 = arith.extui %gt3A_47 : i1 to i32
    %cond3A_49 = arith.constant 0 : i32
    %cond3A_50 = arith.cmpi ne, %convert_element_type3A_48, %cond3A_49 : i32
    scf.if %cond3A_50 {
      %get3A_51 = arith.constant 0 : index
      %get3A_52 = arith.constant 0 : index
      %get3A_53 = vector.load %arg6[%get3A_51, %get3A_52] : memref<2x128xf32, #tpu.memory_space<vmem>>, vector<2x128xf32>
      %add3A_54 = arith.addf %get3A_53, %concatenate3A : vector<2x128xf32>
      %swap3A_55 = arith.constant 0 : index
      %swap3A_56 = arith.constant 0 : index
      %swap3A_57 = vector.load %arg6[%swap3A_55, %swap3A_56] : memref<2x128xf32, #tpu.memory_space<vmem>>, vector<2x128xf32>
      tpu.vector_store %arg6[%swap3A_55, %swap3A_56], %add3A_54 {strides = array<i32>} : memref<2x128xf32, #tpu.memory_space<vmem>>, vector<2x128xf32>,
    } else {
    }
    return
  }
  func.func @transform_0(%arg0: i32) -> (i32, i32, i32) {
    %c0_i32 = arith.constant 0 : i32
    %c0_i32_0 = arith.constant 0 : i32
    %c0_i32_1 = arith.constant 0 : i32
    return %c0_i32, %arg0, %c0_i32_0 : i32, i32, i32
  }
  func.func @transform_1(%arg0: i32) -> (i32, i32) {
    %c0_i32 = arith.constant 0 : i32
    %c0_i32_0 = arith.constant 0 : i32
    return %arg0, %c0_i32 : i32, i32
  }
  func.func @transform_2(%arg0: i32) -> (i32, i32) {
    %c0_i32 = arith.constant 0 : i32
    %c0_i32_0 = arith.constant 0 : i32
    return %arg0, %c0_i32 : i32, i32
  }
  func.func @transform_3(%arg0: i32) -> i32 {
    %c0_i32 = arith.constant 0 : i32
    %c0_i32_0 = arith.constant 0 : i32
    return %c0_i32 : i32
  }
  func.func @transform_4(%arg0: i32) -> (i32, i32) {
    %c0_i32 = arith.constant 0 : i32
    %c0_i32_0 = arith.constant 0 : i32
    return %arg0, %c0_i32 : i32, i32
  }
  func.func @transform_5(%arg0: i32) -> (i32, i32) {
    %c0_i32 = arith.constant 0 : i32
    %c0_i32_0 = arith.constant 0 : i32
    %c0_i32_1 = arith.constant 0 : i32
    return %c0_i32, %c0_i32_0 : i32, i32
  }
}

module attributes {stable_mosaic.version = 14 : i64} {
  func.func @_midb_body(%arg0: i32, %arg1: memref<2560x128xf32, #tpu.memory_space<vmem>>, %arg2: memref<2x128xf32, #tpu.memory_space<vmem>>, %arg3: memref<2560x2xf32, #tpu.memory_space<vmem>>, %arg4: memref<128xf32, #tpu.memory_space<vmem>>, %arg5: memref<128xf32, #tpu.memory_space<vmem>>, %arg6: memref<128x128xf32, #tpu.memory_space<vmem>>, %arg7: memref<2560x128xf32, #tpu.memory_space<vmem>>, %arg8: memref<2560x128xf32, #tpu.memory_space<vmem>>) attributes {dimension_semantics = [#tpu.dimension_semantics<arbitrary>], iteration_bounds = array<i64: 4>, scalar_prefetch = 0 : i64, scratch_operands = 0 : i64, tpu.core_type = #tpu.core_type<tc>, window_params = [{transform_indices = @transform_0, window_bounds = array<i64: 2560, 128>}, {pipeline_mode = #tpu.pipeline_mode<synchronous>, transform_indices = @transform_1, window_bounds = array<i64: 2, 128>}, {transform_indices = @transform_2, window_bounds = array<i64: 2560, 2>}, {pipeline_mode = #tpu.pipeline_mode<synchronous>, transform_indices = @transform_3, window_bounds = array<i64: 128>}, {pipeline_mode = #tpu.pipeline_mode<synchronous>, transform_indices = @transform_4, window_bounds = array<i64: 128>}, {pipeline_mode = #tpu.pipeline_mode<synchronous>, transform_indices = @transform_5, window_bounds = array<i64: 128, 128>}, {transform_indices = @transform_6, window_bounds = array<i64: 2560, 128>}, {transform_indices = @transform_7, window_bounds = array<i64: 2560, 128>}]} {
    %get3A = arith.constant 0 : index
    %get3A_0 = arith.constant 0 : index
    %get3A_1 = vector.load %arg2[%get3A, %get3A_0] : memref<2x128xf32, #tpu.memory_space<vmem>>, vector<1x128xf32>
    %mul3A = arith.constant 9.99999974E-5 : f32
    %mul3A_2 = vector.broadcast %mul3A : f32 to vector<1x128xf32>
    %mul3A_3 = arith.mulf %get3A_1, %mul3A_2 : vector<1x128xf32>
    %get3A_4 = arith.constant 1 : index
    %get3A_5 = arith.constant 0 : index
    %get3A_6 = vector.load %arg2[%get3A_4, %get3A_5] : memref<2x128xf32, #tpu.memory_space<vmem>>, vector<1x128xf32>
    %mul3A_7 = arith.constant 9.99999974E-5 : f32
    %mul3A_8 = vector.broadcast %mul3A_7 : f32 to vector<1x128xf32>
    %mul3A_9 = arith.mulf %get3A_6, %mul3A_8 : vector<1x128xf32>
    %mul3A_10 = arith.mulf %mul3A_3, %mul3A_3 : vector<1x128xf32>
    %sub3A = arith.subf %mul3A_9, %mul3A_10 : vector<1x128xf32>
    %mul3A_11 = arith.constant 2560 : i32
    %mul3A_12 = arith.muli %arg0, %mul3A_11 : i32
    %iota3A = tpu.iota {dimensions = array<i32: 0>} : vector<2560x1xi32>
    %add3A = vector.broadcast %mul3A_12 : i32 to vector<2560x1xi32>
    %add3A_13 = arith.addi %add3A, %iota3A : vector<2560x1xi32>
    %lt3A = arith.constant 10000 : i32
    %lt3A_14 = vector.broadcast %lt3A : i32 to vector<2560x1xi32>
    %lt3A_15 = arith.cmpi slt, %add3A_13, %lt3A_14 : vector<2560x1xi32>
    %get3A_16 = arith.constant 0 : index
    %get3A_17 = arith.constant 0 : index
    %get3A_18 = vector.load %arg1[%get3A_16, %get3A_17] : memref<2560x128xf32, #tpu.memory_space<vmem>>, vector<2560x128xf32>
    %sub3A_19 = vector.broadcast %mul3A_3 : vector<1x128xf32> to vector<2560x128xf32>
    %sub3A_20 = arith.subf %get3A_18, %sub3A_19 : vector<2560x128xf32>
    %jit3A = arith.constant 0.000000e+00 : f32
    %broadcast_in_dim3A = vector.shape_cast %lt3A_15 : vector<2560x1xi1> to vector<2560x1xi1>
    %broadcast_in_dim3A_21 = vector.broadcast %broadcast_in_dim3A : vector<2560x1xi1> to vector<2560x128xi1>
    %broadcast_in_dim3A_22 = vector.broadcast %jit3A : f32 to vector<2560x128xf32>
    %select_n3A = arith.select %broadcast_in_dim3A_21, %sub3A_20, %broadcast_in_dim3A_22 : vector<2560x128xi1>, vector<2560x128xf32>
    %add3A_23 = arith.constant 9.99999974E-6 : f32
    %add3A_24 = vector.broadcast %add3A_23 : f32 to vector<1x128xf32>
    %add3A_25 = arith.addf %sub3A, %add3A_24 : vector<1x128xf32>
    %rsqrt3A = math.rsqrt %add3A_25 : vector<1x128xf32>
    %mul3A_26 = vector.broadcast %rsqrt3A : vector<1x128xf32> to vector<2560x128xf32>
    %mul3A_27 = arith.mulf %select_n3A, %mul3A_26 : vector<2560x128xf32>
    %get3A_28 = arith.constant 0 : index
    %get3A_29 = vector.load %arg4[%get3A_28] : memref<128xf32, #tpu.memory_space<vmem>>, vector<128xf32>
    %broadcast_in_dim3A_30 = vector.shape_cast %get3A_29 : vector<128xf32> to vector<1x128xf32>
    %mul3A_31 = vector.broadcast %broadcast_in_dim3A_30 : vector<1x128xf32> to vector<2560x128xf32>
    %mul3A_32 = arith.mulf %mul3A_27, %mul3A_31 : vector<2560x128xf32>
    %get3A_33 = arith.constant 0 : index
    %get3A_34 = vector.load %arg5[%get3A_33] : memref<128xf32, #tpu.memory_space<vmem>>, vector<128xf32>
    %broadcast_in_dim3A_35 = vector.shape_cast %get3A_34 : vector<128xf32> to vector<1x128xf32>
    %add3A_36 = vector.broadcast %broadcast_in_dim3A_35 : vector<1x128xf32> to vector<2560x128xf32>
    %add3A_37 = arith.addf %mul3A_32, %add3A_36 : vector<2560x128xf32>
    %max3A = arith.constant 0.000000e+00 : f32
    %max3A_38 = vector.broadcast %max3A : f32 to vector<2560x128xf32>
    %max3A_39 = arith.maximumf %add3A_37, %max3A_38 : vector<2560x128xf32>
    %jit3A_40 = arith.constant 0.000000e+00 : f32
    %broadcast_in_dim3A_41 = vector.shape_cast %lt3A_15 : vector<2560x1xi1> to vector<2560x1xi1>
    %broadcast_in_dim3A_42 = vector.broadcast %broadcast_in_dim3A_41 : vector<2560x1xi1> to vector<2560x128xi1>
    %broadcast_in_dim3A_43 = vector.broadcast %jit3A_40 : f32 to vector<2560x128xf32>
    %select_n3A_44 = arith.select %broadcast_in_dim3A_42, %max3A_39, %broadcast_in_dim3A_43 : vector<2560x128xi1>, vector<2560x128xf32>
    %swap3A = arith.constant 0 : index
    %swap3A_45 = arith.constant 0 : index
    %swap3A_46 = vector.load %arg7[%swap3A, %swap3A_45] : memref<2560x128xf32, #tpu.memory_space<vmem>>, vector<2560x128xf32>
    tpu.vector_store %arg7[%swap3A, %swap3A_45], %select_n3A_44 {strides = array<i32>} : memref<2560x128xf32, #tpu.memory_space<vmem>>, vector<2560x128xf32>,
    %get3A_47 = arith.constant 0 : index
    %get3A_48 = arith.constant 0 : index
    %get3A_49 = vector.load %arg6[%get3A_47, %get3A_48] : memref<128x128xf32, #tpu.memory_space<vmem>>, vector<128x128xf32>
    %dot_general3A = arith.constant dense<0.000000e+00> : vector<2560x128xf32>
    %dot_general3A_50 = tpu.matmul %select_n3A_44, %get3A_49, %dot_general3A {dimension_numbers = #tpu.dot_dimension_numbers<[1], [0], [0], [1], [0, 0, 1, 1], [], []>, precision = #tpu.contract_precision<fp32>, transpose_lhs_hint = false} : vector<2560x128xf32>, vector<128x128xf32>, vector<2560x128xf32> -> vector<2560x128xf32>
    %get3A_51 = arith.constant 0 : index
    %get3A_52 = arith.constant 0 : index
    %get3A_53 = vector.load %arg3[%get3A_51, %get3A_52] : memref<2560x2xf32, #tpu.memory_space<vmem>>, vector<2560x1xf32>
    %get3A_54 = arith.constant 0 : index
    %get3A_55 = arith.constant 1 : index
    %get3A_56 = vector.load %arg3[%get3A_54, %get3A_55] : memref<2560x2xf32, #tpu.memory_space<vmem>>, vector<2560x1xf32>
    %add3A_57 = arith.addf %get3A_53, %get3A_56 : vector<2560x1xf32>
    %add3A_58 = arith.constant 1.000000e+00 : f32
    %add3A_59 = vector.broadcast %add3A_58 : f32 to vector<2560x1xf32>
    %add3A_60 = arith.addf %add3A_57, %add3A_59 : vector<2560x1xf32>
    %rsqrt3A_61 = math.rsqrt %add3A_60 : vector<2560x1xf32>
    %mul3A_62 = vector.broadcast %rsqrt3A_61 : vector<2560x1xf32> to vector<2560x128xf32>
    %mul3A_63 = arith.mulf %dot_general3A_50, %mul3A_62 : vector<2560x128xf32>
    %swap3A_64 = arith.constant 0 : index
    %swap3A_65 = arith.constant 0 : index
    %swap3A_66 = vector.load %arg8[%swap3A_64, %swap3A_65] : memref<2560x128xf32, #tpu.memory_space<vmem>>, vector<2560x128xf32>
    tpu.vector_store %arg8[%swap3A_64, %swap3A_65], %mul3A_63 {strides = array<i32>} : memref<2560x128xf32, #tpu.memory_space<vmem>>, vector<2560x128xf32>,
    return
  }
  func.func @transform_0(%arg0: i32) -> (i32, i32) {
    %c0_i32 = arith.constant 0 : i32
    %c0_i32_0 = arith.constant 0 : i32
    return %arg0, %c0_i32 : i32, i32
  }
  func.func @transform_1(%arg0: i32) -> (i32, i32) {
    %c0_i32 = arith.constant 0 : i32
    %c0_i32_0 = arith.constant 0 : i32
    %c0_i32_1 = arith.constant 0 : i32
    return %c0_i32, %c0_i32_0 : i32, i32
  }
  func.func @transform_2(%arg0: i32) -> (i32, i32) {
    %c0_i32 = arith.constant 0 : i32
    %c0_i32_0 = arith.constant 0 : i32
    return %arg0, %c0_i32 : i32, i32
  }
  func.func @transform_3(%arg0: i32) -> i32 {
    %c0_i32 = arith.constant 0 : i32
    %c0_i32_0 = arith.constant 0 : i32
    return %c0_i32 : i32
  }
  func.func @transform_4(%arg0: i32) -> i32 {
    %c0_i32 = arith.constant 0 : i32
    %c0_i32_0 = arith.constant 0 : i32
    return %c0_i32 : i32
  }
  func.func @transform_5(%arg0: i32) -> (i32, i32) {
    %c0_i32 = arith.constant 0 : i32
    %c0_i32_0 = arith.constant 0 : i32
    %c0_i32_1 = arith.constant 0 : i32
    return %c0_i32, %c0_i32_0 : i32, i32
  }
  func.func @transform_6(%arg0: i32) -> (i32, i32) {
    %c0_i32 = arith.constant 0 : i32
    %c0_i32_0 = arith.constant 0 : i32
    return %arg0, %c0_i32 : i32, i32
  }
  func.func @transform_7(%arg0: i32) -> (i32, i32) {
    %c0_i32 = arith.constant 0 : i32
    %c0_i32_0 = arith.constant 0 : i32
    return %arg0, %c0_i32 : i32, i32
  }
}

module attributes {stable_mosaic.version = 14 : i64} {
  func.func @_head_body(%arg0: i32, %arg1: memref<2x2560x128xf32, #tpu.memory_space<vmem>>, %arg2: memref<2560x128xf32, #tpu.memory_space<vmem>>, %arg3: memref<2560x2xf32, #tpu.memory_space<vmem>>, %arg4: memref<128xf32, #tpu.memory_space<vmem>>, %arg5: memref<2560x128xf32, #tpu.memory_space<vmem>>, %arg6: memref<256x64xf32, #tpu.memory_space<vmem>>, %arg7: memref<64xf32, #tpu.memory_space<vmem>>, %arg8: memref<2560x64xf32, #tpu.memory_space<vmem>>) attributes {dimension_semantics = [#tpu.dimension_semantics<arbitrary>], iteration_bounds = array<i64: 4>, scalar_prefetch = 0 : i64, scratch_operands = 0 : i64, tpu.core_type = #tpu.core_type<tc>, window_params = [{transform_indices = @transform_0, window_bounds = array<i64: 2, 2560, 128>}, {transform_indices = @transform_1, window_bounds = array<i64: 2560, 128>}, {transform_indices = @transform_2, window_bounds = array<i64: 2560, 2>}, {pipeline_mode = #tpu.pipeline_mode<synchronous>, transform_indices = @transform_3, window_bounds = array<i64: 128>}, {transform_indices = @transform_4, window_bounds = array<i64: 2560, 128>}, {pipeline_mode = #tpu.pipeline_mode<synchronous>, transform_indices = @transform_5, window_bounds = array<i64: 256, 64>}, {pipeline_mode = #tpu.pipeline_mode<synchronous>, transform_indices = @transform_6, window_bounds = array<i64: 64>}, {transform_indices = @transform_7, window_bounds = array<i64: 2560, 64>}]} {
    %get3A = arith.constant 0 : index
    %get3A_0 = arith.constant 0 : index
    %get3A_1 = vector.load %arg3[%get3A, %get3A_0] : memref<2560x2xf32, #tpu.memory_space<vmem>>, vector<2560x1xf32>
    %get3A_2 = arith.constant 0 : index
    %get3A_3 = arith.constant 1 : index
    %get3A_4 = vector.load %arg3[%get3A_2, %get3A_3] : memref<2560x2xf32, #tpu.memory_space<vmem>>, vector<2560x1xf32>
    %add3A = arith.addf %get3A_1, %get3A_4 : vector<2560x1xf32>
    %add3A_5 = arith.constant 1.000000e+00 : f32
    %add3A_6 = vector.broadcast %add3A_5 : f32 to vector<2560x1xf32>
    %add3A_7 = arith.addf %add3A, %add3A_6 : vector<2560x1xf32>
    %rsqrt3A = math.rsqrt %add3A_7 : vector<2560x1xf32>
    %get3A_8 = arith.constant 0 : index
    %get3A_9 = arith.constant 0 : index
    %get3A_10 = arith.constant 0 : index
    %get3A_11 = vector.load %arg1[%get3A_8, %get3A_9, %get3A_10] : memref<2x2560x128xf32, #tpu.memory_space<vmem>>, vector<1x2560x128xf32>
    %get3A_12 = vector.shape_cast %get3A_11 : vector<1x2560x128xf32> to vector<2560x128xf32>
    %get3A_13 = arith.constant 1 : index
    %get3A_14 = arith.constant 0 : index
    %get3A_15 = arith.constant 0 : index
    %get3A_16 = vector.load %arg1[%get3A_13, %get3A_14, %get3A_15] : memref<2x2560x128xf32, #tpu.memory_space<vmem>>, vector<1x2560x128xf32>
    %get3A_17 = vector.shape_cast %get3A_16 : vector<1x2560x128xf32> to vector<2560x128xf32>
    %add3A_18 = arith.addf %get3A_12, %get3A_17 : vector<2560x128xf32>
    %get3A_19 = arith.constant 0 : index
    %get3A_20 = arith.constant 0 : index
    %get3A_21 = vector.load %arg2[%get3A_19, %get3A_20] : memref<2560x128xf32, #tpu.memory_space<vmem>>, vector<2560x128xf32>
    %add3A_22 = arith.addf %add3A_18, %get3A_21 : vector<2560x128xf32>
    %mul3A = vector.broadcast %rsqrt3A : vector<2560x1xf32> to vector<2560x128xf32>
    %mul3A_23 = arith.mulf %mul3A, %add3A_22 : vector<2560x128xf32>
    %get3A_24 = arith.constant 0 : index
    %get3A_25 = vector.load %arg4[%get3A_24] : memref<128xf32, #tpu.memory_space<vmem>>, vector<128xf32>
    %broadcast_in_dim3A = vector.shape_cast %get3A_25 : vector<128xf32> to vector<1x128xf32>
    %add3A_26 = vector.broadcast %broadcast_in_dim3A : vector<1x128xf32> to vector<2560x128xf32>
    %add3A_27 = arith.addf %mul3A_23, %add3A_26 : vector<2560x128xf32>
    %get3A_28 = arith.constant 0 : index
    %get3A_29 = arith.constant 0 : index
    %get3A_30 = vector.load %arg5[%get3A_28, %get3A_29] : memref<2560x128xf32, #tpu.memory_space<vmem>>, vector<2560x128xf32>
    %get3A_31 = arith.constant 0 : index
    %get3A_32 = arith.constant 0 : index
    %get3A_33 = vector.load %arg6[%get3A_31, %get3A_32] : memref<256x64xf32, #tpu.memory_space<vmem>>, vector<128x64xf32>
    %dot_general3A = arith.constant dense<0.000000e+00> : vector<2560x64xf32>
    %dot_general3A_34 = tpu.matmul %get3A_30, %get3A_33, %dot_general3A {dimension_numbers = #tpu.dot_dimension_numbers<[1], [0], [0], [1], [0, 0, 1, 1], [], []>, precision = #tpu.contract_precision<fp32>, transpose_lhs_hint = false} : vector<2560x128xf32>, vector<128x64xf32>, vector<2560x64xf32> -> vector<2560x64xf32>
    %get3A_35 = arith.constant 128 : index
    %get3A_36 = arith.constant 0 : index
    %get3A_37 = vector.load %arg6[%get3A_35, %get3A_36] : memref<256x64xf32, #tpu.memory_space<vmem>>, vector<128x64xf32>
    %dot_general3A_38 = arith.constant dense<0.000000e+00> : vector<2560x64xf32>
    %dot_general3A_39 = tpu.matmul %add3A_27, %get3A_37, %dot_general3A_38 {dimension_numbers = #tpu.dot_dimension_numbers<[1], [0], [0], [1], [0, 0, 1, 1], [], []>, precision = #tpu.contract_precision<fp32>, transpose_lhs_hint = false} : vector<2560x128xf32>, vector<128x64xf32>, vector<2560x64xf32> -> vector<2560x64xf32>
    %add3A_40 = arith.addf %dot_general3A_34, %dot_general3A_39 : vector<2560x64xf32>
    %get3A_41 = arith.constant 0 : index
    %get3A_42 = vector.load %arg7[%get3A_41] : memref<64xf32, #tpu.memory_space<vmem>>, vector<64xf32>
    %broadcast_in_dim3A_43 = vector.shape_cast %get3A_42 : vector<64xf32> to vector<1x64xf32>
    %add3A_44 = vector.broadcast %broadcast_in_dim3A_43 : vector<1x64xf32> to vector<2560x64xf32>
    %add3A_45 = arith.addf %add3A_40, %add3A_44 : vector<2560x64xf32>
    %reduce_max3A = arith.constant dense<0xFF800000> : vector<2560xf32>
    %reduce_max3A_46 = vector.multi_reduction <maximumf>, %add3A_45, %reduce_max3A [1] : vector<2560x64xf32> to vector<2560xf32>
    %broadcast_in_dim3A_47 = vector.shape_cast %reduce_max3A_46 : vector<2560xf32> to vector<2560x1xf32>
    %sub3A = vector.broadcast %broadcast_in_dim3A_47 : vector<2560x1xf32> to vector<2560x64xf32>
    %sub3A_48 = arith.subf %add3A_45, %sub3A : vector<2560x64xf32>
    %exp3A = math.exp %sub3A_48 : vector<2560x64xf32>
    %reduce_sum3A = arith.constant dense<0.000000e+00> : vector<2560xf32>
    %reduce_sum3A_49 = vector.multi_reduction <add>, %exp3A, %reduce_sum3A [1] : vector<2560x64xf32> to vector<2560xf32>
    %broadcast_in_dim3A_50 = vector.shape_cast %reduce_sum3A_49 : vector<2560xf32> to vector<2560x1xf32>
    %log3A = math.log %broadcast_in_dim3A_50 : vector<2560x1xf32>
    %add3A_51 = arith.addf %log3A, %broadcast_in_dim3A_47 : vector<2560x1xf32>
    %sub3A_52 = vector.broadcast %add3A_51 : vector<2560x1xf32> to vector<2560x64xf32>
    %sub3A_53 = arith.subf %add3A_45, %sub3A_52 : vector<2560x64xf32>
    %swap3A = arith.constant 0 : index
    %swap3A_54 = arith.constant 0 : index
    %swap3A_55 = vector.load %arg8[%swap3A, %swap3A_54] : memref<2560x64xf32, #tpu.memory_space<vmem>>, vector<2560x64xf32>
    tpu.vector_store %arg8[%swap3A, %swap3A_54], %sub3A_53 {strides = array<i32>} : memref<2560x64xf32, #tpu.memory_space<vmem>>, vector<2560x64xf32>,
    return
  }
  func.func @transform_0(%arg0: i32) -> (i32, i32, i32) {
    %c0_i32 = arith.constant 0 : i32
    %c0_i32_0 = arith.constant 0 : i32
    %c0_i32_1 = arith.constant 0 : i32
    return %c0_i32, %arg0, %c0_i32_0 : i32, i32, i32
  }
  func.func @transform_1(%arg0: i32) -> (i32, i32) {
    %c0_i32 = arith.constant 0 : i32
    %c0_i32_0 = arith.constant 0 : i32
    return %arg0, %c0_i32 : i32, i32
  }
  func.func @transform_2(%arg0: i32) -> (i32, i32) {
    %c0_i32 = arith.constant 0 : i32
    %c0_i32_0 = arith.constant 0 : i32
    return %arg0, %c0_i32 : i32, i32
  }
  func.func @transform_3(%arg0: i32) -> i32 {
    %c0_i32 = arith.constant 0 : i32
    %c0_i32_0 = arith.constant 0 : i32
    return %c0_i32 : i32
  }
  func.func @transform_4(%arg0: i32) -> (i32, i32) {
    %c0_i32 = arith.constant 0 : i32
    %c0_i32_0 = arith.constant 0 : i32
    return %arg0, %c0_i32 : i32, i32
  }
  func.func @transform_5(%arg0: i32) -> (i32, i32) {
    %c0_i32 = arith.constant 0 : i32
    %c0_i32_0 = arith.constant 0 : i32
    %c0_i32_1 = arith.constant 0 : i32
    return %c0_i32, %c0_i32_0 : i32, i32
  }
  func.func @transform_6(%arg0: i32) -> i32 {
    %c0_i32 = arith.constant 0 : i32
    %c0_i32_0 = arith.constant 0 : i32
    return %c0_i32 : i32
  }
  func.func @transform_7(%arg0: i32) -> (i32, i32) {
    %c0_i32 = arith.constant 0 : i32
    %c0_i32_0 = arith.constant 0 : i32
    return %arg0, %c0_i32 : i32, i32
  }
}

</mosaic_0001>

<sc_bundles>
// kernel: kernel.12.cloned.1.call-start
scs
__scs_entry_jumppad:
0x0: {  	(pc) =	sbr.rel $0x88, $3  }
0x1: {  	(tag) =	ssettag $0x0;
	lr =	simm.s32 $0x1  }
0x2: {  	[smem:$0x3F97] =	sst lr;
	_ =	strace $0xD0000000  }
0x3: {  	_ = 	snop  }
0x4: {  	_ = 	snop  }
0x5: {  	_ = 	snop  }
0x6: {  	_ = 	snop  }
0x7: {  	_ = 	snop  }
__scs_overlays_trampoline_lowered:
0x8: {  	[smem:$0x3FA6] =	sst s0  }
0x9: {  	[smem:$0x3FA7] =	sst s1  }
0xa: {  	[smem:$0x3FA8] =	sst s2  }
0xb: {  	[smem:$0x3FA9] =	sst s3  }
0xc: {  	[smem:$0x3FAA] =	sst s4  }
0xd: {  	[smem:$0x3FAB] =	sst s5  }
0xe: {  	[smem:$0x3FAC] =	sst s6  }
0xf: {  	[smem:$0x3FAD] =	sst s7  }
0x10: {  	[smem:$0x3FAE] =	sst s8  }
0x11: {  	[smem:$0x3FAF] =	sst s9;
	s0 =	simm.s32 @!p0 $0x0  }
0x12: {  	s1 =	sld [smem:$0x3F95];
	s0 =	simm.s32 @p0 $0x1  }
0x13: {  	[smem:$0x3FB0] =	sst s0;
	s0 =	simm.s32 @!p1 $0x0  }
0x14: {  	s2 =	sld [smem:$0x3F94];
	s0 =	simm.s32 @p1 $0x1  }
0x15: {  	[smem:$0x3FB1] =	sst s0;
	s0 =	simm.s32 @!p2 $0x0  }
0x16: {  	s3 =	sld [smem:$0x3FDB];
	s0 =	simm.s32 @p2 $0x1  }
0x17: {  	s4 =	simm.s32 $0x1BF5;
	[smem:$0x3FB3] =	sst s0  }
0x18: {  	s0 =	sld [smem:$0x3F96];
	_ =	swait.ge [sflag:s4], $0x0  }
0x19: {  	s7 =	sld [smem:$0x3F97]  }
0x1a: {  	s8 =	sadd.s32 $0xFFFFE003, lr  }
0x1b: {  	s9 =	sadd.s32 $0xFFFFFEF7, lr;
	s5 =	simm.s32 $0xFFFFFFFF;
	p2 =	slt.u32 s8, $0xFFFFF086  }
0x1c: {  	p1 =	slt.u32 s9, $0xF7A;
	s5 =	simm.s32 @!p2 $0x0  }
0x1d: {  	s5 =	simm.s32 @p1 $0x1;
	p0 =	seq.s32 s7, s2  }
0x1e: {  	s7 =	smul.u32 @!p0 $0xF7A, s2;
	p2 =	seq.s32 @!p0 s5, $0x0  }
0x1f: {  	s9 =	smul.u32 $0xF7A, s1;
	s8 =	simm.s32 @!p0 $0x1BF5;
	p2 =	por !p2, p0  }
0x20: {  	[sflag:s8] =	ssyncset.s32 @!p0 $0xFFFFF086;
	s6 =	sadd.s32 @!p0 s3, s7;
	s7 =	simm.s32 @!p0 $0x108  }
0x21: {  	s3 =	sadd.s32 s3, s9;
	s6 =	sadd.s32 @!p0 $0x88, s6;
	s7 =	simm.s32 @p2 $0x1082  }
0x22: {  	[simem:s7], [sflag:s8] =	dma.local @!p0 [hbm:s6], $0xF7A  }
0x23: {  	s9 =	sor.u32 $0xD0000000, s2;
	s6 =	simm.s32 $0x108;
	_ =	swait.ge @!p0 [sflag:s8], $0x0  }
0x24: {  	s3 =	sadd.s32 $0x88, s3;
	s6 =	simm.s32 @!p1 $0x1082;
	[sflag:s4] =	ssyncset.s32 $0xFFFFF086  }
0x25: {  	[simem:s6], [sflag:s4] =	dma.local [hbm:s3], $0xF7A  }
0x26: {  	[smem:$0x3F97] =	sst s1;
	(tag) =	ssettag s2;
	_ =	strace s9  }
0x27: {  	s1 =	sld [smem:$0x3FA7]  }
0x28: {  	s2 =	sld [smem:$0x3FA8]  }
0x29: {  	s4 =	sld [smem:$0x3FAA]  }
0x2a: {  	p0 =	seq.s32 s5, $0x0;
	s5 =	sld [smem:$0x3FAB]  }
0x2b: {  	s6 =	sld [smem:$0x3FAC]  }
0x2c: {  	s7 =	sld [smem:$0x3FAD]  }
0x2d: {  	s3 =	simm.s32 $0x108;
	s8 =	sld [smem:$0x3FAE]  }
0x2e: {  	s3 =	simm.s32 @!p0 $0x1082;
	s9 =	sld [smem:$0x3FAF]  }
0x2f: {  	lr =	sadd.s32 s0, s3;
	s0 =	sld [smem:$0x3FA6]  }
0x30: {  	s3 =	sld [smem:$0x3FA9]  }
0x31: {  	[smem:$0x3FB2] =	sst s10  }
0x32: {  	s10 =	sld [smem:$0x3FB0];
	_ =	sdelay $0x3  }
0x33: {  	p0 =	seq.s32 s10, $0x1;
	s10 =	sld [smem:$0x3FB2];
	_ =	sdelay $0x3  }
0x34: {  	[smem:$0x3FB2] =	sst s10  }
0x35: {  	s10 =	sld [smem:$0x3FB1];
	_ =	sdelay $0x3  }
0x36: {  	p1 =	seq.s32 s10, $0x1;
	s10 =	sld [smem:$0x3FB2];
	_ =	sdelay $0x3  }
0x37: {  	[smem:$0x3FB2] =	sst s10  }
0x38: {  	s10 =	sld [smem:$0x3FB3]  }
0x39: {  	_ = 	snop;
	(pc) =	sbr.ind lr, $3  }
0x3a: {  	_ = 	snop  }
0x3b: {  	_ = 	snop  }
0x3c: {  	p2 =	seq.s32 s10, $0x1;
	s10 =	sld [smem:$0x3FB2]  }
0x3d: {  	_ =	shalt  }
0x3e: {  	_ =	shalt  }
0x3f: {  	_ =	shalt  }
0x40: {  	_ =	shalt  }
0x41: {  	_ =	shalt  }
0x42: {  	_ =	shalt  }
0x43: {  	_ =	shalt  }
0x44: {  	_ =	shalt  }
0x45: {  	_ =	shalt  }
0x46: {  	_ =	shalt  }
0x47: {  	_ =	shalt  }
0x48: {  	_ =	shalt  }
0x49: {  	_ =	shalt  }
0x4a: {  	_ =	shalt  }
0x4b: {  	_ =	shalt  }
0x4c: {  	_ =	shalt  }
0x4d: {  	_ =	shalt  }
0x4e: {  	_ =	shalt  }
0x4f: {  	_ =	shalt  }
0x50: {  	_ =	shalt  }
0x51: {  	_ =	shalt  }
0x52: {  	_ =	shalt  }
0x53: {  	_ =	shalt  }
0x54: {  	_ =	shalt  }
0x55: {  	_ =	shalt  }
0x56: {  	_ =	shalt  }
0x57: {  	_ =	shalt  }
0x58: {  	_ =	shalt  }
0x59: {  	_ =	shalt  }
0x5a: {  	_ =	shalt  }
0x5b: {  	_ =	shalt  }
0x5c: {  	_ =	shalt  }
0x5d: {  	_ =	shalt  }
0x5e: {  	_ =	shalt  }
0x5f: {  	_ =	shalt  }
0x60: {  	_ =	shalt  }
0x61: {  	_ =	shalt  }
0x62: {  	_ =	shalt  }
0x63: {  	_ =	shalt  }
0x64: {  	_ =	shalt  }
0x65: {  	_ =	shalt  }
0x66: {  	_ =	shalt  }
0x67: {  	_ =	shalt  }
0x68: {  	_ =	shalt  }
0x69: {  	_ =	shalt  }
0x6a: {  	_ =	shalt  }
0x6b: {  	_ =	shalt  }
0x6c: {  	_ =	shalt  }
0x6d: {  	_ =	shalt  }
0x6e: {  	_ =	shalt  }
0x6f: {  	_ =	shalt  }
0x70: {  	_ =	shalt  }
0x71: {  	_ =	shalt  }
0x72: {  	_ =	shalt  }
0x73: {  	_ =	shalt  }
0x74: {  	_ =	shalt  }
0x75: {  	_ =	shalt  }
0x76: {  	_ =	shalt  }
0x77: {  	_ =	shalt  }
0x78: {  	_ =	shalt  }
0x79: {  	_ =	shalt  }
0x7a: {  	_ =	shalt  }
0x7b: {  	_ =	shalt  }
0x7c: {  	_ =	shalt  }
0x7d: {  	_ =	shalt  }
0x7e: {  	_ =	shalt  }
0x7f: {  	_ =	shalt  }
0x80: {  	_ =	shalt  }
0x81: {  	_ =	shalt  }
0x82: {  	_ =	shalt  }
0x83: {  	_ =	shalt  }
0x84: {  	_ =	shalt  }
0x85: {  	_ =	shalt  }
0x86: {  	_ =	shalt  }
0x87: {  	_ =	shalt  }
.Lfunc_end0:
.L_simem_size_0:
called_computation.1_lowered:
.L_overlay_start_0:
0x88: {  	s2 =	sld [smem:$0x3FD9]  }
0x89: {  	s3 =	sld [smem:$0x3FFE];
	_ =	sdelay $0x1  }
0x8a: {  	s1 =	srdreg.scid  }
0x8b: {  	s0 =	sand.u32 $0x1, s1  }
0x8c: {  	s17 =	sshll.u32 s0, $0xA;
	s2 =	sadd.s32 s3, s2  }
0x8d: {  	s2 =	sadd.s32 s2, s17  }
0x8e: {  	[smem:$0x3FBE] =	sst s2  }
0x8f: {  	_ = 	snop  }
0x90: {  	s2 =	sld [smem:$0x3FD0];
	(tm) =	ssettm $0x1  }
0x91: {  	s18 =	sld [smem:$0x3FFB];
	_ =	sdelay $0x3  }
0x92: {  	_ =	strace s18  }
0x93: {  	s3 =	sld [smem:$0x3FFC];
	_ =	sdelay $0x3  }
0x94: {  	_ =	strace s3  }
0x95: {  	s3 =	sld [smem:$0x3FFD];
	_ =	sdelay $0x3  }
0x96: {  	_ =	strace s3  }
0x97: {  	_ =	strace $0x8FFFFFFF  }
0x98: {  	s19 =	sld [smem:$0x3FDB];
	_ =	sdelay $0x1  }
0x99: {  	s4 =	simm.s32 $_scs_section_size  }
0x9a: {  	s5 =	simm.s32 $_size__tile_overlayer_lowered;
	s6 =	simm.s32 $_tile_overlayer_lowered  }
0x9b: {  	s22 =	simm.s32 $0x1BFF;
	s21 =	sshll.u32 s6, $0x1;
	s3 =	sadd.s32 s4, s19  }
0x9c: {  	s7 =	simm.s32 $0x0;
	s20 =	sshll.u32 s5, $0x1;
	s5 =	sadd.s32 s21, s3  }
0x9d: {  	[timem:s7], [sflag:s22] =	dma.local [hbm:s5], s20  }
0x9e: {  	_ =	swait.ge [sflag:s22], s20  }
0x9f: {  	s4 =	ssub.s32 $0x0, s20;
	[sflag:s22] =	ssyncset.done $0x0  }
0xa0: {  	[sflag:s22] =	ssyncadd.s32 s4;
	_ =	sdelay $0x1  }
0xa1: {  	s23 =	simm.s32 $0x1B8B  }
0xa2: {  	_ =	swait.ge [sflag:s23], $0x1  }
0xa3: {  	[sflag:s23] =	ssyncset.done $0x0  }
0xa4: {  	s25 =	simm.s32 $0x1B8E;
	s24 =	sld [smem:$0x3FFE];
	[sflag:s23] =	ssyncadd.s32 $0xFFFFFFFF  }
0xa5: {  	s26 =	simm.s32 $execute0_lowered;
	[smem:$0x3FD2] =	sst s25  }
0xa6: {  	s5 =	sshll.u32 s26, $0x1;
	_ =	strace $0x80000049;
	[dreg:$0x1] =	wrdreg $0xFFFFFFFF  }
0xa7: {  	s28 =	simm.s32 $_size_execute0_lowered;
	s3 =	sadd.s32 s3, s5;
	[dreg:$0x0] =	wrdreg $0x0  }
0xa8: {  	s5 =	sshll.u32 s28, $0x1;
	[dreg:$0x2] =	wrdreg s3  }
0xa9: {  	[dreg:$0x3] =	wrdreg s5  }
0xaa: {  	[dreg:$0x4] =	wrdreg $0xC0  }
0xab: {  	_ =	task [dreg:s7], $0x5FFFF  }
0xac: {  	[dreg:$0x1] =	wrdreg $0xFFFFFFFF  }
0xad: {  	[dreg:$0x0] =	wrdreg $0x60  }
0xae: {  	[dreg:$0x2] =	wrdreg s24  }
0xaf: {  	[dreg:$0x3] =	wrdreg s2  }
0xb0: {  	[dreg:$0x4] =	wrdreg $0x98000  }
0xb1: {  	[dreg:$0x5] =	wrdreg $0x9  }
0xb2: {  	_ =	task.clear_ibuf [dreg:s7], $0x6FFFF;
	_ =	strace $0x90000049  }
0xb3: {  	s29 =	simm.s32 $0x9;
	_ =	strace $0x8000004B  }
0xb4: {  	_ =	swait.ge [sflag:s29], $0x1  }
0xb5: {  	[sflag:s29] =	ssyncadd.s32 $0xFFFFFFFF  }
0xb6: {  	_ =	strace $0x9000004B  }
0xb7: {  	_ =	sfence  }
0xb8: {  	s30 =	sld [smem:$0x0];
	_ =	sdelay $0x2  }
0xb9: {  	s31 =	sshll.u32 s1, $0xD;
	s1 =	sshrl.u32 s1, $0x2  }
0xba: {  	s3 =	sand.u32 $0x4000, s31;
	s1 =	sadd.s32 s1, s30  }
0xbb: {  	s0 =	sor.u32 s3, s0;
	s1 =	sshll.u32 s1, $0x11  }
0xbc: {  	s0 =	sor.u32 s1, s0  }
0xbd: {  	s0 =	sadd.s32 $0x8F2B, s0  }
0xbe: {  	[sflag:s0] =	ssyncadd.remote.s32 $0x1  }
0xbf: {  	_ =	sfence.sel $0xFFFF  }
0xc0: {  	[dreg:$0x0] =	wrdreg $0xFFFFFFFF;
	(pc) =	sbr.abs _section_cstart, $3  }
0xc1: {  	[dreg:$0x1] =	wrdreg $0xFFFFFFFF  }
0xc2: {  	_ =	task.clear_ibuf [dreg:s7], $0x2FFFF;
	_ =	strace $0x9FFFFFFF  }
0xc3: {  	(tm) =	ssettm $0x7FFFFFFF  }
tec
execute0_lowered:
.L_overlay_start_1:
0x0: {  	(tag) =	ssettag $0x1  }
0x1: {  	s0 =	rddreg [dreg:$0x0]  }
0x2: {  	s1 =	rddreg [dreg:$0x1]  }
0x3: {  	s2 =	rddreg [dreg:$0x2]  }
0x4: {  	s3 =	srdreg.scid;
	s11 =	stileid.u32  }
0x5: {  	s19 =	simm.s32 $0xC00;
	s20 =	simm.s32 $0x100;
	s21 =	simm.s32 $0x180  }
0x6: {  	s22 =	simm.s32 $0x200;
	s23 =	simm.s32 $0x280;
	s24 =	simm.s32 $0x300  }
0x7: {  	s28 =	simm.s32 $0x680;
	s29 =	simm.s32 $0x700;
	s30 =	simm.s32 $0x780  }
0x8: {  	s31 =	simm.s32 $0x0;
	s6 =	sand.u32 $0x1, s3;
	s8 =	smul.u32 $0x14000, s11  }
0x9: {  	s3 =	simm.s32 $0x0;
	s4 =	sadd.s32 $0xD200, s0;
	s25 =	smul.u32 $0x50000, s11  }
0xa: {  	s5 =	sadd.s32 $0x3200, s0;
	s7 =	smul.u32 $0x140000, s6;
	[smem:$0x7FF] =	sst s3  }
0xb: {  	s9 =	sshll.u32 s6, $0x4;
	_ =	strace $0x8000004A;
	[dreg:$0x6] =	wrdreg s19  }
0xc: {  	s10 =	smul.u32 $0x28000, s6;
	s6 =	ssub.s32 $0x2, s6;
	[dreg:$0x7] =	wrdreg s20  }
0xd: {  	s9 =	sor.u32 s11, s9;
	s11 =	smul.u32 $0x2800, s11;
	[dreg:$0x8] =	wrdreg s21  }
0xe: {  	s26 =	sshrl.u32 s6, $0x1;
	s19 =	simm.s32 $0x1000;
	[dreg:$0x9] =	wrdreg s22  }
0xf: {  	s20 =	simm.s32 $0x3;
	[dreg:$0xa] =	wrdreg s23;
	s21 =	simm.s32 $0x5000  }
0x10: {  	[dreg:$0xb] =	wrdreg s24;
	s22 =	simm.s32 $0x4;
	s23 =	simm.s32 $0x2  }
0x11: {  	s24 =	simm.s32 $0x500;
	s7 =	sadd.s32 s8, s7;
	s9 =	smul.u32 $0x2800, s9  }
0x12: {  	s12 =	ssub.s32 s6, s26;
	s8 =	sshrl.u32 s25, $0x2;
	s25 =	simm.s32 $0x380  }
0x13: {  	s26 =	simm.s32 $0x480;
	s7 =	sshrl.u32 s7, $0x3;
	[dreg:$0xc] =	wrdreg s25  }
0x14: {  	s13 =	sadd.s32 s11, s10;
	s6 =	sadd.s32 s8, s2;
	[dreg:$0xd] =	wrdreg s26  }
0x15: {  	s25 =	simm.s32 $0x580;
	s26 =	simm.s32 $0x600;
	s11 =	sshrl.u32 s9, $0x3  }
0x16: {  	s0 =	sadd.s32 s7, s0;
	s14 =	sor.u32 $0x400, s13;
	s15 =	sadd.s32 s5, s11  }
0x17: {  	s9 =	sadd.s32 $0x4000, s6;
	s2 =	sadd.s32 s1, s11;
	[dreg:$0xe] =	wrdreg s15  }
0x18: {  	s16 =	sshrl.u32 s14, $0x3;
	s0 =	sadd.s32 $0x35200, s0;
	[dreg:$0xf] =	wrdreg s2  }
0x19: {  	s11 =	smax.u32 s12, $0x1;
	s14 =	simm.s32 $0x5;
	[dreg:$0x10] =	wrdreg s0  }
0x1a: {  	s17 =	sadd.s32 s16, s1;
	s18 =	sadd.s32 s16, s5;
	s15 =	sadd.s32 $0x800, s13  }
0x1b: {  	s13 =	simm.s32 $0x9000;
	s16 =	simm.s32 $0x1;
	[dreg:$0x4] =	wrdreg s17  }
0x1c: {  	v0 =	vimm.f32 $0.0e+00;
	[dreg:$0x5] =	wrdreg s18;
	s17 =	simm.s32 $0x400;
	s18 =	simm.s32 $0x80  }
.LBB2_1:
0x1d: {  	s0 =	simm.s32 $0x0;
	s2 =	simm.s32 $0x200  }
.LBB2_2:
0x1e: {  	p0 =	sne.s32 s2, $0x1E00;
	[tilespmem:s0+$0x9070] =	vst v0  }
0x1f: {  	[tilespmem:s0+$0x9000] =	vst v0  }
0x20: {  	[tilespmem:s0+$0x9010] =	vst v0  }
.Ltmp0:
0x21: {  	[tilespmem:s0+$0x9020] =	vst v0;
	(pc) =	sbr.rel @p0 .LBB2_2-.Ltmp0, $4  }
0x22: {  	[tilespmem:s0+$0x9030] =	vst v0  }
0x23: {  	[tilespmem:s0+$0x9040] =	vst v0  }
0x24: {  	[tilespmem:s0+$0x9050] =	vst v0  }
0x25: {  	[tilespmem:s0+$0x9060] =	vst v0;
	s0 =	sshra.s32 s2, $0x2;
	s2 =	sadd.s32 $0x200, s2  }
0x26: {  	[tilespmem:s0+$0x9070] =	vst v0  }
0x27: {  	[tilespmem:s0+$0x9000] =	vst v0  }
0x28: {  	[tilespmem:s0+$0x9010] =	vst v0  }
0x29: {  	[tilespmem:s0+$0x9020] =	vst v0  }
0x2a: {  	[tilespmem:s0+$0x9030] =	vst v0  }
0x2b: {  	[tilespmem:s0+$0x9040] =	vst v0  }
0x2c: {  	[tilespmem:s0+$0x9050] =	vst v0  }
0x2d: {  	[tilespmem:s0+$0x9060] =	vst v0;
	s12 =	sadd.s32 $0x0, s6  }
0x2e: {  	[spmem:s12] =	stream.linear.scatter [tilespmem:s13], [sflag:$0x5], $0x800, $0x38;
	[tilespmem:$0x1D800] =	vst v63  }
0x2f: {  	s0 =	simm.s32 $0x2000;
	_ =	swait.ge [sflag:s14], $0x800  }
.LBB2_4:
0x30: {  	s2 =	sshra.s32 s0, $0x2;
	[sflag:s14] =	ssyncset.done $0x0;
	p0 =	sne.s32 s0, $0x4E000  }
.Ltmp1:
0x31: {  	s2 =	sadd.s32 s2, s6;
	[sflag:s14] =	ssyncadd.s32 $0xFFFFF800;
	(pc) =	sbr.rel @p0 .LBB2_4-.Ltmp1, $3  }
0x32: {  	[spmem:s2] =	stream.linear.scatter [tilespmem:s13], [sflag:$0x5], $0x800, $0x38;
	[tilespmem:$0x1D800] =	vst v63  }
0x33: {  	s0 =	sadd.s32 $0x2000, s0;
	_ =	sdelay $0x1  }
0x34: {  	_ =	swait.ge [sflag:s14], $0x800  }
0x35: {  	[sflag:s14] =	ssyncset.done $0x0  }
0x36: {  	[sflag:s14] =	ssyncadd.s32 $0xFFFFF800  }
0x37: {  	[bflag:$0x0] =	sbarrier.arrive $0xFFFF  }
0x38: {  	s0 =	simm.s32 $0x0;
	s2 =	rddreg [dreg:$0xe]  }
0x39: {  	[tilespmem:s0], [sflag:$0x1] =	stream.linear.gather [hbm4b:s2+s0], $0x400, $0x38;
	[tilespmem:$0x1D800] =	vst v63  }
0x3a: {  	s7 =	simm.s32 $0x800;
	s12 =	rddreg [dreg:$0xf]  }
0x3b: {  	[tilespmem:s7], [sflag:$0x1] =	stream.linear.gather [hbm4b:s12+s0], $0x400, $0x38;
	[tilespmem:$0x1D800] =	vst v63  }
0x3c: {  	_ =	swait.ge [sflag:s16], $0x400  }
0x3d: {  	[sflag:s16] =	ssyncset.done $0x0  }
0x3e: {  	[sflag:s16] =	ssyncadd.s32 $0xFFFFFC00  }
0x3f: {  	_ =	swait.ge [sflag:s16], $0x400  }
0x40: {  	s2 =	rddreg [dreg:$0x5];
	[sflag:s16] =	ssyncset.done $0x0  }
0x41: {  	s7 =	rddreg [dreg:$0x4];
	[sflag:s16] =	ssyncadd.s32 $0xFFFFFC00;
	s0 =	sadd.s32 $0x0, s2  }
0x42: {  	[tilespmem:s17], [sflag:$0x2] =	stream.linear.gather [hbm4b:s0+s3], $0x400, $0x38;
	[tilespmem:$0x1D800] =	vst v63  }
0x43: {  	s12 =	rddreg [dreg:$0x6];
	s8 =	sadd.s32 $0x0, s7  }
0x44: {  	[tilespmem:s12], [sflag:$0x2] =	stream.linear.gather [hbm4b:s8+s3], $0x400, $0x38;
	[tilespmem:$0x1D800] =	vst v63  }
0x45: {  	_ = 	snop  }
0x46: {  	[tilespmem:s19], [sflag:$0x3] =	stream.indirect.gather [hbm4b:s4+s18], $0x80, s3, s18, $0xb8;
	[tilespmem:$0x1D800] =	vst v63  }
0x47: {  	_ =	swait.ge [sflag:s20], $0x4000  }
0x48: {  	[sflag:s20] =	ssyncset.done $0x0  }
0x49: {  	[sflag:s20] =	ssyncadd.s32 $0xFFFFC000  }
0x4a: {  	[tilespmem:s21], [sflag:$0x4] =	stream.indirect.gather [hbm4b:s4+s18], $0x80, s18, s18, $0xb8;
	[tilespmem:$0x1D800] =	vst v63  }
0x4b: {  	_ = 	snop  }
0x4c: {  	[spmem:s6] =	stream.linear.scatter [tilespmem:s19], [sflag:$0x5], $0x4000, $0x38;
	[tilespmem:$0x1D800] =	vst v63  }
0x4d: {  	_ =	swait.ge [sflag:s14], $0x4000  }
0x4e: {  	[sflag:s14] =	ssyncset.done $0x0  }
0x4f: {  	[sflag:s14] =	ssyncadd.s32 $0xFFFFC000  }
0x50: {  	_ =	swait.ge [sflag:s22], $0x4000  }
0x51: {  	[sflag:s22] =	ssyncset.done $0x0  }
0x52: {  	s10 =	rddreg [dreg:$0x7];
	[sflag:s22] =	ssyncadd.s32 $0xFFFFC000  }
0x53: {  	[tilespmem:s19], [sflag:$0x3] =	stream.indirect.gather [hbm4b:s4+s18], $0x80, s10, s18, $0xb8;
	[tilespmem:$0x1D800] =	vst v63  }
0x54: {  	_ = 	snop  }
0x55: {  	[spmem:s9] =	stream.linear.scatter [tilespmem:s21], [sflag:$0x5], $0x4000, $0x38;
	[tilespmem:$0x1D800] =	vst v63  }
0x56: {  	_ =	swait.ge [sflag:s14], $0x4000  }
0x57: {  	[sflag:s14] =	ssyncset.done $0x0  }
0x58: {  	[sflag:s14] =	ssyncadd.s32 $0xFFFFC000  }
0x59: {  	_ =	swait.ge [sflag:s20], $0x4000  }
0x5a: {  	[sflag:s20] =	ssyncset.done $0x0  }
0x5b: {  	s12 =	rddreg [dreg:$0x8];
	[sflag:s20] =	ssyncadd.s32 $0xFFFFC000  }
0x5c: {  	[tilespmem:s21], [sflag:$0x4] =	stream.indirect.gather [hbm4b:s4+s18], $0x80, s12, s18, $0xb8;
	[tilespmem:$0x1D800] =	vst v63  }
0x5d: {  	_ = 	snop  }
0x5e: {  	[spmem:s6] =	stream.linear.scatter [tilespmem:s19], [sflag:$0x5], $0x4000, $0x38;
	[tilespmem:$0x1D800] =	vst v63  }
0x5f: {  	_ =	swait.ge [sflag:s14], $0x4000  }
0x60: {  	[sflag:s14] =	ssyncset.done $0x0  }
0x61: {  	[sflag:s14] =	ssyncadd.s32 $0xFFFFC000  }
0x62: {  	_ =	swait.ge [sflag:s22], $0x4000  }
0x63: {  	[sflag:s22] =	ssyncset.done $0x0  }
0x64: {  	s2 =	rddreg [dreg:$0x9];
	[sflag:s22] =	ssyncadd.s32 $0xFFFFC000  }
0x65: {  	[tilespmem:s19], [sflag:$0x3] =	stream.indirect.gather [hbm4b:s4+s18], $0x80, s2, s18, $0xb8;
	[tilespmem:$0x1D800] =	vst v63  }
0x66: {  	_ = 	snop  }
0x67: {  	[spmem:s9] =	stream.linear.scatter [tilespmem:s21], [sflag:$0x5], $0x4000, $0x38;
	[tilespmem:$0x1D800] =	vst v63  }
0x68: {  	_ =	swait.ge [sflag:s14], $0x4000  }
0x69: {  	[sflag:s14] =	ssyncset.done $0x0  }
0x6a: {  	[sflag:s14] =	ssyncadd.s32 $0xFFFFC000  }
0x6b: {  	_ =	swait.ge [sflag:s20], $0x4000  }
0x6c: {  	[sflag:s20] =	ssyncset.done $0x0  }
0x6d: {  	s7 =	rddreg [dreg:$0xa];
	[sflag:s20] =	ssyncadd.s32 $0xFFFFC000  }
0x6e: {  	[tilespmem:s21], [sflag:$0x4] =	stream.indirect.gather [hbm4b:s4+s18], $0x80, s7, s18, $0xb8;
	[tilespmem:$0x1D800] =	vst v63  }
0x6f: {  	_ = 	snop  }
0x70: {  	[spmem:s6] =	stream.linear.scatter [tilespmem:s19], [sflag:$0x5], $0x4000, $0x38;
	[tilespmem:$0x1D800] =	vst v63  }
0x71: {  	_ =	swait.ge [sflag:s14], $0x4000  }
0x72: {  	[sflag:s14] =	ssyncset.done $0x0  }
0x73: {  	[sflag:s14] =	ssyncadd.s32 $0xFFFFC000  }
0x74: {  	_ =	swait.ge [sflag:s22], $0x4000  }
0x75: {  	[sflag:s22] =	ssyncset.done $0x0  }
0x76: {  	s8 =	rddreg [dreg:$0xb];
	[sflag:s22] =	ssyncadd.s32 $0xFFFFC000  }
0x77: {  	[tilespmem:s19], [sflag:$0x3] =	stream.indirect.gather [hbm4b:s4+s18], $0x80, s8, s18, $0xb8;
	[tilespmem:$0x1D800] =	vst v63  }
0x78: {  	_ = 	snop  }
0x79: {  	[spmem:s9] =	stream.linear.scatter [tilespmem:s21], [sflag:$0x5], $0x4000, $0x38;
	[tilespmem:$0x1D800] =	vst v63  }
0x7a: {  	_ =	swait.ge [sflag:s14], $0x4000  }
0x7b: {  	[sflag:s14] =	ssyncset.done $0x0  }
0x7c: {  	[sflag:s14] =	ssyncadd.s32 $0xFFFFC000  }
0x7d: {  	_ =	swait.ge [sflag:s20], $0x4000  }
0x7e: {  	[sflag:s20] =	ssyncset.done $0x0  }
0x7f: {  	s10 =	rddreg [dreg:$0xc];
	[sflag:s20] =	ssyncadd.s32 $0xFFFFC000  }
0x80: {  	[tilespmem:s21], [sflag:$0x4] =	stream.indirect.gather [hbm4b:s4+s18], $0x80, s10, s18, $0xb8;
	[tilespmem:$0x1D800] =	vst v63  }
0x81: {  	_ = 	snop  }
0x82: {  	[spmem:s6] =	stream.linear.scatter [tilespmem:s19], [sflag:$0x5], $0x4000, $0x38;
	[tilespmem:$0x1D800] =	vst v63  }
0x83: {  	_ =	swait.ge [sflag:s14], $0x4000  }
0x84: {  	[sflag:s14] =	ssyncset.done $0x0  }
0x85: {  	[sflag:s14] =	ssyncadd.s32 $0xFFFFC000  }
0x86: {  	_ =	swait.ge [sflag:s22], $0x4000  }
0x87: {  	[sflag:s22] =	ssyncset.done $0x0  }
0x88: {  	[sflag:s22] =	ssyncadd.s32 $0xFFFFC000  }
0x89: {  	[spmem:s9] =	stream.linear.scatter [tilespmem:s21], [sflag:$0x5], $0x4000, $0x38;
	[tilespmem:$0x1D800] =	vst v63  }
0x8a: {  	_ =	swait.ge [sflag:s14], $0x4000  }
0x8b: {  	[sflag:s14] =	ssyncset.done $0x0  }
0x8c: {  	[sflag:s14] =	ssyncadd.s32 $0xFFFFC000  }
0x8d: {  	_ =	swait.ge [sflag:s23], $0x400  }
0x8e: {  	[sflag:s23] =	ssyncset.done $0x0  }
0x8f: {  	[sflag:s23] =	ssyncadd.s32 $0xFFFFFC00  }
0x90: {  	p0 =	por $0x0, $0x0;
	_ =	swait.ge [sflag:s23], $0x400  }
0x91: {  	s0 =	sshrl.u32 @!p0 s15, $0x3;
	[sflag:s23] =	ssyncset.done $0x0  }
0x92: {  	s12 =	simm.s32 @!p0 $0x0;
	s2 =	sadd.s32 @!p0 s5, s0;
	[sflag:s23] =	ssyncadd.s32 $0xFFFFFC00  }
0x93: {  	[tilespmem:s12], [sflag:$0x1] =	stream.linear.gather @!p0 [hbm4b:s2+s12], $0x400, $0x38;
	[tilespmem:$0x1D800] =	vst v63  }
0x94: {  	s0 =	sadd.s32 @!p0 s1, s0;
	s2 =	simm.s32 @!p0 $0x800  }
0x95: {  	[tilespmem:s2], [sflag:$0x1] =	stream.linear.gather @!p0 [hbm4b:s0+s12], $0x400, $0x38;
	[tilespmem:$0x1D800] =	vst v63  }
0x96: {  	_ = 	snop  }
0x97: {  	[tilespmem:s19], [sflag:$0x3] =	stream.indirect.gather [hbm4b:s4+s18], $0x80, s17, s18, $0xb8;
	[tilespmem:$0x1D800] =	vst v63  }
0x98: {  	_ =	swait.ge [sflag:s20], $0x4000  }
0x99: {  	[sflag:s20] =	ssyncset.done $0x0  }
0x9a: {  	s12 =	rddreg [dreg:$0xd];
	[sflag:s20] =	ssyncadd.s32 $0xFFFFC000  }
0x9b: {  	[tilespmem:s21], [sflag:$0x4] =	stream.indirect.gather [hbm4b:s4+s18], $0x80, s12, s18, $0xb8;
	[tilespmem:$0x1D800] =	vst v63  }
0x9c: {  	_ = 	snop  }
0x9d: {  	[spmem:s6] =	stream.linear.scatter [tilespmem:s19], [sflag:$0x5], $0x4000, $0x38;
	[tilespmem:$0x1D800] =	vst v63  }
0x9e: {  	_ =	swait.ge [sflag:s14], $0x4000  }
0x9f: {  	[sflag:s14] =	ssyncset.done $0x0  }
0xa0: {  	[sflag:s14] =	ssyncadd.s32 $0xFFFFC000  }
0xa1: {  	_ =	swait.ge [sflag:s22], $0x4000  }
0xa2: {  	[sflag:s22] =	ssyncset.done $0x0  }
0xa3: {  	[sflag:s22] =	ssyncadd.s32 $0xFFFFC000  }
0xa4: {  	[tilespmem:s19], [sflag:$0x3] =	stream.indirect.gather [hbm4b:s4+s18], $0x80, s24, s18, $0xb8;
	[tilespmem:$0x1D800] =	vst v63  }
0xa5: {  	_ = 	snop  }
0xa6: {  	[spmem:s9] =	stream.linear.scatter [tilespmem:s21], [sflag:$0x5], $0x4000, $0x38;
	[tilespmem:$0x1D800] =	vst v63  }
0xa7: {  	_ =	swait.ge [sflag:s14], $0x4000  }
0xa8: {  	[sflag:s14] =	ssyncset.done $0x0  }
0xa9: {  	[sflag:s14] =	ssyncadd.s32 $0xFFFFC000  }
0xaa: {  	_ =	swait.ge [sflag:s20], $0x4000  }
0xab: {  	[sflag:s20] =	ssyncset.done $0x0  }
0xac: {  	[sflag:s20] =	ssyncadd.s32 $0xFFFFC000  }
0xad: {  	[tilespmem:s21], [sflag:$0x4] =	stream.indirect.gather [hbm4b:s4+s18], $0x80, s25, s18, $0xb8;
	[tilespmem:$0x1D800] =	vst v63  }
0xae: {  	_ = 	snop  }
0xaf: {  	[spmem:s6] =	stream.linear.scatter [tilespmem:s19], [sflag:$0x5], $0x4000, $0x38;
	[tilespmem:$0x1D800] =	vst v63  }
0xb0: {  	_ =	swait.ge [sflag:s14], $0x4000  }
0xb1: {  	[sflag:s14] =	ssyncset.done $0x0  }
0xb2: {  	[sflag:s14] =	ssyncadd.s32 $0xFFFFC000  }
0xb3: {  	_ =	swait.ge [sflag:s22], $0x4000  }
0xb4: {  	[sflag:s22] =	ssyncset.done $0x0  }
0xb5: {  	[sflag:s22] =	ssyncadd.s32 $0xFFFFC000  }
0xb6: {  	[tilespmem:s19], [sflag:$0x3] =	stream.indirect.gather [hbm4b:s4+s18], $0x80, s26, s18, $0xb8;
	[tilespmem:$0x1D800] =	vst v63  }
0xb7: {  	_ = 	snop  }
0xb8: {  	[spmem:s9] =	stream.linear.scatter [tilespmem:s21], [sflag:$0x5], $0x4000, $0x38;
	[tilespmem:$0x1D800] =	vst v63  }
0xb9: {  	_ =	swait.ge [sflag:s14], $0x4000  }
0xba: {  	[sflag:s14] =	ssyncset.done $0x0  }
0xbb: {  	[sflag:s14] =	ssyncadd.s32 $0xFFFFC000  }
0xbc: {  	_ =	swait.ge [sflag:s20], $0x4000  }
0xbd: {  	[sflag:s20] =	ssyncset.done $0x0  }
0xbe: {  	[sflag:s20] =	ssyncadd.s32 $0xFFFFC000  }
0xbf: {  	[tilespmem:s21], [sflag:$0x4] =	stream.indirect.gather [hbm4b:s4+s18], $0x80, s28, s18, $0xb8;
	[tilespmem:$0x1D800] =	vst v63  }
0xc0: {  	_ = 	snop  }
0xc1: {  	[spmem:s6] =	stream.linear.scatter [tilespmem:s19], [sflag:$0x5], $0x4000, $0x38;
	[tilespmem:$0x1D800] =	vst v63  }
0xc2: {  	_ =	swait.ge [sflag:s14], $0x4000  }
0xc3: {  	[sflag:s14] =	ssyncset.done $0x0  }
0xc4: {  	[sflag:s14] =	ssyncadd.s32 $0xFFFFC000  }
0xc5: {  	_ =	swait.ge [sflag:s22], $0x4000  }
0xc6: {  	[sflag:s22] =	ssyncset.done $0x0  }
0xc7: {  	[sflag:s22] =	ssyncadd.s32 $0xFFFFC000  }
0xc8: {  	[tilespmem:s19], [sflag:$0x3] =	stream.indirect.gather [hbm4b:s4+s18], $0x80, s29, s18, $0xb8;
	[tilespmem:$0x1D800] =	vst v63  }
0xc9: {  	_ = 	snop  }
0xca: {  	[spmem:s9] =	stream.linear.scatter [tilespmem:s21], [sflag:$0x5], $0x4000, $0x38;
	[tilespmem:$0x1D800] =	vst v63  }
0xcb: {  	_ =	swait.ge [sflag:s14], $0x4000  }
0xcc: {  	[sflag:s14] =	ssyncset.done $0x0  }
0xcd: {  	[sflag:s14] =	ssyncadd.s32 $0xFFFFC000  }
0xce: {  	_ =	swait.ge [sflag:s20], $0x4000  }
0xcf: {  	[sflag:s20] =	ssyncset.done $0x0  }
0xd0: {  	[sflag:s20] =	ssyncadd.s32 $0xFFFFC000  }
0xd1: {  	[tilespmem:s21], [sflag:$0x4] =	stream.indirect.gather [hbm4b:s4+s18], $0x80, s30, s18, $0xb8;
	[tilespmem:$0x1D800] =	vst v63  }
0xd2: {  	_ = 	snop  }
0xd3: {  	[spmem:s6] =	stream.linear.scatter [tilespmem:s19], [sflag:$0x5], $0x4000, $0x38;
	[tilespmem:$0x1D800] =	vst v63  }
0xd4: {  	_ =	swait.ge [sflag:s14], $0x4000  }
0xd5: {  	[sflag:s14] =	ssyncset.done $0x0  }
0xd6: {  	[sflag:s14] =	ssyncadd.s32 $0xFFFFC000  }
0xd7: {  	_ =	swait.ge [sflag:s22], $0x4000  }
0xd8: {  	[sflag:s22] =	ssyncset.done $0x0  }
0xd9: {  	[sflag:s22] =	ssyncadd.s32 $0xFFFFC000  }
0xda: {  	[spmem:s9] =	stream.linear.scatter [tilespmem:s21], [sflag:$0x5], $0x4000, $0x38;
	[tilespmem:$0x1D800] =	vst v63  }
0xdb: {  	_ =	swait.ge [sflag:s14], $0x4000  }
0xdc: {  	s0 =	simm.s32 $0x100;
	s12 =	smov.u32 s15;
	[sflag:s14] =	ssyncset.done $0x0  }
.LBB2_6:
0xdd: {  	[sflag:s14] =	ssyncadd.s32 $0xFFFFC000  }
0xde: {  	_ =	swait.ge [sflag:s16], $0x400  }
0xdf: {  	[sflag:s16] =	ssyncset.done $0x0  }
0xe0: {  	[sflag:s16] =	ssyncadd.s32 $0xFFFFFC00  }
0xe1: {  	_ =	swait.ge [sflag:s16], $0x400  }
0xe2: {  	s2 =	smov.u32 s0;
	s7 =	rddreg [dreg:$0x5];
	[sflag:s16] =	ssyncset.done $0x0  }
0xe3: {  	s8 =	rddreg [dreg:$0x4];
	[sflag:s16] =	ssyncadd.s32 $0xFFFFFC00;
	s7 =	sadd.s32 s2, s7  }
0xe4: {  	[tilespmem:s17], [sflag:$0x2] =	stream.linear.gather [hbm4b:s7+s3], $0x400, $0x38;
	[tilespmem:$0x1D800] =	vst v63  }
0xe5: {  	s10 =	rddreg [dreg:$0x6];
	s8 =	sadd.s32 s2, s8  }
0xe6: {  	[tilespmem:s10], [sflag:$0x2] =	stream.linear.gather [hbm4b:s8+s3], $0x400, $0x38;
	[tilespmem:$0x1D800] =	vst v63  }
0xe7: {  	_ = 	snop  }
0xe8: {  	[tilespmem:s19], [sflag:$0x3] =	stream.indirect.gather [hbm4b:s4+s18], $0x80, s3, s18, $0xb8;
	[tilespmem:$0x1D800] =	vst v63  }
0xe9: {  	_ =	swait.ge [sflag:s20], $0x4000  }
0xea: {  	[sflag:s20] =	ssyncset.done $0x0  }
0xeb: {  	[sflag:s20] =	ssyncadd.s32 $0xFFFFC000  }
0xec: {  	[tilespmem:s21], [sflag:$0x4] =	stream.indirect.gather [hbm4b:s4+s18], $0x80, s18, s18, $0xb8;
	[tilespmem:$0x1D800] =	vst v63  }
0xed: {  	_ = 	snop  }
0xee: {  	[spmem:s6] =	stream.linear.scatter [tilespmem:s19], [sflag:$0x5], $0x4000, $0x38;
	[tilespmem:$0x1D800] =	vst v63  }
0xef: {  	_ =	swait.ge [sflag:s14], $0x4000  }
0xf0: {  	[sflag:s14] =	ssyncset.done $0x0  }
0xf1: {  	[sflag:s14] =	ssyncadd.s32 $0xFFFFC000  }
0xf2: {  	_ =	swait.ge [sflag:s22], $0x4000  }
0xf3: {  	[sflag:s22] =	ssyncset.done $0x0  }
0xf4: {  	s10 =	rddreg [dreg:$0x7];
	[sflag:s22] =	ssyncadd.s32 $0xFFFFC000  }
0xf5: {  	[tilespmem:s19], [sflag:$0x3] =	stream.indirect.gather [hbm4b:s4+s18], $0x80, s10, s18, $0xb8;
	[tilespmem:$0x1D800] =	vst v63  }
0xf6: {  	_ = 	snop  }
0xf7: {  	[spmem:s9] =	stream.linear.scatter [tilespmem:s21], [sflag:$0x5], $0x4000, $0x38;
	[tilespmem:$0x1D800] =	vst v63  }
0xf8: {  	_ =	swait.ge [sflag:s14], $0x4000  }
0xf9: {  	[sflag:s14] =	ssyncset.done $0x0  }
0xfa: {  	[sflag:s14] =	ssyncadd.s32 $0xFFFFC000  }
0xfb: {  	_ =	swait.ge [sflag:s20], $0x4000  }
0xfc: {  	[sflag:s20] =	ssyncset.done $0x0  }
0xfd: {  	s8 =	rddreg [dreg:$0x8];
	[sflag:s20] =	ssyncadd.s32 $0xFFFFC000  }
0xfe: {  	[tilespmem:s21], [sflag:$0x4] =	stream.indirect.gather [hbm4b:s4+s18], $0x80, s8, s18, $0xb8;
	[tilespmem:$0x1D800] =	vst v63  }
0xff: {  	_ = 	snop  }
0x100: {  	[spmem:s6] =	stream.linear.scatter [tilespmem:s19], [sflag:$0x5], $0x4000, $0x38;
	[tilespmem:$0x1D800] =	vst v63  }
0x101: {  	_ =	swait.ge [sflag:s14], $0x4000  }
0x102: {  	[sflag:s14] =	ssyncset.done $0x0  }
0x103: {  	[sflag:s14] =	ssyncadd.s32 $0xFFFFC000  }
0x104: {  	_ =	swait.ge [sflag:s22], $0x4000  }
0x105: {  	[sflag:s22] =	ssyncset.done $0x0  }
0x106: {  	s10 =	rddreg [dreg:$0x9];
	[sflag:s22] =	ssyncadd.s32 $0xFFFFC000  }
0x107: {  	[tilespmem:s19], [sflag:$0x3] =	stream.indirect.gather [hbm4b:s4+s18], $0x80, s10, s18, $0xb8;
	[tilespmem:$0x1D800] =	vst v63  }
0x108: {  	_ = 	snop  }
0x109: {  	[spmem:s9] =	stream.linear.scatter [tilespmem:s21], [sflag:$0x5], $0x4000, $0x38;
	[tilespmem:$0x1D800] =	vst v63  }
0x10a: {  	_ =	swait.ge [sflag:s14], $0x4000  }
0x10b: {  	[sflag:s14] =	ssyncset.done $0x0  }
0x10c: {  	[sflag:s14] =	ssyncadd.s32 $0xFFFFC000  }
0x10d: {  	_ =	swait.ge [sflag:s20], $0x4000  }
0x10e: {  	[sflag:s20] =	ssyncset.done $0x0  }
0x10f: {  	s8 =	rddreg [dreg:$0xa];
	[sflag:s20] =	ssyncadd.s32 $0xFFFFC000  }
0x110: {  	[tilespmem:s21], [sflag:$0x4] =	stream.indirect.gather [hbm4b:s4+s18], $0x80, s8, s18, $0xb8;
	[tilespmem:$0x1D800] =	vst v63  }
0x111: {  	_ = 	snop  }
0x112: {  	[spmem:s6] =	stream.linear.scatter [tilespmem:s19], [sflag:$0x5], $0x4000, $0x38;
	[tilespmem:$0x1D800] =	vst v63  }
0x113: {  	_ =	swait.ge [sflag:s14], $0x4000  }
0x114: {  	[sflag:s14] =	ssyncset.done $0x0  }
0x115: {  	[sflag:s14] =	ssyncadd.s32 $0xFFFFC000  }
0x116: {  	_ =	swait.ge [sflag:s22], $0x4000  }
0x117: {  	[sflag:s22] =	ssyncset.done $0x0  }
0x118: {  	s10 =	rddreg [dreg:$0xb];
	[sflag:s22] =	ssyncadd.s32 $0xFFFFC000  }
0x119: {  	[tilespmem:s19], [sflag:$0x3] =	stream.indirect.gather [hbm4b:s4+s18], $0x80, s10, s18, $0xb8;
	[tilespmem:$0x1D800] =	vst v63  }
0x11a: {  	_ = 	snop  }
0x11b: {  	[spmem:s9] =	stream.linear.scatter [tilespmem:s21], [sflag:$0x5], $0x4000, $0x38;
	[tilespmem:$0x1D800] =	vst v63  }
0x11c: {  	_ =	swait.ge [sflag:s14], $0x4000  }
0x11d: {  	[sflag:s14] =	ssyncset.done $0x0  }
0x11e: {  	[sflag:s14] =	ssyncadd.s32 $0xFFFFC000  }
0x11f: {  	_ =	swait.ge [sflag:s20], $0x4000  }
0x120: {  	[sflag:s20] =	ssyncset.done $0x0  }
0x121: {  	s8 =	rddreg [dreg:$0xc];
	[sflag:s20] =	ssyncadd.s32 $0xFFFFC000  }
0x122: {  	[tilespmem:s21], [sflag:$0x4] =	stream.indirect.gather [hbm4b:s4+s18], $0x80, s8, s18, $0xb8;
	[tilespmem:$0x1D800] =	vst v63  }
0x123: {  	_ = 	snop  }
0x124: {  	[spmem:s6] =	stream.linear.scatter [tilespmem:s19], [sflag:$0x5], $0x4000, $0x38;
	[tilespmem:$0x1D800] =	vst v63  }
0x125: {  	_ =	swait.ge [sflag:s14], $0x4000  }
0x126: {  	[sflag:s14] =	ssyncset.done $0x0  }
0x127: {  	[sflag:s14] =	ssyncadd.s32 $0xFFFFC000  }
0x128: {  	_ =	swait.ge [sflag:s22], $0x4000  }
0x129: {  	[sflag:s22] =	ssyncset.done $0x0  }
0x12a: {  	[sflag:s22] =	ssyncadd.s32 $0xFFFFC000  }
0x12b: {  	[spmem:s9] =	stream.linear.scatter [tilespmem:s21], [sflag:$0x5], $0x4000, $0x38;
	[tilespmem:$0x1D800] =	vst v63  }
0x12c: {  	_ =	swait.ge [sflag:s14], $0x4000  }
0x12d: {  	[sflag:s14] =	ssyncset.done $0x0  }
0x12e: {  	[sflag:s14] =	ssyncadd.s32 $0xFFFFC000  }
0x12f: {  	_ =	swait.ge [sflag:s23], $0x400  }
0x130: {  	[sflag:s23] =	ssyncset.done $0x0  }
0x131: {  	[sflag:s23] =	ssyncadd.s32 $0xFFFFFC00  }
0x132: {  	s12 =	sadd.s32 $0x800, s12;
	p1 =	seq.s32 s2, $0x400;
	_ =	swait.ge [sflag:s23], $0x400  }
0x133: {  	s2 =	sshrl.u32 @!p1 s12, $0x3;
	[sflag:s23] =	ssyncset.done $0x0  }
0x134: {  	s7 =	sadd.s32 @!p1 s5, s2;
	s8 =	simm.s32 @!p1 $0x0;
	[sflag:s23] =	ssyncadd.s32 $0xFFFFFC00  }
0x135: {  	[tilespmem:s8], [sflag:$0x1] =	stream.linear.gather @!p1 [hbm4b:s7+s8], $0x400, $0x38;
	[tilespmem:$0x1D800] =	vst v63  }
0x136: {  	s2 =	sadd.s32 @!p1 s1, s2;
	s7 =	simm.s32 @!p1 $0x800  }
0x137: {  	[tilespmem:s7], [sflag:$0x1] =	stream.linear.gather @!p1 [hbm4b:s2+s8], $0x400, $0x38;
	[tilespmem:$0x1D800] =	vst v63  }
0x138: {  	_ = 	snop  }
0x139: {  	[tilespmem:s19], [sflag:$0x3] =	stream.indirect.gather [hbm4b:s4+s18], $0x80, s17, s18, $0xb8;
	[tilespmem:$0x1D800] =	vst v63  }
0x13a: {  	_ =	swait.ge [sflag:s20], $0x4000  }
0x13b: {  	[sflag:s20] =	ssyncset.done $0x0  }
0x13c: {  	s10 =	rddreg [dreg:$0xd];
	[sflag:s20] =	ssyncadd.s32 $0xFFFFC000  }
0x13d: {  	[tilespmem:s21], [sflag:$0x4] =	stream.indirect.gather [hbm4b:s4+s18], $0x80, s10, s18, $0xb8;
	[tilespmem:$0x1D800] =	vst v63  }
0x13e: {  	_ = 	snop  }
0x13f: {  	[spmem:s6] =	stream.linear.scatter [tilespmem:s19], [sflag:$0x5], $0x4000, $0x38;
	[tilespmem:$0x1D800] =	vst v63  }
0x140: {  	_ =	swait.ge [sflag:s14], $0x4000  }
0x141: {  	[sflag:s14] =	ssyncset.done $0x0  }
0x142: {  	[sflag:s14] =	ssyncadd.s32 $0xFFFFC000  }
0x143: {  	_ =	swait.ge [sflag:s22], $0x4000  }
0x144: {  	[sflag:s22] =	ssyncset.done $0x0  }
0x145: {  	[sflag:s22] =	ssyncadd.s32 $0xFFFFC000  }
0x146: {  	[tilespmem:s19], [sflag:$0x3] =	stream.indirect.gather [hbm4b:s4+s18], $0x80, s24, s18, $0xb8;
	[tilespmem:$0x1D800] =	vst v63  }
0x147: {  	_ = 	snop  }
0x148: {  	[spmem:s9] =	stream.linear.scatter [tilespmem:s21], [sflag:$0x5], $0x4000, $0x38;
	[tilespmem:$0x1D800] =	vst v63  }
0x149: {  	_ =	swait.ge [sflag:s14], $0x4000  }
0x14a: {  	[sflag:s14] =	ssyncset.done $0x0  }
0x14b: {  	[sflag:s14] =	ssyncadd.s32 $0xFFFFC000  }
0x14c: {  	_ =	swait.ge [sflag:s20], $0x4000  }
0x14d: {  	[sflag:s20] =	ssyncset.done $0x0  }
0x14e: {  	[sflag:s20] =	ssyncadd.s32 $0xFFFFC000  }
0x14f: {  	[tilespmem:s21], [sflag:$0x4] =	stream.indirect.gather [hbm4b:s4+s18], $0x80, s25, s18, $0xb8;
	[tilespmem:$0x1D800] =	vst v63  }
0x150: {  	_ = 	snop  }
0x151: {  	[spmem:s6] =	stream.linear.scatter [tilespmem:s19], [sflag:$0x5], $0x4000, $0x38;
	[tilespmem:$0x1D800] =	vst v63  }
0x152: {  	_ =	swait.ge [sflag:s14], $0x4000  }
0x153: {  	[sflag:s14] =	ssyncset.done $0x0  }
0x154: {  	[sflag:s14] =	ssyncadd.s32 $0xFFFFC000  }
0x155: {  	_ =	swait.ge [sflag:s22], $0x4000  }
0x156: {  	[sflag:s22] =	ssyncset.done $0x0  }
0x157: {  	[sflag:s22] =	ssyncadd.s32 $0xFFFFC000  }
0x158: {  	[tilespmem:s19], [sflag:$0x3] =	stream.indirect.gather [hbm4b:s4+s18], $0x80, s26, s18, $0xb8;
	[tilespmem:$0x1D800] =	vst v63  }
0x159: {  	_ = 	snop  }
0x15a: {  	[spmem:s9] =	stream.linear.scatter [tilespmem:s21], [sflag:$0x5], $0x4000, $0x38;
	[tilespmem:$0x1D800] =	vst v63  }
0x15b: {  	_ =	swait.ge [sflag:s14], $0x4000  }
0x15c: {  	[sflag:s14] =	ssyncset.done $0x0  }
0x15d: {  	[sflag:s14] =	ssyncadd.s32 $0xFFFFC000  }
0x15e: {  	_ =	swait.ge [sflag:s20], $0x4000  }
0x15f: {  	[sflag:s20] =	ssyncset.done $0x0  }
0x160: {  	[sflag:s20] =	ssyncadd.s32 $0xFFFFC000  }
0x161: {  	[tilespmem:s21], [sflag:$0x4] =	stream.indirect.gather [hbm4b:s4+s18], $0x80, s28, s18, $0xb8;
	[tilespmem:$0x1D800] =	vst v63  }
0x162: {  	_ = 	snop  }
0x163: {  	[spmem:s6] =	stream.linear.scatter [tilespmem:s19], [sflag:$0x5], $0x4000, $0x38;
	[tilespmem:$0x1D800] =	vst v63  }
0x164: {  	_ =	swait.ge [sflag:s14], $0x4000  }
0x165: {  	[sflag:s14] =	ssyncset.done $0x0  }
0x166: {  	[sflag:s14] =	ssyncadd.s32 $0xFFFFC000  }
0x167: {  	_ =	swait.ge [sflag:s22], $0x4000  }
0x168: {  	[sflag:s22] =	ssyncset.done $0x0  }
0x169: {  	[sflag:s22] =	ssyncadd.s32 $0xFFFFC000  }
0x16a: {  	[tilespmem:s19], [sflag:$0x3] =	stream.indirect.gather [hbm4b:s4+s18], $0x80, s29, s18, $0xb8;
	[tilespmem:$0x1D800] =	vst v63  }
0x16b: {  	_ = 	snop  }
0x16c: {  	[spmem:s9] =	stream.linear.scatter [tilespmem:s21], [sflag:$0x5], $0x4000, $0x38;
	[tilespmem:$0x1D800] =	vst v63  }
0x16d: {  	_ =	swait.ge [sflag:s14], $0x4000  }
0x16e: {  	[sflag:s14] =	ssyncset.done $0x0  }
0x16f: {  	[sflag:s14] =	ssyncadd.s32 $0xFFFFC000  }
0x170: {  	_ =	swait.ge [sflag:s20], $0x4000  }
0x171: {  	[sflag:s20] =	ssyncset.done $0x0  }
0x172: {  	[sflag:s20] =	ssyncadd.s32 $0xFFFFC000  }
0x173: {  	[tilespmem:s21], [sflag:$0x4] =	stream.indirect.gather [hbm4b:s4+s18], $0x80, s30, s18, $0xb8;
	[tilespmem:$0x1D800] =	vst v63  }
0x174: {  	_ = 	snop  }
0x175: {  	[spmem:s6] =	stream.linear.scatter [tilespmem:s19], [sflag:$0x5], $0x4000, $0x38;
	[tilespmem:$0x1D800] =	vst v63  }
0x176: {  	_ =	swait.ge [sflag:s14], $0x4000  }
0x177: {  	[sflag:s14] =	ssyncset.done $0x0  }
0x178: {  	s0 =	sadd.s32 $0x100, s0;
	[sflag:s14] =	ssyncadd.s32 $0xFFFFC000  }
0x179: {  	p0 =	sne.s32 s0, $0x500;
	_ =	swait.ge [sflag:s22], $0x4000  }
.Ltmp2:
0x17a: {  	[sflag:s22] =	ssyncset.done $0x0;
	(pc) =	sbr.rel @p0 .LBB2_6-.Ltmp2, $4  }
0x17b: {  	[sflag:s22] =	ssyncadd.s32 $0xFFFFC000  }
0x17c: {  	[spmem:s9] =	stream.linear.scatter [tilespmem:s21], [sflag:$0x5], $0x4000, $0x38;
	[tilespmem:$0x1D800] =	vst v63  }
0x17d: {  	_ =	swait.ge [sflag:s14], $0x4000  }
0x17e: {  	[sflag:s14] =	ssyncset.done $0x0  }
0x17f: {  	[sflag:s14] =	ssyncadd.s32 $0xFFFFC000  }
0x180: {  	s0 =	stileid.u32;
	s2 =	sshrl.u32 s6, $0x3;
	s31 =	sadd.s32 $0x1, s31  }
0x181: {  	s0 =	sshll.u32 s0, $0x6;
	[bflag:$0x0] =	sbarrier.arrive $0xFFFF;
	p0 =	sne.s32 s31, s11  }
.Ltmp3:
0x182: {  	s0 =	sor.u32 $0x1C05, s0;
	s7 =	rddreg [dreg:$0x10];
	(pc) =	sbr.rel @p0 .LBB2_1-.Ltmp3, $4  }
0x183: {  	[hbm:s7], [sflag:s0] =	dma.local [spmem:s2], $0x2800  }
0x184: {  	_ =	swait.ge [sflag:s14], $0x2800  }
0x185: {  	[sflag:s14] =	ssyncset.done $0x0  }
0x186: {  	[sflag:s14] =	ssyncadd.s32 $0xFFFFD800  }
0x187: {  	_ =	sfence.sel $0x180000  }
0x188: {  	[bflag:$0x0] =	sbarrier.arrive $0xFFFF  }
0x189: {  	_ =	strace $0x9000004A  }
0x18a: {  	s0 =	stileid.u32;
	[bflag:$0x2] =	sbarrier.arrive $0xFFFF  }
0x18b: {  	p0 =	sne.s32 s0, $0x0;
	s0 =	rddreg [dreg:$0x3]  }
0x18c: {  	s0 =	sadd.s32 @!p0 $0x100000, s0  }
0x18d: {  	[sflag:s0] =	ssyncadd.tile.s32 @!p0 $0x1;
	_ =	shalt  }
.Lfunc_end2:
_tile_overlayer_lowered:
.L_overlay_start_2:
0x18e: {  	(tag) =	ssettag $0x2  }
0x18f: {  	s0 =	rddreg [dreg:$0x0];
	s2 =	stileid.u32  }
0x190: {  	s1 =	rddreg [dreg:$0x1];
	p0 =	sne.s32 s2, $0x0  }
0x191: {  	s3 =	rddreg [dreg:$0x2];
	[bflag:$0x3] =	sbarrier.arrive $0xFFFF;
	s2 =	simm.s32 @!p0 $0x1C05  }
0x192: {  	[timem:s3], [sflag:s2] =	dma.local @!p0 [hbm:s0], s1  }
0x193: {  	s0 =	simm.s32 @!p0 $0x5  }
0x194: {  	_ =	swait.ge @!p0 [sflag:s0], s1  }
0x195: {  	s1 =	ssub.s32 @!p0 $0x0, s1;
	[sflag:s0] =	ssyncset.done @!p0 $0x0  }
0x196: {  	[sflag:s0] =	ssyncadd.s32 @!p0 s1  }
0x197: {  	[bflag:$0x3] =	sbarrier.arrive $0xFFFF  }
0x198: {  	_ =	shalt  }

// kernel: kernel.15.cloned.1.call-start
scs
__scs_entry_jumppad:
0x0: {  	(pc) =	sbr.rel $0x88, $3  }
0x1: {  	(tag) =	ssettag $0x0;
	lr =	simm.s32 $0x1  }
0x2: {  	[smem:$0x3F97] =	sst lr;
	_ =	strace $0xD0000000  }
0x3: {  	_ = 	snop  }
0x4: {  	_ = 	snop  }
0x5: {  	_ = 	snop  }
0x6: {  	_ = 	snop  }
0x7: {  	_ = 	snop  }
__scs_overlays_trampoline_lowered:
0x8: {  	[smem:$0x3FA6] =	sst s0  }
0x9: {  	[smem:$0x3FA7] =	sst s1  }
0xa: {  	[smem:$0x3FA8] =	sst s2  }
0xb: {  	[smem:$0x3FA9] =	sst s3  }
0xc: {  	[smem:$0x3FAA] =	sst s4  }
0xd: {  	[smem:$0x3FAB] =	sst s5  }
0xe: {  	[smem:$0x3FAC] =	sst s6  }
0xf: {  	[smem:$0x3FAD] =	sst s7  }
0x10: {  	[smem:$0x3FAE] =	sst s8  }
0x11: {  	[smem:$0x3FAF] =	sst s9;
	s0 =	simm.s32 @!p0 $0x0  }
0x12: {  	s1 =	sld [smem:$0x3F95];
	s0 =	simm.s32 @p0 $0x1  }
0x13: {  	[smem:$0x3FB0] =	sst s0;
	s0 =	simm.s32 @!p1 $0x0  }
0x14: {  	s2 =	sld [smem:$0x3F94];
	s0 =	simm.s32 @p1 $0x1  }
0x15: {  	[smem:$0x3FB1] =	sst s0;
	s0 =	simm.s32 @!p2 $0x0  }
0x16: {  	s3 =	sld [smem:$0x3FDB];
	s0 =	simm.s32 @p2 $0x1  }
0x17: {  	s4 =	simm.s32 $0x1BF5;
	[smem:$0x3FB3] =	sst s0  }
0x18: {  	s0 =	sld [smem:$0x3F96];
	_ =	swait.ge [sflag:s4], $0x0  }
0x19: {  	s7 =	sld [smem:$0x3F97]  }
0x1a: {  	s8 =	sadd.s32 $0xFFFFE003, lr  }
0x1b: {  	s9 =	sadd.s32 $0xFFFFFEF7, lr;
	s5 =	simm.s32 $0xFFFFFFFF;
	p2 =	slt.u32 s8, $0xFFFFF086  }
0x1c: {  	p1 =	slt.u32 s9, $0xF7A;
	s5 =	simm.s32 @!p2 $0x0  }
0x1d: {  	s5 =	simm.s32 @p1 $0x1;
	p0 =	seq.s32 s7, s2  }
0x1e: {  	s7 =	smul.u32 @!p0 $0xF7A, s2;
	p2 =	seq.s32 @!p0 s5, $0x0  }
0x1f: {  	s9 =	smul.u32 $0xF7A, s1;
	s8 =	simm.s32 @!p0 $0x1BF5;
	p2 =	por !p2, p0  }
0x20: {  	[sflag:s8] =	ssyncset.s32 @!p0 $0xFFFFF086;
	s6 =	sadd.s32 @!p0 s3, s7;
	s7 =	simm.s32 @!p0 $0x108  }
0x21: {  	s3 =	sadd.s32 s3, s9;
	s6 =	sadd.s32 @!p0 $0x88, s6;
	s7 =	simm.s32 @p2 $0x1082  }
0x22: {  	[simem:s7], [sflag:s8] =	dma.local @!p0 [hbm:s6], $0xF7A  }
0x23: {  	s9 =	sor.u32 $0xD0000000, s2;
	s6 =	simm.s32 $0x108;
	_ =	swait.ge @!p0 [sflag:s8], $0x0  }
0x24: {  	s3 =	sadd.s32 $0x88, s3;
	s6 =	simm.s32 @!p1 $0x1082;
	[sflag:s4] =	ssyncset.s32 $0xFFFFF086  }
0x25: {  	[simem:s6], [sflag:s4] =	dma.local [hbm:s3], $0xF7A  }
0x26: {  	[smem:$0x3F97] =	sst s1;
	(tag) =	ssettag s2;
	_ =	strace s9  }
0x27: {  	s1 =	sld [smem:$0x3FA7]  }
0x28: {  	s2 =	sld [smem:$0x3FA8]  }
0x29: {  	s4 =	sld [smem:$0x3FAA]  }
0x2a: {  	p0 =	seq.s32 s5, $0x0;
	s5 =	sld [smem:$0x3FAB]  }
0x2b: {  	s6 =	sld [smem:$0x3FAC]  }
0x2c: {  	s7 =	sld [smem:$0x3FAD]  }
0x2d: {  	s3 =	simm.s32 $0x108;
	s8 =	sld [smem:$0x3FAE]  }
0x2e: {  	s3 =	simm.s32 @!p0 $0x1082;
	s9 =	sld [smem:$0x3FAF]  }
0x2f: {  	lr =	sadd.s32 s0, s3;
	s0 =	sld [smem:$0x3FA6]  }
0x30: {  	s3 =	sld [smem:$0x3FA9]  }
0x31: {  	[smem:$0x3FB2] =	sst s10  }
0x32: {  	s10 =	sld [smem:$0x3FB0];
	_ =	sdelay $0x3  }
0x33: {  	p0 =	seq.s32 s10, $0x1;
	s10 =	sld [smem:$0x3FB2];
	_ =	sdelay $0x3  }
0x34: {  	[smem:$0x3FB2] =	sst s10  }
0x35: {  	s10 =	sld [smem:$0x3FB1];
	_ =	sdelay $0x3  }
0x36: {  	p1 =	seq.s32 s10, $0x1;
	s10 =	sld [smem:$0x3FB2];
	_ =	sdelay $0x3  }
0x37: {  	[smem:$0x3FB2] =	sst s10  }
0x38: {  	s10 =	sld [smem:$0x3FB3]  }
0x39: {  	_ = 	snop;
	(pc) =	sbr.ind lr, $3  }
0x3a: {  	_ = 	snop  }
0x3b: {  	_ = 	snop  }
0x3c: {  	p2 =	seq.s32 s10, $0x1;
	s10 =	sld [smem:$0x3FB2]  }
0x3d: {  	_ =	shalt  }
0x3e: {  	_ =	shalt  }
0x3f: {  	_ =	shalt  }
0x40: {  	_ =	shalt  }
0x41: {  	_ =	shalt  }
0x42: {  	_ =	shalt  }
0x43: {  	_ =	shalt  }
0x44: {  	_ =	shalt  }
0x45: {  	_ =	shalt  }
0x46: {  	_ =	shalt  }
0x47: {  	_ =	shalt  }
0x48: {  	_ =	shalt  }
0x49: {  	_ =	shalt  }
0x4a: {  	_ =	shalt  }
0x4b: {  	_ =	shalt  }
0x4c: {  	_ =	shalt  }
0x4d: {  	_ =	shalt  }
0x4e: {  	_ =	shalt  }
0x4f: {  	_ =	shalt  }
0x50: {  	_ =	shalt  }
0x51: {  	_ =	shalt  }
0x52: {  	_ =	shalt  }
0x53: {  	_ =	shalt  }
0x54: {  	_ =	shalt  }
0x55: {  	_ =	shalt  }
0x56: {  	_ =	shalt  }
0x57: {  	_ =	shalt  }
0x58: {  	_ =	shalt  }
0x59: {  	_ =	shalt  }
0x5a: {  	_ =	shalt  }
0x5b: {  	_ =	shalt  }
0x5c: {  	_ =	shalt  }
0x5d: {  	_ =	shalt  }
0x5e: {  	_ =	shalt  }
0x5f: {  	_ =	shalt  }
0x60: {  	_ =	shalt  }
0x61: {  	_ =	shalt  }
0x62: {  	_ =	shalt  }
0x63: {  	_ =	shalt  }
0x64: {  	_ =	shalt  }
0x65: {  	_ =	shalt  }
0x66: {  	_ =	shalt  }
0x67: {  	_ =	shalt  }
0x68: {  	_ =	shalt  }
0x69: {  	_ =	shalt  }
0x6a: {  	_ =	shalt  }
0x6b: {  	_ =	shalt  }
0x6c: {  	_ =	shalt  }
0x6d: {  	_ =	shalt  }
0x6e: {  	_ =	shalt  }
0x6f: {  	_ =	shalt  }
0x70: {  	_ =	shalt  }
0x71: {  	_ =	shalt  }
0x72: {  	_ =	shalt  }
0x73: {  	_ =	shalt  }
0x74: {  	_ =	shalt  }
0x75: {  	_ =	shalt  }
0x76: {  	_ =	shalt  }
0x77: {  	_ =	shalt  }
0x78: {  	_ =	shalt  }
0x79: {  	_ =	shalt  }
0x7a: {  	_ =	shalt  }
0x7b: {  	_ =	shalt  }
0x7c: {  	_ =	shalt  }
0x7d: {  	_ =	shalt  }
0x7e: {  	_ =	shalt  }
0x7f: {  	_ =	shalt  }
0x80: {  	_ =	shalt  }
0x81: {  	_ =	shalt  }
0x82: {  	_ =	shalt  }
0x83: {  	_ =	shalt  }
0x84: {  	_ =	shalt  }
0x85: {  	_ =	shalt  }
0x86: {  	_ =	shalt  }
0x87: {  	_ =	shalt  }
.Lfunc_end0:
.L_simem_size_0:
called_computation.2_lowered:
.L_overlay_start_0:
0x88: {  	s2 =	sld [smem:$0x3FD9]  }
0x89: {  	s3 =	sld [smem:$0x3FFE];
	_ =	sdelay $0x1  }
0x8a: {  	s1 =	srdreg.scid  }
0x8b: {  	s0 =	sand.u32 $0x1, s1  }
0x8c: {  	s17 =	sshll.u32 s0, $0xA;
	s2 =	sadd.s32 s3, s2  }
0x8d: {  	s2 =	sadd.s32 s2, s17  }
0x8e: {  	[smem:$0x3FBE] =	sst s2  }
0x8f: {  	_ = 	snop  }
0x90: {  	s2 =	sld [smem:$0x3FD0];
	(tm) =	ssettm $0x1  }
0x91: {  	s18 =	sld [smem:$0x3FFB];
	_ =	sdelay $0x3  }
0x92: {  	_ =	strace s18  }
0x93: {  	s3 =	sld [smem:$0x3FFC];
	_ =	sdelay $0x3  }
0x94: {  	_ =	strace s3  }
0x95: {  	s3 =	sld [smem:$0x3FFD];
	_ =	sdelay $0x3  }
0x96: {  	_ =	strace s3  }
0x97: {  	_ =	strace $0x8FFFFFFF  }
0x98: {  	s19 =	sld [smem:$0x3FDB];
	_ =	sdelay $0x1  }
0x99: {  	s4 =	simm.s32 $_scs_section_size  }
0x9a: {  	s5 =	simm.s32 $_size__tile_overlayer_lowered;
	s6 =	simm.s32 $_tile_overlayer_lowered  }
0x9b: {  	s22 =	simm.s32 $0x1BFF;
	s21 =	sshll.u32 s6, $0x1;
	s3 =	sadd.s32 s4, s19  }
0x9c: {  	s7 =	simm.s32 $0x0;
	s20 =	sshll.u32 s5, $0x1;
	s5 =	sadd.s32 s21, s3  }
0x9d: {  	[timem:s7], [sflag:s22] =	dma.local [hbm:s5], s20  }
0x9e: {  	_ =	swait.ge [sflag:s22], s20  }
0x9f: {  	s4 =	ssub.s32 $0x0, s20;
	[sflag:s22] =	ssyncset.done $0x0  }
0xa0: {  	[sflag:s22] =	ssyncadd.s32 s4;
	_ =	sdelay $0x1  }
0xa1: {  	s23 =	simm.s32 $0x1B8B  }
0xa2: {  	_ =	swait.ge [sflag:s23], $0x1  }
0xa3: {  	[sflag:s23] =	ssyncset.done $0x0  }
0xa4: {  	s25 =	simm.s32 $0x1B8E;
	s24 =	sld [smem:$0x3FFE];
	[sflag:s23] =	ssyncadd.s32 $0xFFFFFFFF  }
0xa5: {  	s26 =	simm.s32 $execute0_lowered;
	[smem:$0x3FD2] =	sst s25  }
0xa6: {  	s5 =	sshll.u32 s26, $0x1;
	_ =	strace $0x8000004C;
	[dreg:$0x1] =	wrdreg $0xFFFFFFFF  }
0xa7: {  	s28 =	simm.s32 $_size_execute0_lowered;
	s3 =	sadd.s32 s3, s5;
	[dreg:$0x0] =	wrdreg $0x0  }
0xa8: {  	s5 =	sshll.u32 s28, $0x1;
	[dreg:$0x2] =	wrdreg s3  }
0xa9: {  	[dreg:$0x3] =	wrdreg s5  }
0xaa: {  	[dreg:$0x4] =	wrdreg $0xC0  }
0xab: {  	_ =	task [dreg:s7], $0x5FFFF  }
0xac: {  	[dreg:$0x1] =	wrdreg $0xFFFFFFFF  }
0xad: {  	[dreg:$0x0] =	wrdreg $0x60  }
0xae: {  	[dreg:$0x2] =	wrdreg s24  }
0xaf: {  	[dreg:$0x3] =	wrdreg s2  }
0xb0: {  	[dreg:$0x4] =	wrdreg $0x98000  }
0xb1: {  	[dreg:$0x5] =	wrdreg $0x9  }
0xb2: {  	_ =	task.clear_ibuf [dreg:s7], $0x6FFFF;
	_ =	strace $0x9000004C  }
0xb3: {  	s29 =	simm.s32 $0x9;
	_ =	strace $0x8000004E  }
0xb4: {  	_ =	swait.ge [sflag:s29], $0x1  }
0xb5: {  	[sflag:s29] =	ssyncadd.s32 $0xFFFFFFFF  }
0xb6: {  	_ =	strace $0x9000004E  }
0xb7: {  	_ =	sfence  }
0xb8: {  	s30 =	sld [smem:$0x0];
	_ =	sdelay $0x2  }
0xb9: {  	s31 =	sshll.u32 s1, $0xD;
	s1 =	sshrl.u32 s1, $0x2  }
0xba: {  	s3 =	sand.u32 $0x4000, s31;
	s1 =	sadd.s32 s1, s30  }
0xbb: {  	s0 =	sor.u32 s3, s0;
	s1 =	sshll.u32 s1, $0x11  }
0xbc: {  	s0 =	sor.u32 s1, s0  }
0xbd: {  	s0 =	sadd.s32 $0x8F2B, s0  }
0xbe: {  	[sflag:s0] =	ssyncadd.remote.s32 $0x1  }
0xbf: {  	_ =	sfence.sel $0xFFFF  }
0xc0: {  	[dreg:$0x0] =	wrdreg $0xFFFFFFFF;
	(pc) =	sbr.abs _section_cstart, $3  }
0xc1: {  	[dreg:$0x1] =	wrdreg $0xFFFFFFFF  }
0xc2: {  	_ =	task.clear_ibuf [dreg:s7], $0x2FFFF;
	_ =	strace $0x9FFFFFFF  }
0xc3: {  	(tm) =	ssettm $0x7FFFFFFF  }
tec
execute0_lowered:
.L_overlay_start_1:
0x0: {  	(tag) =	ssettag $0x1  }
0x1: {  	s0 =	rddreg [dreg:$0x0]  }
0x2: {  	s1 =	rddreg [dreg:$0x1]  }
0x3: {  	s2 =	rddreg [dreg:$0x2]  }
0x4: {  	s3 =	srdreg.scid;
	s11 =	stileid.u32  }
0x5: {  	s19 =	simm.s32 $0xC00;
	s20 =	simm.s32 $0x100;
	s21 =	simm.s32 $0x180  }
0x6: {  	s22 =	simm.s32 $0x200;
	s23 =	simm.s32 $0x280;
	s24 =	simm.s32 $0x300  }
0x7: {  	s28 =	simm.s32 $0x680;
	s29 =	simm.s32 $0x700;
	s30 =	simm.s32 $0x780  }
0x8: {  	s31 =	simm.s32 $0x0;
	s6 =	sand.u32 $0x1, s3;
	s8 =	smul.u32 $0x14000, s11  }
0x9: {  	s3 =	simm.s32 $0x0;
	s4 =	sadd.s32 $0xD200, s0;
	s25 =	smul.u32 $0x50000, s11  }
0xa: {  	s5 =	sadd.s32 $0x3200, s0;
	s7 =	smul.u32 $0x140000, s6;
	[smem:$0x7FF] =	sst s3  }
0xb: {  	s9 =	sshll.u32 s6, $0x4;
	_ =	strace $0x8000004D;
	[dreg:$0x6] =	wrdreg s19  }
0xc: {  	s10 =	smul.u32 $0x28000, s6;
	s6 =	ssub.s32 $0x2, s6;
	[dreg:$0x7] =	wrdreg s20  }
0xd: {  	s9 =	sor.u32 s11, s9;
	s11 =	smul.u32 $0x2800, s11;
	[dreg:$0x8] =	wrdreg s21  }
0xe: {  	s26 =	sshrl.u32 s6, $0x1;
	s19 =	simm.s32 $0x1000;
	[dreg:$0x9] =	wrdreg s22  }
0xf: {  	s20 =	simm.s32 $0x3;
	[dreg:$0xa] =	wrdreg s23;
	s21 =	simm.s32 $0x5000  }
0x10: {  	[dreg:$0xb] =	wrdreg s24;
	s22 =	simm.s32 $0x4;
	s23 =	simm.s32 $0x2  }
0x11: {  	s24 =	simm.s32 $0x500;
	s7 =	sadd.s32 s8, s7;
	s9 =	smul.u32 $0x2800, s9  }
0x12: {  	s12 =	ssub.s32 s6, s26;
	s8 =	sshrl.u32 s25, $0x2;
	s25 =	simm.s32 $0x380  }
0x13: {  	s26 =	simm.s32 $0x480;
	s7 =	sshrl.u32 s7, $0x3;
	[dreg:$0xc] =	wrdreg s25  }
0x14: {  	s13 =	sadd.s32 s11, s10;
	s6 =	sadd.s32 s8, s2;
	[dreg:$0xd] =	wrdreg s26  }
0x15: {  	s25 =	simm.s32 $0x580;
	s26 =	simm.s32 $0x600;
	s11 =	sshrl.u32 s9, $0x3  }
0x16: {  	s0 =	sadd.s32 s7, s0;
	s14 =	sor.u32 $0x400, s13;
	s15 =	sadd.s32 s5, s11  }
0x17: {  	s9 =	sadd.s32 $0x4000, s6;
	s2 =	sadd.s32 s1, s11;
	[dreg:$0xe] =	wrdreg s15  }
0x18: {  	s16 =	sshrl.u32 s14, $0x3;
	s0 =	sadd.s32 $0x35200, s0;
	[dreg:$0xf] =	wrdreg s2  }
0x19: {  	s11 =	smax.u32 s12, $0x1;
	s14 =	simm.s32 $0x5;
	[dreg:$0x10] =	wrdreg s0  }
0x1a: {  	s17 =	sadd.s32 s16, s1;
	s18 =	sadd.s32 s16, s5;
	s15 =	sadd.s32 $0x800, s13  }
0x1b: {  	s13 =	simm.s32 $0x9000;
	s16 =	simm.s32 $0x1;
	[dreg:$0x4] =	wrdreg s17  }
0x1c: {  	v0 =	vimm.f32 $0.0e+00;
	[dreg:$0x5] =	wrdreg s18;
	s17 =	simm.s32 $0x400;
	s18 =	simm.s32 $0x80  }
.LBB2_1:
0x1d: {  	s0 =	simm.s32 $0x0;
	s2 =	simm.s32 $0x200  }
.LBB2_2:
0x1e: {  	p0 =	sne.s32 s2, $0x1E00;
	[tilespmem:s0+$0x9070] =	vst v0  }
0x1f: {  	[tilespmem:s0+$0x9000] =	vst v0  }
0x20: {  	[tilespmem:s0+$0x9010] =	vst v0  }
.Ltmp0:
0x21: {  	[tilespmem:s0+$0x9020] =	vst v0;
	(pc) =	sbr.rel @p0 .LBB2_2-.Ltmp0, $4  }
0x22: {  	[tilespmem:s0+$0x9030] =	vst v0  }
0x23: {  	[tilespmem:s0+$0x9040] =	vst v0  }
0x24: {  	[tilespmem:s0+$0x9050] =	vst v0  }
0x25: {  	[tilespmem:s0+$0x9060] =	vst v0;
	s0 =	sshra.s32 s2, $0x2;
	s2 =	sadd.s32 $0x200, s2  }
0x26: {  	[tilespmem:s0+$0x9070] =	vst v0  }
0x27: {  	[tilespmem:s0+$0x9000] =	vst v0  }
0x28: {  	[tilespmem:s0+$0x9010] =	vst v0  }
0x29: {  	[tilespmem:s0+$0x9020] =	vst v0  }
0x2a: {  	[tilespmem:s0+$0x9030] =	vst v0  }
0x2b: {  	[tilespmem:s0+$0x9040] =	vst v0  }
0x2c: {  	[tilespmem:s0+$0x9050] =	vst v0  }
0x2d: {  	[tilespmem:s0+$0x9060] =	vst v0;
	s12 =	sadd.s32 $0x0, s6  }
0x2e: {  	[spmem:s12] =	stream.linear.scatter [tilespmem:s13], [sflag:$0x5], $0x800, $0x38;
	[tilespmem:$0x1D800] =	vst v63  }
0x2f: {  	s0 =	simm.s32 $0x2000;
	_ =	swait.ge [sflag:s14], $0x800  }
.LBB2_4:
0x30: {  	s2 =	sshra.s32 s0, $0x2;
	[sflag:s14] =	ssyncset.done $0x0;
	p0 =	sne.s32 s0, $0x4E000  }
.Ltmp1:
0x31: {  	s2 =	sadd.s32 s2, s6;
	[sflag:s14] =	ssyncadd.s32 $0xFFFFF800;
	(pc) =	sbr.rel @p0 .LBB2_4-.Ltmp1, $3  }
0x32: {  	[spmem:s2] =	stream.linear.scatter [tilespmem:s13], [sflag:$0x5], $0x800, $0x38;
	[tilespmem:$0x1D800] =	vst v63  }
0x33: {  	s0 =	sadd.s32 $0x2000, s0;
	_ =	sdelay $0x1  }
0x34: {  	_ =	swait.ge [sflag:s14], $0x800  }
0x35: {  	[sflag:s14] =	ssyncset.done $0x0  }
0x36: {  	[sflag:s14] =	ssyncadd.s32 $0xFFFFF800  }
0x37: {  	[bflag:$0x0] =	sbarrier.arrive $0xFFFF  }
0x38: {  	s0 =	simm.s32 $0x0;
	s2 =	rddreg [dreg:$0xe]  }
0x39: {  	[tilespmem:s0], [sflag:$0x1] =	stream.linear.gather [hbm4b:s2+s0], $0x400, $0x38;
	[tilespmem:$0x1D800] =	vst v63  }
0x3a: {  	s7 =	simm.s32 $0x800;
	s12 =	rddreg [dreg:$0xf]  }
0x3b: {  	[tilespmem:s7], [sflag:$0x1] =	stream.linear.gather [hbm4b:s12+s0], $0x400, $0x38;
	[tilespmem:$0x1D800] =	vst v63  }
0x3c: {  	_ =	swait.ge [sflag:s16], $0x400  }
0x3d: {  	[sflag:s16] =	ssyncset.done $0x0  }
0x3e: {  	[sflag:s16] =	ssyncadd.s32 $0xFFFFFC00  }
0x3f: {  	_ =	swait.ge [sflag:s16], $0x400  }
0x40: {  	s2 =	rddreg [dreg:$0x5];
	[sflag:s16] =	ssyncset.done $0x0  }
0x41: {  	s7 =	rddreg [dreg:$0x4];
	[sflag:s16] =	ssyncadd.s32 $0xFFFFFC00;
	s0 =	sadd.s32 $0x0, s2  }
0x42: {  	[tilespmem:s17], [sflag:$0x2] =	stream.linear.gather [hbm4b:s0+s3], $0x400, $0x38;
	[tilespmem:$0x1D800] =	vst v63  }
0x43: {  	s12 =	rddreg [dreg:$0x6];
	s8 =	sadd.s32 $0x0, s7  }
0x44: {  	[tilespmem:s12], [sflag:$0x2] =	stream.linear.gather [hbm4b:s8+s3], $0x400, $0x38;
	[tilespmem:$0x1D800] =	vst v63  }
0x45: {  	_ = 	snop  }
0x46: {  	[tilespmem:s19], [sflag:$0x3] =	stream.indirect.gather [hbm4b:s4+s18], $0x80, s3, s18, $0xb8;
	[tilespmem:$0x1D800] =	vst v63  }
0x47: {  	_ =	swait.ge [sflag:s20], $0x4000  }
0x48: {  	[sflag:s20] =	ssyncset.done $0x0  }
0x49: {  	[sflag:s20] =	ssyncadd.s32 $0xFFFFC000  }
0x4a: {  	[tilespmem:s21], [sflag:$0x4] =	stream.indirect.gather [hbm4b:s4+s18], $0x80, s18, s18, $0xb8;
	[tilespmem:$0x1D800] =	vst v63  }
0x4b: {  	_ = 	snop  }
0x4c: {  	[spmem:s6] =	stream.linear.scatter [tilespmem:s19], [sflag:$0x5], $0x4000, $0x38;
	[tilespmem:$0x1D800] =	vst v63  }
0x4d: {  	_ =	swait.ge [sflag:s14], $0x4000  }
0x4e: {  	[sflag:s14] =	ssyncset.done $0x0  }
0x4f: {  	[sflag:s14] =	ssyncadd.s32 $0xFFFFC000  }
0x50: {  	_ =	swait.ge [sflag:s22], $0x4000  }
0x51: {  	[sflag:s22] =	ssyncset.done $0x0  }
0x52: {  	s10 =	rddreg [dreg:$0x7];
	[sflag:s22] =	ssyncadd.s32 $0xFFFFC000  }
0x53: {  	[tilespmem:s19], [sflag:$0x3] =	stream.indirect.gather [hbm4b:s4+s18], $0x80, s10, s18, $0xb8;
	[tilespmem:$0x1D800] =	vst v63  }
0x54: {  	_ = 	snop  }
0x55: {  	[spmem:s9] =	stream.linear.scatter [tilespmem:s21], [sflag:$0x5], $0x4000, $0x38;
	[tilespmem:$0x1D800] =	vst v63  }
0x56: {  	_ =	swait.ge [sflag:s14], $0x4000  }
0x57: {  	[sflag:s14] =	ssyncset.done $0x0  }
0x58: {  	[sflag:s14] =	ssyncadd.s32 $0xFFFFC000  }
0x59: {  	_ =	swait.ge [sflag:s20], $0x4000  }
0x5a: {  	[sflag:s20] =	ssyncset.done $0x0  }
0x5b: {  	s12 =	rddreg [dreg:$0x8];
	[sflag:s20] =	ssyncadd.s32 $0xFFFFC000  }
0x5c: {  	[tilespmem:s21], [sflag:$0x4] =	stream.indirect.gather [hbm4b:s4+s18], $0x80, s12, s18, $0xb8;
	[tilespmem:$0x1D800] =	vst v63  }
0x5d: {  	_ = 	snop  }
0x5e: {  	[spmem:s6] =	stream.linear.scatter [tilespmem:s19], [sflag:$0x5], $0x4000, $0x38;
	[tilespmem:$0x1D800] =	vst v63  }
0x5f: {  	_ =	swait.ge [sflag:s14], $0x4000  }
0x60: {  	[sflag:s14] =	ssyncset.done $0x0  }
0x61: {  	[sflag:s14] =	ssyncadd.s32 $0xFFFFC000  }
0x62: {  	_ =	swait.ge [sflag:s22], $0x4000  }
0x63: {  	[sflag:s22] =	ssyncset.done $0x0  }
0x64: {  	s2 =	rddreg [dreg:$0x9];
	[sflag:s22] =	ssyncadd.s32 $0xFFFFC000  }
0x65: {  	[tilespmem:s19], [sflag:$0x3] =	stream.indirect.gather [hbm4b:s4+s18], $0x80, s2, s18, $0xb8;
	[tilespmem:$0x1D800] =	vst v63  }
0x66: {  	_ = 	snop  }
0x67: {  	[spmem:s9] =	stream.linear.scatter [tilespmem:s21], [sflag:$0x5], $0x4000, $0x38;
	[tilespmem:$0x1D800] =	vst v63  }
0x68: {  	_ =	swait.ge [sflag:s14], $0x4000  }
0x69: {  	[sflag:s14] =	ssyncset.done $0x0  }
0x6a: {  	[sflag:s14] =	ssyncadd.s32 $0xFFFFC000  }
0x6b: {  	_ =	swait.ge [sflag:s20], $0x4000  }
0x6c: {  	[sflag:s20] =	ssyncset.done $0x0  }
0x6d: {  	s7 =	rddreg [dreg:$0xa];
	[sflag:s20] =	ssyncadd.s32 $0xFFFFC000  }
0x6e: {  	[tilespmem:s21], [sflag:$0x4] =	stream.indirect.gather [hbm4b:s4+s18], $0x80, s7, s18, $0xb8;
	[tilespmem:$0x1D800] =	vst v63  }
0x6f: {  	_ = 	snop  }
0x70: {  	[spmem:s6] =	stream.linear.scatter [tilespmem:s19], [sflag:$0x5], $0x4000, $0x38;
	[tilespmem:$0x1D800] =	vst v63  }
0x71: {  	_ =	swait.ge [sflag:s14], $0x4000  }
0x72: {  	[sflag:s14] =	ssyncset.done $0x0  }
0x73: {  	[sflag:s14] =	ssyncadd.s32 $0xFFFFC000  }
0x74: {  	_ =	swait.ge [sflag:s22], $0x4000  }
0x75: {  	[sflag:s22] =	ssyncset.done $0x0  }
0x76: {  	s8 =	rddreg [dreg:$0xb];
	[sflag:s22] =	ssyncadd.s32 $0xFFFFC000  }
0x77: {  	[tilespmem:s19], [sflag:$0x3] =	stream.indirect.gather [hbm4b:s4+s18], $0x80, s8, s18, $0xb8;
	[tilespmem:$0x1D800] =	vst v63  }
0x78: {  	_ = 	snop  }
0x79: {  	[spmem:s9] =	stream.linear.scatter [tilespmem:s21], [sflag:$0x5], $0x4000, $0x38;
	[tilespmem:$0x1D800] =	vst v63  }
0x7a: {  	_ =	swait.ge [sflag:s14], $0x4000  }
0x7b: {  	[sflag:s14] =	ssyncset.done $0x0  }
0x7c: {  	[sflag:s14] =	ssyncadd.s32 $0xFFFFC000  }
0x7d: {  	_ =	swait.ge [sflag:s20], $0x4000  }
0x7e: {  	[sflag:s20] =	ssyncset.done $0x0  }
0x7f: {  	s10 =	rddreg [dreg:$0xc];
	[sflag:s20] =	ssyncadd.s32 $0xFFFFC000  }
0x80: {  	[tilespmem:s21], [sflag:$0x4] =	stream.indirect.gather [hbm4b:s4+s18], $0x80, s10, s18, $0xb8;
	[tilespmem:$0x1D800] =	vst v63  }
0x81: {  	_ = 	snop  }
0x82: {  	[spmem:s6] =	stream.linear.scatter [tilespmem:s19], [sflag:$0x5], $0x4000, $0x38;
	[tilespmem:$0x1D800] =	vst v63  }
0x83: {  	_ =	swait.ge [sflag:s14], $0x4000  }
0x84: {  	[sflag:s14] =	ssyncset.done $0x0  }
0x85: {  	[sflag:s14] =	ssyncadd.s32 $0xFFFFC000  }
0x86: {  	_ =	swait.ge [sflag:s22], $0x4000  }
0x87: {  	[sflag:s22] =	ssyncset.done $0x0  }
0x88: {  	[sflag:s22] =	ssyncadd.s32 $0xFFFFC000  }
0x89: {  	[spmem:s9] =	stream.linear.scatter [tilespmem:s21], [sflag:$0x5], $0x4000, $0x38;
	[tilespmem:$0x1D800] =	vst v63  }
0x8a: {  	_ =	swait.ge [sflag:s14], $0x4000  }
0x8b: {  	[sflag:s14] =	ssyncset.done $0x0  }
0x8c: {  	[sflag:s14] =	ssyncadd.s32 $0xFFFFC000  }
0x8d: {  	_ =	swait.ge [sflag:s23], $0x400  }
0x8e: {  	[sflag:s23] =	ssyncset.done $0x0  }
0x8f: {  	[sflag:s23] =	ssyncadd.s32 $0xFFFFFC00  }
0x90: {  	p0 =	por $0x0, $0x0;
	_ =	swait.ge [sflag:s23], $0x400  }
0x91: {  	s0 =	sshrl.u32 @!p0 s15, $0x3;
	[sflag:s23] =	ssyncset.done $0x0  }
0x92: {  	s12 =	simm.s32 @!p0 $0x0;
	s2 =	sadd.s32 @!p0 s5, s0;
	[sflag:s23] =	ssyncadd.s32 $0xFFFFFC00  }
0x93: {  	[tilespmem:s12], [sflag:$0x1] =	stream.linear.gather @!p0 [hbm4b:s2+s12], $0x400, $0x38;
	[tilespmem:$0x1D800] =	vst v63  }
0x94: {  	s0 =	sadd.s32 @!p0 s1, s0;
	s2 =	simm.s32 @!p0 $0x800  }
0x95: {  	[tilespmem:s2], [sflag:$0x1] =	stream.linear.gather @!p0 [hbm4b:s0+s12], $0x400, $0x38;
	[tilespmem:$0x1D800] =	vst v63  }
0x96: {  	_ = 	snop  }
0x97: {  	[tilespmem:s19], [sflag:$0x3] =	stream.indirect.gather [hbm4b:s4+s18], $0x80, s17, s18, $0xb8;
	[tilespmem:$0x1D800] =	vst v63  }
0x98: {  	_ =	swait.ge [sflag:s20], $0x4000  }
0x99: {  	[sflag:s20] =	ssyncset.done $0x0  }
0x9a: {  	s12 =	rddreg [dreg:$0xd];
	[sflag:s20] =	ssyncadd.s32 $0xFFFFC000  }
0x9b: {  	[tilespmem:s21], [sflag:$0x4] =	stream.indirect.gather [hbm4b:s4+s18], $0x80, s12, s18, $0xb8;
	[tilespmem:$0x1D800] =	vst v63  }
0x9c: {  	_ = 	snop  }
0x9d: {  	[spmem:s6] =	stream.linear.scatter [tilespmem:s19], [sflag:$0x5], $0x4000, $0x38;
	[tilespmem:$0x1D800] =	vst v63  }
0x9e: {  	_ =	swait.ge [sflag:s14], $0x4000  }
0x9f: {  	[sflag:s14] =	ssyncset.done $0x0  }
0xa0: {  	[sflag:s14] =	ssyncadd.s32 $0xFFFFC000  }
0xa1: {  	_ =	swait.ge [sflag:s22], $0x4000  }
0xa2: {  	[sflag:s22] =	ssyncset.done $0x0  }
0xa3: {  	[sflag:s22] =	ssyncadd.s32 $0xFFFFC000  }
0xa4: {  	[tilespmem:s19], [sflag:$0x3] =	stream.indirect.gather [hbm4b:s4+s18], $0x80, s24, s18, $0xb8;
	[tilespmem:$0x1D800] =	vst v63  }
0xa5: {  	_ = 	snop  }
0xa6: {  	[spmem:s9] =	stream.linear.scatter [tilespmem:s21], [sflag:$0x5], $0x4000, $0x38;
	[tilespmem:$0x1D800] =	vst v63  }
0xa7: {  	_ =	swait.ge [sflag:s14], $0x4000  }
0xa8: {  	[sflag:s14] =	ssyncset.done $0x0  }
0xa9: {  	[sflag:s14] =	ssyncadd.s32 $0xFFFFC000  }
0xaa: {  	_ =	swait.ge [sflag:s20], $0x4000  }
0xab: {  	[sflag:s20] =	ssyncset.done $0x0  }
0xac: {  	[sflag:s20] =	ssyncadd.s32 $0xFFFFC000  }
0xad: {  	[tilespmem:s21], [sflag:$0x4] =	stream.indirect.gather [hbm4b:s4+s18], $0x80, s25, s18, $0xb8;
	[tilespmem:$0x1D800] =	vst v63  }
0xae: {  	_ = 	snop  }
0xaf: {  	[spmem:s6] =	stream.linear.scatter [tilespmem:s19], [sflag:$0x5], $0x4000, $0x38;
	[tilespmem:$0x1D800] =	vst v63  }
0xb0: {  	_ =	swait.ge [sflag:s14], $0x4000  }
0xb1: {  	[sflag:s14] =	ssyncset.done $0x0  }
0xb2: {  	[sflag:s14] =	ssyncadd.s32 $0xFFFFC000  }
0xb3: {  	_ =	swait.ge [sflag:s22], $0x4000  }
0xb4: {  	[sflag:s22] =	ssyncset.done $0x0  }
0xb5: {  	[sflag:s22] =	ssyncadd.s32 $0xFFFFC000  }
0xb6: {  	[tilespmem:s19], [sflag:$0x3] =	stream.indirect.gather [hbm4b:s4+s18], $0x80, s26, s18, $0xb8;
	[tilespmem:$0x1D800] =	vst v63  }
0xb7: {  	_ = 	snop  }
0xb8: {  	[spmem:s9] =	stream.linear.scatter [tilespmem:s21], [sflag:$0x5], $0x4000, $0x38;
	[tilespmem:$0x1D800] =	vst v63  }
0xb9: {  	_ =	swait.ge [sflag:s14], $0x4000  }
0xba: {  	[sflag:s14] =	ssyncset.done $0x0  }
0xbb: {  	[sflag:s14] =	ssyncadd.s32 $0xFFFFC000  }
0xbc: {  	_ =	swait.ge [sflag:s20], $0x4000  }
0xbd: {  	[sflag:s20] =	ssyncset.done $0x0  }
0xbe: {  	[sflag:s20] =	ssyncadd.s32 $0xFFFFC000  }
0xbf: {  	[tilespmem:s21], [sflag:$0x4] =	stream.indirect.gather [hbm4b:s4+s18], $0x80, s28, s18, $0xb8;
	[tilespmem:$0x1D800] =	vst v63  }
0xc0: {  	_ = 	snop  }
0xc1: {  	[spmem:s6] =	stream.linear.scatter [tilespmem:s19], [sflag:$0x5], $0x4000, $0x38;
	[tilespmem:$0x1D800] =	vst v63  }
0xc2: {  	_ =	swait.ge [sflag:s14], $0x4000  }
0xc3: {  	[sflag:s14] =	ssyncset.done $0x0  }
0xc4: {  	[sflag:s14] =	ssyncadd.s32 $0xFFFFC000  }
0xc5: {  	_ =	swait.ge [sflag:s22], $0x4000  }
0xc6: {  	[sflag:s22] =	ssyncset.done $0x0  }
0xc7: {  	[sflag:s22] =	ssyncadd.s32 $0xFFFFC000  }
0xc8: {  	[tilespmem:s19], [sflag:$0x3] =	stream.indirect.gather [hbm4b:s4+s18], $0x80, s29, s18, $0xb8;
	[tilespmem:$0x1D800] =	vst v63  }
0xc9: {  	_ = 	snop  }
0xca: {  	[spmem:s9] =	stream.linear.scatter [tilespmem:s21], [sflag:$0x5], $0x4000, $0x38;
	[tilespmem:$0x1D800] =	vst v63  }
0xcb: {  	_ =	swait.ge [sflag:s14], $0x4000  }
0xcc: {  	[sflag:s14] =	ssyncset.done $0x0  }
0xcd: {  	[sflag:s14] =	ssyncadd.s32 $0xFFFFC000  }
0xce: {  	_ =	swait.ge [sflag:s20], $0x4000  }
0xcf: {  	[sflag:s20] =	ssyncset.done $0x0  }
0xd0: {  	[sflag:s20] =	ssyncadd.s32 $0xFFFFC000  }
0xd1: {  	[tilespmem:s21], [sflag:$0x4] =	stream.indirect.gather [hbm4b:s4+s18], $0x80, s30, s18, $0xb8;
	[tilespmem:$0x1D800] =	vst v63  }
0xd2: {  	_ = 	snop  }
0xd3: {  	[spmem:s6] =	stream.linear.scatter [tilespmem:s19], [sflag:$0x5], $0x4000, $0x38;
	[tilespmem:$0x1D800] =	vst v63  }
0xd4: {  	_ =	swait.ge [sflag:s14], $0x4000  }
0xd5: {  	[sflag:s14] =	ssyncset.done $0x0  }
0xd6: {  	[sflag:s14] =	ssyncadd.s32 $0xFFFFC000  }
0xd7: {  	_ =	swait.ge [sflag:s22], $0x4000  }
0xd8: {  	[sflag:s22] =	ssyncset.done $0x0  }
0xd9: {  	[sflag:s22] =	ssyncadd.s32 $0xFFFFC000  }
0xda: {  	[spmem:s9] =	stream.linear.scatter [tilespmem:s21], [sflag:$0x5], $0x4000, $0x38;
	[tilespmem:$0x1D800] =	vst v63  }
0xdb: {  	_ =	swait.ge [sflag:s14], $0x4000  }
0xdc: {  	s0 =	simm.s32 $0x100;
	s12 =	smov.u32 s15;
	[sflag:s14] =	ssyncset.done $0x0  }
.LBB2_6:
0xdd: {  	[sflag:s14] =	ssyncadd.s32 $0xFFFFC000  }
0xde: {  	_ =	swait.ge [sflag:s16], $0x400  }
0xdf: {  	[sflag:s16] =	ssyncset.done $0x0  }
0xe0: {  	[sflag:s16] =	ssyncadd.s32 $0xFFFFFC00  }
0xe1: {  	_ =	swait.ge [sflag:s16], $0x400  }
0xe2: {  	s2 =	smov.u32 s0;
	s7 =	rddreg [dreg:$0x5];
	[sflag:s16] =	ssyncset.done $0x0  }
0xe3: {  	s8 =	rddreg [dreg:$0x4];
	[sflag:s16] =	ssyncadd.s32 $0xFFFFFC00;
	s7 =	sadd.s32 s2, s7  }
0xe4: {  	[tilespmem:s17], [sflag:$0x2] =	stream.linear.gather [hbm4b:s7+s3], $0x400, $0x38;
	[tilespmem:$0x1D800] =	vst v63  }
0xe5: {  	s10 =	rddreg [dreg:$0x6];
	s8 =	sadd.s32 s2, s8  }
0xe6: {  	[tilespmem:s10], [sflag:$0x2] =	stream.linear.gather [hbm4b:s8+s3], $0x400, $0x38;
	[tilespmem:$0x1D800] =	vst v63  }
0xe7: {  	_ = 	snop  }
0xe8: {  	[tilespmem:s19], [sflag:$0x3] =	stream.indirect.gather [hbm4b:s4+s18], $0x80, s3, s18, $0xb8;
	[tilespmem:$0x1D800] =	vst v63  }
0xe9: {  	_ =	swait.ge [sflag:s20], $0x4000  }
0xea: {  	[sflag:s20] =	ssyncset.done $0x0  }
0xeb: {  	[sflag:s20] =	ssyncadd.s32 $0xFFFFC000  }
0xec: {  	[tilespmem:s21], [sflag:$0x4] =	stream.indirect.gather [hbm4b:s4+s18], $0x80, s18, s18, $0xb8;
	[tilespmem:$0x1D800] =	vst v63  }
0xed: {  	_ = 	snop  }
0xee: {  	[spmem:s6] =	stream.linear.scatter [tilespmem:s19], [sflag:$0x5], $0x4000, $0x38;
	[tilespmem:$0x1D800] =	vst v63  }
0xef: {  	_ =	swait.ge [sflag:s14], $0x4000  }
0xf0: {  	[sflag:s14] =	ssyncset.done $0x0  }
0xf1: {  	[sflag:s14] =	ssyncadd.s32 $0xFFFFC000  }
0xf2: {  	_ =	swait.ge [sflag:s22], $0x4000  }
0xf3: {  	[sflag:s22] =	ssyncset.done $0x0  }
0xf4: {  	s10 =	rddreg [dreg:$0x7];
	[sflag:s22] =	ssyncadd.s32 $0xFFFFC000  }
0xf5: {  	[tilespmem:s19], [sflag:$0x3] =	stream.indirect.gather [hbm4b:s4+s18], $0x80, s10, s18, $0xb8;
	[tilespmem:$0x1D800] =	vst v63  }
0xf6: {  	_ = 	snop  }
0xf7: {  	[spmem:s9] =	stream.linear.scatter [tilespmem:s21], [sflag:$0x5], $0x4000, $0x38;
	[tilespmem:$0x1D800] =	vst v63  }
0xf8: {  	_ =	swait.ge [sflag:s14], $0x4000  }
0xf9: {  	[sflag:s14] =	ssyncset.done $0x0  }
0xfa: {  	[sflag:s14] =	ssyncadd.s32 $0xFFFFC000  }
0xfb: {  	_ =	swait.ge [sflag:s20], $0x4000  }
0xfc: {  	[sflag:s20] =	ssyncset.done $0x0  }
0xfd: {  	s8 =	rddreg [dreg:$0x8];
	[sflag:s20] =	ssyncadd.s32 $0xFFFFC000  }
0xfe: {  	[tilespmem:s21], [sflag:$0x4] =	stream.indirect.gather [hbm4b:s4+s18], $0x80, s8, s18, $0xb8;
	[tilespmem:$0x1D800] =	vst v63  }
0xff: {  	_ = 	snop  }
0x100: {  	[spmem:s6] =	stream.linear.scatter [tilespmem:s19], [sflag:$0x5], $0x4000, $0x38;
	[tilespmem:$0x1D800] =	vst v63  }
0x101: {  	_ =	swait.ge [sflag:s14], $0x4000  }
0x102: {  	[sflag:s14] =	ssyncset.done $0x0  }
0x103: {  	[sflag:s14] =	ssyncadd.s32 $0xFFFFC000  }
0x104: {  	_ =	swait.ge [sflag:s22], $0x4000  }
0x105: {  	[sflag:s22] =	ssyncset.done $0x0  }
0x106: {  	s10 =	rddreg [dreg:$0x9];
	[sflag:s22] =	ssyncadd.s32 $0xFFFFC000  }
0x107: {  	[tilespmem:s19], [sflag:$0x3] =	stream.indirect.gather [hbm4b:s4+s18], $0x80, s10, s18, $0xb8;
	[tilespmem:$0x1D800] =	vst v63  }
0x108: {  	_ = 	snop  }
0x109: {  	[spmem:s9] =	stream.linear.scatter [tilespmem:s21], [sflag:$0x5], $0x4000, $0x38;
	[tilespmem:$0x1D800] =	vst v63  }
0x10a: {  	_ =	swait.ge [sflag:s14], $0x4000  }
0x10b: {  	[sflag:s14] =	ssyncset.done $0x0  }
0x10c: {  	[sflag:s14] =	ssyncadd.s32 $0xFFFFC000  }
0x10d: {  	_ =	swait.ge [sflag:s20], $0x4000  }
0x10e: {  	[sflag:s20] =	ssyncset.done $0x0  }
0x10f: {  	s8 =	rddreg [dreg:$0xa];
	[sflag:s20] =	ssyncadd.s32 $0xFFFFC000  }
0x110: {  	[tilespmem:s21], [sflag:$0x4] =	stream.indirect.gather [hbm4b:s4+s18], $0x80, s8, s18, $0xb8;
	[tilespmem:$0x1D800] =	vst v63  }
0x111: {  	_ = 	snop  }
0x112: {  	[spmem:s6] =	stream.linear.scatter [tilespmem:s19], [sflag:$0x5], $0x4000, $0x38;
	[tilespmem:$0x1D800] =	vst v63  }
0x113: {  	_ =	swait.ge [sflag:s14], $0x4000  }
0x114: {  	[sflag:s14] =	ssyncset.done $0x0  }
0x115: {  	[sflag:s14] =	ssyncadd.s32 $0xFFFFC000  }
0x116: {  	_ =	swait.ge [sflag:s22], $0x4000  }
0x117: {  	[sflag:s22] =	ssyncset.done $0x0  }
0x118: {  	s10 =	rddreg [dreg:$0xb];
	[sflag:s22] =	ssyncadd.s32 $0xFFFFC000  }
0x119: {  	[tilespmem:s19], [sflag:$0x3] =	stream.indirect.gather [hbm4b:s4+s18], $0x80, s10, s18, $0xb8;
	[tilespmem:$0x1D800] =	vst v63  }
0x11a: {  	_ = 	snop  }
0x11b: {  	[spmem:s9] =	stream.linear.scatter [tilespmem:s21], [sflag:$0x5], $0x4000, $0x38;
	[tilespmem:$0x1D800] =	vst v63  }
0x11c: {  	_ =	swait.ge [sflag:s14], $0x4000  }
0x11d: {  	[sflag:s14] =	ssyncset.done $0x0  }
0x11e: {  	[sflag:s14] =	ssyncadd.s32 $0xFFFFC000  }
0x11f: {  	_ =	swait.ge [sflag:s20], $0x4000  }
0x120: {  	[sflag:s20] =	ssyncset.done $0x0  }
0x121: {  	s8 =	rddreg [dreg:$0xc];
	[sflag:s20] =	ssyncadd.s32 $0xFFFFC000  }
0x122: {  	[tilespmem:s21], [sflag:$0x4] =	stream.indirect.gather [hbm4b:s4+s18], $0x80, s8, s18, $0xb8;
	[tilespmem:$0x1D800] =	vst v63  }
0x123: {  	_ = 	snop  }
0x124: {  	[spmem:s6] =	stream.linear.scatter [tilespmem:s19], [sflag:$0x5], $0x4000, $0x38;
	[tilespmem:$0x1D800] =	vst v63  }
0x125: {  	_ =	swait.ge [sflag:s14], $0x4000  }
0x126: {  	[sflag:s14] =	ssyncset.done $0x0  }
0x127: {  	[sflag:s14] =	ssyncadd.s32 $0xFFFFC000  }
0x128: {  	_ =	swait.ge [sflag:s22], $0x4000  }
0x129: {  	[sflag:s22] =	ssyncset.done $0x0  }
0x12a: {  	[sflag:s22] =	ssyncadd.s32 $0xFFFFC000  }
0x12b: {  	[spmem:s9] =	stream.linear.scatter [tilespmem:s21], [sflag:$0x5], $0x4000, $0x38;
	[tilespmem:$0x1D800] =	vst v63  }
0x12c: {  	_ =	swait.ge [sflag:s14], $0x4000  }
0x12d: {  	[sflag:s14] =	ssyncset.done $0x0  }
0x12e: {  	[sflag:s14] =	ssyncadd.s32 $0xFFFFC000  }
0x12f: {  	_ =	swait.ge [sflag:s23], $0x400  }
0x130: {  	[sflag:s23] =	ssyncset.done $0x0  }
0x131: {  	[sflag:s23] =	ssyncadd.s32 $0xFFFFFC00  }
0x132: {  	s12 =	sadd.s32 $0x800, s12;
	p1 =	seq.s32 s2, $0x400;
	_ =	swait.ge [sflag:s23], $0x400  }
0x133: {  	s2 =	sshrl.u32 @!p1 s12, $0x3;
	[sflag:s23] =	ssyncset.done $0x0  }
0x134: {  	s7 =	sadd.s32 @!p1 s5, s2;
	s8 =	simm.s32 @!p1 $0x0;
	[sflag:s23] =	ssyncadd.s32 $0xFFFFFC00  }
0x135: {  	[tilespmem:s8], [sflag:$0x1] =	stream.linear.gather @!p1 [hbm4b:s7+s8], $0x400, $0x38;
	[tilespmem:$0x1D800] =	vst v63  }
0x136: {  	s2 =	sadd.s32 @!p1 s1, s2;
	s7 =	simm.s32 @!p1 $0x800  }
0x137: {  	[tilespmem:s7], [sflag:$0x1] =	stream.linear.gather @!p1 [hbm4b:s2+s8], $0x400, $0x38;
	[tilespmem:$0x1D800] =	vst v63  }
0x138: {  	_ = 	snop  }
0x139: {  	[tilespmem:s19], [sflag:$0x3] =	stream.indirect.gather [hbm4b:s4+s18], $0x80, s17, s18, $0xb8;
	[tilespmem:$0x1D800] =	vst v63  }
0x13a: {  	_ =	swait.ge [sflag:s20], $0x4000  }
0x13b: {  	[sflag:s20] =	ssyncset.done $0x0  }
0x13c: {  	s10 =	rddreg [dreg:$0xd];
	[sflag:s20] =	ssyncadd.s32 $0xFFFFC000  }
0x13d: {  	[tilespmem:s21], [sflag:$0x4] =	stream.indirect.gather [hbm4b:s4+s18], $0x80, s10, s18, $0xb8;
	[tilespmem:$0x1D800] =	vst v63  }
0x13e: {  	_ = 	snop  }
0x13f: {  	[spmem:s6] =	stream.linear.scatter [tilespmem:s19], [sflag:$0x5], $0x4000, $0x38;
	[tilespmem:$0x1D800] =	vst v63  }
0x140: {  	_ =	swait.ge [sflag:s14], $0x4000  }
0x141: {  	[sflag:s14] =	ssyncset.done $0x0  }
0x142: {  	[sflag:s14] =	ssyncadd.s32 $0xFFFFC000  }
0x143: {  	_ =	swait.ge [sflag:s22], $0x4000  }
0x144: {  	[sflag:s22] =	ssyncset.done $0x0  }
0x145: {  	[sflag:s22] =	ssyncadd.s32 $0xFFFFC000  }
0x146: {  	[tilespmem:s19], [sflag:$0x3] =	stream.indirect.gather [hbm4b:s4+s18], $0x80, s24, s18, $0xb8;
	[tilespmem:$0x1D800] =	vst v63  }
0x147: {  	_ = 	snop  }
0x148: {  	[spmem:s9] =	stream.linear.scatter [tilespmem:s21], [sflag:$0x5], $0x4000, $0x38;
	[tilespmem:$0x1D800] =	vst v63  }
0x149: {  	_ =	swait.ge [sflag:s14], $0x4000  }
0x14a: {  	[sflag:s14] =	ssyncset.done $0x0  }
0x14b: {  	[sflag:s14] =	ssyncadd.s32 $0xFFFFC000  }
0x14c: {  	_ =	swait.ge [sflag:s20], $0x4000  }
0x14d: {  	[sflag:s20] =	ssyncset.done $0x0  }
0x14e: {  	[sflag:s20] =	ssyncadd.s32 $0xFFFFC000  }
0x14f: {  	[tilespmem:s21], [sflag:$0x4] =	stream.indirect.gather [hbm4b:s4+s18], $0x80, s25, s18, $0xb8;
	[tilespmem:$0x1D800] =	vst v63  }
0x150: {  	_ = 	snop  }
0x151: {  	[spmem:s6] =	stream.linear.scatter [tilespmem:s19], [sflag:$0x5], $0x4000, $0x38;
	[tilespmem:$0x1D800] =	vst v63  }
0x152: {  	_ =	swait.ge [sflag:s14], $0x4000  }
0x153: {  	[sflag:s14] =	ssyncset.done $0x0  }
0x154: {  	[sflag:s14] =	ssyncadd.s32 $0xFFFFC000  }
0x155: {  	_ =	swait.ge [sflag:s22], $0x4000  }
0x156: {  	[sflag:s22] =	ssyncset.done $0x0  }
0x157: {  	[sflag:s22] =	ssyncadd.s32 $0xFFFFC000  }
0x158: {  	[tilespmem:s19], [sflag:$0x3] =	stream.indirect.gather [hbm4b:s4+s18], $0x80, s26, s18, $0xb8;
	[tilespmem:$0x1D800] =	vst v63  }
0x159: {  	_ = 	snop  }
0x15a: {  	[spmem:s9] =	stream.linear.scatter [tilespmem:s21], [sflag:$0x5], $0x4000, $0x38;
	[tilespmem:$0x1D800] =	vst v63  }
0x15b: {  	_ =	swait.ge [sflag:s14], $0x4000  }
0x15c: {  	[sflag:s14] =	ssyncset.done $0x0  }
0x15d: {  	[sflag:s14] =	ssyncadd.s32 $0xFFFFC000  }
0x15e: {  	_ =	swait.ge [sflag:s20], $0x4000  }
0x15f: {  	[sflag:s20] =	ssyncset.done $0x0  }
0x160: {  	[sflag:s20] =	ssyncadd.s32 $0xFFFFC000  }
0x161: {  	[tilespmem:s21], [sflag:$0x4] =	stream.indirect.gather [hbm4b:s4+s18], $0x80, s28, s18, $0xb8;
	[tilespmem:$0x1D800] =	vst v63  }
0x162: {  	_ = 	snop  }
0x163: {  	[spmem:s6] =	stream.linear.scatter [tilespmem:s19], [sflag:$0x5], $0x4000, $0x38;
	[tilespmem:$0x1D800] =	vst v63  }
0x164: {  	_ =	swait.ge [sflag:s14], $0x4000  }
0x165: {  	[sflag:s14] =	ssyncset.done $0x0  }
0x166: {  	[sflag:s14] =	ssyncadd.s32 $0xFFFFC000  }
0x167: {  	_ =	swait.ge [sflag:s22], $0x4000  }
0x168: {  	[sflag:s22] =	ssyncset.done $0x0  }
0x169: {  	[sflag:s22] =	ssyncadd.s32 $0xFFFFC000  }
0x16a: {  	[tilespmem:s19], [sflag:$0x3] =	stream.indirect.gather [hbm4b:s4+s18], $0x80, s29, s18, $0xb8;
	[tilespmem:$0x1D800] =	vst v63  }
0x16b: {  	_ = 	snop  }
0x16c: {  	[spmem:s9] =	stream.linear.scatter [tilespmem:s21], [sflag:$0x5], $0x4000, $0x38;
	[tilespmem:$0x1D800] =	vst v63  }
0x16d: {  	_ =	swait.ge [sflag:s14], $0x4000  }
0x16e: {  	[sflag:s14] =	ssyncset.done $0x0  }
0x16f: {  	[sflag:s14] =	ssyncadd.s32 $0xFFFFC000  }
0x170: {  	_ =	swait.ge [sflag:s20], $0x4000  }
0x171: {  	[sflag:s20] =	ssyncset.done $0x0  }
0x172: {  	[sflag:s20] =	ssyncadd.s32 $0xFFFFC000  }
0x173: {  	[tilespmem:s21], [sflag:$0x4] =	stream.indirect.gather [hbm4b:s4+s18], $0x80, s30, s18, $0xb8;
	[tilespmem:$0x1D800] =	vst v63  }
0x174: {  	_ = 	snop  }
0x175: {  	[spmem:s6] =	stream.linear.scatter [tilespmem:s19], [sflag:$0x5], $0x4000, $0x38;
	[tilespmem:$0x1D800] =	vst v63  }
0x176: {  	_ =	swait.ge [sflag:s14], $0x4000  }
0x177: {  	[sflag:s14] =	ssyncset.done $0x0  }
0x178: {  	s0 =	sadd.s32 $0x100, s0;
	[sflag:s14] =	ssyncadd.s32 $0xFFFFC000  }
0x179: {  	p0 =	sne.s32 s0, $0x500;
	_ =	swait.ge [sflag:s22], $0x4000  }
.Ltmp2:
0x17a: {  	[sflag:s22] =	ssyncset.done $0x0;
	(pc) =	sbr.rel @p0 .LBB2_6-.Ltmp2, $4  }
0x17b: {  	[sflag:s22] =	ssyncadd.s32 $0xFFFFC000  }
0x17c: {  	[spmem:s9] =	stream.linear.scatter [tilespmem:s21], [sflag:$0x5], $0x4000, $0x38;
	[tilespmem:$0x1D800] =	vst v63  }
0x17d: {  	_ =	swait.ge [sflag:s14], $0x4000  }
0x17e: {  	[sflag:s14] =	ssyncset.done $0x0  }
0x17f: {  	[sflag:s14] =	ssyncadd.s32 $0xFFFFC000  }
0x180: {  	s0 =	stileid.u32;
	s2 =	sshrl.u32 s6, $0x3;
	s31 =	sadd.s32 $0x1, s31  }
0x181: {  	s0 =	sshll.u32 s0, $0x6;
	[bflag:$0x0] =	sbarrier.arrive $0xFFFF;
	p0 =	sne.s32 s31, s11  }
.Ltmp3:
0x182: {  	s0 =	sor.u32 $0x1C05, s0;
	s7 =	rddreg [dreg:$0x10];
	(pc) =	sbr.rel @p0 .LBB2_1-.Ltmp3, $4  }
0x183: {  	[hbm:s7], [sflag:s0] =	dma.local [spmem:s2], $0x2800  }
0x184: {  	_ =	swait.ge [sflag:s14], $0x2800  }
0x185: {  	[sflag:s14] =	ssyncset.done $0x0  }
0x186: {  	[sflag:s14] =	ssyncadd.s32 $0xFFFFD800  }
0x187: {  	_ =	sfence.sel $0x180000  }
0x188: {  	[bflag:$0x0] =	sbarrier.arrive $0xFFFF  }
0x189: {  	_ =	strace $0x9000004D  }
0x18a: {  	s0 =	stileid.u32;
	[bflag:$0x2] =	sbarrier.arrive $0xFFFF  }
0x18b: {  	p0 =	sne.s32 s0, $0x0;
	s0 =	rddreg [dreg:$0x3]  }
0x18c: {  	s0 =	sadd.s32 @!p0 $0x100000, s0  }
0x18d: {  	[sflag:s0] =	ssyncadd.tile.s32 @!p0 $0x1;
	_ =	shalt  }
.Lfunc_end2:
_tile_overlayer_lowered:
.L_overlay_start_2:
0x18e: {  	(tag) =	ssettag $0x2  }
0x18f: {  	s0 =	rddreg [dreg:$0x0];
	s2 =	stileid.u32  }
0x190: {  	s1 =	rddreg [dreg:$0x1];
	p0 =	sne.s32 s2, $0x0  }
0x191: {  	s3 =	rddreg [dreg:$0x2];
	[bflag:$0x3] =	sbarrier.arrive $0xFFFF;
	s2 =	simm.s32 @!p0 $0x1C05  }
0x192: {  	[timem:s3], [sflag:s2] =	dma.local @!p0 [hbm:s0], s1  }
0x193: {  	s0 =	simm.s32 @!p0 $0x5  }
0x194: {  	_ =	swait.ge @!p0 [sflag:s0], s1  }
0x195: {  	s1 =	ssub.s32 @!p0 $0x0, s1;
	[sflag:s0] =	ssyncset.done @!p0 $0x0  }
0x196: {  	[sflag:s0] =	ssyncadd.s32 @!p0 s1  }
0x197: {  	[bflag:$0x3] =	sbarrier.arrive $0xFFFF  }
0x198: {  	_ =	shalt  }

// kernel: kernel.9.cloned.1.call-start
scs
__scs_entry_jumppad:
0x0: {  	(pc) =	sbr.rel $0x88, $3  }
0x1: {  	(tag) =	ssettag $0x0;
	lr =	simm.s32 $0x1  }
0x2: {  	[smem:$0x3F97] =	sst lr;
	_ =	strace $0xD0000000  }
0x3: {  	_ = 	snop  }
0x4: {  	_ = 	snop  }
0x5: {  	_ = 	snop  }
0x6: {  	_ = 	snop  }
0x7: {  	_ = 	snop  }
__scs_overlays_trampoline_lowered:
0x8: {  	[smem:$0x3FA6] =	sst s0  }
0x9: {  	[smem:$0x3FA7] =	sst s1  }
0xa: {  	[smem:$0x3FA8] =	sst s2  }
0xb: {  	[smem:$0x3FA9] =	sst s3  }
0xc: {  	[smem:$0x3FAA] =	sst s4  }
0xd: {  	[smem:$0x3FAB] =	sst s5  }
0xe: {  	[smem:$0x3FAC] =	sst s6  }
0xf: {  	[smem:$0x3FAD] =	sst s7  }
0x10: {  	[smem:$0x3FAE] =	sst s8  }
0x11: {  	[smem:$0x3FAF] =	sst s9;
	s0 =	simm.s32 @!p0 $0x0  }
0x12: {  	s1 =	sld [smem:$0x3F95];
	s0 =	simm.s32 @p0 $0x1  }
0x13: {  	[smem:$0x3FB0] =	sst s0;
	s0 =	simm.s32 @!p1 $0x0  }
0x14: {  	s2 =	sld [smem:$0x3F94];
	s0 =	simm.s32 @p1 $0x1  }
0x15: {  	[smem:$0x3FB1] =	sst s0;
	s0 =	simm.s32 @!p2 $0x0  }
0x16: {  	s3 =	sld [smem:$0x3FDB];
	s0 =	simm.s32 @p2 $0x1  }
0x17: {  	s4 =	simm.s32 $0x1BF5;
	[smem:$0x3FB3] =	sst s0  }
0x18: {  	s0 =	sld [smem:$0x3F96];
	_ =	swait.ge [sflag:s4], $0x0  }
0x19: {  	s7 =	sld [smem:$0x3F97]  }
0x1a: {  	s8 =	sadd.s32 $0xFFFFE003, lr  }
0x1b: {  	s9 =	sadd.s32 $0xFFFFFEF7, lr;
	s5 =	simm.s32 $0xFFFFFFFF;
	p2 =	slt.u32 s8, $0xFFFFF086  }
0x1c: {  	p1 =	slt.u32 s9, $0xF7A;
	s5 =	simm.s32 @!p2 $0x0  }
0x1d: {  	s5 =	simm.s32 @p1 $0x1;
	p0 =	seq.s32 s7, s2  }
0x1e: {  	s7 =	smul.u32 @!p0 $0xF7A, s2;
	p2 =	seq.s32 @!p0 s5, $0x0  }
0x1f: {  	s9 =	smul.u32 $0xF7A, s1;
	s8 =	simm.s32 @!p0 $0x1BF5;
	p2 =	por !p2, p0  }
0x20: {  	[sflag:s8] =	ssyncset.s32 @!p0 $0xFFFFF086;
	s6 =	sadd.s32 @!p0 s3, s7;
	s7 =	simm.s32 @!p0 $0x108  }
0x21: {  	s3 =	sadd.s32 s3, s9;
	s6 =	sadd.s32 @!p0 $0x88, s6;
	s7 =	simm.s32 @p2 $0x1082  }
0x22: {  	[simem:s7], [sflag:s8] =	dma.local @!p0 [hbm:s6], $0xF7A  }
0x23: {  	s9 =	sor.u32 $0xD0000000, s2;
	s6 =	simm.s32 $0x108;
	_ =	swait.ge @!p0 [sflag:s8], $0x0  }
0x24: {  	s3 =	sadd.s32 $0x88, s3;
	s6 =	simm.s32 @!p1 $0x1082;
	[sflag:s4] =	ssyncset.s32 $0xFFFFF086  }
0x25: {  	[simem:s6], [sflag:s4] =	dma.local [hbm:s3], $0xF7A  }
0x26: {  	[smem:$0x3F97] =	sst s1;
	(tag) =	ssettag s2;
	_ =	strace s9  }
0x27: {  	s1 =	sld [smem:$0x3FA7]  }
0x28: {  	s2 =	sld [smem:$0x3FA8]  }
0x29: {  	s4 =	sld [smem:$0x3FAA]  }
0x2a: {  	p0 =	seq.s32 s5, $0x0;
	s5 =	sld [smem:$0x3FAB]  }
0x2b: {  	s6 =	sld [smem:$0x3FAC]  }
0x2c: {  	s7 =	sld [smem:$0x3FAD]  }
0x2d: {  	s3 =	simm.s32 $0x108;
	s8 =	sld [smem:$0x3FAE]  }
0x2e: {  	s3 =	simm.s32 @!p0 $0x1082;
	s9 =	sld [smem:$0x3FAF]  }
0x2f: {  	lr =	sadd.s32 s0, s3;
	s0 =	sld [smem:$0x3FA6]  }
0x30: {  	s3 =	sld [smem:$0x3FA9]  }
0x31: {  	[smem:$0x3FB2] =	sst s10  }
0x32: {  	s10 =	sld [smem:$0x3FB0];
	_ =	sdelay $0x3  }
0x33: {  	p0 =	seq.s32 s10, $0x1;
	s10 =	sld [smem:$0x3FB2];
	_ =	sdelay $0x3  }
0x34: {  	[smem:$0x3FB2] =	sst s10  }
0x35: {  	s10 =	sld [smem:$0x3FB1];
	_ =	sdelay $0x3  }
0x36: {  	p1 =	seq.s32 s10, $0x1;
	s10 =	sld [smem:$0x3FB2];
	_ =	sdelay $0x3  }
0x37: {  	[smem:$0x3FB2] =	sst s10  }
0x38: {  	s10 =	sld [smem:$0x3FB3]  }
0x39: {  	_ = 	snop;
	(pc) =	sbr.ind lr, $3  }
0x3a: {  	_ = 	snop  }
0x3b: {  	_ = 	snop  }
0x3c: {  	p2 =	seq.s32 s10, $0x1;
	s10 =	sld [smem:$0x3FB2]  }
0x3d: {  	_ =	shalt  }
0x3e: {  	_ =	shalt  }
0x3f: {  	_ =	shalt  }
0x40: {  	_ =	shalt  }
0x41: {  	_ =	shalt  }
0x42: {  	_ =	shalt  }
0x43: {  	_ =	shalt  }
0x44: {  	_ =	shalt  }
0x45: {  	_ =	shalt  }
0x46: {  	_ =	shalt  }
0x47: {  	_ =	shalt  }
0x48: {  	_ =	shalt  }
0x49: {  	_ =	shalt  }
0x4a: {  	_ =	shalt  }
0x4b: {  	_ =	shalt  }
0x4c: {  	_ =	shalt  }
0x4d: {  	_ =	shalt  }
0x4e: {  	_ =	shalt  }
0x4f: {  	_ =	shalt  }
0x50: {  	_ =	shalt  }
0x51: {  	_ =	shalt  }
0x52: {  	_ =	shalt  }
0x53: {  	_ =	shalt  }
0x54: {  	_ =	shalt  }
0x55: {  	_ =	shalt  }
0x56: {  	_ =	shalt  }
0x57: {  	_ =	shalt  }
0x58: {  	_ =	shalt  }
0x59: {  	_ =	shalt  }
0x5a: {  	_ =	shalt  }
0x5b: {  	_ =	shalt  }
0x5c: {  	_ =	shalt  }
0x5d: {  	_ =	shalt  }
0x5e: {  	_ =	shalt  }
0x5f: {  	_ =	shalt  }
0x60: {  	_ =	shalt  }
0x61: {  	_ =	shalt  }
0x62: {  	_ =	shalt  }
0x63: {  	_ =	shalt  }
0x64: {  	_ =	shalt  }
0x65: {  	_ =	shalt  }
0x66: {  	_ =	shalt  }
0x67: {  	_ =	shalt  }
0x68: {  	_ =	shalt  }
0x69: {  	_ =	shalt  }
0x6a: {  	_ =	shalt  }
0x6b: {  	_ =	shalt  }
0x6c: {  	_ =	shalt  }
0x6d: {  	_ =	shalt  }
0x6e: {  	_ =	shalt  }
0x6f: {  	_ =	shalt  }
0x70: {  	_ =	shalt  }
0x71: {  	_ =	shalt  }
0x72: {  	_ =	shalt  }
0x73: {  	_ =	shalt  }
0x74: {  	_ =	shalt  }
0x75: {  	_ =	shalt  }
0x76: {  	_ =	shalt  }
0x77: {  	_ =	shalt  }
0x78: {  	_ =	shalt  }
0x79: {  	_ =	shalt  }
0x7a: {  	_ =	shalt  }
0x7b: {  	_ =	shalt  }
0x7c: {  	_ =	shalt  }
0x7d: {  	_ =	shalt  }
0x7e: {  	_ =	shalt  }
0x7f: {  	_ =	shalt  }
0x80: {  	_ =	shalt  }
0x81: {  	_ =	shalt  }
0x82: {  	_ =	shalt  }
0x83: {  	_ =	shalt  }
0x84: {  	_ =	shalt  }
0x85: {  	_ =	shalt  }
0x86: {  	_ =	shalt  }
0x87: {  	_ =	shalt  }
.Lfunc_end0:
.L_simem_size_0:
called_computation_lowered:
.L_overlay_start_0:
0x88: {  	s2 =	sld [smem:$0x3FD9]  }
0x89: {  	s3 =	sld [smem:$0x3FFE];
	_ =	sdelay $0x1  }
0x8a: {  	s1 =	srdreg.scid  }
0x8b: {  	s0 =	sand.u32 $0x1, s1  }
0x8c: {  	s17 =	sshll.u32 s0, $0xA;
	s2 =	sadd.s32 s3, s2  }
0x8d: {  	s2 =	sadd.s32 s2, s17  }
0x8e: {  	[smem:$0x3FBE] =	sst s2  }
0x8f: {  	_ = 	snop  }
0x90: {  	s2 =	sld [smem:$0x3FD0];
	(tm) =	ssettm $0x1  }
0x91: {  	s18 =	sld [smem:$0x3FFB];
	_ =	sdelay $0x3  }
0x92: {  	_ =	strace s18  }
0x93: {  	s3 =	sld [smem:$0x3FFC];
	_ =	sdelay $0x3  }
0x94: {  	_ =	strace s3  }
0x95: {  	s3 =	sld [smem:$0x3FFD];
	_ =	sdelay $0x3  }
0x96: {  	_ =	strace s3  }
0x97: {  	_ =	strace $0x8FFFFFFF  }
0x98: {  	s19 =	sld [smem:$0x3FDB];
	_ =	sdelay $0x1  }
0x99: {  	s4 =	simm.s32 $_scs_section_size  }
0x9a: {  	s5 =	simm.s32 $_size__tile_overlayer_lowered;
	s6 =	simm.s32 $_tile_overlayer_lowered  }
0x9b: {  	s22 =	simm.s32 $0x1BFF;
	s21 =	sshll.u32 s6, $0x1;
	s3 =	sadd.s32 s4, s19  }
0x9c: {  	s7 =	simm.s32 $0x0;
	s20 =	sshll.u32 s5, $0x1;
	s5 =	sadd.s32 s21, s3  }
0x9d: {  	[timem:s7], [sflag:s22] =	dma.local [hbm:s5], s20  }
0x9e: {  	_ =	swait.ge [sflag:s22], s20  }
0x9f: {  	s4 =	ssub.s32 $0x0, s20;
	[sflag:s22] =	ssyncset.done $0x0  }
0xa0: {  	[sflag:s22] =	ssyncadd.s32 s4;
	_ =	sdelay $0x1  }
0xa1: {  	s23 =	simm.s32 $0x1B8B  }
0xa2: {  	_ =	swait.ge [sflag:s23], $0x1  }
0xa3: {  	[sflag:s23] =	ssyncset.done $0x0  }
0xa4: {  	s25 =	simm.s32 $0x1B8E;
	s24 =	sld [smem:$0x3FFE];
	[sflag:s23] =	ssyncadd.s32 $0xFFFFFFFF  }
0xa5: {  	s26 =	simm.s32 $execute0_lowered;
	[smem:$0x3FD2] =	sst s25  }
0xa6: {  	s5 =	sshll.u32 s26, $0x1;
	_ =	strace $0x80000046;
	[dreg:$0x1] =	wrdreg $0xFFFFFFFF  }
0xa7: {  	s28 =	simm.s32 $_size_execute0_lowered;
	s3 =	sadd.s32 s3, s5;
	[dreg:$0x0] =	wrdreg $0x0  }
0xa8: {  	s5 =	sshll.u32 s28, $0x1;
	[dreg:$0x2] =	wrdreg s3  }
0xa9: {  	[dreg:$0x3] =	wrdreg s5  }
0xaa: {  	[dreg:$0x4] =	wrdreg $0xC0  }
0xab: {  	_ =	task [dreg:s7], $0x5FFFF  }
0xac: {  	[dreg:$0x1] =	wrdreg $0xFFFFFFFF  }
0xad: {  	[dreg:$0x0] =	wrdreg $0x60  }
0xae: {  	[dreg:$0x2] =	wrdreg s2  }
0xaf: {  	[dreg:$0x3] =	wrdreg s24  }
0xb0: {  	[dreg:$0x4] =	wrdreg $0x2B000  }
0xb1: {  	[dreg:$0x5] =	wrdreg $0x9  }
0xb2: {  	_ =	task.clear_ibuf [dreg:s7], $0x6FFFF;
	_ =	strace $0x90000046  }
0xb3: {  	s29 =	simm.s32 $0x9;
	_ =	strace $0x80000048  }
0xb4: {  	_ =	swait.ge [sflag:s29], $0x1  }
0xb5: {  	[sflag:s29] =	ssyncadd.s32 $0xFFFFFFFF  }
0xb6: {  	_ =	strace $0x90000048  }
0xb7: {  	_ =	sfence  }
0xb8: {  	s30 =	sld [smem:$0x0];
	_ =	sdelay $0x2  }
0xb9: {  	s31 =	sshll.u32 s1, $0xD;
	s1 =	sshrl.u32 s1, $0x2  }
0xba: {  	s3 =	sand.u32 $0x4000, s31;
	s1 =	sadd.s32 s1, s30  }
0xbb: {  	s0 =	sor.u32 s3, s0;
	s1 =	sshll.u32 s1, $0x11  }
0xbc: {  	s0 =	sor.u32 s1, s0  }
0xbd: {  	s0 =	sadd.s32 $0x8F2B, s0  }
0xbe: {  	[sflag:s0] =	ssyncadd.remote.s32 $0x1  }
0xbf: {  	_ =	sfence.sel $0xFFFF  }
0xc0: {  	[dreg:$0x0] =	wrdreg $0xFFFFFFFF;
	(pc) =	sbr.abs _section_cstart, $3  }
0xc1: {  	[dreg:$0x1] =	wrdreg $0xFFFFFFFF  }
0xc2: {  	_ =	task.clear_ibuf [dreg:s7], $0x2FFFF;
	_ =	strace $0x9FFFFFFF  }
0xc3: {  	(tm) =	ssettm $0x7FFFFFFF  }
tec
execute0_lowered:
.L_overlay_start_1:
0x0: {  	(tag) =	ssettag $0x1  }
0x1: {  	s5 =	rddreg [dreg:$0x0]  }
0x2: {  	s4 =	rddreg [dreg:$0x1]  }
0x3: {  	s2 =	rddreg [dreg:$0x2]  }
0x4: {  	s0 =	rddreg [dreg:$0x3]  }
0x5: {  	s3 =	simm.s32 $0x0;
	s6 =	srdreg.scid;
	s1 =	stileid.u32  }
0x6: {  	s11 =	simm.s32 $0x2800;
	s14 =	simm.s32 $0x20;
	s15 =	simm.s32 $0x10  }
0x7: {  	s16 =	simm.s32 $0x0;
	[smem:$0x7FF] =	sst s3;
	s7 =	smul.u32 $0x500, s1  }
0x8: {  	s6 =	sand.u32 $0x1, s6;
	s30 =	smul.u32 $0xA00, s1;
	s12 =	sshll.u32 s1, $0x6  }
0x9: {  	_ =	strace $0x80000047;
	s8 =	sshll.u32 s6, $0x7;
	s9 =	sshll.u32 s6, $0x4  }
0xa: {  	s6 =	ssub.s32 $0x2, s6;
	s12 =	sor.u32 $0x1C01, s12;
	s7 =	sor.u32 s8, s7  }
0xb: {  	s29 =	sor.u32 s1, s9;
	s31 =	sshrl.u32 s6, $0x1;
	s9 =	sshrl.u32 s30, $0x2  }
0xc: {  	s7 =	sshrl.u32 s7, $0x3;
	s8 =	smul.u32 $0x500, s29;
	s10 =	ssub.s32 s6, s31  }
0xd: {  	s7 =	sadd.s32 s7, s4;
	s4 =	sadd.s32 s9, s2;
	s9 =	simm.s32 $0x1  }
0xe: {  	s5 =	sadd.s32 s5, s8;
	s6 =	sadd.s32 $0x2800, s7;
	s7 =	smax.u32 s10, $0x1  }
0xf: {  	v0 =	vimm.f32 $1.000000000e+00;
	v1 =	vimm.f32 $0.0e+00;
	s8 =	simm.s32 $0x2880;
	s10 =	simm.s32 $0x80;
	s13 =	sshrl.u32 s4, $0x3  }
.LBB2_1:
0x10: {  	[tilespmem:$0x2800] =	vst v0  }
0x11: {  	[tilespmem:$0x2810] =	vst v0  }
0x12: {  	[tilespmem:$0x2820] =	vst v0  }
0x13: {  	[tilespmem:$0x2830] =	vst v0  }
0x14: {  	[tilespmem:$0x2840] =	vst v0  }
0x15: {  	[tilespmem:$0x2850] =	vst v0  }
0x16: {  	[tilespmem:$0x2860] =	vst v0  }
0x17: {  	[tilespmem:$0x2870] =	vst v0  }
0x18: {  	[tilespmem:$0x2880] =	vst v1  }
0x19: {  	[tilespmem:$0x2890] =	vst v1  }
0x1a: {  	[tilespmem:$0x28A0] =	vst v1  }
0x1b: {  	[tilespmem:$0x28B0] =	vst v1  }
0x1c: {  	[tilespmem:$0x28C0] =	vst v1  }
0x1d: {  	[tilespmem:$0x28D0] =	vst v1  }
0x1e: {  	[tilespmem:$0x28E0] =	vst v1  }
0x1f: {  	[tilespmem:$0x28F0] =	vst v1  }
0x20: {  	[tilespmem:$0x2900] =	vst v1  }
0x21: {  	[tilespmem:$0x2910] =	vst v1  }
0x22: {  	[tilespmem:$0x2920] =	vst v1  }
0x23: {  	[tilespmem:$0x2930] =	vst v1  }
0x24: {  	[tilespmem:$0x2940] =	vst v1  }
0x25: {  	[tilespmem:$0x2950] =	vst v1  }
0x26: {  	[tilespmem:$0x2960] =	vst v1  }
0x27: {  	[tilespmem:$0x2970] =	vst v1  }
0x28: {  	[tilespmem:$0x2980] =	vst v1  }
0x29: {  	[tilespmem:$0x2990] =	vst v1  }
0x2a: {  	[tilespmem:$0x29A0] =	vst v1  }
0x2b: {  	[tilespmem:$0x29B0] =	vst v1  }
0x2c: {  	[tilespmem:$0x29C0] =	vst v1  }
0x2d: {  	[tilespmem:$0x29D0] =	vst v1  }
0x2e: {  	[tilespmem:$0x29E0] =	vst v1  }
0x2f: {  	[tilespmem:$0x29F0] =	vst v1  }
0x30: {  	[tilespmem:$0x2A00] =	vst v1  }
0x31: {  	[tilespmem:$0x2A10] =	vst v1  }
0x32: {  	[tilespmem:$0x2A20] =	vst v1  }
0x33: {  	[tilespmem:$0x2A30] =	vst v1  }
0x34: {  	[tilespmem:$0x2A40] =	vst v1  }
0x35: {  	[tilespmem:$0x2A50] =	vst v1  }
0x36: {  	[tilespmem:$0x2A60] =	vst v1  }
0x37: {  	[tilespmem:$0x2A70] =	vst v1  }
0x38: {  	[tilespmem:$0x2A80] =	vst v1  }
0x39: {  	[tilespmem:$0x2A90] =	vst v1  }
0x3a: {  	[tilespmem:$0x2AA0] =	vst v1  }
0x3b: {  	[tilespmem:$0x2AB0] =	vst v1  }
0x3c: {  	[tilespmem:$0x2AC0] =	vst v1  }
0x3d: {  	[tilespmem:$0x2AD0] =	vst v1  }
0x3e: {  	[tilespmem:$0x2AE0] =	vst v1  }
0x3f: {  	[tilespmem:$0x2AF0] =	vst v1  }
0x40: {  	[spmem:s4] =	stream.linear.scatter [tilespmem:s8], [sflag:$0x1], $0x280, $0x38;
	[tilespmem:$0x2D80] =	vst v63  }
0x41: {  	_ =	swait.ge [sflag:s9], $0x280  }
0x42: {  	[sflag:s9] =	ssyncset.done $0x0  }
0x43: {  	[sflag:s9] =	ssyncadd.s32 $0xFFFFFD80  }
0x44: {  	[bflag:$0x0] =	sbarrier.arrive $0xFFFF  }
0x45: {  	[tilespmem:s3], [sflag:$0x1] =	stream.linear.gather [hbm4b:s5+s3], $0x2800, $0x38;
	[tilespmem:$0x2D80] =	vst v63  }
0x46: {  	_ =	swait.ge [sflag:s9], $0x2800  }
0x47: {  	[sflag:s9] =	ssyncset.done $0x0  }
0x48: {  	s17 =	simm.s32 $0x0;
	[sflag:s9] =	ssyncadd.s32 $0xFFFFD800  }
0x49: {  	[spmem:s2] =	stream.indirect.scatter.add.f32 [tilespmem:s11], [sflag:$0x1], $0x1, s17, s10, $0xb8;
	[tilespmem:$0x2D80] =	vst v63  }
0x4a: {  	_ =	swait.ge [sflag:s9], $0x80  }
0x4b: {  	s17 =	simm.s32 $0x200;
	[sflag:s9] =	ssyncset.done $0x0  }
.LBB2_2:
0x4c: {  	s18 =	sshra.s32 s17, $0x2;
	[sflag:s9] =	ssyncadd.s32 $0xFFFFFF80;
	p0 =	sne.s32 s17, $0x9E00  }
0x4d: {  	[spmem:s2] =	stream.indirect.scatter.add.f32 [tilespmem:s11], [sflag:$0x1], $0x1, s18, s10, $0xb8;
	[tilespmem:$0x2D80] =	vst v63  }
.Ltmp0:
0x4e: {  	_ = 	snop;
	(pc) =	sbr.rel @p0 .LBB2_2-.Ltmp0, $4  }
0x4f: {  	_ = 	snop  }
0x50: {  	s17 =	sadd.s32 $0x200, s17  }
0x51: {  	_ =	swait.ge [sflag:s9], $0x80  }
0x52: {  	[sflag:s9] =	ssyncset.done $0x0  }
0x53: {  	s16 =	sadd.s32 $0x1, s16  }
0x54: {  	[sflag:s9] =	ssyncadd.s32 $0xFFFFFF80;
	p0 =	sne.s32 s16, s7  }
.Ltmp1:
0x55: {  	[bflag:$0x0] =	sbarrier.arrive $0xFFFF;
	(pc) =	sbr.rel @p0 .LBB2_1-.Ltmp1, $4  }
0x56: {  	[hbm:s6@s14], [sflag:s12] =	dma.strided [spmem:s13@s15], $0x50, s9, $0x10   }
0x57: {  	_ =	swait.ge [sflag:s9], $0x50  }
0x58: {  	[sflag:s9] =	ssyncset.done $0x0  }
0x59: {  	[sflag:s9] =	ssyncadd.s32 $0xFFFFFFB0  }
0x5a: {  	_ =	sfence.sel $0x180000  }
0x5b: {  	[bflag:$0x0] =	sbarrier.arrive $0xFFFF  }
0x5c: {  	p0 =	sne.s32 s1, $0x0;
	_ =	strace $0x90000047  }
0x5d: {  	s0 =	sadd.s32 @!p0 $0x100000, s0;
	[bflag:$0x2] =	sbarrier.arrive $0xFFFF  }
0x5e: {  	[sflag:s0] =	ssyncadd.tile.s32 @!p0 $0x1;
	_ =	shalt  }
.Lfunc_end2:
_tile_overlayer_lowered:
.L_overlay_start_2:
0x5f: {  	(tag) =	ssettag $0x2  }
0x60: {  	s0 =	rddreg [dreg:$0x0];
	s2 =	stileid.u32  }
0x61: {  	s1 =	rddreg [dreg:$0x1];
	p0 =	sne.s32 s2, $0x0  }
0x62: {  	s3 =	rddreg [dreg:$0x2];
	[bflag:$0x3] =	sbarrier.arrive $0xFFFF;
	s2 =	simm.s32 @!p0 $0x1C01  }
0x63: {  	[timem:s3], [sflag:s2] =	dma.local @!p0 [hbm:s0], s1  }
0x64: {  	s0 =	simm.s32 @!p0 $0x1  }
0x65: {  	_ =	swait.ge @!p0 [sflag:s0], s1  }
0x66: {  	s1 =	ssub.s32 @!p0 $0x0, s1;
	[sflag:s0] =	ssyncset.done @!p0 $0x0  }
0x67: {  	[sflag:s0] =	ssyncadd.s32 @!p0 s1  }
0x68: {  	[bflag:$0x3] =	sbarrier.arrive $0xFFFF  }
0x69: {  	_ =	shalt  }

</sc_bundles>
